<compile_context>
chip_gen: v7x
topology: tpu7x:2x2x1
jax: 0.10.2.dev20260603
libtpu: 0.0.44.dev20260713+nightly
codegen_flags: <defaults>
</compile_context>

<pallas_src>
import jax
import jax.numpy as jnp
from jax import lax
from jax.experimental import pallas as pl
from jax.experimental.pallas import tpu as pltpu
from jax.experimental.pallas import tpu_sc as plsc

NUM_NODES = 1000000
NUM_RELATIONS = 1000
HIDDEN = 64
BATCH = 16384

NC = 2
NS = 16
L = 16
NW = NC * NS
B_PER_W = BATCH // NW
CH = 128
NCH = B_PER_W // CH


def _tp_body(x_ref, eye_ref, o_ref):
    o_ref[...] = lax.dot_general(x_ref[...], eye_ref[...],
                                 (((0,), (0,)), ((), ())),
                                 preferred_element_type=jnp.float32)


def _unpose(tT):
    n = tT.shape[1]
    cols = 3968 if n >= 3968 else 128
    return pl.pallas_call(
        _tp_body,
        grid=(pl.cdiv(n, cols),),
        in_specs=[
            pl.BlockSpec((HIDDEN, cols), lambda i: (0, i)),
            pl.BlockSpec((HIDDEN, HIDDEN), lambda i: (0, 0)),
        ],
        out_specs=pl.BlockSpec((cols, HIDDEN), lambda i: (i, 0)),
        out_shape=jax.ShapeDtypeStruct((n, HIDDEN), jnp.float32),
    )(tT, jnp.eye(HIDDEN, dtype=jnp.float32))


def _neg_sqrt(x):
    i = plsc.bitcast(x, jnp.int32)
    i = jnp.int32(0x5F3759DF) - lax.shift_right_arithmetic(i, jnp.int32(1))
    y = plsc.bitcast(i, jnp.float32)
    half_x = x * jnp.float32(0.5)
    for _ in range(3):
        y = y * (jnp.float32(1.5) - half_x * y * y)
    return -(x * y)


def _tec_body(head_hbm, rel_hbm, tail_hbm, node_hbm, relemb_hbm, out_hbm,
              idx_h, idx_r, idx_t, h_rows, r_rows, t_rows, ssq, sem0, sem1):
    wid = lax.axis_index("s") * NC + lax.axis_index("c")
    base = wid * B_PER_W

    bsl = pl.ds(base, B_PER_W)
    pltpu.sync_copy(head_hbm.at[bsl], idx_h.at[pl.ds(0, B_PER_W)])
    pltpu.sync_copy(rel_hbm.at[bsl], idx_r.at[pl.ds(0, B_PER_W)])
    pltpu.sync_copy(tail_hbm.at[bsl], idx_t.at[pl.ds(0, B_PER_W)])

    sems = (sem0, sem1)

    def fire(c):
        buf = (c % 2) * CH
        sem = sems[c % 2]

        def fire_step(r, _):
            rid_h = idx_h[pl.ds(c * CH + r, L)][0]
            rid_r = idx_r[pl.ds(c * CH + r, L)][0]
            rid_t = idx_t[pl.ds(c * CH + r, L)][0]
            dst = pl.ds(buf + r, 1)
            pltpu.async_copy(node_hbm.at[pl.ds(rid_h, 1)], h_rows.at[dst], sem)
            pltpu.async_copy(relemb_hbm.at[pl.ds(rid_r, 1)], r_rows.at[dst], sem)
            pltpu.async_copy(node_hbm.at[pl.ds(rid_t, 1)], t_rows.at[dst], sem)
            return 0

        lax.fori_loop(0, CH, fire_step, 0, unroll=4)

    def drain(c):
        sl = pl.ds((c % 2) * CH, CH)
        sem = sems[c % 2]
        pltpu.make_async_copy(node_hbm.at[pl.ds(0, CH)], h_rows.at[sl], sem).wait()
        pltpu.make_async_copy(node_hbm.at[pl.ds(0, CH)], r_rows.at[sl], sem).wait()
        pltpu.make_async_copy(node_hbm.at[pl.ds(0, CH)], t_rows.at[sl], sem).wait()

    last_lane = lax.iota(jnp.int32, L) == (L - 1)

    fire(0)
    for c in range(NCH):
        drain(c)
        if c + 1 < NCH:
            fire(c + 1)
        buf = (c % 2) * CH

        def row_step(r, _):
            acc = jnp.zeros((L,), jnp.float32)
            for j in range(HIDDEN // L):
                sl = pl.ds(j * L, L)
                d = h_rows[buf + r, sl] + r_rows[buf + r, sl] - t_rows[buf + r, sl]
                acc = acc + d * d
            cs = plsc.cumsum(acc)
            plsc.store_scatter(ssq, [jnp.full((L,), c * CH + r, jnp.int32)],
                               cs, mask=last_lane)
            return 0

        lax.fori_loop(0, CH, row_step, 0, unroll=4)

    def sqrt_step(g, _):
        sl = pl.ds(g * L, L)
        ssq[sl] = _neg_sqrt(ssq[sl] + jnp.float32(1e-12))
        return 0

    lax.fori_loop(0, B_PER_W // L, sqrt_step, 0, unroll=4)

    pltpu.sync_copy(ssq, out_hbm.at[pl.ds(base, B_PER_W)])


@jax.jit
def _kge_score(head, rel, tail, node_emb, rel_emb):
    node_rm = _unpose(node_emb.T)
    rel_rm = _unpose(rel_emb.T)
    mesh = plsc.VectorSubcoreMesh(core_axis_name="c", subcore_axis_name="s",
                                  num_cores=NC, num_subcores=NS)
    return pl.kernel(
        _tec_body,
        out_type=jax.ShapeDtypeStruct((BATCH,), jnp.float32),
        mesh=mesh,
        compiler_params=pltpu.CompilerParams(needs_layout_passes=False),
        scratch_types=[
            pltpu.VMEM((B_PER_W + L,), jnp.int32),
            pltpu.VMEM((B_PER_W + L,), jnp.int32),
            pltpu.VMEM((B_PER_W + L,), jnp.int32),
            pltpu.VMEM((2 * CH, HIDDEN), jnp.float32),
            pltpu.VMEM((2 * CH, HIDDEN), jnp.float32),
            pltpu.VMEM((2 * CH, HIDDEN), jnp.float32),
            pltpu.VMEM((B_PER_W,), jnp.float32),
            pltpu.SemaphoreType.DMA,
            pltpu.SemaphoreType.DMA,
        ],
    )(head, rel, tail, node_rm, rel_rm)


def kernel(head, rel, tail, node_emb, rel_emb):
    return _kge_score(head.astype(jnp.int32), rel.astype(jnp.int32),
                      tail.astype(jnp.int32), node_emb, rel_emb)

# --- scband reference (transcript-rebuilt; emitter-appended) ---
"""Pipeline reference for scband-kgemodel-55130200211544 (READ-ONLY COPY).

The authoritative reference and input builder live on the scoring server;
editing this copy changes nothing except your own understanding.
"""

import jax, jax.numpy as jnp
import numpy as np

NUM_NODES = 1000000
NUM_RELATIONS = 1000
HIDDEN = 64
BATCH = 16384

def setup_inputs(seed: int = 0) -> dict:
    key = jax.random.key(seed)
    k1, k2, k3, k4, k5 = jax.random.split(key, 5)
    head = jax.random.randint(k1, (BATCH,), 0, NUM_NODES, dtype=jnp.int64 if jax.config.jax_enable_x64 else jnp.int32)
    rel = jax.random.randint(k2, (BATCH,), 0, NUM_RELATIONS, dtype=jnp.int64 if jax.config.jax_enable_x64 else jnp.int32)
    tail = jax.random.randint(k3, (BATCH,), 0, NUM_NODES, dtype=jnp.int64 if jax.config.jax_enable_x64 else jnp.int32)
    # Learned parameters: embedding tables, initialized like torch.nn.Embedding (N(0,1))
    node_emb = jax.random.normal(k4, (NUM_NODES, HIDDEN), dtype=jnp.float32)
    rel_emb = jax.random.normal(k5, (NUM_RELATIONS, HIDDEN), dtype=jnp.float32)
    return {"head": head, "rel": rel, "tail": tail, "node_emb": node_emb, "rel_emb": rel_emb}

def reference(head, rel, tail, node_emb, rel_emb):
    # KGEModel.forward is abstract in the base class; the canonical concrete
    # scoring (TransE, as in PyG's KGEModel subclasses) is:
    #   score(h, r, t) = -|| e_h + e_r - e_t ||_2
    h = jnp.take(node_emb, head, axis=0)
    r = jnp.take(rel_emb, rel, axis=0)
    t = jnp.take(node_emb, tail, axis=0)
    diff = h + r - t
    score = -jnp.sqrt(jnp.sum(diff * diff, axis=-1) + 1e-12)
    return score

if __name__ == "__main__":
    import jax
    _d = setup_inputs()
    print(jax.jit(kernel)(*tuple(_d.values())))

</pallas_src>

<mosaic_0001>
#map = affine_map<(d0, d1) -> (0)>
#map1 = affine_map<(d0, d1) -> (0, 0)>
module attributes {stable_mosaic.version = 14 : i64} {
  func.func @_tec_body(%arg0: i32, %arg1: i32, %arg2: memref<16384xi32, #tpu.memory_space<hbm>>, %arg3: memref<16384xi32, #tpu.memory_space<hbm>>, %arg4: memref<16384xi32, #tpu.memory_space<hbm>>, %arg5: memref<1000000x64xf32, #tpu.memory_space<hbm>>, %arg6: memref<1000x64xf32, #tpu.memory_space<hbm>>, %arg7: memref<16384xf32, #tpu.memory_space<hbm>>, %arg8: memref<528xi32, #tpu.memory_space<vmem>>, %arg9: memref<528xi32, #tpu.memory_space<vmem>>, %arg10: memref<528xi32, #tpu.memory_space<vmem>>, %arg11: memref<256x64xf32, #tpu.memory_space<vmem>>, %arg12: memref<256x64xf32, #tpu.memory_space<vmem>>, %arg13: memref<256x64xf32, #tpu.memory_space<vmem>>, %arg14: memref<512xf32, #tpu.memory_space<vmem>>, %arg15: memref<!tpu.dma_semaphore, #tpu.memory_space<semaphore_mem>>, %arg16: memref<!tpu.dma_semaphore, #tpu.memory_space<semaphore_mem>>) attributes {dimension_semantics = [#tpu.dimension_semantics<core_parallel>, #tpu.dimension_semantics<subcore_parallel>], iteration_bounds = array<i64: 2, 16>, scalar_prefetch = 0 : i64, scratch_operands = 9 : i64, tpu.core_type = #tpu.core_type<sc_vector_subcore>, window_params = [{transform_indices = #map}, {transform_indices = #map}, {transform_indices = #map}, {transform_indices = #map1}, {transform_indices = #map1}, {transform_indices = #map}]} {
    %mul3A = arith.constant 2 : i32
    %mul3A_0 = arith.muli %arg1, %mul3A : i32
    %add3A = arith.addi %mul3A_0, %arg0 : i32
    %mul3A_1 = arith.constant 512 : i32
    %mul3A_2 = arith.muli %add3A, %mul3A_1 : i32
    "tpu.region"() ({
      %run_scoped3A = tpu.sem_alloc : memref<!tpu.dma_semaphore, #tpu.memory_space<semaphore_mem>>
      %dma_start3A = arith.constant 0 : i32
      %dma_start3A_210 = tpu.memref_slice %arg8[%dma_start3A] : memref<528xi32, #tpu.memory_space<vmem>> -> memref<512xi32, #tpu.memory_space<vmem>>
      %dma_start3A_211 = tpu.memref_slice %arg2[%mul3A_2] : memref<16384xi32, #tpu.memory_space<hbm>> -> memref<512xi32, #tpu.memory_space<hbm>>
      %dma_start3A_212 = arith.constant 0 : i32
      %dma_start3A_213 = tpu.memref_slice %arg8[%dma_start3A_212] : memref<528xi32, #tpu.memory_space<vmem>> -> memref<512xi32, #tpu.memory_space<vmem>>
      %dma_start3A_214 = tpu.memref_slice %arg2[%mul3A_2] : memref<16384xi32, #tpu.memory_space<hbm>> -> memref<512xi32, #tpu.memory_space<hbm>>
      tpu.enqueue_dma source(%dma_start3A_214 : memref<512xi32, #tpu.memory_space<hbm>>) target(%dma_start3A_213 : memref<512xi32, #tpu.memory_space<vmem>>) target_semaphore(%run_scoped3A : memref<!tpu.dma_semaphore, #tpu.memory_space<semaphore_mem>>)
      %dma_wait3A_215 = arith.constant 0 : i32
      %dma_wait3A_216 = tpu.memref_slice %arg8[%dma_wait3A_215] : memref<528xi32, #tpu.memory_space<vmem>> -> memref<512xi32, #tpu.memory_space<vmem>>
      %dma_wait3A_217 = tpu.memref_slice %arg2[%mul3A_2] : memref<16384xi32, #tpu.memory_space<hbm>> -> memref<512xi32, #tpu.memory_space<hbm>>
      %dma_wait3A_218 = arith.constant 0 : i32
      %dma_wait3A_219 = tpu.memref_slice %arg8[%dma_wait3A_218] : memref<528xi32, #tpu.memory_space<vmem>> -> memref<512xi32, #tpu.memory_space<vmem>>
      %dma_wait3A_220 = tpu.memref_slice %arg2[%mul3A_2] : memref<16384xi32, #tpu.memory_space<hbm>> -> memref<512xi32, #tpu.memory_space<hbm>>
      tpu.wait_dma2 semaphore(%run_scoped3A : memref<!tpu.dma_semaphore, #tpu.memory_space<semaphore_mem>>) src(%dma_wait3A_220 : memref<512xi32, #tpu.memory_space<hbm>>) dst(%dma_wait3A_219 : memref<512xi32, #tpu.memory_space<vmem>>)
      tpu.yield
    }) : () -> ()
    "tpu.region"() ({
      %run_scoped3A = tpu.sem_alloc : memref<!tpu.dma_semaphore, #tpu.memory_space<semaphore_mem>>
      %dma_start3A = arith.constant 0 : i32
      %dma_start3A_210 = tpu.memref_slice %arg9[%dma_start3A] : memref<528xi32, #tpu.memory_space<vmem>> -> memref<512xi32, #tpu.memory_space<vmem>>
      %dma_start3A_211 = tpu.memref_slice %arg3[%mul3A_2] : memref<16384xi32, #tpu.memory_space<hbm>> -> memref<512xi32, #tpu.memory_space<hbm>>
      %dma_start3A_212 = arith.constant 0 : i32
      %dma_start3A_213 = tpu.memref_slice %arg9[%dma_start3A_212] : memref<528xi32, #tpu.memory_space<vmem>> -> memref<512xi32, #tpu.memory_space<vmem>>
      %dma_start3A_214 = tpu.memref_slice %arg3[%mul3A_2] : memref<16384xi32, #tpu.memory_space<hbm>> -> memref<512xi32, #tpu.memory_space<hbm>>
      tpu.enqueue_dma source(%dma_start3A_214 : memref<512xi32, #tpu.memory_space<hbm>>) target(%dma_start3A_213 : memref<512xi32, #tpu.memory_space<vmem>>) target_semaphore(%run_scoped3A : memref<!tpu.dma_semaphore, #tpu.memory_space<semaphore_mem>>)
      %dma_wait3A_215 = arith.constant 0 : i32
      %dma_wait3A_216 = tpu.memref_slice %arg9[%dma_wait3A_215] : memref<528xi32, #tpu.memory_space<vmem>> -> memref<512xi32, #tpu.memory_space<vmem>>
      %dma_wait3A_217 = tpu.memref_slice %arg3[%mul3A_2] : memref<16384xi32, #tpu.memory_space<hbm>> -> memref<512xi32, #tpu.memory_space<hbm>>
      %dma_wait3A_218 = arith.constant 0 : i32
      %dma_wait3A_219 = tpu.memref_slice %arg9[%dma_wait3A_218] : memref<528xi32, #tpu.memory_space<vmem>> -> memref<512xi32, #tpu.memory_space<vmem>>
      %dma_wait3A_220 = tpu.memref_slice %arg3[%mul3A_2] : memref<16384xi32, #tpu.memory_space<hbm>> -> memref<512xi32, #tpu.memory_space<hbm>>
      tpu.wait_dma2 semaphore(%run_scoped3A : memref<!tpu.dma_semaphore, #tpu.memory_space<semaphore_mem>>) src(%dma_wait3A_220 : memref<512xi32, #tpu.memory_space<hbm>>) dst(%dma_wait3A_219 : memref<512xi32, #tpu.memory_space<vmem>>)
      tpu.yield
    }) : () -> ()
    "tpu.region"() ({
      %run_scoped3A = tpu.sem_alloc : memref<!tpu.dma_semaphore, #tpu.memory_space<semaphore_mem>>
      %dma_start3A = arith.constant 0 : i32
      %dma_start3A_210 = tpu.memref_slice %arg10[%dma_start3A] : memref<528xi32, #tpu.memory_space<vmem>> -> memref<512xi32, #tpu.memory_space<vmem>>
      %dma_start3A_211 = tpu.memref_slice %arg4[%mul3A_2] : memref<16384xi32, #tpu.memory_space<hbm>> -> memref<512xi32, #tpu.memory_space<hbm>>
      %dma_start3A_212 = arith.constant 0 : i32
      %dma_start3A_213 = tpu.memref_slice %arg10[%dma_start3A_212] : memref<528xi32, #tpu.memory_space<vmem>> -> memref<512xi32, #tpu.memory_space<vmem>>
      %dma_start3A_214 = tpu.memref_slice %arg4[%mul3A_2] : memref<16384xi32, #tpu.memory_space<hbm>> -> memref<512xi32, #tpu.memory_space<hbm>>
      tpu.enqueue_dma source(%dma_start3A_214 : memref<512xi32, #tpu.memory_space<hbm>>) target(%dma_start3A_213 : memref<512xi32, #tpu.memory_space<vmem>>) target_semaphore(%run_scoped3A : memref<!tpu.dma_semaphore, #tpu.memory_space<semaphore_mem>>)
      %dma_wait3A_215 = arith.constant 0 : i32
      %dma_wait3A_216 = tpu.memref_slice %arg10[%dma_wait3A_215] : memref<528xi32, #tpu.memory_space<vmem>> -> memref<512xi32, #tpu.memory_space<vmem>>
      %dma_wait3A_217 = tpu.memref_slice %arg4[%mul3A_2] : memref<16384xi32, #tpu.memory_space<hbm>> -> memref<512xi32, #tpu.memory_space<hbm>>
      %dma_wait3A_218 = arith.constant 0 : i32
      %dma_wait3A_219 = tpu.memref_slice %arg10[%dma_wait3A_218] : memref<528xi32, #tpu.memory_space<vmem>> -> memref<512xi32, #tpu.memory_space<vmem>>
      %dma_wait3A_220 = tpu.memref_slice %arg4[%mul3A_2] : memref<16384xi32, #tpu.memory_space<hbm>> -> memref<512xi32, #tpu.memory_space<hbm>>
      tpu.wait_dma2 semaphore(%run_scoped3A : memref<!tpu.dma_semaphore, #tpu.memory_space<semaphore_mem>>) src(%dma_wait3A_220 : memref<512xi32, #tpu.memory_space<hbm>>) dst(%dma_wait3A_219 : memref<512xi32, #tpu.memory_space<vmem>>)
      tpu.yield
    }) : () -> ()
    %iota3A = tpu.iota {dimensions = array<i32: 0>} : vector<16xi32>
    %eq3A = arith.constant 15 : i32
    %eq3A_3 = vector.broadcast %eq3A : i32 to vector<16xi32>
    %eq3A_4 = arith.cmpi eq, %iota3A, %eq3A_3 : vector<16xi32>
    %scan3A = arith.constant 0 : i32
    %scan3A_5 = arith.constant 0 : i32
    %scan3A_6 = arith.constant 128 : i32
    %scan3A_7 = arith.addi %scan3A_5, %scan3A_6 : i32
    %scan3A_8 = arith.constant 4 : i32
    %scan3A_9 = scf.for %scan3A_210 = %scan3A_5 to %scan3A_7 step %scan3A_8 iter_args(%scan3A_211 = %scan3A) -> (i32)  : i32 {
      %add3A_212 = arith.constant 0 : i32
      %add3A_213 = arith.addi %add3A_212, %scan3A_210 : i32
      %get3A = arith.index_cast %add3A_213 : i32 to index
      %get3A_214 = tpu.vector_load %arg8[%get3A] {strides = array<i32>} : memref<528xi32, #tpu.memory_space<vmem>>, vector<16xi32>,
      %slice3A = vector.extract_strided_slice %get3A_214 {offsets = [0], sizes = [1], strides = [1]} : vector<16xi32> to vector<1xi32>
      %squeeze3A = vector.extract %slice3A[0] : i32 from vector<1xi32>
      %add3A_215 = arith.constant 0 : i32
      %add3A_216 = arith.addi %add3A_215, %scan3A_210 : i32
      %get3A_217 = arith.index_cast %add3A_216 : i32 to index
      %get3A_218 = tpu.vector_load %arg9[%get3A_217] {strides = array<i32>} : memref<528xi32, #tpu.memory_space<vmem>>, vector<16xi32>,
      %slice3A_219 = vector.extract_strided_slice %get3A_218 {offsets = [0], sizes = [1], strides = [1]} : vector<16xi32> to vector<1xi32>
      %squeeze3A_220 = vector.extract %slice3A_219[0] : i32 from vector<1xi32>
      %add3A_221 = arith.constant 0 : i32
      %add3A_222 = arith.addi %add3A_221, %scan3A_210 : i32
      %get3A_223 = arith.index_cast %add3A_222 : i32 to index
      %get3A_224 = tpu.vector_load %arg10[%get3A_223] {strides = array<i32>} : memref<528xi32, #tpu.memory_space<vmem>>, vector<16xi32>,
      %slice3A_225 = vector.extract_strided_slice %get3A_224 {offsets = [0], sizes = [1], strides = [1]} : vector<16xi32> to vector<1xi32>
      %squeeze3A_226 = vector.extract %slice3A_225[0] : i32 from vector<1xi32>
      %add3A_227 = arith.constant 0 : i32
      %add3A_228 = arith.addi %add3A_227, %scan3A_210 : i32
      %dma_start3A = arith.constant 0 : i32
      %dma_start3A_229 = tpu.memref_slice %arg11[%add3A_228, %dma_start3A] : memref<256x64xf32, #tpu.memory_space<vmem>> -> memref<1x64xf32, #tpu.memory_space<vmem>>
      %dma_start3A_230 = arith.constant 0 : i32
      %dma_start3A_231 = tpu.memref_slice %arg5[%squeeze3A, %dma_start3A_230] : memref<1000000x64xf32, #tpu.memory_space<hbm>> -> memref<1x64xf32, #tpu.memory_space<hbm>>
      %dma_start3A_232 = arith.constant 0 : i32
      %dma_start3A_233 = tpu.memref_slice %arg11[%add3A_228, %dma_start3A_232] : memref<256x64xf32, #tpu.memory_space<vmem>> -> memref<1x64xf32, #tpu.memory_space<vmem>>
      %dma_start3A_234 = arith.constant 0 : i32
      %dma_start3A_235 = tpu.memref_slice %arg5[%squeeze3A, %dma_start3A_234] : memref<1000000x64xf32, #tpu.memory_space<hbm>> -> memref<1x64xf32, #tpu.memory_space<hbm>>
      tpu.enqueue_dma source(%dma_start3A_235 : memref<1x64xf32, #tpu.memory_space<hbm>>) target(%dma_start3A_233 : memref<1x64xf32, #tpu.memory_space<vmem>>) target_semaphore(%arg15 : memref<!tpu.dma_semaphore, #tpu.memory_space<semaphore_mem>>)
      %dma_start3A_236 = arith.constant 0 : i32
      %dma_start3A_237 = tpu.memref_slice %arg12[%add3A_228, %dma_start3A_236] : memref<256x64xf32, #tpu.memory_space<vmem>> -> memref<1x64xf32, #tpu.memory_space<vmem>>
      %dma_start3A_238 = arith.constant 0 : i32
      %dma_start3A_239 = tpu.memref_slice %arg6[%squeeze3A_220, %dma_start3A_238] : memref<1000x64xf32, #tpu.memory_space<hbm>> -> memref<1x64xf32, #tpu.memory_space<hbm>>
      %dma_start3A_240 = arith.constant 0 : i32
      %dma_start3A_241 = tpu.memref_slice %arg12[%add3A_228, %dma_start3A_240] : memref<256x64xf32, #tpu.memory_space<vmem>> -> memref<1x64xf32, #tpu.memory_space<vmem>>
      %dma_start3A_242 = arith.constant 0 : i32
      %dma_start3A_243 = tpu.memref_slice %arg6[%squeeze3A_220, %dma_start3A_242] : memref<1000x64xf32, #tpu.memory_space<hbm>> -> memref<1x64xf32, #tpu.memory_space<hbm>>
      tpu.enqueue_dma source(%dma_start3A_243 : memref<1x64xf32, #tpu.memory_space<hbm>>) target(%dma_start3A_241 : memref<1x64xf32, #tpu.memory_space<vmem>>) target_semaphore(%arg15 : memref<!tpu.dma_semaphore, #tpu.memory_space<semaphore_mem>>)
      %dma_start3A_244 = arith.constant 0 : i32
      %dma_start3A_245 = tpu.memref_slice %arg13[%add3A_228, %dma_start3A_244] : memref<256x64xf32, #tpu.memory_space<vmem>> -> memref<1x64xf32, #tpu.memory_space<vmem>>
      %dma_start3A_246 = arith.constant 0 : i32
      %dma_start3A_247 = tpu.memref_slice %arg5[%squeeze3A_226, %dma_start3A_246] : memref<1000000x64xf32, #tpu.memory_space<hbm>> -> memref<1x64xf32, #tpu.memory_space<hbm>>
      %dma_start3A_248 = arith.constant 0 : i32
      %dma_start3A_249 = tpu.memref_slice %arg13[%add3A_228, %dma_start3A_248] : memref<256x64xf32, #tpu.memory_space<vmem>> -> memref<1x64xf32, #tpu.memory_space<vmem>>
      %dma_start3A_250 = arith.constant 0 : i32
      %dma_start3A_251 = tpu.memref_slice %arg5[%squeeze3A_226, %dma_start3A_250] : memref<1000000x64xf32, #tpu.memory_space<hbm>> -> memref<1x64xf32, #tpu.memory_space<hbm>>
      tpu.enqueue_dma source(%dma_start3A_251 : memref<1x64xf32, #tpu.memory_space<hbm>>) target(%dma_start3A_249 : memref<1x64xf32, #tpu.memory_space<vmem>>) target_semaphore(%arg15 : memref<!tpu.dma_semaphore, #tpu.memory_space<semaphore_mem>>)
      %scan3A_252 = arith.constant 0 : i32
      %scan3A_253 = arith.constant 1 : i32
      %scan3A_254 = arith.addi %scan3A_210, %scan3A_253 : i32
      %add3A_255 = arith.constant 0 : i32
      %add3A_256 = arith.addi %add3A_255, %scan3A_254 : i32
      %get3A_257 = arith.index_cast %add3A_256 : i32 to index
      %get3A_258 = tpu.vector_load %arg8[%get3A_257] {strides = array<i32>} : memref<528xi32, #tpu.memory_space<vmem>>, vector<16xi32>,
      %slice3A_259 = vector.extract_strided_slice %get3A_258 {offsets = [0], sizes = [1], strides = [1]} : vector<16xi32> to vector<1xi32>
      %squeeze3A_260 = vector.extract %slice3A_259[0] : i32 from vector<1xi32>
      %add3A_261 = arith.constant 0 : i32
      %add3A_262 = arith.addi %add3A_261, %scan3A_254 : i32
      %get3A_263 = arith.index_cast %add3A_262 : i32 to index
      %get3A_264 = tpu.vector_load %arg9[%get3A_263] {strides = array<i32>} : memref<528xi32, #tpu.memory_space<vmem>>, vector<16xi32>,
      %slice3A_265 = vector.extract_strided_slice %get3A_264 {offsets = [0], sizes = [1], strides = [1]} : vector<16xi32> to vector<1xi32>
      %squeeze3A_266 = vector.extract %slice3A_265[0] : i32 from vector<1xi32>
      %add3A_267 = arith.constant 0 : i32
      %add3A_268 = arith.addi %add3A_267, %scan3A_254 : i32
      %get3A_269 = arith.index_cast %add3A_268 : i32 to index
      %get3A_270 = tpu.vector_load %arg10[%get3A_269] {strides = array<i32>} : memref<528xi32, #tpu.memory_space<vmem>>, vector<16xi32>,
      %slice3A_271 = vector.extract_strided_slice %get3A_270 {offsets = [0], sizes = [1], strides = [1]} : vector<16xi32> to vector<1xi32>
      %squeeze3A_272 = vector.extract %slice3A_271[0] : i32 from vector<1xi32>
      %add3A_273 = arith.constant 0 : i32
      %add3A_274 = arith.addi %add3A_273, %scan3A_254 : i32
      %dma_start3A_275 = arith.constant 0 : i32
      %dma_start3A_276 = tpu.memref_slice %arg11[%add3A_274, %dma_start3A_275] : memref<256x64xf32, #tpu.memory_space<vmem>> -> memref<1x64xf32, #tpu.memory_space<vmem>>
      %dma_start3A_277 = arith.constant 0 : i32
      %dma_start3A_278 = tpu.memref_slice %arg5[%squeeze3A_260, %dma_start3A_277] : memref<1000000x64xf32, #tpu.memory_space<hbm>> -> memref<1x64xf32, #tpu.memory_space<hbm>>
      %dma_start3A_279 = arith.constant 0 : i32
      %dma_start3A_280 = tpu.memref_slice %arg11[%add3A_274, %dma_start3A_279] : memref<256x64xf32, #tpu.memory_space<vmem>> -> memref<1x64xf32, #tpu.memory_space<vmem>>
      %dma_start3A_281 = arith.constant 0 : i32
      %dma_start3A_282 = tpu.memref_slice %arg5[%squeeze3A_260, %dma_start3A_281] : memref<1000000x64xf32, #tpu.memory_space<hbm>> -> memref<1x64xf32, #tpu.memory_space<hbm>>
      tpu.enqueue_dma source(%dma_start3A_282 : memref<1x64xf32, #tpu.memory_space<hbm>>) target(%dma_start3A_280 : memref<1x64xf32, #tpu.memory_space<vmem>>) target_semaphore(%arg15 : memref<!tpu.dma_semaphore, #tpu.memory_space<semaphore_mem>>)
      %dma_start3A_283 = arith.constant 0 : i32
      %dma_start3A_284 = tpu.memref_slice %arg12[%add3A_274, %dma_start3A_283] : memref<256x64xf32, #tpu.memory_space<vmem>> -> memref<1x64xf32, #tpu.memory_space<vmem>>
      %dma_start3A_285 = arith.constant 0 : i32
      %dma_start3A_286 = tpu.memref_slice %arg6[%squeeze3A_266, %dma_start3A_285] : memref<1000x64xf32, #tpu.memory_space<hbm>> -> memref<1x64xf32, #tpu.memory_space<hbm>>
      %dma_start3A_287 = arith.constant 0 : i32
      %dma_start3A_288 = tpu.memref_slice %arg12[%add3A_274, %dma_start3A_287] : memref<256x64xf32, #tpu.memory_space<vmem>> -> memref<1x64xf32, #tpu.memory_space<vmem>>
      %dma_start3A_289 = arith.constant 0 : i32
      %dma_start3A_290 = tpu.memref_slice %arg6[%squeeze3A_266, %dma_start3A_289] : memref<1000x64xf32, #tpu.memory_space<hbm>> -> memref<1x64xf32, #tpu.memory_space<hbm>>
      tpu.enqueue_dma source(%dma_start3A_290 : memref<1x64xf32, #tpu.memory_space<hbm>>) target(%dma_start3A_288 : memref<1x64xf32, #tpu.memory_space<vmem>>) target_semaphore(%arg15 : memref<!tpu.dma_semaphore, #tpu.memory_space<semaphore_mem>>)
      %dma_start3A_291 = arith.constant 0 : i32
      %dma_start3A_292 = tpu.memref_slice %arg13[%add3A_274, %dma_start3A_291] : memref<256x64xf32, #tpu.memory_space<vmem>> -> memref<1x64xf32, #tpu.memory_space<vmem>>
      %dma_start3A_293 = arith.constant 0 : i32
      %dma_start3A_294 = tpu.memref_slice %arg5[%squeeze3A_272, %dma_start3A_293] : memref<1000000x64xf32, #tpu.memory_space<hbm>> -> memref<1x64xf32, #tpu.memory_space<hbm>>
      %dma_start3A_295 = arith.constant 0 : i32
      %dma_start3A_296 = tpu.memref_slice %arg13[%add3A_274, %dma_start3A_295] : memref<256x64xf32, #tpu.memory_space<vmem>> -> memref<1x64xf32, #tpu.memory_space<vmem>>
      %dma_start3A_297 = arith.constant 0 : i32
      %dma_start3A_298 = tpu.memref_slice %arg5[%squeeze3A_272, %dma_start3A_297] : memref<1000000x64xf32, #tpu.memory_space<hbm>> -> memref<1x64xf32, #tpu.memory_space<hbm>>
      tpu.enqueue_dma source(%dma_start3A_298 : memref<1x64xf32, #tpu.memory_space<hbm>>) target(%dma_start3A_296 : memref<1x64xf32, #tpu.memory_space<vmem>>) target_semaphore(%arg15 : memref<!tpu.dma_semaphore, #tpu.memory_space<semaphore_mem>>)
      %scan3A_299 = arith.constant 0 : i32
      %scan3A_300 = arith.constant 2 : i32
      %scan3A_301 = arith.addi %scan3A_210, %scan3A_300 : i32
      %add3A_302 = arith.constant 0 : i32
      %add3A_303 = arith.addi %add3A_302, %scan3A_301 : i32
      %get3A_304 = arith.index_cast %add3A_303 : i32 to index
      %get3A_305 = tpu.vector_load %arg8[%get3A_304] {strides = array<i32>} : memref<528xi32, #tpu.memory_space<vmem>>, vector<16xi32>,
      %slice3A_306 = vector.extract_strided_slice %get3A_305 {offsets = [0], sizes = [1], strides = [1]} : vector<16xi32> to vector<1xi32>
      %squeeze3A_307 = vector.extract %slice3A_306[0] : i32 from vector<1xi32>
      %add3A_308 = arith.constant 0 : i32
      %add3A_309 = arith.addi %add3A_308, %scan3A_301 : i32
      %get3A_310 = arith.index_cast %add3A_309 : i32 to index
      %get3A_311 = tpu.vector_load %arg9[%get3A_310] {strides = array<i32>} : memref<528xi32, #tpu.memory_space<vmem>>, vector<16xi32>,
      %slice3A_312 = vector.extract_strided_slice %get3A_311 {offsets = [0], sizes = [1], strides = [1]} : vector<16xi32> to vector<1xi32>
      %squeeze3A_313 = vector.extract %slice3A_312[0] : i32 from vector<1xi32>
      %add3A_314 = arith.constant 0 : i32
      %add3A_315 = arith.addi %add3A_314, %scan3A_301 : i32
      %get3A_316 = arith.index_cast %add3A_315 : i32 to index
      %get3A_317 = tpu.vector_load %arg10[%get3A_316] {strides = array<i32>} : memref<528xi32, #tpu.memory_space<vmem>>, vector<16xi32>,
      %slice3A_318 = vector.extract_strided_slice %get3A_317 {offsets = [0], sizes = [1], strides = [1]} : vector<16xi32> to vector<1xi32>
      %squeeze3A_319 = vector.extract %slice3A_318[0] : i32 from vector<1xi32>
      %add3A_320 = arith.constant 0 : i32
      %add3A_321 = arith.addi %add3A_320, %scan3A_301 : i32
      %dma_start3A_322 = arith.constant 0 : i32
      %dma_start3A_323 = tpu.memref_slice %arg11[%add3A_321, %dma_start3A_322] : memref<256x64xf32, #tpu.memory_space<vmem>> -> memref<1x64xf32, #tpu.memory_space<vmem>>
      %dma_start3A_324 = arith.constant 0 : i32
      %dma_start3A_325 = tpu.memref_slice %arg5[%squeeze3A_307, %dma_start3A_324] : memref<1000000x64xf32, #tpu.memory_space<hbm>> -> memref<1x64xf32, #tpu.memory_space<hbm>>
      %dma_start3A_326 = arith.constant 0 : i32
      %dma_start3A_327 = tpu.memref_slice %arg11[%add3A_321, %dma_start3A_326] : memref<256x64xf32, #tpu.memory_space<vmem>> -> memref<1x64xf32, #tpu.memory_space<vmem>>
      %dma_start3A_328 = arith.constant 0 : i32
      %dma_start3A_329 = tpu.memref_slice %arg5[%squeeze3A_307, %dma_start3A_328] : memref<1000000x64xf32, #tpu.memory_space<hbm>> -> memref<1x64xf32, #tpu.memory_space<hbm>>
      tpu.enqueue_dma source(%dma_start3A_329 : memref<1x64xf32, #tpu.memory_space<hbm>>) target(%dma_start3A_327 : memref<1x64xf32, #tpu.memory_space<vmem>>) target_semaphore(%arg15 : memref<!tpu.dma_semaphore, #tpu.memory_space<semaphore_mem>>)
      %dma_start3A_330 = arith.constant 0 : i32
      %dma_start3A_331 = tpu.memref_slice %arg12[%add3A_321, %dma_start3A_330] : memref<256x64xf32, #tpu.memory_space<vmem>> -> memref<1x64xf32, #tpu.memory_space<vmem>>
      %dma_start3A_332 = arith.constant 0 : i32
      %dma_start3A_333 = tpu.memref_slice %arg6[%squeeze3A_313, %dma_start3A_332] : memref<1000x64xf32, #tpu.memory_space<hbm>> -> memref<1x64xf32, #tpu.memory_space<hbm>>
      %dma_start3A_334 = arith.constant 0 : i32
      %dma_start3A_335 = tpu.memref_slice %arg12[%add3A_321, %dma_start3A_334] : memref<256x64xf32, #tpu.memory_space<vmem>> -> memref<1x64xf32, #tpu.memory_space<vmem>>
      %dma_start3A_336 = arith.constant 0 : i32
      %dma_start3A_337 = tpu.memref_slice %arg6[%squeeze3A_313, %dma_start3A_336] : memref<1000x64xf32, #tpu.memory_space<hbm>> -> memref<1x64xf32, #tpu.memory_space<hbm>>
      tpu.enqueue_dma source(%dma_start3A_337 : memref<1x64xf32, #tpu.memory_space<hbm>>) target(%dma_start3A_335 : memref<1x64xf32, #tpu.memory_space<vmem>>) target_semaphore(%arg15 : memref<!tpu.dma_semaphore, #tpu.memory_space<semaphore_mem>>)
      %dma_start3A_338 = arith.constant 0 : i32
      %dma_start3A_339 = tpu.memref_slice %arg13[%add3A_321, %dma_start3A_338] : memref<256x64xf32, #tpu.memory_space<vmem>> -> memref<1x64xf32, #tpu.memory_space<vmem>>
      %dma_start3A_340 = arith.constant 0 : i32
      %dma_start3A_341 = tpu.memref_slice %arg5[%squeeze3A_319, %dma_start3A_340] : memref<1000000x64xf32, #tpu.memory_space<hbm>> -> memref<1x64xf32, #tpu.memory_space<hbm>>
      %dma_start3A_342 = arith.constant 0 : i32
      %dma_start3A_343 = tpu.memref_slice %arg13[%add3A_321, %dma_start3A_342] : memref<256x64xf32, #tpu.memory_space<vmem>> -> memref<1x64xf32, #tpu.memory_space<vmem>>
      %dma_start3A_344 = arith.constant 0 : i32
      %dma_start3A_345 = tpu.memref_slice %arg5[%squeeze3A_319, %dma_start3A_344] : memref<1000000x64xf32, #tpu.memory_space<hbm>> -> memref<1x64xf32, #tpu.memory_space<hbm>>
      tpu.enqueue_dma source(%dma_start3A_345 : memref<1x64xf32, #tpu.memory_space<hbm>>) target(%dma_start3A_343 : memref<1x64xf32, #tpu.memory_space<vmem>>) target_semaphore(%arg15 : memref<!tpu.dma_semaphore, #tpu.memory_space<semaphore_mem>>)
      %scan3A_346 = arith.constant 0 : i32
      %scan3A_347 = arith.constant 3 : i32
      %scan3A_348 = arith.addi %scan3A_210, %scan3A_347 : i32
      %add3A_349 = arith.constant 0 : i32
      %add3A_350 = arith.addi %add3A_349, %scan3A_348 : i32
      %get3A_351 = arith.index_cast %add3A_350 : i32 to index
      %get3A_352 = tpu.vector_load %arg8[%get3A_351] {strides = array<i32>} : memref<528xi32, #tpu.memory_space<vmem>>, vector<16xi32>,
      %slice3A_353 = vector.extract_strided_slice %get3A_352 {offsets = [0], sizes = [1], strides = [1]} : vector<16xi32> to vector<1xi32>
      %squeeze3A_354 = vector.extract %slice3A_353[0] : i32 from vector<1xi32>
      %add3A_355 = arith.constant 0 : i32
      %add3A_356 = arith.addi %add3A_355, %scan3A_348 : i32
      %get3A_357 = arith.index_cast %add3A_356 : i32 to index
      %get3A_358 = tpu.vector_load %arg9[%get3A_357] {strides = array<i32>} : memref<528xi32, #tpu.memory_space<vmem>>, vector<16xi32>,
      %slice3A_359 = vector.extract_strided_slice %get3A_358 {offsets = [0], sizes = [1], strides = [1]} : vector<16xi32> to vector<1xi32>
      %squeeze3A_360 = vector.extract %slice3A_359[0] : i32 from vector<1xi32>
      %add3A_361 = arith.constant 0 : i32
      %add3A_362 = arith.addi %add3A_361, %scan3A_348 : i32
      %get3A_363 = arith.index_cast %add3A_362 : i32 to index
      %get3A_364 = tpu.vector_load %arg10[%get3A_363] {strides = array<i32>} : memref<528xi32, #tpu.memory_space<vmem>>, vector<16xi32>,
      %slice3A_365 = vector.extract_strided_slice %get3A_364 {offsets = [0], sizes = [1], strides = [1]} : vector<16xi32> to vector<1xi32>
      %squeeze3A_366 = vector.extract %slice3A_365[0] : i32 from vector<1xi32>
      %add3A_367 = arith.constant 0 : i32
      %add3A_368 = arith.addi %add3A_367, %scan3A_348 : i32
      %dma_start3A_369 = arith.constant 0 : i32
      %dma_start3A_370 = tpu.memref_slice %arg11[%add3A_368, %dma_start3A_369] : memref<256x64xf32, #tpu.memory_space<vmem>> -> memref<1x64xf32, #tpu.memory_space<vmem>>
      %dma_start3A_371 = arith.constant 0 : i32
      %dma_start3A_372 = tpu.memref_slice %arg5[%squeeze3A_354, %dma_start3A_371] : memref<1000000x64xf32, #tpu.memory_space<hbm>> -> memref<1x64xf32, #tpu.memory_space<hbm>>
      %dma_start3A_373 = arith.constant 0 : i32
      %dma_start3A_374 = tpu.memref_slice %arg11[%add3A_368, %dma_start3A_373] : memref<256x64xf32, #tpu.memory_space<vmem>> -> memref<1x64xf32, #tpu.memory_space<vmem>>
      %dma_start3A_375 = arith.constant 0 : i32
      %dma_start3A_376 = tpu.memref_slice %arg5[%squeeze3A_354, %dma_start3A_375] : memref<1000000x64xf32, #tpu.memory_space<hbm>> -> memref<1x64xf32, #tpu.memory_space<hbm>>
      tpu.enqueue_dma source(%dma_start3A_376 : memref<1x64xf32, #tpu.memory_space<hbm>>) target(%dma_start3A_374 : memref<1x64xf32, #tpu.memory_space<vmem>>) target_semaphore(%arg15 : memref<!tpu.dma_semaphore, #tpu.memory_space<semaphore_mem>>)
      %dma_start3A_377 = arith.constant 0 : i32
      %dma_start3A_378 = tpu.memref_slice %arg12[%add3A_368, %dma_start3A_377] : memref<256x64xf32, #tpu.memory_space<vmem>> -> memref<1x64xf32, #tpu.memory_space<vmem>>
      %dma_start3A_379 = arith.constant 0 : i32
      %dma_start3A_380 = tpu.memref_slice %arg6[%squeeze3A_360, %dma_start3A_379] : memref<1000x64xf32, #tpu.memory_space<hbm>> -> memref<1x64xf32, #tpu.memory_space<hbm>>
      %dma_start3A_381 = arith.constant 0 : i32
      %dma_start3A_382 = tpu.memref_slice %arg12[%add3A_368, %dma_start3A_381] : memref<256x64xf32, #tpu.memory_space<vmem>> -> memref<1x64xf32, #tpu.memory_space<vmem>>
      %dma_start3A_383 = arith.constant 0 : i32
      %dma_start3A_384 = tpu.memref_slice %arg6[%squeeze3A_360, %dma_start3A_383] : memref<1000x64xf32, #tpu.memory_space<hbm>> -> memref<1x64xf32, #tpu.memory_space<hbm>>
      tpu.enqueue_dma source(%dma_start3A_384 : memref<1x64xf32, #tpu.memory_space<hbm>>) target(%dma_start3A_382 : memref<1x64xf32, #tpu.memory_space<vmem>>) target_semaphore(%arg15 : memref<!tpu.dma_semaphore, #tpu.memory_space<semaphore_mem>>)
      %dma_start3A_385 = arith.constant 0 : i32
      %dma_start3A_386 = tpu.memref_slice %arg13[%add3A_368, %dma_start3A_385] : memref<256x64xf32, #tpu.memory_space<vmem>> -> memref<1x64xf32, #tpu.memory_space<vmem>>
      %dma_start3A_387 = arith.constant 0 : i32
      %dma_start3A_388 = tpu.memref_slice %arg5[%squeeze3A_366, %dma_start3A_387] : memref<1000000x64xf32, #tpu.memory_space<hbm>> -> memref<1x64xf32, #tpu.memory_space<hbm>>
      %dma_start3A_389 = arith.constant 0 : i32
      %dma_start3A_390 = tpu.memref_slice %arg13[%add3A_368, %dma_start3A_389] : memref<256x64xf32, #tpu.memory_space<vmem>> -> memref<1x64xf32, #tpu.memory_space<vmem>>
      %dma_start3A_391 = arith.constant 0 : i32
      %dma_start3A_392 = tpu.memref_slice %arg5[%squeeze3A_366, %dma_start3A_391] : memref<1000000x64xf32, #tpu.memory_space<hbm>> -> memref<1x64xf32, #tpu.memory_space<hbm>>
      tpu.enqueue_dma source(%dma_start3A_392 : memref<1x64xf32, #tpu.memory_space<hbm>>) target(%dma_start3A_390 : memref<1x64xf32, #tpu.memory_space<vmem>>) target_semaphore(%arg15 : memref<!tpu.dma_semaphore, #tpu.memory_space<semaphore_mem>>)
      %scan3A_393 = arith.constant 0 : i32
      scf.yield %scan3A_393 : i32
    }
    %scan3A_10 = arith.constant 128 : i32
    %dma_wait3A = arith.constant 0 : i32
    %dma_wait3A_11 = arith.constant 0 : i32
    %dma_wait3A_12 = tpu.memref_slice %arg11[%dma_wait3A, %dma_wait3A_11] : memref<256x64xf32, #tpu.memory_space<vmem>> -> memref<128x64xf32, #tpu.memory_space<vmem>>
    %dma_wait3A_13 = arith.constant 0 : i32
    %dma_wait3A_14 = arith.constant 0 : i32
    %dma_wait3A_15 = tpu.memref_slice %arg5[%dma_wait3A_13, %dma_wait3A_14] : memref<1000000x64xf32, #tpu.memory_space<hbm>> -> memref<128x64xf32, #tpu.memory_space<hbm>>
    %dma_wait3A_16 = arith.constant 0 : i32
    %dma_wait3A_17 = arith.constant 0 : i32
    %dma_wait3A_18 = tpu.memref_slice %arg11[%dma_wait3A_16, %dma_wait3A_17] : memref<256x64xf32, #tpu.memory_space<vmem>> -> memref<128x64xf32, #tpu.memory_space<vmem>>
    %dma_wait3A_19 = arith.constant 0 : i32
    %dma_wait3A_20 = arith.constant 0 : i32
    %dma_wait3A_21 = tpu.memref_slice %arg5[%dma_wait3A_19, %dma_wait3A_20] : memref<1000000x64xf32, #tpu.memory_space<hbm>> -> memref<128x64xf32, #tpu.memory_space<hbm>>
    tpu.wait_dma2 semaphore(%arg15 : memref<!tpu.dma_semaphore, #tpu.memory_space<semaphore_mem>>) src(%dma_wait3A_21 : memref<128x64xf32, #tpu.memory_space<hbm>>) dst(%dma_wait3A_18 : memref<128x64xf32, #tpu.memory_space<vmem>>)
    %dma_wait3A_22 = arith.constant 0 : i32
    %dma_wait3A_23 = arith.constant 0 : i32
    %dma_wait3A_24 = tpu.memref_slice %arg12[%dma_wait3A_22, %dma_wait3A_23] : memref<256x64xf32, #tpu.memory_space<vmem>> -> memref<128x64xf32, #tpu.memory_space<vmem>>
    %dma_wait3A_25 = arith.constant 0 : i32
    %dma_wait3A_26 = arith.constant 0 : i32
    %dma_wait3A_27 = tpu.memref_slice %arg5[%dma_wait3A_25, %dma_wait3A_26] : memref<1000000x64xf32, #tpu.memory_space<hbm>> -> memref<128x64xf32, #tpu.memory_space<hbm>>
    %dma_wait3A_28 = arith.constant 0 : i32
    %dma_wait3A_29 = arith.constant 0 : i32
    %dma_wait3A_30 = tpu.memref_slice %arg12[%dma_wait3A_28, %dma_wait3A_29] : memref<256x64xf32, #tpu.memory_space<vmem>> -> memref<128x64xf32, #tpu.memory_space<vmem>>
    %dma_wait3A_31 = arith.constant 0 : i32
    %dma_wait3A_32 = arith.constant 0 : i32
    %dma_wait3A_33 = tpu.memref_slice %arg5[%dma_wait3A_31, %dma_wait3A_32] : memref<1000000x64xf32, #tpu.memory_space<hbm>> -> memref<128x64xf32, #tpu.memory_space<hbm>>
    tpu.wait_dma2 semaphore(%arg15 : memref<!tpu.dma_semaphore, #tpu.memory_space<semaphore_mem>>) src(%dma_wait3A_33 : memref<128x64xf32, #tpu.memory_space<hbm>>) dst(%dma_wait3A_30 : memref<128x64xf32, #tpu.memory_space<vmem>>)
    %dma_wait3A_34 = arith.constant 0 : i32
    %dma_wait3A_35 = arith.constant 0 : i32
    %dma_wait3A_36 = tpu.memref_slice %arg13[%dma_wait3A_34, %dma_wait3A_35] : memref<256x64xf32, #tpu.memory_space<vmem>> -> memref<128x64xf32, #tpu.memory_space<vmem>>
    %dma_wait3A_37 = arith.constant 0 : i32
    %dma_wait3A_38 = arith.constant 0 : i32
    %dma_wait3A_39 = tpu.memref_slice %arg5[%dma_wait3A_37, %dma_wait3A_38] : memref<1000000x64xf32, #tpu.memory_space<hbm>> -> memref<128x64xf32, #tpu.memory_space<hbm>>
    %dma_wait3A_40 = arith.constant 0 : i32
    %dma_wait3A_41 = arith.constant 0 : i32
    %dma_wait3A_42 = tpu.memref_slice %arg13[%dma_wait3A_40, %dma_wait3A_41] : memref<256x64xf32, #tpu.memory_space<vmem>> -> memref<128x64xf32, #tpu.memory_space<vmem>>
    %dma_wait3A_43 = arith.constant 0 : i32
    %dma_wait3A_44 = arith.constant 0 : i32
    %dma_wait3A_45 = tpu.memref_slice %arg5[%dma_wait3A_43, %dma_wait3A_44] : memref<1000000x64xf32, #tpu.memory_space<hbm>> -> memref<128x64xf32, #tpu.memory_space<hbm>>
    tpu.wait_dma2 semaphore(%arg15 : memref<!tpu.dma_semaphore, #tpu.memory_space<semaphore_mem>>) src(%dma_wait3A_45 : memref<128x64xf32, #tpu.memory_space<hbm>>) dst(%dma_wait3A_42 : memref<128x64xf32, #tpu.memory_space<vmem>>)
    %scan3A_46 = arith.constant 0 : i32
    %scan3A_47 = arith.constant 0 : i32
    %scan3A_48 = arith.constant 128 : i32
    %scan3A_49 = arith.addi %scan3A_47, %scan3A_48 : i32
    %scan3A_50 = arith.constant 4 : i32
    %scan3A_51 = scf.for %scan3A_210 = %scan3A_47 to %scan3A_49 step %scan3A_50 iter_args(%scan3A_211 = %scan3A_46) -> (i32)  : i32 {
      %add3A_212 = arith.constant 128 : i32
      %add3A_213 = arith.addi %add3A_212, %scan3A_210 : i32
      %get3A = arith.index_cast %add3A_213 : i32 to index
      %get3A_214 = tpu.vector_load %arg8[%get3A] {strides = array<i32>} : memref<528xi32, #tpu.memory_space<vmem>>, vector<16xi32>,
      %slice3A = vector.extract_strided_slice %get3A_214 {offsets = [0], sizes = [1], strides = [1]} : vector<16xi32> to vector<1xi32>
      %squeeze3A = vector.extract %slice3A[0] : i32 from vector<1xi32>
      %add3A_215 = arith.constant 128 : i32
      %add3A_216 = arith.addi %add3A_215, %scan3A_210 : i32
      %get3A_217 = arith.index_cast %add3A_216 : i32 to index
      %get3A_218 = tpu.vector_load %arg9[%get3A_217] {strides = array<i32>} : memref<528xi32, #tpu.memory_space<vmem>>, vector<16xi32>,
      %slice3A_219 = vector.extract_strided_slice %get3A_218 {offsets = [0], sizes = [1], strides = [1]} : vector<16xi32> to vector<1xi32>
      %squeeze3A_220 = vector.extract %slice3A_219[0] : i32 from vector<1xi32>
      %add3A_221 = arith.constant 128 : i32
      %add3A_222 = arith.addi %add3A_221, %scan3A_210 : i32
      %get3A_223 = arith.index_cast %add3A_222 : i32 to index
      %get3A_224 = tpu.vector_load %arg10[%get3A_223] {strides = array<i32>} : memref<528xi32, #tpu.memory_space<vmem>>, vector<16xi32>,
      %slice3A_225 = vector.extract_strided_slice %get3A_224 {offsets = [0], sizes = [1], strides = [1]} : vector<16xi32> to vector<1xi32>
      %squeeze3A_226 = vector.extract %slice3A_225[0] : i32 from vector<1xi32>
      %add3A_227 = arith.constant 128 : i32
      %add3A_228 = arith.addi %add3A_227, %scan3A_210 : i32
      %dma_start3A = arith.constant 0 : i32
      %dma_start3A_229 = tpu.memref_slice %arg11[%add3A_228, %dma_start3A] : memref<256x64xf32, #tpu.memory_space<vmem>> -> memref<1x64xf32, #tpu.memory_space<vmem>>
      %dma_start3A_230 = arith.constant 0 : i32
      %dma_start3A_231 = tpu.memref_slice %arg5[%squeeze3A, %dma_start3A_230] : memref<1000000x64xf32, #tpu.memory_space<hbm>> -> memref<1x64xf32, #tpu.memory_space<hbm>>
      %dma_start3A_232 = arith.constant 0 : i32
      %dma_start3A_233 = tpu.memref_slice %arg11[%add3A_228, %dma_start3A_232] : memref<256x64xf32, #tpu.memory_space<vmem>> -> memref<1x64xf32, #tpu.memory_space<vmem>>
      %dma_start3A_234 = arith.constant 0 : i32
      %dma_start3A_235 = tpu.memref_slice %arg5[%squeeze3A, %dma_start3A_234] : memref<1000000x64xf32, #tpu.memory_space<hbm>> -> memref<1x64xf32, #tpu.memory_space<hbm>>
      tpu.enqueue_dma source(%dma_start3A_235 : memref<1x64xf32, #tpu.memory_space<hbm>>) target(%dma_start3A_233 : memref<1x64xf32, #tpu.memory_space<vmem>>) target_semaphore(%arg16 : memref<!tpu.dma_semaphore, #tpu.memory_space<semaphore_mem>>)
      %dma_start3A_236 = arith.constant 0 : i32
      %dma_start3A_237 = tpu.memref_slice %arg12[%add3A_228, %dma_start3A_236] : memref<256x64xf32, #tpu.memory_space<vmem>> -> memref<1x64xf32, #tpu.memory_space<vmem>>
      %dma_start3A_238 = arith.constant 0 : i32
      %dma_start3A_239 = tpu.memref_slice %arg6[%squeeze3A_220, %dma_start3A_238] : memref<1000x64xf32, #tpu.memory_space<hbm>> -> memref<1x64xf32, #tpu.memory_space<hbm>>
      %dma_start3A_240 = arith.constant 0 : i32
      %dma_start3A_241 = tpu.memref_slice %arg12[%add3A_228, %dma_start3A_240] : memref<256x64xf32, #tpu.memory_space<vmem>> -> memref<1x64xf32, #tpu.memory_space<vmem>>
      %dma_start3A_242 = arith.constant 0 : i32
      %dma_start3A_243 = tpu.memref_slice %arg6[%squeeze3A_220, %dma_start3A_242] : memref<1000x64xf32, #tpu.memory_space<hbm>> -> memref<1x64xf32, #tpu.memory_space<hbm>>
      tpu.enqueue_dma source(%dma_start3A_243 : memref<1x64xf32, #tpu.memory_space<hbm>>) target(%dma_start3A_241 : memref<1x64xf32, #tpu.memory_space<vmem>>) target_semaphore(%arg16 : memref<!tpu.dma_semaphore, #tpu.memory_space<semaphore_mem>>)
      %dma_start3A_244 = arith.constant 0 : i32
      %dma_start3A_245 = tpu.memref_slice %arg13[%add3A_228, %dma_start3A_244] : memref<256x64xf32, #tpu.memory_space<vmem>> -> memref<1x64xf32, #tpu.memory_space<vmem>>
      %dma_start3A_246 = arith.constant 0 : i32
      %dma_start3A_247 = tpu.memref_slice %arg5[%squeeze3A_226, %dma_start3A_246] : memref<1000000x64xf32, #tpu.memory_space<hbm>> -> memref<1x64xf32, #tpu.memory_space<hbm>>
      %dma_start3A_248 = arith.constant 0 : i32
      %dma_start3A_249 = tpu.memref_slice %arg13[%add3A_228, %dma_start3A_248] : memref<256x64xf32, #tpu.memory_space<vmem>> -> memref<1x64xf32, #tpu.memory_space<vmem>>
      %dma_start3A_250 = arith.constant 0 : i32
      %dma_start3A_251 = tpu.memref_slice %arg5[%squeeze3A_226, %dma_start3A_250] : memref<1000000x64xf32, #tpu.memory_space<hbm>> -> memref<1x64xf32, #tpu.memory_space<hbm>>
      tpu.enqueue_dma source(%dma_start3A_251 : memref<1x64xf32, #tpu.memory_space<hbm>>) target(%dma_start3A_249 : memref<1x64xf32, #tpu.memory_space<vmem>>) target_semaphore(%arg16 : memref<!tpu.dma_semaphore, #tpu.memory_space<semaphore_mem>>)
      %scan3A_252 = arith.constant 0 : i32
      %scan3A_253 = arith.constant 1 : i32
      %scan3A_254 = arith.addi %scan3A_210, %scan3A_253 : i32
      %add3A_255 = arith.constant 128 : i32
      %add3A_256 = arith.addi %add3A_255, %scan3A_254 : i32
      %get3A_257 = arith.index_cast %add3A_256 : i32 to index
      %get3A_258 = tpu.vector_load %arg8[%get3A_257] {strides = array<i32>} : memref<528xi32, #tpu.memory_space<vmem>>, vector<16xi32>,
      %slice3A_259 = vector.extract_strided_slice %get3A_258 {offsets = [0], sizes = [1], strides = [1]} : vector<16xi32> to vector<1xi32>
      %squeeze3A_260 = vector.extract %slice3A_259[0] : i32 from vector<1xi32>
      %add3A_261 = arith.constant 128 : i32
      %add3A_262 = arith.addi %add3A_261, %scan3A_254 : i32
      %get3A_263 = arith.index_cast %add3A_262 : i32 to index
      %get3A_264 = tpu.vector_load %arg9[%get3A_263] {strides = array<i32>} : memref<528xi32, #tpu.memory_space<vmem>>, vector<16xi32>,
      %slice3A_265 = vector.extract_strided_slice %get3A_264 {offsets = [0], sizes = [1], strides = [1]} : vector<16xi32> to vector<1xi32>
      %squeeze3A_266 = vector.extract %slice3A_265[0] : i32 from vector<1xi32>
      %add3A_267 = arith.constant 128 : i32
      %add3A_268 = arith.addi %add3A_267, %scan3A_254 : i32
      %get3A_269 = arith.index_cast %add3A_268 : i32 to index
      %get3A_270 = tpu.vector_load %arg10[%get3A_269] {strides = array<i32>} : memref<528xi32, #tpu.memory_space<vmem>>, vector<16xi32>,
      %slice3A_271 = vector.extract_strided_slice %get3A_270 {offsets = [0], sizes = [1], strides = [1]} : vector<16xi32> to vector<1xi32>
      %squeeze3A_272 = vector.extract %slice3A_271[0] : i32 from vector<1xi32>
      %add3A_273 = arith.constant 128 : i32
      %add3A_274 = arith.addi %add3A_273, %scan3A_254 : i32
      %dma_start3A_275 = arith.constant 0 : i32
      %dma_start3A_276 = tpu.memref_slice %arg11[%add3A_274, %dma_start3A_275] : memref<256x64xf32, #tpu.memory_space<vmem>> -> memref<1x64xf32, #tpu.memory_space<vmem>>
      %dma_start3A_277 = arith.constant 0 : i32
      %dma_start3A_278 = tpu.memref_slice %arg5[%squeeze3A_260, %dma_start3A_277] : memref<1000000x64xf32, #tpu.memory_space<hbm>> -> memref<1x64xf32, #tpu.memory_space<hbm>>
      %dma_start3A_279 = arith.constant 0 : i32
      %dma_start3A_280 = tpu.memref_slice %arg11[%add3A_274, %dma_start3A_279] : memref<256x64xf32, #tpu.memory_space<vmem>> -> memref<1x64xf32, #tpu.memory_space<vmem>>
      %dma_start3A_281 = arith.constant 0 : i32
      %dma_start3A_282 = tpu.memref_slice %arg5[%squeeze3A_260, %dma_start3A_281] : memref<1000000x64xf32, #tpu.memory_space<hbm>> -> memref<1x64xf32, #tpu.memory_space<hbm>>
      tpu.enqueue_dma source(%dma_start3A_282 : memref<1x64xf32, #tpu.memory_space<hbm>>) target(%dma_start3A_280 : memref<1x64xf32, #tpu.memory_space<vmem>>) target_semaphore(%arg16 : memref<!tpu.dma_semaphore, #tpu.memory_space<semaphore_mem>>)
      %dma_start3A_283 = arith.constant 0 : i32
      %dma_start3A_284 = tpu.memref_slice %arg12[%add3A_274, %dma_start3A_283] : memref<256x64xf32, #tpu.memory_space<vmem>> -> memref<1x64xf32, #tpu.memory_space<vmem>>
      %dma_start3A_285 = arith.constant 0 : i32
      %dma_start3A_286 = tpu.memref_slice %arg6[%squeeze3A_266, %dma_start3A_285] : memref<1000x64xf32, #tpu.memory_space<hbm>> -> memref<1x64xf32, #tpu.memory_space<hbm>>
      %dma_start3A_287 = arith.constant 0 : i32
      %dma_start3A_288 = tpu.memref_slice %arg12[%add3A_274, %dma_start3A_287] : memref<256x64xf32, #tpu.memory_space<vmem>> -> memref<1x64xf32, #tpu.memory_space<vmem>>
      %dma_start3A_289 = arith.constant 0 : i32
      %dma_start3A_290 = tpu.memref_slice %arg6[%squeeze3A_266, %dma_start3A_289] : memref<1000x64xf32, #tpu.memory_space<hbm>> -> memref<1x64xf32, #tpu.memory_space<hbm>>
      tpu.enqueue_dma source(%dma_start3A_290 : memref<1x64xf32, #tpu.memory_space<hbm>>) target(%dma_start3A_288 : memref<1x64xf32, #tpu.memory_space<vmem>>) target_semaphore(%arg16 : memref<!tpu.dma_semaphore, #tpu.memory_space<semaphore_mem>>)
      %dma_start3A_291 = arith.constant 0 : i32
      %dma_start3A_292 = tpu.memref_slice %arg13[%add3A_274, %dma_start3A_291] : memref<256x64xf32, #tpu.memory_space<vmem>> -> memref<1x64xf32, #tpu.memory_space<vmem>>
      %dma_start3A_293 = arith.constant 0 : i32
      %dma_start3A_294 = tpu.memref_slice %arg5[%squeeze3A_272, %dma_start3A_293] : memref<1000000x64xf32, #tpu.memory_space<hbm>> -> memref<1x64xf32, #tpu.memory_space<hbm>>
      %dma_start3A_295 = arith.constant 0 : i32
      %dma_start3A_296 = tpu.memref_slice %arg13[%add3A_274, %dma_start3A_295] : memref<256x64xf32, #tpu.memory_space<vmem>> -> memref<1x64xf32, #tpu.memory_space<vmem>>
      %dma_start3A_297 = arith.constant 0 : i32
      %dma_start3A_298 = tpu.memref_slice %arg5[%squeeze3A_272, %dma_start3A_297] : memref<1000000x64xf32, #tpu.memory_space<hbm>> -> memref<1x64xf32, #tpu.memory_space<hbm>>
      tpu.enqueue_dma source(%dma_start3A_298 : memref<1x64xf32, #tpu.memory_space<hbm>>) target(%dma_start3A_296 : memref<1x64xf32, #tpu.memory_space<vmem>>) target_semaphore(%arg16 : memref<!tpu.dma_semaphore, #tpu.memory_space<semaphore_mem>>)
      %scan3A_299 = arith.constant 0 : i32
      %scan3A_300 = arith.constant 2 : i32
      %scan3A_301 = arith.addi %scan3A_210, %scan3A_300 : i32
      %add3A_302 = arith.constant 128 : i32
      %add3A_303 = arith.addi %add3A_302, %scan3A_301 : i32
      %get3A_304 = arith.index_cast %add3A_303 : i32 to index
      %get3A_305 = tpu.vector_load %arg8[%get3A_304] {strides = array<i32>} : memref<528xi32, #tpu.memory_space<vmem>>, vector<16xi32>,
      %slice3A_306 = vector.extract_strided_slice %get3A_305 {offsets = [0], sizes = [1], strides = [1]} : vector<16xi32> to vector<1xi32>
      %squeeze3A_307 = vector.extract %slice3A_306[0] : i32 from vector<1xi32>
      %add3A_308 = arith.constant 128 : i32
      %add3A_309 = arith.addi %add3A_308, %scan3A_301 : i32
      %get3A_310 = arith.index_cast %add3A_309 : i32 to index
      %get3A_311 = tpu.vector_load %arg9[%get3A_310] {strides = array<i32>} : memref<528xi32, #tpu.memory_space<vmem>>, vector<16xi32>,
      %slice3A_312 = vector.extract_strided_slice %get3A_311 {offsets = [0], sizes = [1], strides = [1]} : vector<16xi32> to vector<1xi32>
      %squeeze3A_313 = vector.extract %slice3A_312[0] : i32 from vector<1xi32>
      %add3A_314 = arith.constant 128 : i32
      %add3A_315 = arith.addi %add3A_314, %scan3A_301 : i32
      %get3A_316 = arith.index_cast %add3A_315 : i32 to index
      %get3A_317 = tpu.vector_load %arg10[%get3A_316] {strides = array<i32>} : memref<528xi32, #tpu.memory_space<vmem>>, vector<16xi32>,
      %slice3A_318 = vector.extract_strided_slice %get3A_317 {offsets = [0], sizes = [1], strides = [1]} : vector<16xi32> to vector<1xi32>
      %squeeze3A_319 = vector.extract %slice3A_318[0] : i32 from vector<1xi32>
      %add3A_320 = arith.constant 128 : i32
      %add3A_321 = arith.addi %add3A_320, %scan3A_301 : i32
      %dma_start3A_322 = arith.constant 0 : i32
      %dma_start3A_323 = tpu.memref_slice %arg11[%add3A_321, %dma_start3A_322] : memref<256x64xf32, #tpu.memory_space<vmem>> -> memref<1x64xf32, #tpu.memory_space<vmem>>
      %dma_start3A_324 = arith.constant 0 : i32
      %dma_start3A_325 = tpu.memref_slice %arg5[%squeeze3A_307, %dma_start3A_324] : memref<1000000x64xf32, #tpu.memory_space<hbm>> -> memref<1x64xf32, #tpu.memory_space<hbm>>
      %dma_start3A_326 = arith.constant 0 : i32
      %dma_start3A_327 = tpu.memref_slice %arg11[%add3A_321, %dma_start3A_326] : memref<256x64xf32, #tpu.memory_space<vmem>> -> memref<1x64xf32, #tpu.memory_space<vmem>>
      %dma_start3A_328 = arith.constant 0 : i32
      %dma_start3A_329 = tpu.memref_slice %arg5[%squeeze3A_307, %dma_start3A_328] : memref<1000000x64xf32, #tpu.memory_space<hbm>> -> memref<1x64xf32, #tpu.memory_space<hbm>>
      tpu.enqueue_dma source(%dma_start3A_329 : memref<1x64xf32, #tpu.memory_space<hbm>>) target(%dma_start3A_327 : memref<1x64xf32, #tpu.memory_space<vmem>>) target_semaphore(%arg16 : memref<!tpu.dma_semaphore, #tpu.memory_space<semaphore_mem>>)
      %dma_start3A_330 = arith.constant 0 : i32
      %dma_start3A_331 = tpu.memref_slice %arg12[%add3A_321, %dma_start3A_330] : memref<256x64xf32, #tpu.memory_space<vmem>> -> memref<1x64xf32, #tpu.memory_space<vmem>>
      %dma_start3A_332 = arith.constant 0 : i32
      %dma_start3A_333 = tpu.memref_slice %arg6[%squeeze3A_313, %dma_start3A_332] : memref<1000x64xf32, #tpu.memory_space<hbm>> -> memref<1x64xf32, #tpu.memory_space<hbm>>
      %dma_start3A_334 = arith.constant 0 : i32
      %dma_start3A_335 = tpu.memref_slice %arg12[%add3A_321, %dma_start3A_334] : memref<256x64xf32, #tpu.memory_space<vmem>> -> memref<1x64xf32, #tpu.memory_space<vmem>>
      %dma_start3A_336 = arith.constant 0 : i32
      %dma_start3A_337 = tpu.memref_slice %arg6[%squeeze3A_313, %dma_start3A_336] : memref<1000x64xf32, #tpu.memory_space<hbm>> -> memref<1x64xf32, #tpu.memory_space<hbm>>
      tpu.enqueue_dma source(%dma_start3A_337 : memref<1x64xf32, #tpu.memory_space<hbm>>) target(%dma_start3A_335 : memref<1x64xf32, #tpu.memory_space<vmem>>) target_semaphore(%arg16 : memref<!tpu.dma_semaphore, #tpu.memory_space<semaphore_mem>>)
      %dma_start3A_338 = arith.constant 0 : i32
      %dma_start3A_339 = tpu.memref_slice %arg13[%add3A_321, %dma_start3A_338] : memref<256x64xf32, #tpu.memory_space<vmem>> -> memref<1x64xf32, #tpu.memory_space<vmem>>
      %dma_start3A_340 = arith.constant 0 : i32
      %dma_start3A_341 = tpu.memref_slice %arg5[%squeeze3A_319, %dma_start3A_340] : memref<1000000x64xf32, #tpu.memory_space<hbm>> -> memref<1x64xf32, #tpu.memory_space<hbm>>
      %dma_start3A_342 = arith.constant 0 : i32
      %dma_start3A_343 = tpu.memref_slice %arg13[%add3A_321, %dma_start3A_342] : memref<256x64xf32, #tpu.memory_space<vmem>> -> memref<1x64xf32, #tpu.memory_space<vmem>>
      %dma_start3A_344 = arith.constant 0 : i32
      %dma_start3A_345 = tpu.memref_slice %arg5[%squeeze3A_319, %dma_start3A_344] : memref<1000000x64xf32, #tpu.memory_space<hbm>> -> memref<1x64xf32, #tpu.memory_space<hbm>>
      tpu.enqueue_dma source(%dma_start3A_345 : memref<1x64xf32, #tpu.memory_space<hbm>>) target(%dma_start3A_343 : memref<1x64xf32, #tpu.memory_space<vmem>>) target_semaphore(%arg16 : memref<!tpu.dma_semaphore, #tpu.memory_space<semaphore_mem>>)
      %scan3A_346 = arith.constant 0 : i32
      %scan3A_347 = arith.constant 3 : i32
      %scan3A_348 = arith.addi %scan3A_210, %scan3A_347 : i32
      %add3A_349 = arith.constant 128 : i32
      %add3A_350 = arith.addi %add3A_349, %scan3A_348 : i32
      %get3A_351 = arith.index_cast %add3A_350 : i32 to index
      %get3A_352 = tpu.vector_load %arg8[%get3A_351] {strides = array<i32>} : memref<528xi32, #tpu.memory_space<vmem>>, vector<16xi32>,
      %slice3A_353 = vector.extract_strided_slice %get3A_352 {offsets = [0], sizes = [1], strides = [1]} : vector<16xi32> to vector<1xi32>
      %squeeze3A_354 = vector.extract %slice3A_353[0] : i32 from vector<1xi32>
      %add3A_355 = arith.constant 128 : i32
      %add3A_356 = arith.addi %add3A_355, %scan3A_348 : i32
      %get3A_357 = arith.index_cast %add3A_356 : i32 to index
      %get3A_358 = tpu.vector_load %arg9[%get3A_357] {strides = array<i32>} : memref<528xi32, #tpu.memory_space<vmem>>, vector<16xi32>,
      %slice3A_359 = vector.extract_strided_slice %get3A_358 {offsets = [0], sizes = [1], strides = [1]} : vector<16xi32> to vector<1xi32>
      %squeeze3A_360 = vector.extract %slice3A_359[0] : i32 from vector<1xi32>
      %add3A_361 = arith.constant 128 : i32
      %add3A_362 = arith.addi %add3A_361, %scan3A_348 : i32
      %get3A_363 = arith.index_cast %add3A_362 : i32 to index
      %get3A_364 = tpu.vector_load %arg10[%get3A_363] {strides = array<i32>} : memref<528xi32, #tpu.memory_space<vmem>>, vector<16xi32>,
      %slice3A_365 = vector.extract_strided_slice %get3A_364 {offsets = [0], sizes = [1], strides = [1]} : vector<16xi32> to vector<1xi32>
      %squeeze3A_366 = vector.extract %slice3A_365[0] : i32 from vector<1xi32>
      %add3A_367 = arith.constant 128 : i32
      %add3A_368 = arith.addi %add3A_367, %scan3A_348 : i32
      %dma_start3A_369 = arith.constant 0 : i32
      %dma_start3A_370 = tpu.memref_slice %arg11[%add3A_368, %dma_start3A_369] : memref<256x64xf32, #tpu.memory_space<vmem>> -> memref<1x64xf32, #tpu.memory_space<vmem>>
      %dma_start3A_371 = arith.constant 0 : i32
      %dma_start3A_372 = tpu.memref_slice %arg5[%squeeze3A_354, %dma_start3A_371] : memref<1000000x64xf32, #tpu.memory_space<hbm>> -> memref<1x64xf32, #tpu.memory_space<hbm>>
      %dma_start3A_373 = arith.constant 0 : i32
      %dma_start3A_374 = tpu.memref_slice %arg11[%add3A_368, %dma_start3A_373] : memref<256x64xf32, #tpu.memory_space<vmem>> -> memref<1x64xf32, #tpu.memory_space<vmem>>
      %dma_start3A_375 = arith.constant 0 : i32
      %dma_start3A_376 = tpu.memref_slice %arg5[%squeeze3A_354, %dma_start3A_375] : memref<1000000x64xf32, #tpu.memory_space<hbm>> -> memref<1x64xf32, #tpu.memory_space<hbm>>
      tpu.enqueue_dma source(%dma_start3A_376 : memref<1x64xf32, #tpu.memory_space<hbm>>) target(%dma_start3A_374 : memref<1x64xf32, #tpu.memory_space<vmem>>) target_semaphore(%arg16 : memref<!tpu.dma_semaphore, #tpu.memory_space<semaphore_mem>>)
      %dma_start3A_377 = arith.constant 0 : i32
      %dma_start3A_378 = tpu.memref_slice %arg12[%add3A_368, %dma_start3A_377] : memref<256x64xf32, #tpu.memory_space<vmem>> -> memref<1x64xf32, #tpu.memory_space<vmem>>
      %dma_start3A_379 = arith.constant 0 : i32
      %dma_start3A_380 = tpu.memref_slice %arg6[%squeeze3A_360, %dma_start3A_379] : memref<1000x64xf32, #tpu.memory_space<hbm>> -> memref<1x64xf32, #tpu.memory_space<hbm>>
      %dma_start3A_381 = arith.constant 0 : i32
      %dma_start3A_382 = tpu.memref_slice %arg12[%add3A_368, %dma_start3A_381] : memref<256x64xf32, #tpu.memory_space<vmem>> -> memref<1x64xf32, #tpu.memory_space<vmem>>
      %dma_start3A_383 = arith.constant 0 : i32
      %dma_start3A_384 = tpu.memref_slice %arg6[%squeeze3A_360, %dma_start3A_383] : memref<1000x64xf32, #tpu.memory_space<hbm>> -> memref<1x64xf32, #tpu.memory_space<hbm>>
      tpu.enqueue_dma source(%dma_start3A_384 : memref<1x64xf32, #tpu.memory_space<hbm>>) target(%dma_start3A_382 : memref<1x64xf32, #tpu.memory_space<vmem>>) target_semaphore(%arg16 : memref<!tpu.dma_semaphore, #tpu.memory_space<semaphore_mem>>)
      %dma_start3A_385 = arith.constant 0 : i32
      %dma_start3A_386 = tpu.memref_slice %arg13[%add3A_368, %dma_start3A_385] : memref<256x64xf32, #tpu.memory_space<vmem>> -> memref<1x64xf32, #tpu.memory_space<vmem>>
      %dma_start3A_387 = arith.constant 0 : i32
      %dma_start3A_388 = tpu.memref_slice %arg5[%squeeze3A_366, %dma_start3A_387] : memref<1000000x64xf32, #tpu.memory_space<hbm>> -> memref<1x64xf32, #tpu.memory_space<hbm>>
      %dma_start3A_389 = arith.constant 0 : i32
      %dma_start3A_390 = tpu.memref_slice %arg13[%add3A_368, %dma_start3A_389] : memref<256x64xf32, #tpu.memory_space<vmem>> -> memref<1x64xf32, #tpu.memory_space<vmem>>
      %dma_start3A_391 = arith.constant 0 : i32
      %dma_start3A_392 = tpu.memref_slice %arg5[%squeeze3A_366, %dma_start3A_391] : memref<1000000x64xf32, #tpu.memory_space<hbm>> -> memref<1x64xf32, #tpu.memory_space<hbm>>
      tpu.enqueue_dma source(%dma_start3A_392 : memref<1x64xf32, #tpu.memory_space<hbm>>) target(%dma_start3A_390 : memref<1x64xf32, #tpu.memory_space<vmem>>) target_semaphore(%arg16 : memref<!tpu.dma_semaphore, #tpu.memory_space<semaphore_mem>>)
      %scan3A_393 = arith.constant 0 : i32
      scf.yield %scan3A_393 : i32
    }
    %scan3A_52 = arith.constant 128 : i32
    %scan3A_53 = arith.constant 0 : i32
    %scan3A_54 = arith.constant 0 : i32
    %scan3A_55 = arith.constant 128 : i32
    %scan3A_56 = arith.addi %scan3A_54, %scan3A_55 : i32
    %scan3A_57 = arith.constant 4 : i32
    %scan3A_58 = scf.for %scan3A_210 = %scan3A_54 to %scan3A_56 step %scan3A_57 iter_args(%scan3A_211 = %scan3A_53) -> (i32)  : i32 {
      %broadcast_in_dim3A = arith.constant 0.000000e+00 : f32
      %broadcast_in_dim3A_212 = vector.broadcast %broadcast_in_dim3A : f32 to vector<16xf32>
      %add3A_213 = arith.constant 0 : i32
      %add3A_214 = arith.addi %add3A_213, %scan3A_210 : i32
      %get3A = arith.index_cast %add3A_214 : i32 to index
      %get3A_215 = arith.constant 0 : index
      %get3A_216 = tpu.vector_load %arg11[%get3A, %get3A_215] {strides = array<i32>} : memref<256x64xf32, #tpu.memory_space<vmem>>, vector<16xf32>,
      %add3A_217 = arith.constant 0 : i32
      %add3A_218 = arith.addi %add3A_217, %scan3A_210 : i32
      %get3A_219 = arith.index_cast %add3A_218 : i32 to index
      %get3A_220 = arith.constant 0 : index
      %get3A_221 = tpu.vector_load %arg12[%get3A_219, %get3A_220] {strides = array<i32>} : memref<256x64xf32, #tpu.memory_space<vmem>>, vector<16xf32>,
      %add3A_222 = arith.addf %get3A_216, %get3A_221 : vector<16xf32>
      %add3A_223 = arith.constant 0 : i32
      %add3A_224 = arith.addi %add3A_223, %scan3A_210 : i32
      %get3A_225 = arith.index_cast %add3A_224 : i32 to index
      %get3A_226 = arith.constant 0 : index
      %get3A_227 = tpu.vector_load %arg13[%get3A_225, %get3A_226] {strides = array<i32>} : memref<256x64xf32, #tpu.memory_space<vmem>>, vector<16xf32>,
      %sub3A = arith.subf %add3A_222, %get3A_227 : vector<16xf32>
      %mul3A_228 = arith.mulf %sub3A, %sub3A : vector<16xf32>
      %add3A_229 = arith.addf %broadcast_in_dim3A_212, %mul3A_228 : vector<16xf32>
      %add3A_230 = arith.constant 0 : i32
      %add3A_231 = arith.addi %add3A_230, %scan3A_210 : i32
      %get3A_232 = arith.index_cast %add3A_231 : i32 to index
      %get3A_233 = arith.constant 16 : index
      %get3A_234 = tpu.vector_load %arg11[%get3A_232, %get3A_233] {strides = array<i32>} : memref<256x64xf32, #tpu.memory_space<vmem>>, vector<16xf32>,
      %add3A_235 = arith.constant 0 : i32
      %add3A_236 = arith.addi %add3A_235, %scan3A_210 : i32
      %get3A_237 = arith.index_cast %add3A_236 : i32 to index
      %get3A_238 = arith.constant 16 : index
      %get3A_239 = tpu.vector_load %arg12[%get3A_237, %get3A_238] {strides = array<i32>} : memref<256x64xf32, #tpu.memory_space<vmem>>, vector<16xf32>,
      %add3A_240 = arith.addf %get3A_234, %get3A_239 : vector<16xf32>
      %add3A_241 = arith.constant 0 : i32
      %add3A_242 = arith.addi %add3A_241, %scan3A_210 : i32
      %get3A_243 = arith.index_cast %add3A_242 : i32 to index
      %get3A_244 = arith.constant 16 : index
      %get3A_245 = tpu.vector_load %arg13[%get3A_243, %get3A_244] {strides = array<i32>} : memref<256x64xf32, #tpu.memory_space<vmem>>, vector<16xf32>,
      %sub3A_246 = arith.subf %add3A_240, %get3A_245 : vector<16xf32>
      %mul3A_247 = arith.mulf %sub3A_246, %sub3A_246 : vector<16xf32>
      %add3A_248 = arith.addf %add3A_229, %mul3A_247 : vector<16xf32>
      %add3A_249 = arith.constant 0 : i32
      %add3A_250 = arith.addi %add3A_249, %scan3A_210 : i32
      %get3A_251 = arith.index_cast %add3A_250 : i32 to index
      %get3A_252 = arith.constant 32 : index
      %get3A_253 = tpu.vector_load %arg11[%get3A_251, %get3A_252] {strides = array<i32>} : memref<256x64xf32, #tpu.memory_space<vmem>>, vector<16xf32>,
      %add3A_254 = arith.constant 0 : i32
      %add3A_255 = arith.addi %add3A_254, %scan3A_210 : i32
      %get3A_256 = arith.index_cast %add3A_255 : i32 to index
      %get3A_257 = arith.constant 32 : index
      %get3A_258 = tpu.vector_load %arg12[%get3A_256, %get3A_257] {strides = array<i32>} : memref<256x64xf32, #tpu.memory_space<vmem>>, vector<16xf32>,
      %add3A_259 = arith.addf %get3A_253, %get3A_258 : vector<16xf32>
      %add3A_260 = arith.constant 0 : i32
      %add3A_261 = arith.addi %add3A_260, %scan3A_210 : i32
      %get3A_262 = arith.index_cast %add3A_261 : i32 to index
      %get3A_263 = arith.constant 32 : index
      %get3A_264 = tpu.vector_load %arg13[%get3A_262, %get3A_263] {strides = array<i32>} : memref<256x64xf32, #tpu.memory_space<vmem>>, vector<16xf32>,
      %sub3A_265 = arith.subf %add3A_259, %get3A_264 : vector<16xf32>
      %mul3A_266 = arith.mulf %sub3A_265, %sub3A_265 : vector<16xf32>
      %add3A_267 = arith.addf %add3A_248, %mul3A_266 : vector<16xf32>
      %add3A_268 = arith.constant 0 : i32
      %add3A_269 = arith.addi %add3A_268, %scan3A_210 : i32
      %get3A_270 = arith.index_cast %add3A_269 : i32 to index
      %get3A_271 = arith.constant 48 : index
      %get3A_272 = tpu.vector_load %arg11[%get3A_270, %get3A_271] {strides = array<i32>} : memref<256x64xf32, #tpu.memory_space<vmem>>, vector<16xf32>,
      %add3A_273 = arith.constant 0 : i32
      %add3A_274 = arith.addi %add3A_273, %scan3A_210 : i32
      %get3A_275 = arith.index_cast %add3A_274 : i32 to index
      %get3A_276 = arith.constant 48 : index
      %get3A_277 = tpu.vector_load %arg12[%get3A_275, %get3A_276] {strides = array<i32>} : memref<256x64xf32, #tpu.memory_space<vmem>>, vector<16xf32>,
      %add3A_278 = arith.addf %get3A_272, %get3A_277 : vector<16xf32>
      %add3A_279 = arith.constant 0 : i32
      %add3A_280 = arith.addi %add3A_279, %scan3A_210 : i32
      %get3A_281 = arith.index_cast %add3A_280 : i32 to index
      %get3A_282 = arith.constant 48 : index
      %get3A_283 = tpu.vector_load %arg13[%get3A_281, %get3A_282] {strides = array<i32>} : memref<256x64xf32, #tpu.memory_space<vmem>>, vector<16xf32>,
      %sub3A_284 = arith.subf %add3A_278, %get3A_283 : vector<16xf32>
      %mul3A_285 = arith.mulf %sub3A_284, %sub3A_284 : vector<16xf32>
      %add3A_286 = arith.addf %add3A_267, %mul3A_285 : vector<16xf32>
      %broadcast_in_dim3A_287 = arith.constant true
      %broadcast_in_dim3A_288 = vector.broadcast %broadcast_in_dim3A_287 : i1 to vector<16xi1>
      %masked_cumsum3A = tpu.scan <sum>, %add3A_286 masked %broadcast_in_dim3A_288 : vector<16xf32>, vector<16xi1> -> vector<16xf32>
      %add3A_289 = arith.constant 0 : i32
      %add3A_290 = arith.addi %add3A_289, %scan3A_210 : i32
      %broadcast_in_dim3A_291 = vector.broadcast %add3A_290 : i32 to vector<16xi32>
      tpu.vector_store_idx %arg14[%broadcast_in_dim3A_291], %masked_cumsum3A masked %eq3A_4 : memref<512xf32, #tpu.memory_space<vmem>>[vector<16xi32>], vector<16xf32>, vector<16xi1>
      %scan3A_292 = arith.constant 0 : i32
      %scan3A_293 = arith.constant 1 : i32
      %scan3A_294 = arith.addi %scan3A_210, %scan3A_293 : i32
      %broadcast_in_dim3A_295 = arith.constant 0.000000e+00 : f32
      %broadcast_in_dim3A_296 = vector.broadcast %broadcast_in_dim3A_295 : f32 to vector<16xf32>
      %add3A_297 = arith.constant 0 : i32
      %add3A_298 = arith.addi %add3A_297, %scan3A_294 : i32
      %get3A_299 = arith.index_cast %add3A_298 : i32 to index
      %get3A_300 = arith.constant 0 : index
      %get3A_301 = tpu.vector_load %arg11[%get3A_299, %get3A_300] {strides = array<i32>} : memref<256x64xf32, #tpu.memory_space<vmem>>, vector<16xf32>,
      %add3A_302 = arith.constant 0 : i32
      %add3A_303 = arith.addi %add3A_302, %scan3A_294 : i32
      %get3A_304 = arith.index_cast %add3A_303 : i32 to index
      %get3A_305 = arith.constant 0 : index
      %get3A_306 = tpu.vector_load %arg12[%get3A_304, %get3A_305] {strides = array<i32>} : memref<256x64xf32, #tpu.memory_space<vmem>>, vector<16xf32>,
      %add3A_307 = arith.addf %get3A_301, %get3A_306 : vector<16xf32>
      %add3A_308 = arith.constant 0 : i32
      %add3A_309 = arith.addi %add3A_308, %scan3A_294 : i32
      %get3A_310 = arith.index_cast %add3A_309 : i32 to index
      %get3A_311 = arith.constant 0 : index
      %get3A_312 = tpu.vector_load %arg13[%get3A_310, %get3A_311] {strides = array<i32>} : memref<256x64xf32, #tpu.memory_space<vmem>>, vector<16xf32>,
      %sub3A_313 = arith.subf %add3A_307, %get3A_312 : vector<16xf32>
      %mul3A_314 = arith.mulf %sub3A_313, %sub3A_313 : vector<16xf32>
      %add3A_315 = arith.addf %broadcast_in_dim3A_296, %mul3A_314 : vector<16xf32>
      %add3A_316 = arith.constant 0 : i32
      %add3A_317 = arith.addi %add3A_316, %scan3A_294 : i32
      %get3A_318 = arith.index_cast %add3A_317 : i32 to index
      %get3A_319 = arith.constant 16 : index
      %get3A_320 = tpu.vector_load %arg11[%get3A_318, %get3A_319] {strides = array<i32>} : memref<256x64xf32, #tpu.memory_space<vmem>>, vector<16xf32>,
      %add3A_321 = arith.constant 0 : i32
      %add3A_322 = arith.addi %add3A_321, %scan3A_294 : i32
      %get3A_323 = arith.index_cast %add3A_322 : i32 to index
      %get3A_324 = arith.constant 16 : index
      %get3A_325 = tpu.vector_load %arg12[%get3A_323, %get3A_324] {strides = array<i32>} : memref<256x64xf32, #tpu.memory_space<vmem>>, vector<16xf32>,
      %add3A_326 = arith.addf %get3A_320, %get3A_325 : vector<16xf32>
      %add3A_327 = arith.constant 0 : i32
      %add3A_328 = arith.addi %add3A_327, %scan3A_294 : i32
      %get3A_329 = arith.index_cast %add3A_328 : i32 to index
      %get3A_330 = arith.constant 16 : index
      %get3A_331 = tpu.vector_load %arg13[%get3A_329, %get3A_330] {strides = array<i32>} : memref<256x64xf32, #tpu.memory_space<vmem>>, vector<16xf32>,
      %sub3A_332 = arith.subf %add3A_326, %get3A_331 : vector<16xf32>
      %mul3A_333 = arith.mulf %sub3A_332, %sub3A_332 : vector<16xf32>
      %add3A_334 = arith.addf %add3A_315, %mul3A_333 : vector<16xf32>
      %add3A_335 = arith.constant 0 : i32
      %add3A_336 = arith.addi %add3A_335, %scan3A_294 : i32
      %get3A_337 = arith.index_cast %add3A_336 : i32 to index
      %get3A_338 = arith.constant 32 : index
      %get3A_339 = tpu.vector_load %arg11[%get3A_337, %get3A_338] {strides = array<i32>} : memref<256x64xf32, #tpu.memory_space<vmem>>, vector<16xf32>,
      %add3A_340 = arith.constant 0 : i32
      %add3A_341 = arith.addi %add3A_340, %scan3A_294 : i32
      %get3A_342 = arith.index_cast %add3A_341 : i32 to index
      %get3A_343 = arith.constant 32 : index
      %get3A_344 = tpu.vector_load %arg12[%get3A_342, %get3A_343] {strides = array<i32>} : memref<256x64xf32, #tpu.memory_space<vmem>>, vector<16xf32>,
      %add3A_345 = arith.addf %get3A_339, %get3A_344 : vector<16xf32>
      %add3A_346 = arith.constant 0 : i32
      %add3A_347 = arith.addi %add3A_346, %scan3A_294 : i32
      %get3A_348 = arith.index_cast %add3A_347 : i32 to index
      %get3A_349 = arith.constant 32 : index
      %get3A_350 = tpu.vector_load %arg13[%get3A_348, %get3A_349] {strides = array<i32>} : memref<256x64xf32, #tpu.memory_space<vmem>>, vector<16xf32>,
      %sub3A_351 = arith.subf %add3A_345, %get3A_350 : vector<16xf32>
      %mul3A_352 = arith.mulf %sub3A_351, %sub3A_351 : vector<16xf32>
      %add3A_353 = arith.addf %add3A_334, %mul3A_352 : vector<16xf32>
      %add3A_354 = arith.constant 0 : i32
      %add3A_355 = arith.addi %add3A_354, %scan3A_294 : i32
      %get3A_356 = arith.index_cast %add3A_355 : i32 to index
      %get3A_357 = arith.constant 48 : index
      %get3A_358 = tpu.vector_load %arg11[%get3A_356, %get3A_357] {strides = array<i32>} : memref<256x64xf32, #tpu.memory_space<vmem>>, vector<16xf32>,
      %add3A_359 = arith.constant 0 : i32
      %add3A_360 = arith.addi %add3A_359, %scan3A_294 : i32
      %get3A_361 = arith.index_cast %add3A_360 : i32 to index
      %get3A_362 = arith.constant 48 : index
      %get3A_363 = tpu.vector_load %arg12[%get3A_361, %get3A_362] {strides = array<i32>} : memref<256x64xf32, #tpu.memory_space<vmem>>, vector<16xf32>,
      %add3A_364 = arith.addf %get3A_358, %get3A_363 : vector<16xf32>
      %add3A_365 = arith.constant 0 : i32
      %add3A_366 = arith.addi %add3A_365, %scan3A_294 : i32
      %get3A_367 = arith.index_cast %add3A_366 : i32 to index
      %get3A_368 = arith.constant 48 : index
      %get3A_369 = tpu.vector_load %arg13[%get3A_367, %get3A_368] {strides = array<i32>} : memref<256x64xf32, #tpu.memory_space<vmem>>, vector<16xf32>,
      %sub3A_370 = arith.subf %add3A_364, %get3A_369 : vector<16xf32>
      %mul3A_371 = arith.mulf %sub3A_370, %sub3A_370 : vector<16xf32>
      %add3A_372 = arith.addf %add3A_353, %mul3A_371 : vector<16xf32>
      %broadcast_in_dim3A_373 = arith.constant true
      %broadcast_in_dim3A_374 = vector.broadcast %broadcast_in_dim3A_373 : i1 to vector<16xi1>
      %masked_cumsum3A_375 = tpu.scan <sum>, %add3A_372 masked %broadcast_in_dim3A_374 : vector<16xf32>, vector<16xi1> -> vector<16xf32>
      %add3A_376 = arith.constant 0 : i32
      %add3A_377 = arith.addi %add3A_376, %scan3A_294 : i32
      %broadcast_in_dim3A_378 = vector.broadcast %add3A_377 : i32 to vector<16xi32>
      tpu.vector_store_idx %arg14[%broadcast_in_dim3A_378], %masked_cumsum3A_375 masked %eq3A_4 : memref<512xf32, #tpu.memory_space<vmem>>[vector<16xi32>], vector<16xf32>, vector<16xi1>
      %scan3A_379 = arith.constant 0 : i32
      %scan3A_380 = arith.constant 2 : i32
      %scan3A_381 = arith.addi %scan3A_210, %scan3A_380 : i32
      %broadcast_in_dim3A_382 = arith.constant 0.000000e+00 : f32
      %broadcast_in_dim3A_383 = vector.broadcast %broadcast_in_dim3A_382 : f32 to vector<16xf32>
      %add3A_384 = arith.constant 0 : i32
      %add3A_385 = arith.addi %add3A_384, %scan3A_381 : i32
      %get3A_386 = arith.index_cast %add3A_385 : i32 to index
      %get3A_387 = arith.constant 0 : index
      %get3A_388 = tpu.vector_load %arg11[%get3A_386, %get3A_387] {strides = array<i32>} : memref<256x64xf32, #tpu.memory_space<vmem>>, vector<16xf32>,
      %add3A_389 = arith.constant 0 : i32
      %add3A_390 = arith.addi %add3A_389, %scan3A_381 : i32
      %get3A_391 = arith.index_cast %add3A_390 : i32 to index
      %get3A_392 = arith.constant 0 : index
      %get3A_393 = tpu.vector_load %arg12[%get3A_391, %get3A_392] {strides = array<i32>} : memref<256x64xf32, #tpu.memory_space<vmem>>, vector<16xf32>,
      %add3A_394 = arith.addf %get3A_388, %get3A_393 : vector<16xf32>
      %add3A_395 = arith.constant 0 : i32
      %add3A_396 = arith.addi %add3A_395, %scan3A_381 : i32
      %get3A_397 = arith.index_cast %add3A_396 : i32 to index
      %get3A_398 = arith.constant 0 : index
      %get3A_399 = tpu.vector_load %arg13[%get3A_397, %get3A_398] {strides = array<i32>} : memref<256x64xf32, #tpu.memory_space<vmem>>, vector<16xf32>,
      %sub3A_400 = arith.subf %add3A_394, %get3A_399 : vector<16xf32>
      %mul3A_401 = arith.mulf %sub3A_400, %sub3A_400 : vector<16xf32>
      %add3A_402 = arith.addf %broadcast_in_dim3A_383, %mul3A_401 : vector<16xf32>
      %add3A_403 = arith.constant 0 : i32
      %add3A_404 = arith.addi %add3A_403, %scan3A_381 : i32
      %get3A_405 = arith.index_cast %add3A_404 : i32 to index
      %get3A_406 = arith.constant 16 : index
      %get3A_407 = tpu.vector_load %arg11[%get3A_405, %get3A_406] {strides = array<i32>} : memref<256x64xf32, #tpu.memory_space<vmem>>, vector<16xf32>,
      %add3A_408 = arith.constant 0 : i32
      %add3A_409 = arith.addi %add3A_408, %scan3A_381 : i32
      %get3A_410 = arith.index_cast %add3A_409 : i32 to index
      %get3A_411 = arith.constant 16 : index
      %get3A_412 = tpu.vector_load %arg12[%get3A_410, %get3A_411] {strides = array<i32>} : memref<256x64xf32, #tpu.memory_space<vmem>>, vector<16xf32>,
      %add3A_413 = arith.addf %get3A_407, %get3A_412 : vector<16xf32>
      %add3A_414 = arith.constant 0 : i32
      %add3A_415 = arith.addi %add3A_414, %scan3A_381 : i32
      %get3A_416 = arith.index_cast %add3A_415 : i32 to index
      %get3A_417 = arith.constant 16 : index
      %get3A_418 = tpu.vector_load %arg13[%get3A_416, %get3A_417] {strides = array<i32>} : memref<256x64xf32, #tpu.memory_space<vmem>>, vector<16xf32>,
      %sub3A_419 = arith.subf %add3A_413, %get3A_418 : vector<16xf32>
      %mul3A_420 = arith.mulf %sub3A_419, %sub3A_419 : vector<16xf32>
      %add3A_421 = arith.addf %add3A_402, %mul3A_420 : vector<16xf32>
      %add3A_422 = arith.constant 0 : i32
      %add3A_423 = arith.addi %add3A_422, %scan3A_381 : i32
      %get3A_424 = arith.index_cast %add3A_423 : i32 to index
      %get3A_425 = arith.constant 32 : index
      %get3A_426 = tpu.vector_load %arg11[%get3A_424, %get3A_425] {strides = array<i32>} : memref<256x64xf32, #tpu.memory_space<vmem>>, vector<16xf32>,
      %add3A_427 = arith.constant 0 : i32
      %add3A_428 = arith.addi %add3A_427, %scan3A_381 : i32
      %get3A_429 = arith.index_cast %add3A_428 : i32 to index
      %get3A_430 = arith.constant 32 : index
      %get3A_431 = tpu.vector_load %arg12[%get3A_429, %get3A_430] {strides = array<i32>} : memref<256x64xf32, #tpu.memory_space<vmem>>, vector<16xf32>,
      %add3A_432 = arith.addf %get3A_426, %get3A_431 : vector<16xf32>
      %add3A_433 = arith.constant 0 : i32
      %add3A_434 = arith.addi %add3A_433, %scan3A_381 : i32
      %get3A_435 = arith.index_cast %add3A_434 : i32 to index
      %get3A_436 = arith.constant 32 : index
      %get3A_437 = tpu.vector_load %arg13[%get3A_435, %get3A_436] {strides = array<i32>} : memref<256x64xf32, #tpu.memory_space<vmem>>, vector<16xf32>,
      %sub3A_438 = arith.subf %add3A_432, %get3A_437 : vector<16xf32>
      %mul3A_439 = arith.mulf %sub3A_438, %sub3A_438 : vector<16xf32>
      %add3A_440 = arith.addf %add3A_421, %mul3A_439 : vector<16xf32>
      %add3A_441 = arith.constant 0 : i32
      %add3A_442 = arith.addi %add3A_441, %scan3A_381 : i32
      %get3A_443 = arith.index_cast %add3A_442 : i32 to index
      %get3A_444 = arith.constant 48 : index
      %get3A_445 = tpu.vector_load %arg11[%get3A_443, %get3A_444] {strides = array<i32>} : memref<256x64xf32, #tpu.memory_space<vmem>>, vector<16xf32>,
      %add3A_446 = arith.constant 0 : i32
      %add3A_447 = arith.addi %add3A_446, %scan3A_381 : i32
      %get3A_448 = arith.index_cast %add3A_447 : i32 to index
      %get3A_449 = arith.constant 48 : index
      %get3A_450 = tpu.vector_load %arg12[%get3A_448, %get3A_449] {strides = array<i32>} : memref<256x64xf32, #tpu.memory_space<vmem>>, vector<16xf32>,
      %add3A_451 = arith.addf %get3A_445, %get3A_450 : vector<16xf32>
      %add3A_452 = arith.constant 0 : i32
      %add3A_453 = arith.addi %add3A_452, %scan3A_381 : i32
      %get3A_454 = arith.index_cast %add3A_453 : i32 to index
      %get3A_455 = arith.constant 48 : index
      %get3A_456 = tpu.vector_load %arg13[%get3A_454, %get3A_455] {strides = array<i32>} : memref<256x64xf32, #tpu.memory_space<vmem>>, vector<16xf32>,
      %sub3A_457 = arith.subf %add3A_451, %get3A_456 : vector<16xf32>
      %mul3A_458 = arith.mulf %sub3A_457, %sub3A_457 : vector<16xf32>
      %add3A_459 = arith.addf %add3A_440, %mul3A_458 : vector<16xf32>
      %broadcast_in_dim3A_460 = arith.constant true
      %broadcast_in_dim3A_461 = vector.broadcast %broadcast_in_dim3A_460 : i1 to vector<16xi1>
      %masked_cumsum3A_462 = tpu.scan <sum>, %add3A_459 masked %broadcast_in_dim3A_461 : vector<16xf32>, vector<16xi1> -> vector<16xf32>
      %add3A_463 = arith.constant 0 : i32
      %add3A_464 = arith.addi %add3A_463, %scan3A_381 : i32
      %broadcast_in_dim3A_465 = vector.broadcast %add3A_464 : i32 to vector<16xi32>
      tpu.vector_store_idx %arg14[%broadcast_in_dim3A_465], %masked_cumsum3A_462 masked %eq3A_4 : memref<512xf32, #tpu.memory_space<vmem>>[vector<16xi32>], vector<16xf32>, vector<16xi1>
      %scan3A_466 = arith.constant 0 : i32
      %scan3A_467 = arith.constant 3 : i32
      %scan3A_468 = arith.addi %scan3A_210, %scan3A_467 : i32
      %broadcast_in_dim3A_469 = arith.constant 0.000000e+00 : f32
      %broadcast_in_dim3A_470 = vector.broadcast %broadcast_in_dim3A_469 : f32 to vector<16xf32>
      %add3A_471 = arith.constant 0 : i32
      %add3A_472 = arith.addi %add3A_471, %scan3A_468 : i32
      %get3A_473 = arith.index_cast %add3A_472 : i32 to index
      %get3A_474 = arith.constant 0 : index
      %get3A_475 = tpu.vector_load %arg11[%get3A_473, %get3A_474] {strides = array<i32>} : memref<256x64xf32, #tpu.memory_space<vmem>>, vector<16xf32>,
      %add3A_476 = arith.constant 0 : i32
      %add3A_477 = arith.addi %add3A_476, %scan3A_468 : i32
      %get3A_478 = arith.index_cast %add3A_477 : i32 to index
      %get3A_479 = arith.constant 0 : index
      %get3A_480 = tpu.vector_load %arg12[%get3A_478, %get3A_479] {strides = array<i32>} : memref<256x64xf32, #tpu.memory_space<vmem>>, vector<16xf32>,
      %add3A_481 = arith.addf %get3A_475, %get3A_480 : vector<16xf32>
      %add3A_482 = arith.constant 0 : i32
      %add3A_483 = arith.addi %add3A_482, %scan3A_468 : i32
      %get3A_484 = arith.index_cast %add3A_483 : i32 to index
      %get3A_485 = arith.constant 0 : index
      %get3A_486 = tpu.vector_load %arg13[%get3A_484, %get3A_485] {strides = array<i32>} : memref<256x64xf32, #tpu.memory_space<vmem>>, vector<16xf32>,
      %sub3A_487 = arith.subf %add3A_481, %get3A_486 : vector<16xf32>
      %mul3A_488 = arith.mulf %sub3A_487, %sub3A_487 : vector<16xf32>
      %add3A_489 = arith.addf %broadcast_in_dim3A_470, %mul3A_488 : vector<16xf32>
      %add3A_490 = arith.constant 0 : i32
      %add3A_491 = arith.addi %add3A_490, %scan3A_468 : i32
      %get3A_492 = arith.index_cast %add3A_491 : i32 to index
      %get3A_493 = arith.constant 16 : index
      %get3A_494 = tpu.vector_load %arg11[%get3A_492, %get3A_493] {strides = array<i32>} : memref<256x64xf32, #tpu.memory_space<vmem>>, vector<16xf32>,
      %add3A_495 = arith.constant 0 : i32
      %add3A_496 = arith.addi %add3A_495, %scan3A_468 : i32
      %get3A_497 = arith.index_cast %add3A_496 : i32 to index
      %get3A_498 = arith.constant 16 : index
      %get3A_499 = tpu.vector_load %arg12[%get3A_497, %get3A_498] {strides = array<i32>} : memref<256x64xf32, #tpu.memory_space<vmem>>, vector<16xf32>,
      %add3A_500 = arith.addf %get3A_494, %get3A_499 : vector<16xf32>
      %add3A_501 = arith.constant 0 : i32
      %add3A_502 = arith.addi %add3A_501, %scan3A_468 : i32
      %get3A_503 = arith.index_cast %add3A_502 : i32 to index
      %get3A_504 = arith.constant 16 : index
      %get3A_505 = tpu.vector_load %arg13[%get3A_503, %get3A_504] {strides = array<i32>} : memref<256x64xf32, #tpu.memory_space<vmem>>, vector<16xf32>,
      %sub3A_506 = arith.subf %add3A_500, %get3A_505 : vector<16xf32>
      %mul3A_507 = arith.mulf %sub3A_506, %sub3A_506 : vector<16xf32>
      %add3A_508 = arith.addf %add3A_489, %mul3A_507 : vector<16xf32>
      %add3A_509 = arith.constant 0 : i32
      %add3A_510 = arith.addi %add3A_509, %scan3A_468 : i32
      %get3A_511 = arith.index_cast %add3A_510 : i32 to index
      %get3A_512 = arith.constant 32 : index
      %get3A_513 = tpu.vector_load %arg11[%get3A_511, %get3A_512] {strides = array<i32>} : memref<256x64xf32, #tpu.memory_space<vmem>>, vector<16xf32>,
      %add3A_514 = arith.constant 0 : i32
      %add3A_515 = arith.addi %add3A_514, %scan3A_468 : i32
      %get3A_516 = arith.index_cast %add3A_515 : i32 to index
      %get3A_517 = arith.constant 32 : index
      %get3A_518 = tpu.vector_load %arg12[%get3A_516, %get3A_517] {strides = array<i32>} : memref<256x64xf32, #tpu.memory_space<vmem>>, vector<16xf32>,
      %add3A_519 = arith.addf %get3A_513, %get3A_518 : vector<16xf32>
      %add3A_520 = arith.constant 0 : i32
      %add3A_521 = arith.addi %add3A_520, %scan3A_468 : i32
      %get3A_522 = arith.index_cast %add3A_521 : i32 to index
      %get3A_523 = arith.constant 32 : index
      %get3A_524 = tpu.vector_load %arg13[%get3A_522, %get3A_523] {strides = array<i32>} : memref<256x64xf32, #tpu.memory_space<vmem>>, vector<16xf32>,
      %sub3A_525 = arith.subf %add3A_519, %get3A_524 : vector<16xf32>
      %mul3A_526 = arith.mulf %sub3A_525, %sub3A_525 : vector<16xf32>
      %add3A_527 = arith.addf %add3A_508, %mul3A_526 : vector<16xf32>
      %add3A_528 = arith.constant 0 : i32
      %add3A_529 = arith.addi %add3A_528, %scan3A_468 : i32
      %get3A_530 = arith.index_cast %add3A_529 : i32 to index
      %get3A_531 = arith.constant 48 : index
      %get3A_532 = tpu.vector_load %arg11[%get3A_530, %get3A_531] {strides = array<i32>} : memref<256x64xf32, #tpu.memory_space<vmem>>, vector<16xf32>,
      %add3A_533 = arith.constant 0 : i32
      %add3A_534 = arith.addi %add3A_533, %scan3A_468 : i32
      %get3A_535 = arith.index_cast %add3A_534 : i32 to index
      %get3A_536 = arith.constant 48 : index
      %get3A_537 = tpu.vector_load %arg12[%get3A_535, %get3A_536] {strides = array<i32>} : memref<256x64xf32, #tpu.memory_space<vmem>>, vector<16xf32>,
      %add3A_538 = arith.addf %get3A_532, %get3A_537 : vector<16xf32>
      %add3A_539 = arith.constant 0 : i32
      %add3A_540 = arith.addi %add3A_539, %scan3A_468 : i32
      %get3A_541 = arith.index_cast %add3A_540 : i32 to index
      %get3A_542 = arith.constant 48 : index
      %get3A_543 = tpu.vector_load %arg13[%get3A_541, %get3A_542] {strides = array<i32>} : memref<256x64xf32, #tpu.memory_space<vmem>>, vector<16xf32>,
      %sub3A_544 = arith.subf %add3A_538, %get3A_543 : vector<16xf32>
      %mul3A_545 = arith.mulf %sub3A_544, %sub3A_544 : vector<16xf32>
      %add3A_546 = arith.addf %add3A_527, %mul3A_545 : vector<16xf32>
      %broadcast_in_dim3A_547 = arith.constant true
      %broadcast_in_dim3A_548 = vector.broadcast %broadcast_in_dim3A_547 : i1 to vector<16xi1>
      %masked_cumsum3A_549 = tpu.scan <sum>, %add3A_546 masked %broadcast_in_dim3A_548 : vector<16xf32>, vector<16xi1> -> vector<16xf32>
      %add3A_550 = arith.constant 0 : i32
      %add3A_551 = arith.addi %add3A_550, %scan3A_468 : i32
      %broadcast_in_dim3A_552 = vector.broadcast %add3A_551 : i32 to vector<16xi32>
      tpu.vector_store_idx %arg14[%broadcast_in_dim3A_552], %masked_cumsum3A_549 masked %eq3A_4 : memref<512xf32, #tpu.memory_space<vmem>>[vector<16xi32>], vector<16xf32>, vector<16xi1>
      %scan3A_553 = arith.constant 0 : i32
      scf.yield %scan3A_553 : i32
    }
    %scan3A_59 = arith.constant 128 : i32
    %dma_wait3A_60 = arith.constant 128 : i32
    %dma_wait3A_61 = arith.constant 0 : i32
    %dma_wait3A_62 = tpu.memref_slice %arg11[%dma_wait3A_60, %dma_wait3A_61] : memref<256x64xf32, #tpu.memory_space<vmem>> -> memref<128x64xf32, #tpu.memory_space<vmem>>
    %dma_wait3A_63 = arith.constant 0 : i32
    %dma_wait3A_64 = arith.constant 0 : i32
    %dma_wait3A_65 = tpu.memref_slice %arg5[%dma_wait3A_63, %dma_wait3A_64] : memref<1000000x64xf32, #tpu.memory_space<hbm>> -> memref<128x64xf32, #tpu.memory_space<hbm>>
    %dma_wait3A_66 = arith.constant 128 : i32
    %dma_wait3A_67 = arith.constant 0 : i32
    %dma_wait3A_68 = tpu.memref_slice %arg11[%dma_wait3A_66, %dma_wait3A_67] : memref<256x64xf32, #tpu.memory_space<vmem>> -> memref<128x64xf32, #tpu.memory_space<vmem>>
    %dma_wait3A_69 = arith.constant 0 : i32
    %dma_wait3A_70 = arith.constant 0 : i32
    %dma_wait3A_71 = tpu.memref_slice %arg5[%dma_wait3A_69, %dma_wait3A_70] : memref<1000000x64xf32, #tpu.memory_space<hbm>> -> memref<128x64xf32, #tpu.memory_space<hbm>>
    tpu.wait_dma2 semaphore(%arg16 : memref<!tpu.dma_semaphore, #tpu.memory_space<semaphore_mem>>) src(%dma_wait3A_71 : memref<128x64xf32, #tpu.memory_space<hbm>>) dst(%dma_wait3A_68 : memref<128x64xf32, #tpu.memory_space<vmem>>)
    %dma_wait3A_72 = arith.constant 128 : i32
    %dma_wait3A_73 = arith.constant 0 : i32
    %dma_wait3A_74 = tpu.memref_slice %arg12[%dma_wait3A_72, %dma_wait3A_73] : memref<256x64xf32, #tpu.memory_space<vmem>> -> memref<128x64xf32, #tpu.memory_space<vmem>>
    %dma_wait3A_75 = arith.constant 0 : i32
    %dma_wait3A_76 = arith.constant 0 : i32
    %dma_wait3A_77 = tpu.memref_slice %arg5[%dma_wait3A_75, %dma_wait3A_76] : memref<1000000x64xf32, #tpu.memory_space<hbm>> -> memref<128x64xf32, #tpu.memory_space<hbm>>
    %dma_wait3A_78 = arith.constant 128 : i32
    %dma_wait3A_79 = arith.constant 0 : i32
    %dma_wait3A_80 = tpu.memref_slice %arg12[%dma_wait3A_78, %dma_wait3A_79] : memref<256x64xf32, #tpu.memory_space<vmem>> -> memref<128x64xf32, #tpu.memory_space<vmem>>
    %dma_wait3A_81 = arith.constant 0 : i32
    %dma_wait3A_82 = arith.constant 0 : i32
    %dma_wait3A_83 = tpu.memref_slice %arg5[%dma_wait3A_81, %dma_wait3A_82] : memref<1000000x64xf32, #tpu.memory_space<hbm>> -> memref<128x64xf32, #tpu.memory_space<hbm>>
    tpu.wait_dma2 semaphore(%arg16 : memref<!tpu.dma_semaphore, #tpu.memory_space<semaphore_mem>>) src(%dma_wait3A_83 : memref<128x64xf32, #tpu.memory_space<hbm>>) dst(%dma_wait3A_80 : memref<128x64xf32, #tpu.memory_space<vmem>>)
    %dma_wait3A_84 = arith.constant 128 : i32
    %dma_wait3A_85 = arith.constant 0 : i32
    %dma_wait3A_86 = tpu.memref_slice %arg13[%dma_wait3A_84, %dma_wait3A_85] : memref<256x64xf32, #tpu.memory_space<vmem>> -> memref<128x64xf32, #tpu.memory_space<vmem>>
    %dma_wait3A_87 = arith.constant 0 : i32
    %dma_wait3A_88 = arith.constant 0 : i32
    %dma_wait3A_89 = tpu.memref_slice %arg5[%dma_wait3A_87, %dma_wait3A_88] : memref<1000000x64xf32, #tpu.memory_space<hbm>> -> memref<128x64xf32, #tpu.memory_space<hbm>>
    %dma_wait3A_90 = arith.constant 128 : i32
    %dma_wait3A_91 = arith.constant 0 : i32
    %dma_wait3A_92 = tpu.memref_slice %arg13[%dma_wait3A_90, %dma_wait3A_91] : memref<256x64xf32, #tpu.memory_space<vmem>> -> memref<128x64xf32, #tpu.memory_space<vmem>>
    %dma_wait3A_93 = arith.constant 0 : i32
    %dma_wait3A_94 = arith.constant 0 : i32
    %dma_wait3A_95 = tpu.memref_slice %arg5[%dma_wait3A_93, %dma_wait3A_94] : memref<1000000x64xf32, #tpu.memory_space<hbm>> -> memref<128x64xf32, #tpu.memory_space<hbm>>
    tpu.wait_dma2 semaphore(%arg16 : memref<!tpu.dma_semaphore, #tpu.memory_space<semaphore_mem>>) src(%dma_wait3A_95 : memref<128x64xf32, #tpu.memory_space<hbm>>) dst(%dma_wait3A_92 : memref<128x64xf32, #tpu.memory_space<vmem>>)
    %scan3A_96 = arith.constant 0 : i32
    %scan3A_97 = arith.constant 0 : i32
    %scan3A_98 = arith.constant 128 : i32
    %scan3A_99 = arith.addi %scan3A_97, %scan3A_98 : i32
    %scan3A_100 = arith.constant 4 : i32
    %scan3A_101 = scf.for %scan3A_210 = %scan3A_97 to %scan3A_99 step %scan3A_100 iter_args(%scan3A_211 = %scan3A_96) -> (i32)  : i32 {
      %add3A_212 = arith.constant 256 : i32
      %add3A_213 = arith.addi %add3A_212, %scan3A_210 : i32
      %get3A = arith.index_cast %add3A_213 : i32 to index
      %get3A_214 = tpu.vector_load %arg8[%get3A] {strides = array<i32>} : memref<528xi32, #tpu.memory_space<vmem>>, vector<16xi32>,
      %slice3A = vector.extract_strided_slice %get3A_214 {offsets = [0], sizes = [1], strides = [1]} : vector<16xi32> to vector<1xi32>
      %squeeze3A = vector.extract %slice3A[0] : i32 from vector<1xi32>
      %add3A_215 = arith.constant 256 : i32
      %add3A_216 = arith.addi %add3A_215, %scan3A_210 : i32
      %get3A_217 = arith.index_cast %add3A_216 : i32 to index
      %get3A_218 = tpu.vector_load %arg9[%get3A_217] {strides = array<i32>} : memref<528xi32, #tpu.memory_space<vmem>>, vector<16xi32>,
      %slice3A_219 = vector.extract_strided_slice %get3A_218 {offsets = [0], sizes = [1], strides = [1]} : vector<16xi32> to vector<1xi32>
      %squeeze3A_220 = vector.extract %slice3A_219[0] : i32 from vector<1xi32>
      %add3A_221 = arith.constant 256 : i32
      %add3A_222 = arith.addi %add3A_221, %scan3A_210 : i32
      %get3A_223 = arith.index_cast %add3A_222 : i32 to index
      %get3A_224 = tpu.vector_load %arg10[%get3A_223] {strides = array<i32>} : memref<528xi32, #tpu.memory_space<vmem>>, vector<16xi32>,
      %slice3A_225 = vector.extract_strided_slice %get3A_224 {offsets = [0], sizes = [1], strides = [1]} : vector<16xi32> to vector<1xi32>
      %squeeze3A_226 = vector.extract %slice3A_225[0] : i32 from vector<1xi32>
      %add3A_227 = arith.constant 0 : i32
      %add3A_228 = arith.addi %add3A_227, %scan3A_210 : i32
      %dma_start3A = arith.constant 0 : i32
      %dma_start3A_229 = tpu.memref_slice %arg11[%add3A_228, %dma_start3A] : memref<256x64xf32, #tpu.memory_space<vmem>> -> memref<1x64xf32, #tpu.memory_space<vmem>>
      %dma_start3A_230 = arith.constant 0 : i32
      %dma_start3A_231 = tpu.memref_slice %arg5[%squeeze3A, %dma_start3A_230] : memref<1000000x64xf32, #tpu.memory_space<hbm>> -> memref<1x64xf32, #tpu.memory_space<hbm>>
      %dma_start3A_232 = arith.constant 0 : i32
      %dma_start3A_233 = tpu.memref_slice %arg11[%add3A_228, %dma_start3A_232] : memref<256x64xf32, #tpu.memory_space<vmem>> -> memref<1x64xf32, #tpu.memory_space<vmem>>
      %dma_start3A_234 = arith.constant 0 : i32
      %dma_start3A_235 = tpu.memref_slice %arg5[%squeeze3A, %dma_start3A_234] : memref<1000000x64xf32, #tpu.memory_space<hbm>> -> memref<1x64xf32, #tpu.memory_space<hbm>>
      tpu.enqueue_dma source(%dma_start3A_235 : memref<1x64xf32, #tpu.memory_space<hbm>>) target(%dma_start3A_233 : memref<1x64xf32, #tpu.memory_space<vmem>>) target_semaphore(%arg15 : memref<!tpu.dma_semaphore, #tpu.memory_space<semaphore_mem>>)
      %dma_start3A_236 = arith.constant 0 : i32
      %dma_start3A_237 = tpu.memref_slice %arg12[%add3A_228, %dma_start3A_236] : memref<256x64xf32, #tpu.memory_space<vmem>> -> memref<1x64xf32, #tpu.memory_space<vmem>>
      %dma_start3A_238 = arith.constant 0 : i32
      %dma_start3A_239 = tpu.memref_slice %arg6[%squeeze3A_220, %dma_start3A_238] : memref<1000x64xf32, #tpu.memory_space<hbm>> -> memref<1x64xf32, #tpu.memory_space<hbm>>
      %dma_start3A_240 = arith.constant 0 : i32
      %dma_start3A_241 = tpu.memref_slice %arg12[%add3A_228, %dma_start3A_240] : memref<256x64xf32, #tpu.memory_space<vmem>> -> memref<1x64xf32, #tpu.memory_space<vmem>>
      %dma_start3A_242 = arith.constant 0 : i32
      %dma_start3A_243 = tpu.memref_slice %arg6[%squeeze3A_220, %dma_start3A_242] : memref<1000x64xf32, #tpu.memory_space<hbm>> -> memref<1x64xf32, #tpu.memory_space<hbm>>
      tpu.enqueue_dma source(%dma_start3A_243 : memref<1x64xf32, #tpu.memory_space<hbm>>) target(%dma_start3A_241 : memref<1x64xf32, #tpu.memory_space<vmem>>) target_semaphore(%arg15 : memref<!tpu.dma_semaphore, #tpu.memory_space<semaphore_mem>>)
      %dma_start3A_244 = arith.constant 0 : i32
      %dma_start3A_245 = tpu.memref_slice %arg13[%add3A_228, %dma_start3A_244] : memref<256x64xf32, #tpu.memory_space<vmem>> -> memref<1x64xf32, #tpu.memory_space<vmem>>
      %dma_start3A_246 = arith.constant 0 : i32
      %dma_start3A_247 = tpu.memref_slice %arg5[%squeeze3A_226, %dma_start3A_246] : memref<1000000x64xf32, #tpu.memory_space<hbm>> -> memref<1x64xf32, #tpu.memory_space<hbm>>
      %dma_start3A_248 = arith.constant 0 : i32
      %dma_start3A_249 = tpu.memref_slice %arg13[%add3A_228, %dma_start3A_248] : memref<256x64xf32, #tpu.memory_space<vmem>> -> memref<1x64xf32, #tpu.memory_space<vmem>>
      %dma_start3A_250 = arith.constant 0 : i32
      %dma_start3A_251 = tpu.memref_slice %arg5[%squeeze3A_226, %dma_start3A_250] : memref<1000000x64xf32, #tpu.memory_space<hbm>> -> memref<1x64xf32, #tpu.memory_space<hbm>>
      tpu.enqueue_dma source(%dma_start3A_251 : memref<1x64xf32, #tpu.memory_space<hbm>>) target(%dma_start3A_249 : memref<1x64xf32, #tpu.memory_space<vmem>>) target_semaphore(%arg15 : memref<!tpu.dma_semaphore, #tpu.memory_space<semaphore_mem>>)
      %scan3A_252 = arith.constant 0 : i32
      %scan3A_253 = arith.constant 1 : i32
      %scan3A_254 = arith.addi %scan3A_210, %scan3A_253 : i32
      %add3A_255 = arith.constant 256 : i32
      %add3A_256 = arith.addi %add3A_255, %scan3A_254 : i32
      %get3A_257 = arith.index_cast %add3A_256 : i32 to index
      %get3A_258 = tpu.vector_load %arg8[%get3A_257] {strides = array<i32>} : memref<528xi32, #tpu.memory_space<vmem>>, vector<16xi32>,
      %slice3A_259 = vector.extract_strided_slice %get3A_258 {offsets = [0], sizes = [1], strides = [1]} : vector<16xi32> to vector<1xi32>
      %squeeze3A_260 = vector.extract %slice3A_259[0] : i32 from vector<1xi32>
      %add3A_261 = arith.constant 256 : i32
      %add3A_262 = arith.addi %add3A_261, %scan3A_254 : i32
      %get3A_263 = arith.index_cast %add3A_262 : i32 to index
      %get3A_264 = tpu.vector_load %arg9[%get3A_263] {strides = array<i32>} : memref<528xi32, #tpu.memory_space<vmem>>, vector<16xi32>,
      %slice3A_265 = vector.extract_strided_slice %get3A_264 {offsets = [0], sizes = [1], strides = [1]} : vector<16xi32> to vector<1xi32>
      %squeeze3A_266 = vector.extract %slice3A_265[0] : i32 from vector<1xi32>
      %add3A_267 = arith.constant 256 : i32
      %add3A_268 = arith.addi %add3A_267, %scan3A_254 : i32
      %get3A_269 = arith.index_cast %add3A_268 : i32 to index
      %get3A_270 = tpu.vector_load %arg10[%get3A_269] {strides = array<i32>} : memref<528xi32, #tpu.memory_space<vmem>>, vector<16xi32>,
      %slice3A_271 = vector.extract_strided_slice %get3A_270 {offsets = [0], sizes = [1], strides = [1]} : vector<16xi32> to vector<1xi32>
      %squeeze3A_272 = vector.extract %slice3A_271[0] : i32 from vector<1xi32>
      %add3A_273 = arith.constant 0 : i32
      %add3A_274 = arith.addi %add3A_273, %scan3A_254 : i32
      %dma_start3A_275 = arith.constant 0 : i32
      %dma_start3A_276 = tpu.memref_slice %arg11[%add3A_274, %dma_start3A_275] : memref<256x64xf32, #tpu.memory_space<vmem>> -> memref<1x64xf32, #tpu.memory_space<vmem>>
      %dma_start3A_277 = arith.constant 0 : i32
      %dma_start3A_278 = tpu.memref_slice %arg5[%squeeze3A_260, %dma_start3A_277] : memref<1000000x64xf32, #tpu.memory_space<hbm>> -> memref<1x64xf32, #tpu.memory_space<hbm>>
      %dma_start3A_279 = arith.constant 0 : i32
      %dma_start3A_280 = tpu.memref_slice %arg11[%add3A_274, %dma_start3A_279] : memref<256x64xf32, #tpu.memory_space<vmem>> -> memref<1x64xf32, #tpu.memory_space<vmem>>
      %dma_start3A_281 = arith.constant 0 : i32
      %dma_start3A_282 = tpu.memref_slice %arg5[%squeeze3A_260, %dma_start3A_281] : memref<1000000x64xf32, #tpu.memory_space<hbm>> -> memref<1x64xf32, #tpu.memory_space<hbm>>
      tpu.enqueue_dma source(%dma_start3A_282 : memref<1x64xf32, #tpu.memory_space<hbm>>) target(%dma_start3A_280 : memref<1x64xf32, #tpu.memory_space<vmem>>) target_semaphore(%arg15 : memref<!tpu.dma_semaphore, #tpu.memory_space<semaphore_mem>>)
      %dma_start3A_283 = arith.constant 0 : i32
      %dma_start3A_284 = tpu.memref_slice %arg12[%add3A_274, %dma_start3A_283] : memref<256x64xf32, #tpu.memory_space<vmem>> -> memref<1x64xf32, #tpu.memory_space<vmem>>
      %dma_start3A_285 = arith.constant 0 : i32
      %dma_start3A_286 = tpu.memref_slice %arg6[%squeeze3A_266, %dma_start3A_285] : memref<1000x64xf32, #tpu.memory_space<hbm>> -> memref<1x64xf32, #tpu.memory_space<hbm>>
      %dma_start3A_287 = arith.constant 0 : i32
      %dma_start3A_288 = tpu.memref_slice %arg12[%add3A_274, %dma_start3A_287] : memref<256x64xf32, #tpu.memory_space<vmem>> -> memref<1x64xf32, #tpu.memory_space<vmem>>
      %dma_start3A_289 = arith.constant 0 : i32
      %dma_start3A_290 = tpu.memref_slice %arg6[%squeeze3A_266, %dma_start3A_289] : memref<1000x64xf32, #tpu.memory_space<hbm>> -> memref<1x64xf32, #tpu.memory_space<hbm>>
      tpu.enqueue_dma source(%dma_start3A_290 : memref<1x64xf32, #tpu.memory_space<hbm>>) target(%dma_start3A_288 : memref<1x64xf32, #tpu.memory_space<vmem>>) target_semaphore(%arg15 : memref<!tpu.dma_semaphore, #tpu.memory_space<semaphore_mem>>)
      %dma_start3A_291 = arith.constant 0 : i32
      %dma_start3A_292 = tpu.memref_slice %arg13[%add3A_274, %dma_start3A_291] : memref<256x64xf32, #tpu.memory_space<vmem>> -> memref<1x64xf32, #tpu.memory_space<vmem>>
      %dma_start3A_293 = arith.constant 0 : i32
      %dma_start3A_294 = tpu.memref_slice %arg5[%squeeze3A_272, %dma_start3A_293] : memref<1000000x64xf32, #tpu.memory_space<hbm>> -> memref<1x64xf32, #tpu.memory_space<hbm>>
      %dma_start3A_295 = arith.constant 0 : i32
      %dma_start3A_296 = tpu.memref_slice %arg13[%add3A_274, %dma_start3A_295] : memref<256x64xf32, #tpu.memory_space<vmem>> -> memref<1x64xf32, #tpu.memory_space<vmem>>
      %dma_start3A_297 = arith.constant 0 : i32
      %dma_start3A_298 = tpu.memref_slice %arg5[%squeeze3A_272, %dma_start3A_297] : memref<1000000x64xf32, #tpu.memory_space<hbm>> -> memref<1x64xf32, #tpu.memory_space<hbm>>
      tpu.enqueue_dma source(%dma_start3A_298 : memref<1x64xf32, #tpu.memory_space<hbm>>) target(%dma_start3A_296 : memref<1x64xf32, #tpu.memory_space<vmem>>) target_semaphore(%arg15 : memref<!tpu.dma_semaphore, #tpu.memory_space<semaphore_mem>>)
      %scan3A_299 = arith.constant 0 : i32
      %scan3A_300 = arith.constant 2 : i32
      %scan3A_301 = arith.addi %scan3A_210, %scan3A_300 : i32
      %add3A_302 = arith.constant 256 : i32
      %add3A_303 = arith.addi %add3A_302, %scan3A_301 : i32
      %get3A_304 = arith.index_cast %add3A_303 : i32 to index
      %get3A_305 = tpu.vector_load %arg8[%get3A_304] {strides = array<i32>} : memref<528xi32, #tpu.memory_space<vmem>>, vector<16xi32>,
      %slice3A_306 = vector.extract_strided_slice %get3A_305 {offsets = [0], sizes = [1], strides = [1]} : vector<16xi32> to vector<1xi32>
      %squeeze3A_307 = vector.extract %slice3A_306[0] : i32 from vector<1xi32>
      %add3A_308 = arith.constant 256 : i32
      %add3A_309 = arith.addi %add3A_308, %scan3A_301 : i32
      %get3A_310 = arith.index_cast %add3A_309 : i32 to index
      %get3A_311 = tpu.vector_load %arg9[%get3A_310] {strides = array<i32>} : memref<528xi32, #tpu.memory_space<vmem>>, vector<16xi32>,
      %slice3A_312 = vector.extract_strided_slice %get3A_311 {offsets = [0], sizes = [1], strides = [1]} : vector<16xi32> to vector<1xi32>
      %squeeze3A_313 = vector.extract %slice3A_312[0] : i32 from vector<1xi32>
      %add3A_314 = arith.constant 256 : i32
      %add3A_315 = arith.addi %add3A_314, %scan3A_301 : i32
      %get3A_316 = arith.index_cast %add3A_315 : i32 to index
      %get3A_317 = tpu.vector_load %arg10[%get3A_316] {strides = array<i32>} : memref<528xi32, #tpu.memory_space<vmem>>, vector<16xi32>,
      %slice3A_318 = vector.extract_strided_slice %get3A_317 {offsets = [0], sizes = [1], strides = [1]} : vector<16xi32> to vector<1xi32>
      %squeeze3A_319 = vector.extract %slice3A_318[0] : i32 from vector<1xi32>
      %add3A_320 = arith.constant 0 : i32
      %add3A_321 = arith.addi %add3A_320, %scan3A_301 : i32
      %dma_start3A_322 = arith.constant 0 : i32
      %dma_start3A_323 = tpu.memref_slice %arg11[%add3A_321, %dma_start3A_322] : memref<256x64xf32, #tpu.memory_space<vmem>> -> memref<1x64xf32, #tpu.memory_space<vmem>>
      %dma_start3A_324 = arith.constant 0 : i32
      %dma_start3A_325 = tpu.memref_slice %arg5[%squeeze3A_307, %dma_start3A_324] : memref<1000000x64xf32, #tpu.memory_space<hbm>> -> memref<1x64xf32, #tpu.memory_space<hbm>>
      %dma_start3A_326 = arith.constant 0 : i32
      %dma_start3A_327 = tpu.memref_slice %arg11[%add3A_321, %dma_start3A_326] : memref<256x64xf32, #tpu.memory_space<vmem>> -> memref<1x64xf32, #tpu.memory_space<vmem>>
      %dma_start3A_328 = arith.constant 0 : i32
      %dma_start3A_329 = tpu.memref_slice %arg5[%squeeze3A_307, %dma_start3A_328] : memref<1000000x64xf32, #tpu.memory_space<hbm>> -> memref<1x64xf32, #tpu.memory_space<hbm>>
      tpu.enqueue_dma source(%dma_start3A_329 : memref<1x64xf32, #tpu.memory_space<hbm>>) target(%dma_start3A_327 : memref<1x64xf32, #tpu.memory_space<vmem>>) target_semaphore(%arg15 : memref<!tpu.dma_semaphore, #tpu.memory_space<semaphore_mem>>)
      %dma_start3A_330 = arith.constant 0 : i32
      %dma_start3A_331 = tpu.memref_slice %arg12[%add3A_321, %dma_start3A_330] : memref<256x64xf32, #tpu.memory_space<vmem>> -> memref<1x64xf32, #tpu.memory_space<vmem>>
      %dma_start3A_332 = arith.constant 0 : i32
      %dma_start3A_333 = tpu.memref_slice %arg6[%squeeze3A_313, %dma_start3A_332] : memref<1000x64xf32, #tpu.memory_space<hbm>> -> memref<1x64xf32, #tpu.memory_space<hbm>>
      %dma_start3A_334 = arith.constant 0 : i32
      %dma_start3A_335 = tpu.memref_slice %arg12[%add3A_321, %dma_start3A_334] : memref<256x64xf32, #tpu.memory_space<vmem>> -> memref<1x64xf32, #tpu.memory_space<vmem>>
      %dma_start3A_336 = arith.constant 0 : i32
      %dma_start3A_337 = tpu.memref_slice %arg6[%squeeze3A_313, %dma_start3A_336] : memref<1000x64xf32, #tpu.memory_space<hbm>> -> memref<1x64xf32, #tpu.memory_space<hbm>>
      tpu.enqueue_dma source(%dma_start3A_337 : memref<1x64xf32, #tpu.memory_space<hbm>>) target(%dma_start3A_335 : memref<1x64xf32, #tpu.memory_space<vmem>>) target_semaphore(%arg15 : memref<!tpu.dma_semaphore, #tpu.memory_space<semaphore_mem>>)
      %dma_start3A_338 = arith.constant 0 : i32
      %dma_start3A_339 = tpu.memref_slice %arg13[%add3A_321, %dma_start3A_338] : memref<256x64xf32, #tpu.memory_space<vmem>> -> memref<1x64xf32, #tpu.memory_space<vmem>>
      %dma_start3A_340 = arith.constant 0 : i32
      %dma_start3A_341 = tpu.memref_slice %arg5[%squeeze3A_319, %dma_start3A_340] : memref<1000000x64xf32, #tpu.memory_space<hbm>> -> memref<1x64xf32, #tpu.memory_space<hbm>>
      %dma_start3A_342 = arith.constant 0 : i32
      %dma_start3A_343 = tpu.memref_slice %arg13[%add3A_321, %dma_start3A_342] : memref<256x64xf32, #tpu.memory_space<vmem>> -> memref<1x64xf32, #tpu.memory_space<vmem>>
      %dma_start3A_344 = arith.constant 0 : i32
      %dma_start3A_345 = tpu.memref_slice %arg5[%squeeze3A_319, %dma_start3A_344] : memref<1000000x64xf32, #tpu.memory_space<hbm>> -> memref<1x64xf32, #tpu.memory_space<hbm>>
      tpu.enqueue_dma source(%dma_start3A_345 : memref<1x64xf32, #tpu.memory_space<hbm>>) target(%dma_start3A_343 : memref<1x64xf32, #tpu.memory_space<vmem>>) target_semaphore(%arg15 : memref<!tpu.dma_semaphore, #tpu.memory_space<semaphore_mem>>)
      %scan3A_346 = arith.constant 0 : i32
      %scan3A_347 = arith.constant 3 : i32
      %scan3A_348 = arith.addi %scan3A_210, %scan3A_347 : i32
      %add3A_349 = arith.constant 256 : i32
      %add3A_350 = arith.addi %add3A_349, %scan3A_348 : i32
      %get3A_351 = arith.index_cast %add3A_350 : i32 to index
      %get3A_352 = tpu.vector_load %arg8[%get3A_351] {strides = array<i32>} : memref<528xi32, #tpu.memory_space<vmem>>, vector<16xi32>,
      %slice3A_353 = vector.extract_strided_slice %get3A_352 {offsets = [0], sizes = [1], strides = [1]} : vector<16xi32> to vector<1xi32>
      %squeeze3A_354 = vector.extract %slice3A_353[0] : i32 from vector<1xi32>
      %add3A_355 = arith.constant 256 : i32
      %add3A_356 = arith.addi %add3A_355, %scan3A_348 : i32
      %get3A_357 = arith.index_cast %add3A_356 : i32 to index
      %get3A_358 = tpu.vector_load %arg9[%get3A_357] {strides = array<i32>} : memref<528xi32, #tpu.memory_space<vmem>>, vector<16xi32>,
      %slice3A_359 = vector.extract_strided_slice %get3A_358 {offsets = [0], sizes = [1], strides = [1]} : vector<16xi32> to vector<1xi32>
      %squeeze3A_360 = vector.extract %slice3A_359[0] : i32 from vector<1xi32>
      %add3A_361 = arith.constant 256 : i32
      %add3A_362 = arith.addi %add3A_361, %scan3A_348 : i32
      %get3A_363 = arith.index_cast %add3A_362 : i32 to index
      %get3A_364 = tpu.vector_load %arg10[%get3A_363] {strides = array<i32>} : memref<528xi32, #tpu.memory_space<vmem>>, vector<16xi32>,
      %slice3A_365 = vector.extract_strided_slice %get3A_364 {offsets = [0], sizes = [1], strides = [1]} : vector<16xi32> to vector<1xi32>
      %squeeze3A_366 = vector.extract %slice3A_365[0] : i32 from vector<1xi32>
      %add3A_367 = arith.constant 0 : i32
      %add3A_368 = arith.addi %add3A_367, %scan3A_348 : i32
      %dma_start3A_369 = arith.constant 0 : i32
      %dma_start3A_370 = tpu.memref_slice %arg11[%add3A_368, %dma_start3A_369] : memref<256x64xf32, #tpu.memory_space<vmem>> -> memref<1x64xf32, #tpu.memory_space<vmem>>
      %dma_start3A_371 = arith.constant 0 : i32
      %dma_start3A_372 = tpu.memref_slice %arg5[%squeeze3A_354, %dma_start3A_371] : memref<1000000x64xf32, #tpu.memory_space<hbm>> -> memref<1x64xf32, #tpu.memory_space<hbm>>
      %dma_start3A_373 = arith.constant 0 : i32
      %dma_start3A_374 = tpu.memref_slice %arg11[%add3A_368, %dma_start3A_373] : memref<256x64xf32, #tpu.memory_space<vmem>> -> memref<1x64xf32, #tpu.memory_space<vmem>>
      %dma_start3A_375 = arith.constant 0 : i32
      %dma_start3A_376 = tpu.memref_slice %arg5[%squeeze3A_354, %dma_start3A_375] : memref<1000000x64xf32, #tpu.memory_space<hbm>> -> memref<1x64xf32, #tpu.memory_space<hbm>>
      tpu.enqueue_dma source(%dma_start3A_376 : memref<1x64xf32, #tpu.memory_space<hbm>>) target(%dma_start3A_374 : memref<1x64xf32, #tpu.memory_space<vmem>>) target_semaphore(%arg15 : memref<!tpu.dma_semaphore, #tpu.memory_space<semaphore_mem>>)
      %dma_start3A_377 = arith.constant 0 : i32
      %dma_start3A_378 = tpu.memref_slice %arg12[%add3A_368, %dma_start3A_377] : memref<256x64xf32, #tpu.memory_space<vmem>> -> memref<1x64xf32, #tpu.memory_space<vmem>>
      %dma_start3A_379 = arith.constant 0 : i32
      %dma_start3A_380 = tpu.memref_slice %arg6[%squeeze3A_360, %dma_start3A_379] : memref<1000x64xf32, #tpu.memory_space<hbm>> -> memref<1x64xf32, #tpu.memory_space<hbm>>
      %dma_start3A_381 = arith.constant 0 : i32
      %dma_start3A_382 = tpu.memref_slice %arg12[%add3A_368, %dma_start3A_381] : memref<256x64xf32, #tpu.memory_space<vmem>> -> memref<1x64xf32, #tpu.memory_space<vmem>>
      %dma_start3A_383 = arith.constant 0 : i32
      %dma_start3A_384 = tpu.memref_slice %arg6[%squeeze3A_360, %dma_start3A_383] : memref<1000x64xf32, #tpu.memory_space<hbm>> -> memref<1x64xf32, #tpu.memory_space<hbm>>
      tpu.enqueue_dma source(%dma_start3A_384 : memref<1x64xf32, #tpu.memory_space<hbm>>) target(%dma_start3A_382 : memref<1x64xf32, #tpu.memory_space<vmem>>) target_semaphore(%arg15 : memref<!tpu.dma_semaphore, #tpu.memory_space<semaphore_mem>>)
      %dma_start3A_385 = arith.constant 0 : i32
      %dma_start3A_386 = tpu.memref_slice %arg13[%add3A_368, %dma_start3A_385] : memref<256x64xf32, #tpu.memory_space<vmem>> -> memref<1x64xf32, #tpu.memory_space<vmem>>
      %dma_start3A_387 = arith.constant 0 : i32
      %dma_start3A_388 = tpu.memref_slice %arg5[%squeeze3A_366, %dma_start3A_387] : memref<1000000x64xf32, #tpu.memory_space<hbm>> -> memref<1x64xf32, #tpu.memory_space<hbm>>
      %dma_start3A_389 = arith.constant 0 : i32
      %dma_start3A_390 = tpu.memref_slice %arg13[%add3A_368, %dma_start3A_389] : memref<256x64xf32, #tpu.memory_space<vmem>> -> memref<1x64xf32, #tpu.memory_space<vmem>>
      %dma_start3A_391 = arith.constant 0 : i32
      %dma_start3A_392 = tpu.memref_slice %arg5[%squeeze3A_366, %dma_start3A_391] : memref<1000000x64xf32, #tpu.memory_space<hbm>> -> memref<1x64xf32, #tpu.memory_space<hbm>>
      tpu.enqueue_dma source(%dma_start3A_392 : memref<1x64xf32, #tpu.memory_space<hbm>>) target(%dma_start3A_390 : memref<1x64xf32, #tpu.memory_space<vmem>>) target_semaphore(%arg15 : memref<!tpu.dma_semaphore, #tpu.memory_space<semaphore_mem>>)
      %scan3A_393 = arith.constant 0 : i32
      scf.yield %scan3A_393 : i32
    }
    %scan3A_102 = arith.constant 128 : i32
    %scan3A_103 = arith.constant 0 : i32
    %scan3A_104 = arith.constant 0 : i32
    %scan3A_105 = arith.constant 128 : i32
    %scan3A_106 = arith.addi %scan3A_104, %scan3A_105 : i32
    %scan3A_107 = arith.constant 4 : i32
    %scan3A_108 = scf.for %scan3A_210 = %scan3A_104 to %scan3A_106 step %scan3A_107 iter_args(%scan3A_211 = %scan3A_103) -> (i32)  : i32 {
      %broadcast_in_dim3A = arith.constant 0.000000e+00 : f32
      %broadcast_in_dim3A_212 = vector.broadcast %broadcast_in_dim3A : f32 to vector<16xf32>
      %add3A_213 = arith.constant 128 : i32
      %add3A_214 = arith.addi %add3A_213, %scan3A_210 : i32
      %get3A = arith.index_cast %add3A_214 : i32 to index
      %get3A_215 = arith.constant 0 : index
      %get3A_216 = tpu.vector_load %arg11[%get3A, %get3A_215] {strides = array<i32>} : memref<256x64xf32, #tpu.memory_space<vmem>>, vector<16xf32>,
      %add3A_217 = arith.constant 128 : i32
      %add3A_218 = arith.addi %add3A_217, %scan3A_210 : i32
      %get3A_219 = arith.index_cast %add3A_218 : i32 to index
      %get3A_220 = arith.constant 0 : index
      %get3A_221 = tpu.vector_load %arg12[%get3A_219, %get3A_220] {strides = array<i32>} : memref<256x64xf32, #tpu.memory_space<vmem>>, vector<16xf32>,
      %add3A_222 = arith.addf %get3A_216, %get3A_221 : vector<16xf32>
      %add3A_223 = arith.constant 128 : i32
      %add3A_224 = arith.addi %add3A_223, %scan3A_210 : i32
      %get3A_225 = arith.index_cast %add3A_224 : i32 to index
      %get3A_226 = arith.constant 0 : index
      %get3A_227 = tpu.vector_load %arg13[%get3A_225, %get3A_226] {strides = array<i32>} : memref<256x64xf32, #tpu.memory_space<vmem>>, vector<16xf32>,
      %sub3A = arith.subf %add3A_222, %get3A_227 : vector<16xf32>
      %mul3A_228 = arith.mulf %sub3A, %sub3A : vector<16xf32>
      %add3A_229 = arith.addf %broadcast_in_dim3A_212, %mul3A_228 : vector<16xf32>
      %add3A_230 = arith.constant 128 : i32
      %add3A_231 = arith.addi %add3A_230, %scan3A_210 : i32
      %get3A_232 = arith.index_cast %add3A_231 : i32 to index
      %get3A_233 = arith.constant 16 : index
      %get3A_234 = tpu.vector_load %arg11[%get3A_232, %get3A_233] {strides = array<i32>} : memref<256x64xf32, #tpu.memory_space<vmem>>, vector<16xf32>,
      %add3A_235 = arith.constant 128 : i32
      %add3A_236 = arith.addi %add3A_235, %scan3A_210 : i32
      %get3A_237 = arith.index_cast %add3A_236 : i32 to index
      %get3A_238 = arith.constant 16 : index
      %get3A_239 = tpu.vector_load %arg12[%get3A_237, %get3A_238] {strides = array<i32>} : memref<256x64xf32, #tpu.memory_space<vmem>>, vector<16xf32>,
      %add3A_240 = arith.addf %get3A_234, %get3A_239 : vector<16xf32>
      %add3A_241 = arith.constant 128 : i32
      %add3A_242 = arith.addi %add3A_241, %scan3A_210 : i32
      %get3A_243 = arith.index_cast %add3A_242 : i32 to index
      %get3A_244 = arith.constant 16 : index
      %get3A_245 = tpu.vector_load %arg13[%get3A_243, %get3A_244] {strides = array<i32>} : memref<256x64xf32, #tpu.memory_space<vmem>>, vector<16xf32>,
      %sub3A_246 = arith.subf %add3A_240, %get3A_245 : vector<16xf32>
      %mul3A_247 = arith.mulf %sub3A_246, %sub3A_246 : vector<16xf32>
      %add3A_248 = arith.addf %add3A_229, %mul3A_247 : vector<16xf32>
      %add3A_249 = arith.constant 128 : i32
      %add3A_250 = arith.addi %add3A_249, %scan3A_210 : i32
      %get3A_251 = arith.index_cast %add3A_250 : i32 to index
      %get3A_252 = arith.constant 32 : index
      %get3A_253 = tpu.vector_load %arg11[%get3A_251, %get3A_252] {strides = array<i32>} : memref<256x64xf32, #tpu.memory_space<vmem>>, vector<16xf32>,
      %add3A_254 = arith.constant 128 : i32
      %add3A_255 = arith.addi %add3A_254, %scan3A_210 : i32
      %get3A_256 = arith.index_cast %add3A_255 : i32 to index
      %get3A_257 = arith.constant 32 : index
      %get3A_258 = tpu.vector_load %arg12[%get3A_256, %get3A_257] {strides = array<i32>} : memref<256x64xf32, #tpu.memory_space<vmem>>, vector<16xf32>,
      %add3A_259 = arith.addf %get3A_253, %get3A_258 : vector<16xf32>
      %add3A_260 = arith.constant 128 : i32
      %add3A_261 = arith.addi %add3A_260, %scan3A_210 : i32
      %get3A_262 = arith.index_cast %add3A_261 : i32 to index
      %get3A_263 = arith.constant 32 : index
      %get3A_264 = tpu.vector_load %arg13[%get3A_262, %get3A_263] {strides = array<i32>} : memref<256x64xf32, #tpu.memory_space<vmem>>, vector<16xf32>,
      %sub3A_265 = arith.subf %add3A_259, %get3A_264 : vector<16xf32>
      %mul3A_266 = arith.mulf %sub3A_265, %sub3A_265 : vector<16xf32>
      %add3A_267 = arith.addf %add3A_248, %mul3A_266 : vector<16xf32>
      %add3A_268 = arith.constant 128 : i32
      %add3A_269 = arith.addi %add3A_268, %scan3A_210 : i32
      %get3A_270 = arith.index_cast %add3A_269 : i32 to index
      %get3A_271 = arith.constant 48 : index
      %get3A_272 = tpu.vector_load %arg11[%get3A_270, %get3A_271] {strides = array<i32>} : memref<256x64xf32, #tpu.memory_space<vmem>>, vector<16xf32>,
      %add3A_273 = arith.constant 128 : i32
      %add3A_274 = arith.addi %add3A_273, %scan3A_210 : i32
      %get3A_275 = arith.index_cast %add3A_274 : i32 to index
      %get3A_276 = arith.constant 48 : index
      %get3A_277 = tpu.vector_load %arg12[%get3A_275, %get3A_276] {strides = array<i32>} : memref<256x64xf32, #tpu.memory_space<vmem>>, vector<16xf32>,
      %add3A_278 = arith.addf %get3A_272, %get3A_277 : vector<16xf32>
      %add3A_279 = arith.constant 128 : i32
      %add3A_280 = arith.addi %add3A_279, %scan3A_210 : i32
      %get3A_281 = arith.index_cast %add3A_280 : i32 to index
      %get3A_282 = arith.constant 48 : index
      %get3A_283 = tpu.vector_load %arg13[%get3A_281, %get3A_282] {strides = array<i32>} : memref<256x64xf32, #tpu.memory_space<vmem>>, vector<16xf32>,
      %sub3A_284 = arith.subf %add3A_278, %get3A_283 : vector<16xf32>
      %mul3A_285 = arith.mulf %sub3A_284, %sub3A_284 : vector<16xf32>
      %add3A_286 = arith.addf %add3A_267, %mul3A_285 : vector<16xf32>
      %broadcast_in_dim3A_287 = arith.constant true
      %broadcast_in_dim3A_288 = vector.broadcast %broadcast_in_dim3A_287 : i1 to vector<16xi1>
      %masked_cumsum3A = tpu.scan <sum>, %add3A_286 masked %broadcast_in_dim3A_288 : vector<16xf32>, vector<16xi1> -> vector<16xf32>
      %add3A_289 = arith.constant 128 : i32
      %add3A_290 = arith.addi %add3A_289, %scan3A_210 : i32
      %broadcast_in_dim3A_291 = vector.broadcast %add3A_290 : i32 to vector<16xi32>
      tpu.vector_store_idx %arg14[%broadcast_in_dim3A_291], %masked_cumsum3A masked %eq3A_4 : memref<512xf32, #tpu.memory_space<vmem>>[vector<16xi32>], vector<16xf32>, vector<16xi1>
      %scan3A_292 = arith.constant 0 : i32
      %scan3A_293 = arith.constant 1 : i32
      %scan3A_294 = arith.addi %scan3A_210, %scan3A_293 : i32
      %broadcast_in_dim3A_295 = arith.constant 0.000000e+00 : f32
      %broadcast_in_dim3A_296 = vector.broadcast %broadcast_in_dim3A_295 : f32 to vector<16xf32>
      %add3A_297 = arith.constant 128 : i32
      %add3A_298 = arith.addi %add3A_297, %scan3A_294 : i32
      %get3A_299 = arith.index_cast %add3A_298 : i32 to index
      %get3A_300 = arith.constant 0 : index
      %get3A_301 = tpu.vector_load %arg11[%get3A_299, %get3A_300] {strides = array<i32>} : memref<256x64xf32, #tpu.memory_space<vmem>>, vector<16xf32>,
      %add3A_302 = arith.constant 128 : i32
      %add3A_303 = arith.addi %add3A_302, %scan3A_294 : i32
      %get3A_304 = arith.index_cast %add3A_303 : i32 to index
      %get3A_305 = arith.constant 0 : index
      %get3A_306 = tpu.vector_load %arg12[%get3A_304, %get3A_305] {strides = array<i32>} : memref<256x64xf32, #tpu.memory_space<vmem>>, vector<16xf32>,
      %add3A_307 = arith.addf %get3A_301, %get3A_306 : vector<16xf32>
      %add3A_308 = arith.constant 128 : i32
      %add3A_309 = arith.addi %add3A_308, %scan3A_294 : i32
      %get3A_310 = arith.index_cast %add3A_309 : i32 to index
      %get3A_311 = arith.constant 0 : index
      %get3A_312 = tpu.vector_load %arg13[%get3A_310, %get3A_311] {strides = array<i32>} : memref<256x64xf32, #tpu.memory_space<vmem>>, vector<16xf32>,
      %sub3A_313 = arith.subf %add3A_307, %get3A_312 : vector<16xf32>
      %mul3A_314 = arith.mulf %sub3A_313, %sub3A_313 : vector<16xf32>
      %add3A_315 = arith.addf %broadcast_in_dim3A_296, %mul3A_314 : vector<16xf32>
      %add3A_316 = arith.constant 128 : i32
      %add3A_317 = arith.addi %add3A_316, %scan3A_294 : i32
      %get3A_318 = arith.index_cast %add3A_317 : i32 to index
      %get3A_319 = arith.constant 16 : index
      %get3A_320 = tpu.vector_load %arg11[%get3A_318, %get3A_319] {strides = array<i32>} : memref<256x64xf32, #tpu.memory_space<vmem>>, vector<16xf32>,
      %add3A_321 = arith.constant 128 : i32
      %add3A_322 = arith.addi %add3A_321, %scan3A_294 : i32
      %get3A_323 = arith.index_cast %add3A_322 : i32 to index
      %get3A_324 = arith.constant 16 : index
      %get3A_325 = tpu.vector_load %arg12[%get3A_323, %get3A_324] {strides = array<i32>} : memref<256x64xf32, #tpu.memory_space<vmem>>, vector<16xf32>,
      %add3A_326 = arith.addf %get3A_320, %get3A_325 : vector<16xf32>
      %add3A_327 = arith.constant 128 : i32
      %add3A_328 = arith.addi %add3A_327, %scan3A_294 : i32
      %get3A_329 = arith.index_cast %add3A_328 : i32 to index
      %get3A_330 = arith.constant 16 : index
      %get3A_331 = tpu.vector_load %arg13[%get3A_329, %get3A_330] {strides = array<i32>} : memref<256x64xf32, #tpu.memory_space<vmem>>, vector<16xf32>,
      %sub3A_332 = arith.subf %add3A_326, %get3A_331 : vector<16xf32>
      %mul3A_333 = arith.mulf %sub3A_332, %sub3A_332 : vector<16xf32>
      %add3A_334 = arith.addf %add3A_315, %mul3A_333 : vector<16xf32>
      %add3A_335 = arith.constant 128 : i32
      %add3A_336 = arith.addi %add3A_335, %scan3A_294 : i32
      %get3A_337 = arith.index_cast %add3A_336 : i32 to index
      %get3A_338 = arith.constant 32 : index
      %get3A_339 = tpu.vector_load %arg11[%get3A_337, %get3A_338] {strides = array<i32>} : memref<256x64xf32, #tpu.memory_space<vmem>>, vector<16xf32>,
      %add3A_340 = arith.constant 128 : i32
      %add3A_341 = arith.addi %add3A_340, %scan3A_294 : i32
      %get3A_342 = arith.index_cast %add3A_341 : i32 to index
      %get3A_343 = arith.constant 32 : index
      %get3A_344 = tpu.vector_load %arg12[%get3A_342, %get3A_343] {strides = array<i32>} : memref<256x64xf32, #tpu.memory_space<vmem>>, vector<16xf32>,
      %add3A_345 = arith.addf %get3A_339, %get3A_344 : vector<16xf32>
      %add3A_346 = arith.constant 128 : i32
      %add3A_347 = arith.addi %add3A_346, %scan3A_294 : i32
      %get3A_348 = arith.index_cast %add3A_347 : i32 to index
      %get3A_349 = arith.constant 32 : index
      %get3A_350 = tpu.vector_load %arg13[%get3A_348, %get3A_349] {strides = array<i32>} : memref<256x64xf32, #tpu.memory_space<vmem>>, vector<16xf32>,
      %sub3A_351 = arith.subf %add3A_345, %get3A_350 : vector<16xf32>
      %mul3A_352 = arith.mulf %sub3A_351, %sub3A_351 : vector<16xf32>
      %add3A_353 = arith.addf %add3A_334, %mul3A_352 : vector<16xf32>
      %add3A_354 = arith.constant 128 : i32
      %add3A_355 = arith.addi %add3A_354, %scan3A_294 : i32
      %get3A_356 = arith.index_cast %add3A_355 : i32 to index
      %get3A_357 = arith.constant 48 : index
      %get3A_358 = tpu.vector_load %arg11[%get3A_356, %get3A_357] {strides = array<i32>} : memref<256x64xf32, #tpu.memory_space<vmem>>, vector<16xf32>,
      %add3A_359 = arith.constant 128 : i32
      %add3A_360 = arith.addi %add3A_359, %scan3A_294 : i32
      %get3A_361 = arith.index_cast %add3A_360 : i32 to index
      %get3A_362 = arith.constant 48 : index
      %get3A_363 = tpu.vector_load %arg12[%get3A_361, %get3A_362] {strides = array<i32>} : memref<256x64xf32, #tpu.memory_space<vmem>>, vector<16xf32>,
      %add3A_364 = arith.addf %get3A_358, %get3A_363 : vector<16xf32>
      %add3A_365 = arith.constant 128 : i32
      %add3A_366 = arith.addi %add3A_365, %scan3A_294 : i32
      %get3A_367 = arith.index_cast %add3A_366 : i32 to index
      %get3A_368 = arith.constant 48 : index
      %get3A_369 = tpu.vector_load %arg13[%get3A_367, %get3A_368] {strides = array<i32>} : memref<256x64xf32, #tpu.memory_space<vmem>>, vector<16xf32>,
      %sub3A_370 = arith.subf %add3A_364, %get3A_369 : vector<16xf32>
      %mul3A_371 = arith.mulf %sub3A_370, %sub3A_370 : vector<16xf32>
      %add3A_372 = arith.addf %add3A_353, %mul3A_371 : vector<16xf32>
      %broadcast_in_dim3A_373 = arith.constant true
      %broadcast_in_dim3A_374 = vector.broadcast %broadcast_in_dim3A_373 : i1 to vector<16xi1>
      %masked_cumsum3A_375 = tpu.scan <sum>, %add3A_372 masked %broadcast_in_dim3A_374 : vector<16xf32>, vector<16xi1> -> vector<16xf32>
      %add3A_376 = arith.constant 128 : i32
      %add3A_377 = arith.addi %add3A_376, %scan3A_294 : i32
      %broadcast_in_dim3A_378 = vector.broadcast %add3A_377 : i32 to vector<16xi32>
      tpu.vector_store_idx %arg14[%broadcast_in_dim3A_378], %masked_cumsum3A_375 masked %eq3A_4 : memref<512xf32, #tpu.memory_space<vmem>>[vector<16xi32>], vector<16xf32>, vector<16xi1>
      %scan3A_379 = arith.constant 0 : i32
      %scan3A_380 = arith.constant 2 : i32
      %scan3A_381 = arith.addi %scan3A_210, %scan3A_380 : i32
      %broadcast_in_dim3A_382 = arith.constant 0.000000e+00 : f32
      %broadcast_in_dim3A_383 = vector.broadcast %broadcast_in_dim3A_382 : f32 to vector<16xf32>
      %add3A_384 = arith.constant 128 : i32
      %add3A_385 = arith.addi %add3A_384, %scan3A_381 : i32
      %get3A_386 = arith.index_cast %add3A_385 : i32 to index
      %get3A_387 = arith.constant 0 : index
      %get3A_388 = tpu.vector_load %arg11[%get3A_386, %get3A_387] {strides = array<i32>} : memref<256x64xf32, #tpu.memory_space<vmem>>, vector<16xf32>,
      %add3A_389 = arith.constant 128 : i32
      %add3A_390 = arith.addi %add3A_389, %scan3A_381 : i32
      %get3A_391 = arith.index_cast %add3A_390 : i32 to index
      %get3A_392 = arith.constant 0 : index
      %get3A_393 = tpu.vector_load %arg12[%get3A_391, %get3A_392] {strides = array<i32>} : memref<256x64xf32, #tpu.memory_space<vmem>>, vector<16xf32>,
      %add3A_394 = arith.addf %get3A_388, %get3A_393 : vector<16xf32>
      %add3A_395 = arith.constant 128 : i32
      %add3A_396 = arith.addi %add3A_395, %scan3A_381 : i32
      %get3A_397 = arith.index_cast %add3A_396 : i32 to index
      %get3A_398 = arith.constant 0 : index
      %get3A_399 = tpu.vector_load %arg13[%get3A_397, %get3A_398] {strides = array<i32>} : memref<256x64xf32, #tpu.memory_space<vmem>>, vector<16xf32>,
      %sub3A_400 = arith.subf %add3A_394, %get3A_399 : vector<16xf32>
      %mul3A_401 = arith.mulf %sub3A_400, %sub3A_400 : vector<16xf32>
      %add3A_402 = arith.addf %broadcast_in_dim3A_383, %mul3A_401 : vector<16xf32>
      %add3A_403 = arith.constant 128 : i32
      %add3A_404 = arith.addi %add3A_403, %scan3A_381 : i32
      %get3A_405 = arith.index_cast %add3A_404 : i32 to index
      %get3A_406 = arith.constant 16 : index
      %get3A_407 = tpu.vector_load %arg11[%get3A_405, %get3A_406] {strides = array<i32>} : memref<256x64xf32, #tpu.memory_space<vmem>>, vector<16xf32>,
      %add3A_408 = arith.constant 128 : i32
      %add3A_409 = arith.addi %add3A_408, %scan3A_381 : i32
      %get3A_410 = arith.index_cast %add3A_409 : i32 to index
      %get3A_411 = arith.constant 16 : index
      %get3A_412 = tpu.vector_load %arg12[%get3A_410, %get3A_411] {strides = array<i32>} : memref<256x64xf32, #tpu.memory_space<vmem>>, vector<16xf32>,
      %add3A_413 = arith.addf %get3A_407, %get3A_412 : vector<16xf32>
      %add3A_414 = arith.constant 128 : i32
      %add3A_415 = arith.addi %add3A_414, %scan3A_381 : i32
      %get3A_416 = arith.index_cast %add3A_415 : i32 to index
      %get3A_417 = arith.constant 16 : index
      %get3A_418 = tpu.vector_load %arg13[%get3A_416, %get3A_417] {strides = array<i32>} : memref<256x64xf32, #tpu.memory_space<vmem>>, vector<16xf32>,
      %sub3A_419 = arith.subf %add3A_413, %get3A_418 : vector<16xf32>
      %mul3A_420 = arith.mulf %sub3A_419, %sub3A_419 : vector<16xf32>
      %add3A_421 = arith.addf %add3A_402, %mul3A_420 : vector<16xf32>
      %add3A_422 = arith.constant 128 : i32
      %add3A_423 = arith.addi %add3A_422, %scan3A_381 : i32
      %get3A_424 = arith.index_cast %add3A_423 : i32 to index
      %get3A_425 = arith.constant 32 : index
      %get3A_426 = tpu.vector_load %arg11[%get3A_424, %get3A_425] {strides = array<i32>} : memref<256x64xf32, #tpu.memory_space<vmem>>, vector<16xf32>,
      %add3A_427 = arith.constant 128 : i32
      %add3A_428 = arith.addi %add3A_427, %scan3A_381 : i32
      %get3A_429 = arith.index_cast %add3A_428 : i32 to index
      %get3A_430 = arith.constant 32 : index
      %get3A_431 = tpu.vector_load %arg12[%get3A_429, %get3A_430] {strides = array<i32>} : memref<256x64xf32, #tpu.memory_space<vmem>>, vector<16xf32>,
      %add3A_432 = arith.addf %get3A_426, %get3A_431 : vector<16xf32>
      %add3A_433 = arith.constant 128 : i32
      %add3A_434 = arith.addi %add3A_433, %scan3A_381 : i32
      %get3A_435 = arith.index_cast %add3A_434 : i32 to index
      %get3A_436 = arith.constant 32 : index
      %get3A_437 = tpu.vector_load %arg13[%get3A_435, %get3A_436] {strides = array<i32>} : memref<256x64xf32, #tpu.memory_space<vmem>>, vector<16xf32>,
      %sub3A_438 = arith.subf %add3A_432, %get3A_437 : vector<16xf32>
      %mul3A_439 = arith.mulf %sub3A_438, %sub3A_438 : vector<16xf32>
      %add3A_440 = arith.addf %add3A_421, %mul3A_439 : vector<16xf32>
      %add3A_441 = arith.constant 128 : i32
      %add3A_442 = arith.addi %add3A_441, %scan3A_381 : i32
      %get3A_443 = arith.index_cast %add3A_442 : i32 to index
      %get3A_444 = arith.constant 48 : index
      %get3A_445 = tpu.vector_load %arg11[%get3A_443, %get3A_444] {strides = array<i32>} : memref<256x64xf32, #tpu.memory_space<vmem>>, vector<16xf32>,
      %add3A_446 = arith.constant 128 : i32
      %add3A_447 = arith.addi %add3A_446, %scan3A_381 : i32
      %get3A_448 = arith.index_cast %add3A_447 : i32 to index
      %get3A_449 = arith.constant 48 : index
      %get3A_450 = tpu.vector_load %arg12[%get3A_448, %get3A_449] {strides = array<i32>} : memref<256x64xf32, #tpu.memory_space<vmem>>, vector<16xf32>,
      %add3A_451 = arith.addf %get3A_445, %get3A_450 : vector<16xf32>
      %add3A_452 = arith.constant 128 : i32
      %add3A_453 = arith.addi %add3A_452, %scan3A_381 : i32
      %get3A_454 = arith.index_cast %add3A_453 : i32 to index
      %get3A_455 = arith.constant 48 : index
      %get3A_456 = tpu.vector_load %arg13[%get3A_454, %get3A_455] {strides = array<i32>} : memref<256x64xf32, #tpu.memory_space<vmem>>, vector<16xf32>,
      %sub3A_457 = arith.subf %add3A_451, %get3A_456 : vector<16xf32>
      %mul3A_458 = arith.mulf %sub3A_457, %sub3A_457 : vector<16xf32>
      %add3A_459 = arith.addf %add3A_440, %mul3A_458 : vector<16xf32>
      %broadcast_in_dim3A_460 = arith.constant true
      %broadcast_in_dim3A_461 = vector.broadcast %broadcast_in_dim3A_460 : i1 to vector<16xi1>
      %masked_cumsum3A_462 = tpu.scan <sum>, %add3A_459 masked %broadcast_in_dim3A_461 : vector<16xf32>, vector<16xi1> -> vector<16xf32>
      %add3A_463 = arith.constant 128 : i32
      %add3A_464 = arith.addi %add3A_463, %scan3A_381 : i32
      %broadcast_in_dim3A_465 = vector.broadcast %add3A_464 : i32 to vector<16xi32>
      tpu.vector_store_idx %arg14[%broadcast_in_dim3A_465], %masked_cumsum3A_462 masked %eq3A_4 : memref<512xf32, #tpu.memory_space<vmem>>[vector<16xi32>], vector<16xf32>, vector<16xi1>
      %scan3A_466 = arith.constant 0 : i32
      %scan3A_467 = arith.constant 3 : i32
      %scan3A_468 = arith.addi %scan3A_210, %scan3A_467 : i32
      %broadcast_in_dim3A_469 = arith.constant 0.000000e+00 : f32
      %broadcast_in_dim3A_470 = vector.broadcast %broadcast_in_dim3A_469 : f32 to vector<16xf32>
      %add3A_471 = arith.constant 128 : i32
      %add3A_472 = arith.addi %add3A_471, %scan3A_468 : i32
      %get3A_473 = arith.index_cast %add3A_472 : i32 to index
      %get3A_474 = arith.constant 0 : index
      %get3A_475 = tpu.vector_load %arg11[%get3A_473, %get3A_474] {strides = array<i32>} : memref<256x64xf32, #tpu.memory_space<vmem>>, vector<16xf32>,
      %add3A_476 = arith.constant 128 : i32
      %add3A_477 = arith.addi %add3A_476, %scan3A_468 : i32
      %get3A_478 = arith.index_cast %add3A_477 : i32 to index
      %get3A_479 = arith.constant 0 : index
      %get3A_480 = tpu.vector_load %arg12[%get3A_478, %get3A_479] {strides = array<i32>} : memref<256x64xf32, #tpu.memory_space<vmem>>, vector<16xf32>,
      %add3A_481 = arith.addf %get3A_475, %get3A_480 : vector<16xf32>
      %add3A_482 = arith.constant 128 : i32
      %add3A_483 = arith.addi %add3A_482, %scan3A_468 : i32
      %get3A_484 = arith.index_cast %add3A_483 : i32 to index
      %get3A_485 = arith.constant 0 : index
      %get3A_486 = tpu.vector_load %arg13[%get3A_484, %get3A_485] {strides = array<i32>} : memref<256x64xf32, #tpu.memory_space<vmem>>, vector<16xf32>,
      %sub3A_487 = arith.subf %add3A_481, %get3A_486 : vector<16xf32>
      %mul3A_488 = arith.mulf %sub3A_487, %sub3A_487 : vector<16xf32>
      %add3A_489 = arith.addf %broadcast_in_dim3A_470, %mul3A_488 : vector<16xf32>
      %add3A_490 = arith.constant 128 : i32
      %add3A_491 = arith.addi %add3A_490, %scan3A_468 : i32
      %get3A_492 = arith.index_cast %add3A_491 : i32 to index
      %get3A_493 = arith.constant 16 : index
      %get3A_494 = tpu.vector_load %arg11[%get3A_492, %get3A_493] {strides = array<i32>} : memref<256x64xf32, #tpu.memory_space<vmem>>, vector<16xf32>,
      %add3A_495 = arith.constant 128 : i32
      %add3A_496 = arith.addi %add3A_495, %scan3A_468 : i32
      %get3A_497 = arith.index_cast %add3A_496 : i32 to index
      %get3A_498 = arith.constant 16 : index
      %get3A_499 = tpu.vector_load %arg12[%get3A_497, %get3A_498] {strides = array<i32>} : memref<256x64xf32, #tpu.memory_space<vmem>>, vector<16xf32>,
      %add3A_500 = arith.addf %get3A_494, %get3A_499 : vector<16xf32>
      %add3A_501 = arith.constant 128 : i32
      %add3A_502 = arith.addi %add3A_501, %scan3A_468 : i32
      %get3A_503 = arith.index_cast %add3A_502 : i32 to index
      %get3A_504 = arith.constant 16 : index
      %get3A_505 = tpu.vector_load %arg13[%get3A_503, %get3A_504] {strides = array<i32>} : memref<256x64xf32, #tpu.memory_space<vmem>>, vector<16xf32>,
      %sub3A_506 = arith.subf %add3A_500, %get3A_505 : vector<16xf32>
      %mul3A_507 = arith.mulf %sub3A_506, %sub3A_506 : vector<16xf32>
      %add3A_508 = arith.addf %add3A_489, %mul3A_507 : vector<16xf32>
      %add3A_509 = arith.constant 128 : i32
      %add3A_510 = arith.addi %add3A_509, %scan3A_468 : i32
      %get3A_511 = arith.index_cast %add3A_510 : i32 to index
      %get3A_512 = arith.constant 32 : index
      %get3A_513 = tpu.vector_load %arg11[%get3A_511, %get3A_512] {strides = array<i32>} : memref<256x64xf32, #tpu.memory_space<vmem>>, vector<16xf32>,
      %add3A_514 = arith.constant 128 : i32
      %add3A_515 = arith.addi %add3A_514, %scan3A_468 : i32
      %get3A_516 = arith.index_cast %add3A_515 : i32 to index
      %get3A_517 = arith.constant 32 : index
      %get3A_518 = tpu.vector_load %arg12[%get3A_516, %get3A_517] {strides = array<i32>} : memref<256x64xf32, #tpu.memory_space<vmem>>, vector<16xf32>,
      %add3A_519 = arith.addf %get3A_513, %get3A_518 : vector<16xf32>
      %add3A_520 = arith.constant 128 : i32
      %add3A_521 = arith.addi %add3A_520, %scan3A_468 : i32
      %get3A_522 = arith.index_cast %add3A_521 : i32 to index
      %get3A_523 = arith.constant 32 : index
      %get3A_524 = tpu.vector_load %arg13[%get3A_522, %get3A_523] {strides = array<i32>} : memref<256x64xf32, #tpu.memory_space<vmem>>, vector<16xf32>,
      %sub3A_525 = arith.subf %add3A_519, %get3A_524 : vector<16xf32>
      %mul3A_526 = arith.mulf %sub3A_525, %sub3A_525 : vector<16xf32>
      %add3A_527 = arith.addf %add3A_508, %mul3A_526 : vector<16xf32>
      %add3A_528 = arith.constant 128 : i32
      %add3A_529 = arith.addi %add3A_528, %scan3A_468 : i32
      %get3A_530 = arith.index_cast %add3A_529 : i32 to index
      %get3A_531 = arith.constant 48 : index
      %get3A_532 = tpu.vector_load %arg11[%get3A_530, %get3A_531] {strides = array<i32>} : memref<256x64xf32, #tpu.memory_space<vmem>>, vector<16xf32>,
      %add3A_533 = arith.constant 128 : i32
      %add3A_534 = arith.addi %add3A_533, %scan3A_468 : i32
      %get3A_535 = arith.index_cast %add3A_534 : i32 to index
      %get3A_536 = arith.constant 48 : index
      %get3A_537 = tpu.vector_load %arg12[%get3A_535, %get3A_536] {strides = array<i32>} : memref<256x64xf32, #tpu.memory_space<vmem>>, vector<16xf32>,
      %add3A_538 = arith.addf %get3A_532, %get3A_537 : vector<16xf32>
      %add3A_539 = arith.constant 128 : i32
      %add3A_540 = arith.addi %add3A_539, %scan3A_468 : i32
      %get3A_541 = arith.index_cast %add3A_540 : i32 to index
      %get3A_542 = arith.constant 48 : index
      %get3A_543 = tpu.vector_load %arg13[%get3A_541, %get3A_542] {strides = array<i32>} : memref<256x64xf32, #tpu.memory_space<vmem>>, vector<16xf32>,
      %sub3A_544 = arith.subf %add3A_538, %get3A_543 : vector<16xf32>
      %mul3A_545 = arith.mulf %sub3A_544, %sub3A_544 : vector<16xf32>
      %add3A_546 = arith.addf %add3A_527, %mul3A_545 : vector<16xf32>
      %broadcast_in_dim3A_547 = arith.constant true
      %broadcast_in_dim3A_548 = vector.broadcast %broadcast_in_dim3A_547 : i1 to vector<16xi1>
      %masked_cumsum3A_549 = tpu.scan <sum>, %add3A_546 masked %broadcast_in_dim3A_548 : vector<16xf32>, vector<16xi1> -> vector<16xf32>
      %add3A_550 = arith.constant 128 : i32
      %add3A_551 = arith.addi %add3A_550, %scan3A_468 : i32
      %broadcast_in_dim3A_552 = vector.broadcast %add3A_551 : i32 to vector<16xi32>
      tpu.vector_store_idx %arg14[%broadcast_in_dim3A_552], %masked_cumsum3A_549 masked %eq3A_4 : memref<512xf32, #tpu.memory_space<vmem>>[vector<16xi32>], vector<16xf32>, vector<16xi1>
      %scan3A_553 = arith.constant 0 : i32
      scf.yield %scan3A_553 : i32
    }
    %scan3A_109 = arith.constant 128 : i32
    %dma_wait3A_110 = arith.constant 0 : i32
    %dma_wait3A_111 = arith.constant 0 : i32
    %dma_wait3A_112 = tpu.memref_slice %arg11[%dma_wait3A_110, %dma_wait3A_111] : memref<256x64xf32, #tpu.memory_space<vmem>> -> memref<128x64xf32, #tpu.memory_space<vmem>>
    %dma_wait3A_113 = arith.constant 0 : i32
    %dma_wait3A_114 = arith.constant 0 : i32
    %dma_wait3A_115 = tpu.memref_slice %arg5[%dma_wait3A_113, %dma_wait3A_114] : memref<1000000x64xf32, #tpu.memory_space<hbm>> -> memref<128x64xf32, #tpu.memory_space<hbm>>
    %dma_wait3A_116 = arith.constant 0 : i32
    %dma_wait3A_117 = arith.constant 0 : i32
    %dma_wait3A_118 = tpu.memref_slice %arg11[%dma_wait3A_116, %dma_wait3A_117] : memref<256x64xf32, #tpu.memory_space<vmem>> -> memref<128x64xf32, #tpu.memory_space<vmem>>
    %dma_wait3A_119 = arith.constant 0 : i32
    %dma_wait3A_120 = arith.constant 0 : i32
    %dma_wait3A_121 = tpu.memref_slice %arg5[%dma_wait3A_119, %dma_wait3A_120] : memref<1000000x64xf32, #tpu.memory_space<hbm>> -> memref<128x64xf32, #tpu.memory_space<hbm>>
    tpu.wait_dma2 semaphore(%arg15 : memref<!tpu.dma_semaphore, #tpu.memory_space<semaphore_mem>>) src(%dma_wait3A_121 : memref<128x64xf32, #tpu.memory_space<hbm>>) dst(%dma_wait3A_118 : memref<128x64xf32, #tpu.memory_space<vmem>>)
    %dma_wait3A_122 = arith.constant 0 : i32
    %dma_wait3A_123 = arith.constant 0 : i32
    %dma_wait3A_124 = tpu.memref_slice %arg12[%dma_wait3A_122, %dma_wait3A_123] : memref<256x64xf32, #tpu.memory_space<vmem>> -> memref<128x64xf32, #tpu.memory_space<vmem>>
    %dma_wait3A_125 = arith.constant 0 : i32
    %dma_wait3A_126 = arith.constant 0 : i32
    %dma_wait3A_127 = tpu.memref_slice %arg5[%dma_wait3A_125, %dma_wait3A_126] : memref<1000000x64xf32, #tpu.memory_space<hbm>> -> memref<128x64xf32, #tpu.memory_space<hbm>>
    %dma_wait3A_128 = arith.constant 0 : i32
    %dma_wait3A_129 = arith.constant 0 : i32
    %dma_wait3A_130 = tpu.memref_slice %arg12[%dma_wait3A_128, %dma_wait3A_129] : memref<256x64xf32, #tpu.memory_space<vmem>> -> memref<128x64xf32, #tpu.memory_space<vmem>>
    %dma_wait3A_131 = arith.constant 0 : i32
    %dma_wait3A_132 = arith.constant 0 : i32
    %dma_wait3A_133 = tpu.memref_slice %arg5[%dma_wait3A_131, %dma_wait3A_132] : memref<1000000x64xf32, #tpu.memory_space<hbm>> -> memref<128x64xf32, #tpu.memory_space<hbm>>
    tpu.wait_dma2 semaphore(%arg15 : memref<!tpu.dma_semaphore, #tpu.memory_space<semaphore_mem>>) src(%dma_wait3A_133 : memref<128x64xf32, #tpu.memory_space<hbm>>) dst(%dma_wait3A_130 : memref<128x64xf32, #tpu.memory_space<vmem>>)
    %dma_wait3A_134 = arith.constant 0 : i32
    %dma_wait3A_135 = arith.constant 0 : i32
    %dma_wait3A_136 = tpu.memref_slice %arg13[%dma_wait3A_134, %dma_wait3A_135] : memref<256x64xf32, #tpu.memory_space<vmem>> -> memref<128x64xf32, #tpu.memory_space<vmem>>
    %dma_wait3A_137 = arith.constant 0 : i32
    %dma_wait3A_138 = arith.constant 0 : i32
    %dma_wait3A_139 = tpu.memref_slice %arg5[%dma_wait3A_137, %dma_wait3A_138] : memref<1000000x64xf32, #tpu.memory_space<hbm>> -> memref<128x64xf32, #tpu.memory_space<hbm>>
    %dma_wait3A_140 = arith.constant 0 : i32
    %dma_wait3A_141 = arith.constant 0 : i32
    %dma_wait3A_142 = tpu.memref_slice %arg13[%dma_wait3A_140, %dma_wait3A_141] : memref<256x64xf32, #tpu.memory_space<vmem>> -> memref<128x64xf32, #tpu.memory_space<vmem>>
    %dma_wait3A_143 = arith.constant 0 : i32
    %dma_wait3A_144 = arith.constant 0 : i32
    %dma_wait3A_145 = tpu.memref_slice %arg5[%dma_wait3A_143, %dma_wait3A_144] : memref<1000000x64xf32, #tpu.memory_space<hbm>> -> memref<128x64xf32, #tpu.memory_space<hbm>>
    tpu.wait_dma2 semaphore(%arg15 : memref<!tpu.dma_semaphore, #tpu.memory_space<semaphore_mem>>) src(%dma_wait3A_145 : memref<128x64xf32, #tpu.memory_space<hbm>>) dst(%dma_wait3A_142 : memref<128x64xf32, #tpu.memory_space<vmem>>)
    %scan3A_146 = arith.constant 0 : i32
    %scan3A_147 = arith.constant 0 : i32
    %scan3A_148 = arith.constant 128 : i32
    %scan3A_149 = arith.addi %scan3A_147, %scan3A_148 : i32
    %scan3A_150 = arith.constant 4 : i32
    %scan3A_151 = scf.for %scan3A_210 = %scan3A_147 to %scan3A_149 step %scan3A_150 iter_args(%scan3A_211 = %scan3A_146) -> (i32)  : i32 {
      %add3A_212 = arith.constant 384 : i32
      %add3A_213 = arith.addi %add3A_212, %scan3A_210 : i32
      %get3A = arith.index_cast %add3A_213 : i32 to index
      %get3A_214 = tpu.vector_load %arg8[%get3A] {strides = array<i32>} : memref<528xi32, #tpu.memory_space<vmem>>, vector<16xi32>,
      %slice3A = vector.extract_strided_slice %get3A_214 {offsets = [0], sizes = [1], strides = [1]} : vector<16xi32> to vector<1xi32>
      %squeeze3A = vector.extract %slice3A[0] : i32 from vector<1xi32>
      %add3A_215 = arith.constant 384 : i32
      %add3A_216 = arith.addi %add3A_215, %scan3A_210 : i32
      %get3A_217 = arith.index_cast %add3A_216 : i32 to index
      %get3A_218 = tpu.vector_load %arg9[%get3A_217] {strides = array<i32>} : memref<528xi32, #tpu.memory_space<vmem>>, vector<16xi32>,
      %slice3A_219 = vector.extract_strided_slice %get3A_218 {offsets = [0], sizes = [1], strides = [1]} : vector<16xi32> to vector<1xi32>
      %squeeze3A_220 = vector.extract %slice3A_219[0] : i32 from vector<1xi32>
      %add3A_221 = arith.constant 384 : i32
      %add3A_222 = arith.addi %add3A_221, %scan3A_210 : i32
      %get3A_223 = arith.index_cast %add3A_222 : i32 to index
      %get3A_224 = tpu.vector_load %arg10[%get3A_223] {strides = array<i32>} : memref<528xi32, #tpu.memory_space<vmem>>, vector<16xi32>,
      %slice3A_225 = vector.extract_strided_slice %get3A_224 {offsets = [0], sizes = [1], strides = [1]} : vector<16xi32> to vector<1xi32>
      %squeeze3A_226 = vector.extract %slice3A_225[0] : i32 from vector<1xi32>
      %add3A_227 = arith.constant 128 : i32
      %add3A_228 = arith.addi %add3A_227, %scan3A_210 : i32
      %dma_start3A = arith.constant 0 : i32
      %dma_start3A_229 = tpu.memref_slice %arg11[%add3A_228, %dma_start3A] : memref<256x64xf32, #tpu.memory_space<vmem>> -> memref<1x64xf32, #tpu.memory_space<vmem>>
      %dma_start3A_230 = arith.constant 0 : i32
      %dma_start3A_231 = tpu.memref_slice %arg5[%squeeze3A, %dma_start3A_230] : memref<1000000x64xf32, #tpu.memory_space<hbm>> -> memref<1x64xf32, #tpu.memory_space<hbm>>
      %dma_start3A_232 = arith.constant 0 : i32
      %dma_start3A_233 = tpu.memref_slice %arg11[%add3A_228, %dma_start3A_232] : memref<256x64xf32, #tpu.memory_space<vmem>> -> memref<1x64xf32, #tpu.memory_space<vmem>>
      %dma_start3A_234 = arith.constant 0 : i32
      %dma_start3A_235 = tpu.memref_slice %arg5[%squeeze3A, %dma_start3A_234] : memref<1000000x64xf32, #tpu.memory_space<hbm>> -> memref<1x64xf32, #tpu.memory_space<hbm>>
      tpu.enqueue_dma source(%dma_start3A_235 : memref<1x64xf32, #tpu.memory_space<hbm>>) target(%dma_start3A_233 : memref<1x64xf32, #tpu.memory_space<vmem>>) target_semaphore(%arg16 : memref<!tpu.dma_semaphore, #tpu.memory_space<semaphore_mem>>)
      %dma_start3A_236 = arith.constant 0 : i32
      %dma_start3A_237 = tpu.memref_slice %arg12[%add3A_228, %dma_start3A_236] : memref<256x64xf32, #tpu.memory_space<vmem>> -> memref<1x64xf32, #tpu.memory_space<vmem>>
      %dma_start3A_238 = arith.constant 0 : i32
      %dma_start3A_239 = tpu.memref_slice %arg6[%squeeze3A_220, %dma_start3A_238] : memref<1000x64xf32, #tpu.memory_space<hbm>> -> memref<1x64xf32, #tpu.memory_space<hbm>>
      %dma_start3A_240 = arith.constant 0 : i32
      %dma_start3A_241 = tpu.memref_slice %arg12[%add3A_228, %dma_start3A_240] : memref<256x64xf32, #tpu.memory_space<vmem>> -> memref<1x64xf32, #tpu.memory_space<vmem>>
      %dma_start3A_242 = arith.constant 0 : i32
      %dma_start3A_243 = tpu.memref_slice %arg6[%squeeze3A_220, %dma_start3A_242] : memref<1000x64xf32, #tpu.memory_space<hbm>> -> memref<1x64xf32, #tpu.memory_space<hbm>>
      tpu.enqueue_dma source(%dma_start3A_243 : memref<1x64xf32, #tpu.memory_space<hbm>>) target(%dma_start3A_241 : memref<1x64xf32, #tpu.memory_space<vmem>>) target_semaphore(%arg16 : memref<!tpu.dma_semaphore, #tpu.memory_space<semaphore_mem>>)
      %dma_start3A_244 = arith.constant 0 : i32
      %dma_start3A_245 = tpu.memref_slice %arg13[%add3A_228, %dma_start3A_244] : memref<256x64xf32, #tpu.memory_space<vmem>> -> memref<1x64xf32, #tpu.memory_space<vmem>>
      %dma_start3A_246 = arith.constant 0 : i32
      %dma_start3A_247 = tpu.memref_slice %arg5[%squeeze3A_226, %dma_start3A_246] : memref<1000000x64xf32, #tpu.memory_space<hbm>> -> memref<1x64xf32, #tpu.memory_space<hbm>>
      %dma_start3A_248 = arith.constant 0 : i32
      %dma_start3A_249 = tpu.memref_slice %arg13[%add3A_228, %dma_start3A_248] : memref<256x64xf32, #tpu.memory_space<vmem>> -> memref<1x64xf32, #tpu.memory_space<vmem>>
      %dma_start3A_250 = arith.constant 0 : i32
      %dma_start3A_251 = tpu.memref_slice %arg5[%squeeze3A_226, %dma_start3A_250] : memref<1000000x64xf32, #tpu.memory_space<hbm>> -> memref<1x64xf32, #tpu.memory_space<hbm>>
      tpu.enqueue_dma source(%dma_start3A_251 : memref<1x64xf32, #tpu.memory_space<hbm>>) target(%dma_start3A_249 : memref<1x64xf32, #tpu.memory_space<vmem>>) target_semaphore(%arg16 : memref<!tpu.dma_semaphore, #tpu.memory_space<semaphore_mem>>)
      %scan3A_252 = arith.constant 0 : i32
      %scan3A_253 = arith.constant 1 : i32
      %scan3A_254 = arith.addi %scan3A_210, %scan3A_253 : i32
      %add3A_255 = arith.constant 384 : i32
      %add3A_256 = arith.addi %add3A_255, %scan3A_254 : i32
      %get3A_257 = arith.index_cast %add3A_256 : i32 to index
      %get3A_258 = tpu.vector_load %arg8[%get3A_257] {strides = array<i32>} : memref<528xi32, #tpu.memory_space<vmem>>, vector<16xi32>,
      %slice3A_259 = vector.extract_strided_slice %get3A_258 {offsets = [0], sizes = [1], strides = [1]} : vector<16xi32> to vector<1xi32>
      %squeeze3A_260 = vector.extract %slice3A_259[0] : i32 from vector<1xi32>
      %add3A_261 = arith.constant 384 : i32
      %add3A_262 = arith.addi %add3A_261, %scan3A_254 : i32
      %get3A_263 = arith.index_cast %add3A_262 : i32 to index
      %get3A_264 = tpu.vector_load %arg9[%get3A_263] {strides = array<i32>} : memref<528xi32, #tpu.memory_space<vmem>>, vector<16xi32>,
      %slice3A_265 = vector.extract_strided_slice %get3A_264 {offsets = [0], sizes = [1], strides = [1]} : vector<16xi32> to vector<1xi32>
      %squeeze3A_266 = vector.extract %slice3A_265[0] : i32 from vector<1xi32>
      %add3A_267 = arith.constant 384 : i32
      %add3A_268 = arith.addi %add3A_267, %scan3A_254 : i32
      %get3A_269 = arith.index_cast %add3A_268 : i32 to index
      %get3A_270 = tpu.vector_load %arg10[%get3A_269] {strides = array<i32>} : memref<528xi32, #tpu.memory_space<vmem>>, vector<16xi32>,
      %slice3A_271 = vector.extract_strided_slice %get3A_270 {offsets = [0], sizes = [1], strides = [1]} : vector<16xi32> to vector<1xi32>
      %squeeze3A_272 = vector.extract %slice3A_271[0] : i32 from vector<1xi32>
      %add3A_273 = arith.constant 128 : i32
      %add3A_274 = arith.addi %add3A_273, %scan3A_254 : i32
      %dma_start3A_275 = arith.constant 0 : i32
      %dma_start3A_276 = tpu.memref_slice %arg11[%add3A_274, %dma_start3A_275] : memref<256x64xf32, #tpu.memory_space<vmem>> -> memref<1x64xf32, #tpu.memory_space<vmem>>
      %dma_start3A_277 = arith.constant 0 : i32
      %dma_start3A_278 = tpu.memref_slice %arg5[%squeeze3A_260, %dma_start3A_277] : memref<1000000x64xf32, #tpu.memory_space<hbm>> -> memref<1x64xf32, #tpu.memory_space<hbm>>
      %dma_start3A_279 = arith.constant 0 : i32
      %dma_start3A_280 = tpu.memref_slice %arg11[%add3A_274, %dma_start3A_279] : memref<256x64xf32, #tpu.memory_space<vmem>> -> memref<1x64xf32, #tpu.memory_space<vmem>>
      %dma_start3A_281 = arith.constant 0 : i32
      %dma_start3A_282 = tpu.memref_slice %arg5[%squeeze3A_260, %dma_start3A_281] : memref<1000000x64xf32, #tpu.memory_space<hbm>> -> memref<1x64xf32, #tpu.memory_space<hbm>>
      tpu.enqueue_dma source(%dma_start3A_282 : memref<1x64xf32, #tpu.memory_space<hbm>>) target(%dma_start3A_280 : memref<1x64xf32, #tpu.memory_space<vmem>>) target_semaphore(%arg16 : memref<!tpu.dma_semaphore, #tpu.memory_space<semaphore_mem>>)
      %dma_start3A_283 = arith.constant 0 : i32
      %dma_start3A_284 = tpu.memref_slice %arg12[%add3A_274, %dma_start3A_283] : memref<256x64xf32, #tpu.memory_space<vmem>> -> memref<1x64xf32, #tpu.memory_space<vmem>>
      %dma_start3A_285 = arith.constant 0 : i32
      %dma_start3A_286 = tpu.memref_slice %arg6[%squeeze3A_266, %dma_start3A_285] : memref<1000x64xf32, #tpu.memory_space<hbm>> -> memref<1x64xf32, #tpu.memory_space<hbm>>
      %dma_start3A_287 = arith.constant 0 : i32
      %dma_start3A_288 = tpu.memref_slice %arg12[%add3A_274, %dma_start3A_287] : memref<256x64xf32, #tpu.memory_space<vmem>> -> memref<1x64xf32, #tpu.memory_space<vmem>>
      %dma_start3A_289 = arith.constant 0 : i32
      %dma_start3A_290 = tpu.memref_slice %arg6[%squeeze3A_266, %dma_start3A_289] : memref<1000x64xf32, #tpu.memory_space<hbm>> -> memref<1x64xf32, #tpu.memory_space<hbm>>
      tpu.enqueue_dma source(%dma_start3A_290 : memref<1x64xf32, #tpu.memory_space<hbm>>) target(%dma_start3A_288 : memref<1x64xf32, #tpu.memory_space<vmem>>) target_semaphore(%arg16 : memref<!tpu.dma_semaphore, #tpu.memory_space<semaphore_mem>>)
      %dma_start3A_291 = arith.constant 0 : i32
      %dma_start3A_292 = tpu.memref_slice %arg13[%add3A_274, %dma_start3A_291] : memref<256x64xf32, #tpu.memory_space<vmem>> -> memref<1x64xf32, #tpu.memory_space<vmem>>
      %dma_start3A_293 = arith.constant 0 : i32
      %dma_start3A_294 = tpu.memref_slice %arg5[%squeeze3A_272, %dma_start3A_293] : memref<1000000x64xf32, #tpu.memory_space<hbm>> -> memref<1x64xf32, #tpu.memory_space<hbm>>
      %dma_start3A_295 = arith.constant 0 : i32
      %dma_start3A_296 = tpu.memref_slice %arg13[%add3A_274, %dma_start3A_295] : memref<256x64xf32, #tpu.memory_space<vmem>> -> memref<1x64xf32, #tpu.memory_space<vmem>>
      %dma_start3A_297 = arith.constant 0 : i32
      %dma_start3A_298 = tpu.memref_slice %arg5[%squeeze3A_272, %dma_start3A_297] : memref<1000000x64xf32, #tpu.memory_space<hbm>> -> memref<1x64xf32, #tpu.memory_space<hbm>>
      tpu.enqueue_dma source(%dma_start3A_298 : memref<1x64xf32, #tpu.memory_space<hbm>>) target(%dma_start3A_296 : memref<1x64xf32, #tpu.memory_space<vmem>>) target_semaphore(%arg16 : memref<!tpu.dma_semaphore, #tpu.memory_space<semaphore_mem>>)
      %scan3A_299 = arith.constant 0 : i32
      %scan3A_300 = arith.constant 2 : i32
      %scan3A_301 = arith.addi %scan3A_210, %scan3A_300 : i32
      %add3A_302 = arith.constant 384 : i32
      %add3A_303 = arith.addi %add3A_302, %scan3A_301 : i32
      %get3A_304 = arith.index_cast %add3A_303 : i32 to index
      %get3A_305 = tpu.vector_load %arg8[%get3A_304] {strides = array<i32>} : memref<528xi32, #tpu.memory_space<vmem>>, vector<16xi32>,
      %slice3A_306 = vector.extract_strided_slice %get3A_305 {offsets = [0], sizes = [1], strides = [1]} : vector<16xi32> to vector<1xi32>
      %squeeze3A_307 = vector.extract %slice3A_306[0] : i32 from vector<1xi32>
      %add3A_308 = arith.constant 384 : i32
      %add3A_309 = arith.addi %add3A_308, %scan3A_301 : i32
      %get3A_310 = arith.index_cast %add3A_309 : i32 to index
      %get3A_311 = tpu.vector_load %arg9[%get3A_310] {strides = array<i32>} : memref<528xi32, #tpu.memory_space<vmem>>, vector<16xi32>,
      %slice3A_312 = vector.extract_strided_slice %get3A_311 {offsets = [0], sizes = [1], strides = [1]} : vector<16xi32> to vector<1xi32>
      %squeeze3A_313 = vector.extract %slice3A_312[0] : i32 from vector<1xi32>
      %add3A_314 = arith.constant 384 : i32
      %add3A_315 = arith.addi %add3A_314, %scan3A_301 : i32
      %get3A_316 = arith.index_cast %add3A_315 : i32 to index
      %get3A_317 = tpu.vector_load %arg10[%get3A_316] {strides = array<i32>} : memref<528xi32, #tpu.memory_space<vmem>>, vector<16xi32>,
      %slice3A_318 = vector.extract_strided_slice %get3A_317 {offsets = [0], sizes = [1], strides = [1]} : vector<16xi32> to vector<1xi32>
      %squeeze3A_319 = vector.extract %slice3A_318[0] : i32 from vector<1xi32>
      %add3A_320 = arith.constant 128 : i32
      %add3A_321 = arith.addi %add3A_320, %scan3A_301 : i32
      %dma_start3A_322 = arith.constant 0 : i32
      %dma_start3A_323 = tpu.memref_slice %arg11[%add3A_321, %dma_start3A_322] : memref<256x64xf32, #tpu.memory_space<vmem>> -> memref<1x64xf32, #tpu.memory_space<vmem>>
      %dma_start3A_324 = arith.constant 0 : i32
      %dma_start3A_325 = tpu.memref_slice %arg5[%squeeze3A_307, %dma_start3A_324] : memref<1000000x64xf32, #tpu.memory_space<hbm>> -> memref<1x64xf32, #tpu.memory_space<hbm>>
      %dma_start3A_326 = arith.constant 0 : i32
      %dma_start3A_327 = tpu.memref_slice %arg11[%add3A_321, %dma_start3A_326] : memref<256x64xf32, #tpu.memory_space<vmem>> -> memref<1x64xf32, #tpu.memory_space<vmem>>
      %dma_start3A_328 = arith.constant 0 : i32
      %dma_start3A_329 = tpu.memref_slice %arg5[%squeeze3A_307, %dma_start3A_328] : memref<1000000x64xf32, #tpu.memory_space<hbm>> -> memref<1x64xf32, #tpu.memory_space<hbm>>
      tpu.enqueue_dma source(%dma_start3A_329 : memref<1x64xf32, #tpu.memory_space<hbm>>) target(%dma_start3A_327 : memref<1x64xf32, #tpu.memory_space<vmem>>) target_semaphore(%arg16 : memref<!tpu.dma_semaphore, #tpu.memory_space<semaphore_mem>>)
      %dma_start3A_330 = arith.constant 0 : i32
      %dma_start3A_331 = tpu.memref_slice %arg12[%add3A_321, %dma_start3A_330] : memref<256x64xf32, #tpu.memory_space<vmem>> -> memref<1x64xf32, #tpu.memory_space<vmem>>
      %dma_start3A_332 = arith.constant 0 : i32
      %dma_start3A_333 = tpu.memref_slice %arg6[%squeeze3A_313, %dma_start3A_332] : memref<1000x64xf32, #tpu.memory_space<hbm>> -> memref<1x64xf32, #tpu.memory_space<hbm>>
      %dma_start3A_334 = arith.constant 0 : i32
      %dma_start3A_335 = tpu.memref_slice %arg12[%add3A_321, %dma_start3A_334] : memref<256x64xf32, #tpu.memory_space<vmem>> -> memref<1x64xf32, #tpu.memory_space<vmem>>
      %dma_start3A_336 = arith.constant 0 : i32
      %dma_start3A_337 = tpu.memref_slice %arg6[%squeeze3A_313, %dma_start3A_336] : memref<1000x64xf32, #tpu.memory_space<hbm>> -> memref<1x64xf32, #tpu.memory_space<hbm>>
      tpu.enqueue_dma source(%dma_start3A_337 : memref<1x64xf32, #tpu.memory_space<hbm>>) target(%dma_start3A_335 : memref<1x64xf32, #tpu.memory_space<vmem>>) target_semaphore(%arg16 : memref<!tpu.dma_semaphore, #tpu.memory_space<semaphore_mem>>)
      %dma_start3A_338 = arith.constant 0 : i32
      %dma_start3A_339 = tpu.memref_slice %arg13[%add3A_321, %dma_start3A_338] : memref<256x64xf32, #tpu.memory_space<vmem>> -> memref<1x64xf32, #tpu.memory_space<vmem>>
      %dma_start3A_340 = arith.constant 0 : i32
      %dma_start3A_341 = tpu.memref_slice %arg5[%squeeze3A_319, %dma_start3A_340] : memref<1000000x64xf32, #tpu.memory_space<hbm>> -> memref<1x64xf32, #tpu.memory_space<hbm>>
      %dma_start3A_342 = arith.constant 0 : i32
      %dma_start3A_343 = tpu.memref_slice %arg13[%add3A_321, %dma_start3A_342] : memref<256x64xf32, #tpu.memory_space<vmem>> -> memref<1x64xf32, #tpu.memory_space<vmem>>
      %dma_start3A_344 = arith.constant 0 : i32
      %dma_start3A_345 = tpu.memref_slice %arg5[%squeeze3A_319, %dma_start3A_344] : memref<1000000x64xf32, #tpu.memory_space<hbm>> -> memref<1x64xf32, #tpu.memory_space<hbm>>
      tpu.enqueue_dma source(%dma_start3A_345 : memref<1x64xf32, #tpu.memory_space<hbm>>) target(%dma_start3A_343 : memref<1x64xf32, #tpu.memory_space<vmem>>) target_semaphore(%arg16 : memref<!tpu.dma_semaphore, #tpu.memory_space<semaphore_mem>>)
      %scan3A_346 = arith.constant 0 : i32
      %scan3A_347 = arith.constant 3 : i32
      %scan3A_348 = arith.addi %scan3A_210, %scan3A_347 : i32
      %add3A_349 = arith.constant 384 : i32
      %add3A_350 = arith.addi %add3A_349, %scan3A_348 : i32
      %get3A_351 = arith.index_cast %add3A_350 : i32 to index
      %get3A_352 = tpu.vector_load %arg8[%get3A_351] {strides = array<i32>} : memref<528xi32, #tpu.memory_space<vmem>>, vector<16xi32>,
      %slice3A_353 = vector.extract_strided_slice %get3A_352 {offsets = [0], sizes = [1], strides = [1]} : vector<16xi32> to vector<1xi32>
      %squeeze3A_354 = vector.extract %slice3A_353[0] : i32 from vector<1xi32>
      %add3A_355 = arith.constant 384 : i32
      %add3A_356 = arith.addi %add3A_355, %scan3A_348 : i32
      %get3A_357 = arith.index_cast %add3A_356 : i32 to index
      %get3A_358 = tpu.vector_load %arg9[%get3A_357] {strides = array<i32>} : memref<528xi32, #tpu.memory_space<vmem>>, vector<16xi32>,
      %slice3A_359 = vector.extract_strided_slice %get3A_358 {offsets = [0], sizes = [1], strides = [1]} : vector<16xi32> to vector<1xi32>
      %squeeze3A_360 = vector.extract %slice3A_359[0] : i32 from vector<1xi32>
      %add3A_361 = arith.constant 384 : i32
      %add3A_362 = arith.addi %add3A_361, %scan3A_348 : i32
      %get3A_363 = arith.index_cast %add3A_362 : i32 to index
      %get3A_364 = tpu.vector_load %arg10[%get3A_363] {strides = array<i32>} : memref<528xi32, #tpu.memory_space<vmem>>, vector<16xi32>,
      %slice3A_365 = vector.extract_strided_slice %get3A_364 {offsets = [0], sizes = [1], strides = [1]} : vector<16xi32> to vector<1xi32>
      %squeeze3A_366 = vector.extract %slice3A_365[0] : i32 from vector<1xi32>
      %add3A_367 = arith.constant 128 : i32
      %add3A_368 = arith.addi %add3A_367, %scan3A_348 : i32
      %dma_start3A_369 = arith.constant 0 : i32
      %dma_start3A_370 = tpu.memref_slice %arg11[%add3A_368, %dma_start3A_369] : memref<256x64xf32, #tpu.memory_space<vmem>> -> memref<1x64xf32, #tpu.memory_space<vmem>>
      %dma_start3A_371 = arith.constant 0 : i32
      %dma_start3A_372 = tpu.memref_slice %arg5[%squeeze3A_354, %dma_start3A_371] : memref<1000000x64xf32, #tpu.memory_space<hbm>> -> memref<1x64xf32, #tpu.memory_space<hbm>>
      %dma_start3A_373 = arith.constant 0 : i32
      %dma_start3A_374 = tpu.memref_slice %arg11[%add3A_368, %dma_start3A_373] : memref<256x64xf32, #tpu.memory_space<vmem>> -> memref<1x64xf32, #tpu.memory_space<vmem>>
      %dma_start3A_375 = arith.constant 0 : i32
      %dma_start3A_376 = tpu.memref_slice %arg5[%squeeze3A_354, %dma_start3A_375] : memref<1000000x64xf32, #tpu.memory_space<hbm>> -> memref<1x64xf32, #tpu.memory_space<hbm>>
      tpu.enqueue_dma source(%dma_start3A_376 : memref<1x64xf32, #tpu.memory_space<hbm>>) target(%dma_start3A_374 : memref<1x64xf32, #tpu.memory_space<vmem>>) target_semaphore(%arg16 : memref<!tpu.dma_semaphore, #tpu.memory_space<semaphore_mem>>)
      %dma_start3A_377 = arith.constant 0 : i32
      %dma_start3A_378 = tpu.memref_slice %arg12[%add3A_368, %dma_start3A_377] : memref<256x64xf32, #tpu.memory_space<vmem>> -> memref<1x64xf32, #tpu.memory_space<vmem>>
      %dma_start3A_379 = arith.constant 0 : i32
      %dma_start3A_380 = tpu.memref_slice %arg6[%squeeze3A_360, %dma_start3A_379] : memref<1000x64xf32, #tpu.memory_space<hbm>> -> memref<1x64xf32, #tpu.memory_space<hbm>>
      %dma_start3A_381 = arith.constant 0 : i32
      %dma_start3A_382 = tpu.memref_slice %arg12[%add3A_368, %dma_start3A_381] : memref<256x64xf32, #tpu.memory_space<vmem>> -> memref<1x64xf32, #tpu.memory_space<vmem>>
      %dma_start3A_383 = arith.constant 0 : i32
      %dma_start3A_384 = tpu.memref_slice %arg6[%squeeze3A_360, %dma_start3A_383] : memref<1000x64xf32, #tpu.memory_space<hbm>> -> memref<1x64xf32, #tpu.memory_space<hbm>>
      tpu.enqueue_dma source(%dma_start3A_384 : memref<1x64xf32, #tpu.memory_space<hbm>>) target(%dma_start3A_382 : memref<1x64xf32, #tpu.memory_space<vmem>>) target_semaphore(%arg16 : memref<!tpu.dma_semaphore, #tpu.memory_space<semaphore_mem>>)
      %dma_start3A_385 = arith.constant 0 : i32
      %dma_start3A_386 = tpu.memref_slice %arg13[%add3A_368, %dma_start3A_385] : memref<256x64xf32, #tpu.memory_space<vmem>> -> memref<1x64xf32, #tpu.memory_space<vmem>>
      %dma_start3A_387 = arith.constant 0 : i32
      %dma_start3A_388 = tpu.memref_slice %arg5[%squeeze3A_366, %dma_start3A_387] : memref<1000000x64xf32, #tpu.memory_space<hbm>> -> memref<1x64xf32, #tpu.memory_space<hbm>>
      %dma_start3A_389 = arith.constant 0 : i32
      %dma_start3A_390 = tpu.memref_slice %arg13[%add3A_368, %dma_start3A_389] : memref<256x64xf32, #tpu.memory_space<vmem>> -> memref<1x64xf32, #tpu.memory_space<vmem>>
      %dma_start3A_391 = arith.constant 0 : i32
      %dma_start3A_392 = tpu.memref_slice %arg5[%squeeze3A_366, %dma_start3A_391] : memref<1000000x64xf32, #tpu.memory_space<hbm>> -> memref<1x64xf32, #tpu.memory_space<hbm>>
      tpu.enqueue_dma source(%dma_start3A_392 : memref<1x64xf32, #tpu.memory_space<hbm>>) target(%dma_start3A_390 : memref<1x64xf32, #tpu.memory_space<vmem>>) target_semaphore(%arg16 : memref<!tpu.dma_semaphore, #tpu.memory_space<semaphore_mem>>)
      %scan3A_393 = arith.constant 0 : i32
      scf.yield %scan3A_393 : i32
    }
    %scan3A_152 = arith.constant 128 : i32
    %scan3A_153 = arith.constant 0 : i32
    %scan3A_154 = arith.constant 0 : i32
    %scan3A_155 = arith.constant 128 : i32
    %scan3A_156 = arith.addi %scan3A_154, %scan3A_155 : i32
    %scan3A_157 = arith.constant 4 : i32
    %scan3A_158 = scf.for %scan3A_210 = %scan3A_154 to %scan3A_156 step %scan3A_157 iter_args(%scan3A_211 = %scan3A_153) -> (i32)  : i32 {
      %broadcast_in_dim3A = arith.constant 0.000000e+00 : f32
      %broadcast_in_dim3A_212 = vector.broadcast %broadcast_in_dim3A : f32 to vector<16xf32>
      %add3A_213 = arith.constant 0 : i32
      %add3A_214 = arith.addi %add3A_213, %scan3A_210 : i32
      %get3A = arith.index_cast %add3A_214 : i32 to index
      %get3A_215 = arith.constant 0 : index
      %get3A_216 = tpu.vector_load %arg11[%get3A, %get3A_215] {strides = array<i32>} : memref<256x64xf32, #tpu.memory_space<vmem>>, vector<16xf32>,
      %add3A_217 = arith.constant 0 : i32
      %add3A_218 = arith.addi %add3A_217, %scan3A_210 : i32
      %get3A_219 = arith.index_cast %add3A_218 : i32 to index
      %get3A_220 = arith.constant 0 : index
      %get3A_221 = tpu.vector_load %arg12[%get3A_219, %get3A_220] {strides = array<i32>} : memref<256x64xf32, #tpu.memory_space<vmem>>, vector<16xf32>,
      %add3A_222 = arith.addf %get3A_216, %get3A_221 : vector<16xf32>
      %add3A_223 = arith.constant 0 : i32
      %add3A_224 = arith.addi %add3A_223, %scan3A_210 : i32
      %get3A_225 = arith.index_cast %add3A_224 : i32 to index
      %get3A_226 = arith.constant 0 : index
      %get3A_227 = tpu.vector_load %arg13[%get3A_225, %get3A_226] {strides = array<i32>} : memref<256x64xf32, #tpu.memory_space<vmem>>, vector<16xf32>,
      %sub3A = arith.subf %add3A_222, %get3A_227 : vector<16xf32>
      %mul3A_228 = arith.mulf %sub3A, %sub3A : vector<16xf32>
      %add3A_229 = arith.addf %broadcast_in_dim3A_212, %mul3A_228 : vector<16xf32>
      %add3A_230 = arith.constant 0 : i32
      %add3A_231 = arith.addi %add3A_230, %scan3A_210 : i32
      %get3A_232 = arith.index_cast %add3A_231 : i32 to index
      %get3A_233 = arith.constant 16 : index
      %get3A_234 = tpu.vector_load %arg11[%get3A_232, %get3A_233] {strides = array<i32>} : memref<256x64xf32, #tpu.memory_space<vmem>>, vector<16xf32>,
      %add3A_235 = arith.constant 0 : i32
      %add3A_236 = arith.addi %add3A_235, %scan3A_210 : i32
      %get3A_237 = arith.index_cast %add3A_236 : i32 to index
      %get3A_238 = arith.constant 16 : index
      %get3A_239 = tpu.vector_load %arg12[%get3A_237, %get3A_238] {strides = array<i32>} : memref<256x64xf32, #tpu.memory_space<vmem>>, vector<16xf32>,
      %add3A_240 = arith.addf %get3A_234, %get3A_239 : vector<16xf32>
      %add3A_241 = arith.constant 0 : i32
      %add3A_242 = arith.addi %add3A_241, %scan3A_210 : i32
      %get3A_243 = arith.index_cast %add3A_242 : i32 to index
      %get3A_244 = arith.constant 16 : index
      %get3A_245 = tpu.vector_load %arg13[%get3A_243, %get3A_244] {strides = array<i32>} : memref<256x64xf32, #tpu.memory_space<vmem>>, vector<16xf32>,
      %sub3A_246 = arith.subf %add3A_240, %get3A_245 : vector<16xf32>
      %mul3A_247 = arith.mulf %sub3A_246, %sub3A_246 : vector<16xf32>
      %add3A_248 = arith.addf %add3A_229, %mul3A_247 : vector<16xf32>
      %add3A_249 = arith.constant 0 : i32
      %add3A_250 = arith.addi %add3A_249, %scan3A_210 : i32
      %get3A_251 = arith.index_cast %add3A_250 : i32 to index
      %get3A_252 = arith.constant 32 : index
      %get3A_253 = tpu.vector_load %arg11[%get3A_251, %get3A_252] {strides = array<i32>} : memref<256x64xf32, #tpu.memory_space<vmem>>, vector<16xf32>,
      %add3A_254 = arith.constant 0 : i32
      %add3A_255 = arith.addi %add3A_254, %scan3A_210 : i32
      %get3A_256 = arith.index_cast %add3A_255 : i32 to index
      %get3A_257 = arith.constant 32 : index
      %get3A_258 = tpu.vector_load %arg12[%get3A_256, %get3A_257] {strides = array<i32>} : memref<256x64xf32, #tpu.memory_space<vmem>>, vector<16xf32>,
      %add3A_259 = arith.addf %get3A_253, %get3A_258 : vector<16xf32>
      %add3A_260 = arith.constant 0 : i32
      %add3A_261 = arith.addi %add3A_260, %scan3A_210 : i32
      %get3A_262 = arith.index_cast %add3A_261 : i32 to index
      %get3A_263 = arith.constant 32 : index
      %get3A_264 = tpu.vector_load %arg13[%get3A_262, %get3A_263] {strides = array<i32>} : memref<256x64xf32, #tpu.memory_space<vmem>>, vector<16xf32>,
      %sub3A_265 = arith.subf %add3A_259, %get3A_264 : vector<16xf32>
      %mul3A_266 = arith.mulf %sub3A_265, %sub3A_265 : vector<16xf32>
      %add3A_267 = arith.addf %add3A_248, %mul3A_266 : vector<16xf32>
      %add3A_268 = arith.constant 0 : i32
      %add3A_269 = arith.addi %add3A_268, %scan3A_210 : i32
      %get3A_270 = arith.index_cast %add3A_269 : i32 to index
      %get3A_271 = arith.constant 48 : index
      %get3A_272 = tpu.vector_load %arg11[%get3A_270, %get3A_271] {strides = array<i32>} : memref<256x64xf32, #tpu.memory_space<vmem>>, vector<16xf32>,
      %add3A_273 = arith.constant 0 : i32
      %add3A_274 = arith.addi %add3A_273, %scan3A_210 : i32
      %get3A_275 = arith.index_cast %add3A_274 : i32 to index
      %get3A_276 = arith.constant 48 : index
      %get3A_277 = tpu.vector_load %arg12[%get3A_275, %get3A_276] {strides = array<i32>} : memref<256x64xf32, #tpu.memory_space<vmem>>, vector<16xf32>,
      %add3A_278 = arith.addf %get3A_272, %get3A_277 : vector<16xf32>
      %add3A_279 = arith.constant 0 : i32
      %add3A_280 = arith.addi %add3A_279, %scan3A_210 : i32
      %get3A_281 = arith.index_cast %add3A_280 : i32 to index
      %get3A_282 = arith.constant 48 : index
      %get3A_283 = tpu.vector_load %arg13[%get3A_281, %get3A_282] {strides = array<i32>} : memref<256x64xf32, #tpu.memory_space<vmem>>, vector<16xf32>,
      %sub3A_284 = arith.subf %add3A_278, %get3A_283 : vector<16xf32>
      %mul3A_285 = arith.mulf %sub3A_284, %sub3A_284 : vector<16xf32>
      %add3A_286 = arith.addf %add3A_267, %mul3A_285 : vector<16xf32>
      %broadcast_in_dim3A_287 = arith.constant true
      %broadcast_in_dim3A_288 = vector.broadcast %broadcast_in_dim3A_287 : i1 to vector<16xi1>
      %masked_cumsum3A = tpu.scan <sum>, %add3A_286 masked %broadcast_in_dim3A_288 : vector<16xf32>, vector<16xi1> -> vector<16xf32>
      %add3A_289 = arith.constant 256 : i32
      %add3A_290 = arith.addi %add3A_289, %scan3A_210 : i32
      %broadcast_in_dim3A_291 = vector.broadcast %add3A_290 : i32 to vector<16xi32>
      tpu.vector_store_idx %arg14[%broadcast_in_dim3A_291], %masked_cumsum3A masked %eq3A_4 : memref<512xf32, #tpu.memory_space<vmem>>[vector<16xi32>], vector<16xf32>, vector<16xi1>
      %scan3A_292 = arith.constant 0 : i32
      %scan3A_293 = arith.constant 1 : i32
      %scan3A_294 = arith.addi %scan3A_210, %scan3A_293 : i32
      %broadcast_in_dim3A_295 = arith.constant 0.000000e+00 : f32
      %broadcast_in_dim3A_296 = vector.broadcast %broadcast_in_dim3A_295 : f32 to vector<16xf32>
      %add3A_297 = arith.constant 0 : i32
      %add3A_298 = arith.addi %add3A_297, %scan3A_294 : i32
      %get3A_299 = arith.index_cast %add3A_298 : i32 to index
      %get3A_300 = arith.constant 0 : index
      %get3A_301 = tpu.vector_load %arg11[%get3A_299, %get3A_300] {strides = array<i32>} : memref<256x64xf32, #tpu.memory_space<vmem>>, vector<16xf32>,
      %add3A_302 = arith.constant 0 : i32
      %add3A_303 = arith.addi %add3A_302, %scan3A_294 : i32
      %get3A_304 = arith.index_cast %add3A_303 : i32 to index
      %get3A_305 = arith.constant 0 : index
      %get3A_306 = tpu.vector_load %arg12[%get3A_304, %get3A_305] {strides = array<i32>} : memref<256x64xf32, #tpu.memory_space<vmem>>, vector<16xf32>,
      %add3A_307 = arith.addf %get3A_301, %get3A_306 : vector<16xf32>
      %add3A_308 = arith.constant 0 : i32
      %add3A_309 = arith.addi %add3A_308, %scan3A_294 : i32
      %get3A_310 = arith.index_cast %add3A_309 : i32 to index
      %get3A_311 = arith.constant 0 : index
      %get3A_312 = tpu.vector_load %arg13[%get3A_310, %get3A_311] {strides = array<i32>} : memref<256x64xf32, #tpu.memory_space<vmem>>, vector<16xf32>,
      %sub3A_313 = arith.subf %add3A_307, %get3A_312 : vector<16xf32>
      %mul3A_314 = arith.mulf %sub3A_313, %sub3A_313 : vector<16xf32>
      %add3A_315 = arith.addf %broadcast_in_dim3A_296, %mul3A_314 : vector<16xf32>
      %add3A_316 = arith.constant 0 : i32
      %add3A_317 = arith.addi %add3A_316, %scan3A_294 : i32
      %get3A_318 = arith.index_cast %add3A_317 : i32 to index
      %get3A_319 = arith.constant 16 : index
      %get3A_320 = tpu.vector_load %arg11[%get3A_318, %get3A_319] {strides = array<i32>} : memref<256x64xf32, #tpu.memory_space<vmem>>, vector<16xf32>,
      %add3A_321 = arith.constant 0 : i32
      %add3A_322 = arith.addi %add3A_321, %scan3A_294 : i32
      %get3A_323 = arith.index_cast %add3A_322 : i32 to index
      %get3A_324 = arith.constant 16 : index
      %get3A_325 = tpu.vector_load %arg12[%get3A_323, %get3A_324] {strides = array<i32>} : memref<256x64xf32, #tpu.memory_space<vmem>>, vector<16xf32>,
      %add3A_326 = arith.addf %get3A_320, %get3A_325 : vector<16xf32>
      %add3A_327 = arith.constant 0 : i32
      %add3A_328 = arith.addi %add3A_327, %scan3A_294 : i32
      %get3A_329 = arith.index_cast %add3A_328 : i32 to index
      %get3A_330 = arith.constant 16 : index
      %get3A_331 = tpu.vector_load %arg13[%get3A_329, %get3A_330] {strides = array<i32>} : memref<256x64xf32, #tpu.memory_space<vmem>>, vector<16xf32>,
      %sub3A_332 = arith.subf %add3A_326, %get3A_331 : vector<16xf32>
      %mul3A_333 = arith.mulf %sub3A_332, %sub3A_332 : vector<16xf32>
      %add3A_334 = arith.addf %add3A_315, %mul3A_333 : vector<16xf32>
      %add3A_335 = arith.constant 0 : i32
      %add3A_336 = arith.addi %add3A_335, %scan3A_294 : i32
      %get3A_337 = arith.index_cast %add3A_336 : i32 to index
      %get3A_338 = arith.constant 32 : index
      %get3A_339 = tpu.vector_load %arg11[%get3A_337, %get3A_338] {strides = array<i32>} : memref<256x64xf32, #tpu.memory_space<vmem>>, vector<16xf32>,
      %add3A_340 = arith.constant 0 : i32
      %add3A_341 = arith.addi %add3A_340, %scan3A_294 : i32
      %get3A_342 = arith.index_cast %add3A_341 : i32 to index
      %get3A_343 = arith.constant 32 : index
      %get3A_344 = tpu.vector_load %arg12[%get3A_342, %get3A_343] {strides = array<i32>} : memref<256x64xf32, #tpu.memory_space<vmem>>, vector<16xf32>,
      %add3A_345 = arith.addf %get3A_339, %get3A_344 : vector<16xf32>
      %add3A_346 = arith.constant 0 : i32
      %add3A_347 = arith.addi %add3A_346, %scan3A_294 : i32
      %get3A_348 = arith.index_cast %add3A_347 : i32 to index
      %get3A_349 = arith.constant 32 : index
      %get3A_350 = tpu.vector_load %arg13[%get3A_348, %get3A_349] {strides = array<i32>} : memref<256x64xf32, #tpu.memory_space<vmem>>, vector<16xf32>,
      %sub3A_351 = arith.subf %add3A_345, %get3A_350 : vector<16xf32>
      %mul3A_352 = arith.mulf %sub3A_351, %sub3A_351 : vector<16xf32>
      %add3A_353 = arith.addf %add3A_334, %mul3A_352 : vector<16xf32>
      %add3A_354 = arith.constant 0 : i32
      %add3A_355 = arith.addi %add3A_354, %scan3A_294 : i32
      %get3A_356 = arith.index_cast %add3A_355 : i32 to index
      %get3A_357 = arith.constant 48 : index
      %get3A_358 = tpu.vector_load %arg11[%get3A_356, %get3A_357] {strides = array<i32>} : memref<256x64xf32, #tpu.memory_space<vmem>>, vector<16xf32>,
      %add3A_359 = arith.constant 0 : i32
      %add3A_360 = arith.addi %add3A_359, %scan3A_294 : i32
      %get3A_361 = arith.index_cast %add3A_360 : i32 to index
      %get3A_362 = arith.constant 48 : index
      %get3A_363 = tpu.vector_load %arg12[%get3A_361, %get3A_362] {strides = array<i32>} : memref<256x64xf32, #tpu.memory_space<vmem>>, vector<16xf32>,
      %add3A_364 = arith.addf %get3A_358, %get3A_363 : vector<16xf32>
      %add3A_365 = arith.constant 0 : i32
      %add3A_366 = arith.addi %add3A_365, %scan3A_294 : i32
      %get3A_367 = arith.index_cast %add3A_366 : i32 to index
      %get3A_368 = arith.constant 48 : index
      %get3A_369 = tpu.vector_load %arg13[%get3A_367, %get3A_368] {strides = array<i32>} : memref<256x64xf32, #tpu.memory_space<vmem>>, vector<16xf32>,
      %sub3A_370 = arith.subf %add3A_364, %get3A_369 : vector<16xf32>
      %mul3A_371 = arith.mulf %sub3A_370, %sub3A_370 : vector<16xf32>
      %add3A_372 = arith.addf %add3A_353, %mul3A_371 : vector<16xf32>
      %broadcast_in_dim3A_373 = arith.constant true
      %broadcast_in_dim3A_374 = vector.broadcast %broadcast_in_dim3A_373 : i1 to vector<16xi1>
      %masked_cumsum3A_375 = tpu.scan <sum>, %add3A_372 masked %broadcast_in_dim3A_374 : vector<16xf32>, vector<16xi1> -> vector<16xf32>
      %add3A_376 = arith.constant 256 : i32
      %add3A_377 = arith.addi %add3A_376, %scan3A_294 : i32
      %broadcast_in_dim3A_378 = vector.broadcast %add3A_377 : i32 to vector<16xi32>
      tpu.vector_store_idx %arg14[%broadcast_in_dim3A_378], %masked_cumsum3A_375 masked %eq3A_4 : memref<512xf32, #tpu.memory_space<vmem>>[vector<16xi32>], vector<16xf32>, vector<16xi1>
      %scan3A_379 = arith.constant 0 : i32
      %scan3A_380 = arith.constant 2 : i32
      %scan3A_381 = arith.addi %scan3A_210, %scan3A_380 : i32
      %broadcast_in_dim3A_382 = arith.constant 0.000000e+00 : f32
      %broadcast_in_dim3A_383 = vector.broadcast %broadcast_in_dim3A_382 : f32 to vector<16xf32>
      %add3A_384 = arith.constant 0 : i32
      %add3A_385 = arith.addi %add3A_384, %scan3A_381 : i32
      %get3A_386 = arith.index_cast %add3A_385 : i32 to index
      %get3A_387 = arith.constant 0 : index
      %get3A_388 = tpu.vector_load %arg11[%get3A_386, %get3A_387] {strides = array<i32>} : memref<256x64xf32, #tpu.memory_space<vmem>>, vector<16xf32>,
      %add3A_389 = arith.constant 0 : i32
      %add3A_390 = arith.addi %add3A_389, %scan3A_381 : i32
      %get3A_391 = arith.index_cast %add3A_390 : i32 to index
      %get3A_392 = arith.constant 0 : index
      %get3A_393 = tpu.vector_load %arg12[%get3A_391, %get3A_392] {strides = array<i32>} : memref<256x64xf32, #tpu.memory_space<vmem>>, vector<16xf32>,
      %add3A_394 = arith.addf %get3A_388, %get3A_393 : vector<16xf32>
      %add3A_395 = arith.constant 0 : i32
      %add3A_396 = arith.addi %add3A_395, %scan3A_381 : i32
      %get3A_397 = arith.index_cast %add3A_396 : i32 to index
      %get3A_398 = arith.constant 0 : index
      %get3A_399 = tpu.vector_load %arg13[%get3A_397, %get3A_398] {strides = array<i32>} : memref<256x64xf32, #tpu.memory_space<vmem>>, vector<16xf32>,
      %sub3A_400 = arith.subf %add3A_394, %get3A_399 : vector<16xf32>
      %mul3A_401 = arith.mulf %sub3A_400, %sub3A_400 : vector<16xf32>
      %add3A_402 = arith.addf %broadcast_in_dim3A_383, %mul3A_401 : vector<16xf32>
      %add3A_403 = arith.constant 0 : i32
      %add3A_404 = arith.addi %add3A_403, %scan3A_381 : i32
      %get3A_405 = arith.index_cast %add3A_404 : i32 to index
      %get3A_406 = arith.constant 16 : index
      %get3A_407 = tpu.vector_load %arg11[%get3A_405, %get3A_406] {strides = array<i32>} : memref<256x64xf32, #tpu.memory_space<vmem>>, vector<16xf32>,
      %add3A_408 = arith.constant 0 : i32
      %add3A_409 = arith.addi %add3A_408, %scan3A_381 : i32
      %get3A_410 = arith.index_cast %add3A_409 : i32 to index
      %get3A_411 = arith.constant 16 : index
      %get3A_412 = tpu.vector_load %arg12[%get3A_410, %get3A_411] {strides = array<i32>} : memref<256x64xf32, #tpu.memory_space<vmem>>, vector<16xf32>,
      %add3A_413 = arith.addf %get3A_407, %get3A_412 : vector<16xf32>
      %add3A_414 = arith.constant 0 : i32
      %add3A_415 = arith.addi %add3A_414, %scan3A_381 : i32
      %get3A_416 = arith.index_cast %add3A_415 : i32 to index
      %get3A_417 = arith.constant 16 : index
      %get3A_418 = tpu.vector_load %arg13[%get3A_416, %get3A_417] {strides = array<i32>} : memref<256x64xf32, #tpu.memory_space<vmem>>, vector<16xf32>,
      %sub3A_419 = arith.subf %add3A_413, %get3A_418 : vector<16xf32>
      %mul3A_420 = arith.mulf %sub3A_419, %sub3A_419 : vector<16xf32>
      %add3A_421 = arith.addf %add3A_402, %mul3A_420 : vector<16xf32>
      %add3A_422 = arith.constant 0 : i32
      %add3A_423 = arith.addi %add3A_422, %scan3A_381 : i32
      %get3A_424 = arith.index_cast %add3A_423 : i32 to index
      %get3A_425 = arith.constant 32 : index
      %get3A_426 = tpu.vector_load %arg11[%get3A_424, %get3A_425] {strides = array<i32>} : memref<256x64xf32, #tpu.memory_space<vmem>>, vector<16xf32>,
      %add3A_427 = arith.constant 0 : i32
      %add3A_428 = arith.addi %add3A_427, %scan3A_381 : i32
      %get3A_429 = arith.index_cast %add3A_428 : i32 to index
      %get3A_430 = arith.constant 32 : index
      %get3A_431 = tpu.vector_load %arg12[%get3A_429, %get3A_430] {strides = array<i32>} : memref<256x64xf32, #tpu.memory_space<vmem>>, vector<16xf32>,
      %add3A_432 = arith.addf %get3A_426, %get3A_431 : vector<16xf32>
      %add3A_433 = arith.constant 0 : i32
      %add3A_434 = arith.addi %add3A_433, %scan3A_381 : i32
      %get3A_435 = arith.index_cast %add3A_434 : i32 to index
      %get3A_436 = arith.constant 32 : index
      %get3A_437 = tpu.vector_load %arg13[%get3A_435, %get3A_436] {strides = array<i32>} : memref<256x64xf32, #tpu.memory_space<vmem>>, vector<16xf32>,
      %sub3A_438 = arith.subf %add3A_432, %get3A_437 : vector<16xf32>
      %mul3A_439 = arith.mulf %sub3A_438, %sub3A_438 : vector<16xf32>
      %add3A_440 = arith.addf %add3A_421, %mul3A_439 : vector<16xf32>
      %add3A_441 = arith.constant 0 : i32
      %add3A_442 = arith.addi %add3A_441, %scan3A_381 : i32
      %get3A_443 = arith.index_cast %add3A_442 : i32 to index
      %get3A_444 = arith.constant 48 : index
      %get3A_445 = tpu.vector_load %arg11[%get3A_443, %get3A_444] {strides = array<i32>} : memref<256x64xf32, #tpu.memory_space<vmem>>, vector<16xf32>,
      %add3A_446 = arith.constant 0 : i32
      %add3A_447 = arith.addi %add3A_446, %scan3A_381 : i32
      %get3A_448 = arith.index_cast %add3A_447 : i32 to index
      %get3A_449 = arith.constant 48 : index
      %get3A_450 = tpu.vector_load %arg12[%get3A_448, %get3A_449] {strides = array<i32>} : memref<256x64xf32, #tpu.memory_space<vmem>>, vector<16xf32>,
      %add3A_451 = arith.addf %get3A_445, %get3A_450 : vector<16xf32>
      %add3A_452 = arith.constant 0 : i32
      %add3A_453 = arith.addi %add3A_452, %scan3A_381 : i32
      %get3A_454 = arith.index_cast %add3A_453 : i32 to index
      %get3A_455 = arith.constant 48 : index
      %get3A_456 = tpu.vector_load %arg13[%get3A_454, %get3A_455] {strides = array<i32>} : memref<256x64xf32, #tpu.memory_space<vmem>>, vector<16xf32>,
      %sub3A_457 = arith.subf %add3A_451, %get3A_456 : vector<16xf32>
      %mul3A_458 = arith.mulf %sub3A_457, %sub3A_457 : vector<16xf32>
      %add3A_459 = arith.addf %add3A_440, %mul3A_458 : vector<16xf32>
      %broadcast_in_dim3A_460 = arith.constant true
      %broadcast_in_dim3A_461 = vector.broadcast %broadcast_in_dim3A_460 : i1 to vector<16xi1>
      %masked_cumsum3A_462 = tpu.scan <sum>, %add3A_459 masked %broadcast_in_dim3A_461 : vector<16xf32>, vector<16xi1> -> vector<16xf32>
      %add3A_463 = arith.constant 256 : i32
      %add3A_464 = arith.addi %add3A_463, %scan3A_381 : i32
      %broadcast_in_dim3A_465 = vector.broadcast %add3A_464 : i32 to vector<16xi32>
      tpu.vector_store_idx %arg14[%broadcast_in_dim3A_465], %masked_cumsum3A_462 masked %eq3A_4 : memref<512xf32, #tpu.memory_space<vmem>>[vector<16xi32>], vector<16xf32>, vector<16xi1>
      %scan3A_466 = arith.constant 0 : i32
      %scan3A_467 = arith.constant 3 : i32
      %scan3A_468 = arith.addi %scan3A_210, %scan3A_467 : i32
      %broadcast_in_dim3A_469 = arith.constant 0.000000e+00 : f32
      %broadcast_in_dim3A_470 = vector.broadcast %broadcast_in_dim3A_469 : f32 to vector<16xf32>
      %add3A_471 = arith.constant 0 : i32
      %add3A_472 = arith.addi %add3A_471, %scan3A_468 : i32
      %get3A_473 = arith.index_cast %add3A_472 : i32 to index
      %get3A_474 = arith.constant 0 : index
      %get3A_475 = tpu.vector_load %arg11[%get3A_473, %get3A_474] {strides = array<i32>} : memref<256x64xf32, #tpu.memory_space<vmem>>, vector<16xf32>,
      %add3A_476 = arith.constant 0 : i32
      %add3A_477 = arith.addi %add3A_476, %scan3A_468 : i32
      %get3A_478 = arith.index_cast %add3A_477 : i32 to index
      %get3A_479 = arith.constant 0 : index
      %get3A_480 = tpu.vector_load %arg12[%get3A_478, %get3A_479] {strides = array<i32>} : memref<256x64xf32, #tpu.memory_space<vmem>>, vector<16xf32>,
      %add3A_481 = arith.addf %get3A_475, %get3A_480 : vector<16xf32>
      %add3A_482 = arith.constant 0 : i32
      %add3A_483 = arith.addi %add3A_482, %scan3A_468 : i32
      %get3A_484 = arith.index_cast %add3A_483 : i32 to index
      %get3A_485 = arith.constant 0 : index
      %get3A_486 = tpu.vector_load %arg13[%get3A_484, %get3A_485] {strides = array<i32>} : memref<256x64xf32, #tpu.memory_space<vmem>>, vector<16xf32>,
      %sub3A_487 = arith.subf %add3A_481, %get3A_486 : vector<16xf32>
      %mul3A_488 = arith.mulf %sub3A_487, %sub3A_487 : vector<16xf32>
      %add3A_489 = arith.addf %broadcast_in_dim3A_470, %mul3A_488 : vector<16xf32>
      %add3A_490 = arith.constant 0 : i32
      %add3A_491 = arith.addi %add3A_490, %scan3A_468 : i32
      %get3A_492 = arith.index_cast %add3A_491 : i32 to index
      %get3A_493 = arith.constant 16 : index
      %get3A_494 = tpu.vector_load %arg11[%get3A_492, %get3A_493] {strides = array<i32>} : memref<256x64xf32, #tpu.memory_space<vmem>>, vector<16xf32>,
      %add3A_495 = arith.constant 0 : i32
      %add3A_496 = arith.addi %add3A_495, %scan3A_468 : i32
      %get3A_497 = arith.index_cast %add3A_496 : i32 to index
      %get3A_498 = arith.constant 16 : index
      %get3A_499 = tpu.vector_load %arg12[%get3A_497, %get3A_498] {strides = array<i32>} : memref<256x64xf32, #tpu.memory_space<vmem>>, vector<16xf32>,
      %add3A_500 = arith.addf %get3A_494, %get3A_499 : vector<16xf32>
      %add3A_501 = arith.constant 0 : i32
      %add3A_502 = arith.addi %add3A_501, %scan3A_468 : i32
      %get3A_503 = arith.index_cast %add3A_502 : i32 to index
      %get3A_504 = arith.constant 16 : index
      %get3A_505 = tpu.vector_load %arg13[%get3A_503, %get3A_504] {strides = array<i32>} : memref<256x64xf32, #tpu.memory_space<vmem>>, vector<16xf32>,
      %sub3A_506 = arith.subf %add3A_500, %get3A_505 : vector<16xf32>
      %mul3A_507 = arith.mulf %sub3A_506, %sub3A_506 : vector<16xf32>
      %add3A_508 = arith.addf %add3A_489, %mul3A_507 : vector<16xf32>
      %add3A_509 = arith.constant 0 : i32
      %add3A_510 = arith.addi %add3A_509, %scan3A_468 : i32
      %get3A_511 = arith.index_cast %add3A_510 : i32 to index
      %get3A_512 = arith.constant 32 : index
      %get3A_513 = tpu.vector_load %arg11[%get3A_511, %get3A_512] {strides = array<i32>} : memref<256x64xf32, #tpu.memory_space<vmem>>, vector<16xf32>,
      %add3A_514 = arith.constant 0 : i32
      %add3A_515 = arith.addi %add3A_514, %scan3A_468 : i32
      %get3A_516 = arith.index_cast %add3A_515 : i32 to index
      %get3A_517 = arith.constant 32 : index
      %get3A_518 = tpu.vector_load %arg12[%get3A_516, %get3A_517] {strides = array<i32>} : memref<256x64xf32, #tpu.memory_space<vmem>>, vector<16xf32>,
      %add3A_519 = arith.addf %get3A_513, %get3A_518 : vector<16xf32>
      %add3A_520 = arith.constant 0 : i32
      %add3A_521 = arith.addi %add3A_520, %scan3A_468 : i32
      %get3A_522 = arith.index_cast %add3A_521 : i32 to index
      %get3A_523 = arith.constant 32 : index
      %get3A_524 = tpu.vector_load %arg13[%get3A_522, %get3A_523] {strides = array<i32>} : memref<256x64xf32, #tpu.memory_space<vmem>>, vector<16xf32>,
      %sub3A_525 = arith.subf %add3A_519, %get3A_524 : vector<16xf32>
      %mul3A_526 = arith.mulf %sub3A_525, %sub3A_525 : vector<16xf32>
      %add3A_527 = arith.addf %add3A_508, %mul3A_526 : vector<16xf32>
      %add3A_528 = arith.constant 0 : i32
      %add3A_529 = arith.addi %add3A_528, %scan3A_468 : i32
      %get3A_530 = arith.index_cast %add3A_529 : i32 to index
      %get3A_531 = arith.constant 48 : index
      %get3A_532 = tpu.vector_load %arg11[%get3A_530, %get3A_531] {strides = array<i32>} : memref<256x64xf32, #tpu.memory_space<vmem>>, vector<16xf32>,
      %add3A_533 = arith.constant 0 : i32
      %add3A_534 = arith.addi %add3A_533, %scan3A_468 : i32
      %get3A_535 = arith.index_cast %add3A_534 : i32 to index
      %get3A_536 = arith.constant 48 : index
      %get3A_537 = tpu.vector_load %arg12[%get3A_535, %get3A_536] {strides = array<i32>} : memref<256x64xf32, #tpu.memory_space<vmem>>, vector<16xf32>,
      %add3A_538 = arith.addf %get3A_532, %get3A_537 : vector<16xf32>
      %add3A_539 = arith.constant 0 : i32
      %add3A_540 = arith.addi %add3A_539, %scan3A_468 : i32
      %get3A_541 = arith.index_cast %add3A_540 : i32 to index
      %get3A_542 = arith.constant 48 : index
      %get3A_543 = tpu.vector_load %arg13[%get3A_541, %get3A_542] {strides = array<i32>} : memref<256x64xf32, #tpu.memory_space<vmem>>, vector<16xf32>,
      %sub3A_544 = arith.subf %add3A_538, %get3A_543 : vector<16xf32>
      %mul3A_545 = arith.mulf %sub3A_544, %sub3A_544 : vector<16xf32>
      %add3A_546 = arith.addf %add3A_527, %mul3A_545 : vector<16xf32>
      %broadcast_in_dim3A_547 = arith.constant true
      %broadcast_in_dim3A_548 = vector.broadcast %broadcast_in_dim3A_547 : i1 to vector<16xi1>
      %masked_cumsum3A_549 = tpu.scan <sum>, %add3A_546 masked %broadcast_in_dim3A_548 : vector<16xf32>, vector<16xi1> -> vector<16xf32>
      %add3A_550 = arith.constant 256 : i32
      %add3A_551 = arith.addi %add3A_550, %scan3A_468 : i32
      %broadcast_in_dim3A_552 = vector.broadcast %add3A_551 : i32 to vector<16xi32>
      tpu.vector_store_idx %arg14[%broadcast_in_dim3A_552], %masked_cumsum3A_549 masked %eq3A_4 : memref<512xf32, #tpu.memory_space<vmem>>[vector<16xi32>], vector<16xf32>, vector<16xi1>
      %scan3A_553 = arith.constant 0 : i32
      scf.yield %scan3A_553 : i32
    }
    %scan3A_159 = arith.constant 128 : i32
    %dma_wait3A_160 = arith.constant 128 : i32
    %dma_wait3A_161 = arith.constant 0 : i32
    %dma_wait3A_162 = tpu.memref_slice %arg11[%dma_wait3A_160, %dma_wait3A_161] : memref<256x64xf32, #tpu.memory_space<vmem>> -> memref<128x64xf32, #tpu.memory_space<vmem>>
    %dma_wait3A_163 = arith.constant 0 : i32
    %dma_wait3A_164 = arith.constant 0 : i32
    %dma_wait3A_165 = tpu.memref_slice %arg5[%dma_wait3A_163, %dma_wait3A_164] : memref<1000000x64xf32, #tpu.memory_space<hbm>> -> memref<128x64xf32, #tpu.memory_space<hbm>>
    %dma_wait3A_166 = arith.constant 128 : i32
    %dma_wait3A_167 = arith.constant 0 : i32
    %dma_wait3A_168 = tpu.memref_slice %arg11[%dma_wait3A_166, %dma_wait3A_167] : memref<256x64xf32, #tpu.memory_space<vmem>> -> memref<128x64xf32, #tpu.memory_space<vmem>>
    %dma_wait3A_169 = arith.constant 0 : i32
    %dma_wait3A_170 = arith.constant 0 : i32
    %dma_wait3A_171 = tpu.memref_slice %arg5[%dma_wait3A_169, %dma_wait3A_170] : memref<1000000x64xf32, #tpu.memory_space<hbm>> -> memref<128x64xf32, #tpu.memory_space<hbm>>
    tpu.wait_dma2 semaphore(%arg16 : memref<!tpu.dma_semaphore, #tpu.memory_space<semaphore_mem>>) src(%dma_wait3A_171 : memref<128x64xf32, #tpu.memory_space<hbm>>) dst(%dma_wait3A_168 : memref<128x64xf32, #tpu.memory_space<vmem>>)
    %dma_wait3A_172 = arith.constant 128 : i32
    %dma_wait3A_173 = arith.constant 0 : i32
    %dma_wait3A_174 = tpu.memref_slice %arg12[%dma_wait3A_172, %dma_wait3A_173] : memref<256x64xf32, #tpu.memory_space<vmem>> -> memref<128x64xf32, #tpu.memory_space<vmem>>
    %dma_wait3A_175 = arith.constant 0 : i32
    %dma_wait3A_176 = arith.constant 0 : i32
    %dma_wait3A_177 = tpu.memref_slice %arg5[%dma_wait3A_175, %dma_wait3A_176] : memref<1000000x64xf32, #tpu.memory_space<hbm>> -> memref<128x64xf32, #tpu.memory_space<hbm>>
    %dma_wait3A_178 = arith.constant 128 : i32
    %dma_wait3A_179 = arith.constant 0 : i32
    %dma_wait3A_180 = tpu.memref_slice %arg12[%dma_wait3A_178, %dma_wait3A_179] : memref<256x64xf32, #tpu.memory_space<vmem>> -> memref<128x64xf32, #tpu.memory_space<vmem>>
    %dma_wait3A_181 = arith.constant 0 : i32
    %dma_wait3A_182 = arith.constant 0 : i32
    %dma_wait3A_183 = tpu.memref_slice %arg5[%dma_wait3A_181, %dma_wait3A_182] : memref<1000000x64xf32, #tpu.memory_space<hbm>> -> memref<128x64xf32, #tpu.memory_space<hbm>>
    tpu.wait_dma2 semaphore(%arg16 : memref<!tpu.dma_semaphore, #tpu.memory_space<semaphore_mem>>) src(%dma_wait3A_183 : memref<128x64xf32, #tpu.memory_space<hbm>>) dst(%dma_wait3A_180 : memref<128x64xf32, #tpu.memory_space<vmem>>)
    %dma_wait3A_184 = arith.constant 128 : i32
    %dma_wait3A_185 = arith.constant 0 : i32
    %dma_wait3A_186 = tpu.memref_slice %arg13[%dma_wait3A_184, %dma_wait3A_185] : memref<256x64xf32, #tpu.memory_space<vmem>> -> memref<128x64xf32, #tpu.memory_space<vmem>>
    %dma_wait3A_187 = arith.constant 0 : i32
    %dma_wait3A_188 = arith.constant 0 : i32
    %dma_wait3A_189 = tpu.memref_slice %arg5[%dma_wait3A_187, %dma_wait3A_188] : memref<1000000x64xf32, #tpu.memory_space<hbm>> -> memref<128x64xf32, #tpu.memory_space<hbm>>
    %dma_wait3A_190 = arith.constant 128 : i32
    %dma_wait3A_191 = arith.constant 0 : i32
    %dma_wait3A_192 = tpu.memref_slice %arg13[%dma_wait3A_190, %dma_wait3A_191] : memref<256x64xf32, #tpu.memory_space<vmem>> -> memref<128x64xf32, #tpu.memory_space<vmem>>
    %dma_wait3A_193 = arith.constant 0 : i32
    %dma_wait3A_194 = arith.constant 0 : i32
    %dma_wait3A_195 = tpu.memref_slice %arg5[%dma_wait3A_193, %dma_wait3A_194] : memref<1000000x64xf32, #tpu.memory_space<hbm>> -> memref<128x64xf32, #tpu.memory_space<hbm>>
    tpu.wait_dma2 semaphore(%arg16 : memref<!tpu.dma_semaphore, #tpu.memory_space<semaphore_mem>>) src(%dma_wait3A_195 : memref<128x64xf32, #tpu.memory_space<hbm>>) dst(%dma_wait3A_192 : memref<128x64xf32, #tpu.memory_space<vmem>>)
    %scan3A_196 = arith.constant 0 : i32
    %scan3A_197 = arith.constant 0 : i32
    %scan3A_198 = arith.constant 128 : i32
    %scan3A_199 = arith.addi %scan3A_197, %scan3A_198 : i32
    %scan3A_200 = arith.constant 4 : i32
    %scan3A_201 = scf.for %scan3A_210 = %scan3A_197 to %scan3A_199 step %scan3A_200 iter_args(%scan3A_211 = %scan3A_196) -> (i32)  : i32 {
      %broadcast_in_dim3A = arith.constant 0.000000e+00 : f32
      %broadcast_in_dim3A_212 = vector.broadcast %broadcast_in_dim3A : f32 to vector<16xf32>
      %add3A_213 = arith.constant 128 : i32
      %add3A_214 = arith.addi %add3A_213, %scan3A_210 : i32
      %get3A = arith.index_cast %add3A_214 : i32 to index
      %get3A_215 = arith.constant 0 : index
      %get3A_216 = tpu.vector_load %arg11[%get3A, %get3A_215] {strides = array<i32>} : memref<256x64xf32, #tpu.memory_space<vmem>>, vector<16xf32>,
      %add3A_217 = arith.constant 128 : i32
      %add3A_218 = arith.addi %add3A_217, %scan3A_210 : i32
      %get3A_219 = arith.index_cast %add3A_218 : i32 to index
      %get3A_220 = arith.constant 0 : index
      %get3A_221 = tpu.vector_load %arg12[%get3A_219, %get3A_220] {strides = array<i32>} : memref<256x64xf32, #tpu.memory_space<vmem>>, vector<16xf32>,
      %add3A_222 = arith.addf %get3A_216, %get3A_221 : vector<16xf32>
      %add3A_223 = arith.constant 128 : i32
      %add3A_224 = arith.addi %add3A_223, %scan3A_210 : i32
      %get3A_225 = arith.index_cast %add3A_224 : i32 to index
      %get3A_226 = arith.constant 0 : index
      %get3A_227 = tpu.vector_load %arg13[%get3A_225, %get3A_226] {strides = array<i32>} : memref<256x64xf32, #tpu.memory_space<vmem>>, vector<16xf32>,
      %sub3A = arith.subf %add3A_222, %get3A_227 : vector<16xf32>
      %mul3A_228 = arith.mulf %sub3A, %sub3A : vector<16xf32>
      %add3A_229 = arith.addf %broadcast_in_dim3A_212, %mul3A_228 : vector<16xf32>
      %add3A_230 = arith.constant 128 : i32
      %add3A_231 = arith.addi %add3A_230, %scan3A_210 : i32
      %get3A_232 = arith.index_cast %add3A_231 : i32 to index
      %get3A_233 = arith.constant 16 : index
      %get3A_234 = tpu.vector_load %arg11[%get3A_232, %get3A_233] {strides = array<i32>} : memref<256x64xf32, #tpu.memory_space<vmem>>, vector<16xf32>,
      %add3A_235 = arith.constant 128 : i32
      %add3A_236 = arith.addi %add3A_235, %scan3A_210 : i32
      %get3A_237 = arith.index_cast %add3A_236 : i32 to index
      %get3A_238 = arith.constant 16 : index
      %get3A_239 = tpu.vector_load %arg12[%get3A_237, %get3A_238] {strides = array<i32>} : memref<256x64xf32, #tpu.memory_space<vmem>>, vector<16xf32>,
      %add3A_240 = arith.addf %get3A_234, %get3A_239 : vector<16xf32>
      %add3A_241 = arith.constant 128 : i32
      %add3A_242 = arith.addi %add3A_241, %scan3A_210 : i32
      %get3A_243 = arith.index_cast %add3A_242 : i32 to index
      %get3A_244 = arith.constant 16 : index
      %get3A_245 = tpu.vector_load %arg13[%get3A_243, %get3A_244] {strides = array<i32>} : memref<256x64xf32, #tpu.memory_space<vmem>>, vector<16xf32>,
      %sub3A_246 = arith.subf %add3A_240, %get3A_245 : vector<16xf32>
      %mul3A_247 = arith.mulf %sub3A_246, %sub3A_246 : vector<16xf32>
      %add3A_248 = arith.addf %add3A_229, %mul3A_247 : vector<16xf32>
      %add3A_249 = arith.constant 128 : i32
      %add3A_250 = arith.addi %add3A_249, %scan3A_210 : i32
      %get3A_251 = arith.index_cast %add3A_250 : i32 to index
      %get3A_252 = arith.constant 32 : index
      %get3A_253 = tpu.vector_load %arg11[%get3A_251, %get3A_252] {strides = array<i32>} : memref<256x64xf32, #tpu.memory_space<vmem>>, vector<16xf32>,
      %add3A_254 = arith.constant 128 : i32
      %add3A_255 = arith.addi %add3A_254, %scan3A_210 : i32
      %get3A_256 = arith.index_cast %add3A_255 : i32 to index
      %get3A_257 = arith.constant 32 : index
      %get3A_258 = tpu.vector_load %arg12[%get3A_256, %get3A_257] {strides = array<i32>} : memref<256x64xf32, #tpu.memory_space<vmem>>, vector<16xf32>,
      %add3A_259 = arith.addf %get3A_253, %get3A_258 : vector<16xf32>
      %add3A_260 = arith.constant 128 : i32
      %add3A_261 = arith.addi %add3A_260, %scan3A_210 : i32
      %get3A_262 = arith.index_cast %add3A_261 : i32 to index
      %get3A_263 = arith.constant 32 : index
      %get3A_264 = tpu.vector_load %arg13[%get3A_262, %get3A_263] {strides = array<i32>} : memref<256x64xf32, #tpu.memory_space<vmem>>, vector<16xf32>,
      %sub3A_265 = arith.subf %add3A_259, %get3A_264 : vector<16xf32>
      %mul3A_266 = arith.mulf %sub3A_265, %sub3A_265 : vector<16xf32>
      %add3A_267 = arith.addf %add3A_248, %mul3A_266 : vector<16xf32>
      %add3A_268 = arith.constant 128 : i32
      %add3A_269 = arith.addi %add3A_268, %scan3A_210 : i32
      %get3A_270 = arith.index_cast %add3A_269 : i32 to index
      %get3A_271 = arith.constant 48 : index
      %get3A_272 = tpu.vector_load %arg11[%get3A_270, %get3A_271] {strides = array<i32>} : memref<256x64xf32, #tpu.memory_space<vmem>>, vector<16xf32>,
      %add3A_273 = arith.constant 128 : i32
      %add3A_274 = arith.addi %add3A_273, %scan3A_210 : i32
      %get3A_275 = arith.index_cast %add3A_274 : i32 to index
      %get3A_276 = arith.constant 48 : index
      %get3A_277 = tpu.vector_load %arg12[%get3A_275, %get3A_276] {strides = array<i32>} : memref<256x64xf32, #tpu.memory_space<vmem>>, vector<16xf32>,
      %add3A_278 = arith.addf %get3A_272, %get3A_277 : vector<16xf32>
      %add3A_279 = arith.constant 128 : i32
      %add3A_280 = arith.addi %add3A_279, %scan3A_210 : i32
      %get3A_281 = arith.index_cast %add3A_280 : i32 to index
      %get3A_282 = arith.constant 48 : index
      %get3A_283 = tpu.vector_load %arg13[%get3A_281, %get3A_282] {strides = array<i32>} : memref<256x64xf32, #tpu.memory_space<vmem>>, vector<16xf32>,
      %sub3A_284 = arith.subf %add3A_278, %get3A_283 : vector<16xf32>
      %mul3A_285 = arith.mulf %sub3A_284, %sub3A_284 : vector<16xf32>
      %add3A_286 = arith.addf %add3A_267, %mul3A_285 : vector<16xf32>
      %broadcast_in_dim3A_287 = arith.constant true
      %broadcast_in_dim3A_288 = vector.broadcast %broadcast_in_dim3A_287 : i1 to vector<16xi1>
      %masked_cumsum3A = tpu.scan <sum>, %add3A_286 masked %broadcast_in_dim3A_288 : vector<16xf32>, vector<16xi1> -> vector<16xf32>
      %add3A_289 = arith.constant 384 : i32
      %add3A_290 = arith.addi %add3A_289, %scan3A_210 : i32
      %broadcast_in_dim3A_291 = vector.broadcast %add3A_290 : i32 to vector<16xi32>
      tpu.vector_store_idx %arg14[%broadcast_in_dim3A_291], %masked_cumsum3A masked %eq3A_4 : memref<512xf32, #tpu.memory_space<vmem>>[vector<16xi32>], vector<16xf32>, vector<16xi1>
      %scan3A_292 = arith.constant 0 : i32
      %scan3A_293 = arith.constant 1 : i32
      %scan3A_294 = arith.addi %scan3A_210, %scan3A_293 : i32
      %broadcast_in_dim3A_295 = arith.constant 0.000000e+00 : f32
      %broadcast_in_dim3A_296 = vector.broadcast %broadcast_in_dim3A_295 : f32 to vector<16xf32>
      %add3A_297 = arith.constant 128 : i32
      %add3A_298 = arith.addi %add3A_297, %scan3A_294 : i32
      %get3A_299 = arith.index_cast %add3A_298 : i32 to index
      %get3A_300 = arith.constant 0 : index
      %get3A_301 = tpu.vector_load %arg11[%get3A_299, %get3A_300] {strides = array<i32>} : memref<256x64xf32, #tpu.memory_space<vmem>>, vector<16xf32>,
      %add3A_302 = arith.constant 128 : i32
      %add3A_303 = arith.addi %add3A_302, %scan3A_294 : i32
      %get3A_304 = arith.index_cast %add3A_303 : i32 to index
      %get3A_305 = arith.constant 0 : index
      %get3A_306 = tpu.vector_load %arg12[%get3A_304, %get3A_305] {strides = array<i32>} : memref<256x64xf32, #tpu.memory_space<vmem>>, vector<16xf32>,
      %add3A_307 = arith.addf %get3A_301, %get3A_306 : vector<16xf32>
      %add3A_308 = arith.constant 128 : i32
      %add3A_309 = arith.addi %add3A_308, %scan3A_294 : i32
      %get3A_310 = arith.index_cast %add3A_309 : i32 to index
      %get3A_311 = arith.constant 0 : index
      %get3A_312 = tpu.vector_load %arg13[%get3A_310, %get3A_311] {strides = array<i32>} : memref<256x64xf32, #tpu.memory_space<vmem>>, vector<16xf32>,
      %sub3A_313 = arith.subf %add3A_307, %get3A_312 : vector<16xf32>
      %mul3A_314 = arith.mulf %sub3A_313, %sub3A_313 : vector<16xf32>
      %add3A_315 = arith.addf %broadcast_in_dim3A_296, %mul3A_314 : vector<16xf32>
      %add3A_316 = arith.constant 128 : i32
      %add3A_317 = arith.addi %add3A_316, %scan3A_294 : i32
      %get3A_318 = arith.index_cast %add3A_317 : i32 to index
      %get3A_319 = arith.constant 16 : index
      %get3A_320 = tpu.vector_load %arg11[%get3A_318, %get3A_319] {strides = array<i32>} : memref<256x64xf32, #tpu.memory_space<vmem>>, vector<16xf32>,
      %add3A_321 = arith.constant 128 : i32
      %add3A_322 = arith.addi %add3A_321, %scan3A_294 : i32
      %get3A_323 = arith.index_cast %add3A_322 : i32 to index
      %get3A_324 = arith.constant 16 : index
      %get3A_325 = tpu.vector_load %arg12[%get3A_323, %get3A_324] {strides = array<i32>} : memref<256x64xf32, #tpu.memory_space<vmem>>, vector<16xf32>,
      %add3A_326 = arith.addf %get3A_320, %get3A_325 : vector<16xf32>
      %add3A_327 = arith.constant 128 : i32
      %add3A_328 = arith.addi %add3A_327, %scan3A_294 : i32
      %get3A_329 = arith.index_cast %add3A_328 : i32 to index
      %get3A_330 = arith.constant 16 : index
      %get3A_331 = tpu.vector_load %arg13[%get3A_329, %get3A_330] {strides = array<i32>} : memref<256x64xf32, #tpu.memory_space<vmem>>, vector<16xf32>,
      %sub3A_332 = arith.subf %add3A_326, %get3A_331 : vector<16xf32>
      %mul3A_333 = arith.mulf %sub3A_332, %sub3A_332 : vector<16xf32>
      %add3A_334 = arith.addf %add3A_315, %mul3A_333 : vector<16xf32>
      %add3A_335 = arith.constant 128 : i32
      %add3A_336 = arith.addi %add3A_335, %scan3A_294 : i32
      %get3A_337 = arith.index_cast %add3A_336 : i32 to index
      %get3A_338 = arith.constant 32 : index
      %get3A_339 = tpu.vector_load %arg11[%get3A_337, %get3A_338] {strides = array<i32>} : memref<256x64xf32, #tpu.memory_space<vmem>>, vector<16xf32>,
      %add3A_340 = arith.constant 128 : i32
      %add3A_341 = arith.addi %add3A_340, %scan3A_294 : i32
      %get3A_342 = arith.index_cast %add3A_341 : i32 to index
      %get3A_343 = arith.constant 32 : index
      %get3A_344 = tpu.vector_load %arg12[%get3A_342, %get3A_343] {strides = array<i32>} : memref<256x64xf32, #tpu.memory_space<vmem>>, vector<16xf32>,
      %add3A_345 = arith.addf %get3A_339, %get3A_344 : vector<16xf32>
      %add3A_346 = arith.constant 128 : i32
      %add3A_347 = arith.addi %add3A_346, %scan3A_294 : i32
      %get3A_348 = arith.index_cast %add3A_347 : i32 to index
      %get3A_349 = arith.constant 32 : index
      %get3A_350 = tpu.vector_load %arg13[%get3A_348, %get3A_349] {strides = array<i32>} : memref<256x64xf32, #tpu.memory_space<vmem>>, vector<16xf32>,
      %sub3A_351 = arith.subf %add3A_345, %get3A_350 : vector<16xf32>
      %mul3A_352 = arith.mulf %sub3A_351, %sub3A_351 : vector<16xf32>
      %add3A_353 = arith.addf %add3A_334, %mul3A_352 : vector<16xf32>
      %add3A_354 = arith.constant 128 : i32
      %add3A_355 = arith.addi %add3A_354, %scan3A_294 : i32
      %get3A_356 = arith.index_cast %add3A_355 : i32 to index
      %get3A_357 = arith.constant 48 : index
      %get3A_358 = tpu.vector_load %arg11[%get3A_356, %get3A_357] {strides = array<i32>} : memref<256x64xf32, #tpu.memory_space<vmem>>, vector<16xf32>,
      %add3A_359 = arith.constant 128 : i32
      %add3A_360 = arith.addi %add3A_359, %scan3A_294 : i32
      %get3A_361 = arith.index_cast %add3A_360 : i32 to index
      %get3A_362 = arith.constant 48 : index
      %get3A_363 = tpu.vector_load %arg12[%get3A_361, %get3A_362] {strides = array<i32>} : memref<256x64xf32, #tpu.memory_space<vmem>>, vector<16xf32>,
      %add3A_364 = arith.addf %get3A_358, %get3A_363 : vector<16xf32>
      %add3A_365 = arith.constant 128 : i32
      %add3A_366 = arith.addi %add3A_365, %scan3A_294 : i32
      %get3A_367 = arith.index_cast %add3A_366 : i32 to index
      %get3A_368 = arith.constant 48 : index
      %get3A_369 = tpu.vector_load %arg13[%get3A_367, %get3A_368] {strides = array<i32>} : memref<256x64xf32, #tpu.memory_space<vmem>>, vector<16xf32>,
      %sub3A_370 = arith.subf %add3A_364, %get3A_369 : vector<16xf32>
      %mul3A_371 = arith.mulf %sub3A_370, %sub3A_370 : vector<16xf32>
      %add3A_372 = arith.addf %add3A_353, %mul3A_371 : vector<16xf32>
      %broadcast_in_dim3A_373 = arith.constant true
      %broadcast_in_dim3A_374 = vector.broadcast %broadcast_in_dim3A_373 : i1 to vector<16xi1>
      %masked_cumsum3A_375 = tpu.scan <sum>, %add3A_372 masked %broadcast_in_dim3A_374 : vector<16xf32>, vector<16xi1> -> vector<16xf32>
      %add3A_376 = arith.constant 384 : i32
      %add3A_377 = arith.addi %add3A_376, %scan3A_294 : i32
      %broadcast_in_dim3A_378 = vector.broadcast %add3A_377 : i32 to vector<16xi32>
      tpu.vector_store_idx %arg14[%broadcast_in_dim3A_378], %masked_cumsum3A_375 masked %eq3A_4 : memref<512xf32, #tpu.memory_space<vmem>>[vector<16xi32>], vector<16xf32>, vector<16xi1>
      %scan3A_379 = arith.constant 0 : i32
      %scan3A_380 = arith.constant 2 : i32
      %scan3A_381 = arith.addi %scan3A_210, %scan3A_380 : i32
      %broadcast_in_dim3A_382 = arith.constant 0.000000e+00 : f32
      %broadcast_in_dim3A_383 = vector.broadcast %broadcast_in_dim3A_382 : f32 to vector<16xf32>
      %add3A_384 = arith.constant 128 : i32
      %add3A_385 = arith.addi %add3A_384, %scan3A_381 : i32
      %get3A_386 = arith.index_cast %add3A_385 : i32 to index
      %get3A_387 = arith.constant 0 : index
      %get3A_388 = tpu.vector_load %arg11[%get3A_386, %get3A_387] {strides = array<i32>} : memref<256x64xf32, #tpu.memory_space<vmem>>, vector<16xf32>,
      %add3A_389 = arith.constant 128 : i32
      %add3A_390 = arith.addi %add3A_389, %scan3A_381 : i32
      %get3A_391 = arith.index_cast %add3A_390 : i32 to index
      %get3A_392 = arith.constant 0 : index
      %get3A_393 = tpu.vector_load %arg12[%get3A_391, %get3A_392] {strides = array<i32>} : memref<256x64xf32, #tpu.memory_space<vmem>>, vector<16xf32>,
      %add3A_394 = arith.addf %get3A_388, %get3A_393 : vector<16xf32>
      %add3A_395 = arith.constant 128 : i32
      %add3A_396 = arith.addi %add3A_395, %scan3A_381 : i32
      %get3A_397 = arith.index_cast %add3A_396 : i32 to index
      %get3A_398 = arith.constant 0 : index
      %get3A_399 = tpu.vector_load %arg13[%get3A_397, %get3A_398] {strides = array<i32>} : memref<256x64xf32, #tpu.memory_space<vmem>>, vector<16xf32>,
      %sub3A_400 = arith.subf %add3A_394, %get3A_399 : vector<16xf32>
      %mul3A_401 = arith.mulf %sub3A_400, %sub3A_400 : vector<16xf32>
      %add3A_402 = arith.addf %broadcast_in_dim3A_383, %mul3A_401 : vector<16xf32>
      %add3A_403 = arith.constant 128 : i32
      %add3A_404 = arith.addi %add3A_403, %scan3A_381 : i32
      %get3A_405 = arith.index_cast %add3A_404 : i32 to index
      %get3A_406 = arith.constant 16 : index
      %get3A_407 = tpu.vector_load %arg11[%get3A_405, %get3A_406] {strides = array<i32>} : memref<256x64xf32, #tpu.memory_space<vmem>>, vector<16xf32>,
      %add3A_408 = arith.constant 128 : i32
      %add3A_409 = arith.addi %add3A_408, %scan3A_381 : i32
      %get3A_410 = arith.index_cast %add3A_409 : i32 to index
      %get3A_411 = arith.constant 16 : index
      %get3A_412 = tpu.vector_load %arg12[%get3A_410, %get3A_411] {strides = array<i32>} : memref<256x64xf32, #tpu.memory_space<vmem>>, vector<16xf32>,
      %add3A_413 = arith.addf %get3A_407, %get3A_412 : vector<16xf32>
      %add3A_414 = arith.constant 128 : i32
      %add3A_415 = arith.addi %add3A_414, %scan3A_381 : i32
      %get3A_416 = arith.index_cast %add3A_415 : i32 to index
      %get3A_417 = arith.constant 16 : index
      %get3A_418 = tpu.vector_load %arg13[%get3A_416, %get3A_417] {strides = array<i32>} : memref<256x64xf32, #tpu.memory_space<vmem>>, vector<16xf32>,
      %sub3A_419 = arith.subf %add3A_413, %get3A_418 : vector<16xf32>
      %mul3A_420 = arith.mulf %sub3A_419, %sub3A_419 : vector<16xf32>
      %add3A_421 = arith.addf %add3A_402, %mul3A_420 : vector<16xf32>
      %add3A_422 = arith.constant 128 : i32
      %add3A_423 = arith.addi %add3A_422, %scan3A_381 : i32
      %get3A_424 = arith.index_cast %add3A_423 : i32 to index
      %get3A_425 = arith.constant 32 : index
      %get3A_426 = tpu.vector_load %arg11[%get3A_424, %get3A_425] {strides = array<i32>} : memref<256x64xf32, #tpu.memory_space<vmem>>, vector<16xf32>,
      %add3A_427 = arith.constant 128 : i32
      %add3A_428 = arith.addi %add3A_427, %scan3A_381 : i32
      %get3A_429 = arith.index_cast %add3A_428 : i32 to index
      %get3A_430 = arith.constant 32 : index
      %get3A_431 = tpu.vector_load %arg12[%get3A_429, %get3A_430] {strides = array<i32>} : memref<256x64xf32, #tpu.memory_space<vmem>>, vector<16xf32>,
      %add3A_432 = arith.addf %get3A_426, %get3A_431 : vector<16xf32>
      %add3A_433 = arith.constant 128 : i32
      %add3A_434 = arith.addi %add3A_433, %scan3A_381 : i32
      %get3A_435 = arith.index_cast %add3A_434 : i32 to index
      %get3A_436 = arith.constant 32 : index
      %get3A_437 = tpu.vector_load %arg13[%get3A_435, %get3A_436] {strides = array<i32>} : memref<256x64xf32, #tpu.memory_space<vmem>>, vector<16xf32>,
      %sub3A_438 = arith.subf %add3A_432, %get3A_437 : vector<16xf32>
      %mul3A_439 = arith.mulf %sub3A_438, %sub3A_438 : vector<16xf32>
      %add3A_440 = arith.addf %add3A_421, %mul3A_439 : vector<16xf32>
      %add3A_441 = arith.constant 128 : i32
      %add3A_442 = arith.addi %add3A_441, %scan3A_381 : i32
      %get3A_443 = arith.index_cast %add3A_442 : i32 to index
      %get3A_444 = arith.constant 48 : index
      %get3A_445 = tpu.vector_load %arg11[%get3A_443, %get3A_444] {strides = array<i32>} : memref<256x64xf32, #tpu.memory_space<vmem>>, vector<16xf32>,
      %add3A_446 = arith.constant 128 : i32
      %add3A_447 = arith.addi %add3A_446, %scan3A_381 : i32
      %get3A_448 = arith.index_cast %add3A_447 : i32 to index
      %get3A_449 = arith.constant 48 : index
      %get3A_450 = tpu.vector_load %arg12[%get3A_448, %get3A_449] {strides = array<i32>} : memref<256x64xf32, #tpu.memory_space<vmem>>, vector<16xf32>,
      %add3A_451 = arith.addf %get3A_445, %get3A_450 : vector<16xf32>
      %add3A_452 = arith.constant 128 : i32
      %add3A_453 = arith.addi %add3A_452, %scan3A_381 : i32
      %get3A_454 = arith.index_cast %add3A_453 : i32 to index
      %get3A_455 = arith.constant 48 : index
      %get3A_456 = tpu.vector_load %arg13[%get3A_454, %get3A_455] {strides = array<i32>} : memref<256x64xf32, #tpu.memory_space<vmem>>, vector<16xf32>,
      %sub3A_457 = arith.subf %add3A_451, %get3A_456 : vector<16xf32>
      %mul3A_458 = arith.mulf %sub3A_457, %sub3A_457 : vector<16xf32>
      %add3A_459 = arith.addf %add3A_440, %mul3A_458 : vector<16xf32>
      %broadcast_in_dim3A_460 = arith.constant true
      %broadcast_in_dim3A_461 = vector.broadcast %broadcast_in_dim3A_460 : i1 to vector<16xi1>
      %masked_cumsum3A_462 = tpu.scan <sum>, %add3A_459 masked %broadcast_in_dim3A_461 : vector<16xf32>, vector<16xi1> -> vector<16xf32>
      %add3A_463 = arith.constant 384 : i32
      %add3A_464 = arith.addi %add3A_463, %scan3A_381 : i32
      %broadcast_in_dim3A_465 = vector.broadcast %add3A_464 : i32 to vector<16xi32>
      tpu.vector_store_idx %arg14[%broadcast_in_dim3A_465], %masked_cumsum3A_462 masked %eq3A_4 : memref<512xf32, #tpu.memory_space<vmem>>[vector<16xi32>], vector<16xf32>, vector<16xi1>
      %scan3A_466 = arith.constant 0 : i32
      %scan3A_467 = arith.constant 3 : i32
      %scan3A_468 = arith.addi %scan3A_210, %scan3A_467 : i32
      %broadcast_in_dim3A_469 = arith.constant 0.000000e+00 : f32
      %broadcast_in_dim3A_470 = vector.broadcast %broadcast_in_dim3A_469 : f32 to vector<16xf32>
      %add3A_471 = arith.constant 128 : i32
      %add3A_472 = arith.addi %add3A_471, %scan3A_468 : i32
      %get3A_473 = arith.index_cast %add3A_472 : i32 to index
      %get3A_474 = arith.constant 0 : index
      %get3A_475 = tpu.vector_load %arg11[%get3A_473, %get3A_474] {strides = array<i32>} : memref<256x64xf32, #tpu.memory_space<vmem>>, vector<16xf32>,
      %add3A_476 = arith.constant 128 : i32
      %add3A_477 = arith.addi %add3A_476, %scan3A_468 : i32
      %get3A_478 = arith.index_cast %add3A_477 : i32 to index
      %get3A_479 = arith.constant 0 : index
      %get3A_480 = tpu.vector_load %arg12[%get3A_478, %get3A_479] {strides = array<i32>} : memref<256x64xf32, #tpu.memory_space<vmem>>, vector<16xf32>,
      %add3A_481 = arith.addf %get3A_475, %get3A_480 : vector<16xf32>
      %add3A_482 = arith.constant 128 : i32
      %add3A_483 = arith.addi %add3A_482, %scan3A_468 : i32
      %get3A_484 = arith.index_cast %add3A_483 : i32 to index
      %get3A_485 = arith.constant 0 : index
      %get3A_486 = tpu.vector_load %arg13[%get3A_484, %get3A_485] {strides = array<i32>} : memref<256x64xf32, #tpu.memory_space<vmem>>, vector<16xf32>,
      %sub3A_487 = arith.subf %add3A_481, %get3A_486 : vector<16xf32>
      %mul3A_488 = arith.mulf %sub3A_487, %sub3A_487 : vector<16xf32>
      %add3A_489 = arith.addf %broadcast_in_dim3A_470, %mul3A_488 : vector<16xf32>
      %add3A_490 = arith.constant 128 : i32
      %add3A_491 = arith.addi %add3A_490, %scan3A_468 : i32
      %get3A_492 = arith.index_cast %add3A_491 : i32 to index
      %get3A_493 = arith.constant 16 : index
      %get3A_494 = tpu.vector_load %arg11[%get3A_492, %get3A_493] {strides = array<i32>} : memref<256x64xf32, #tpu.memory_space<vmem>>, vector<16xf32>,
      %add3A_495 = arith.constant 128 : i32
      %add3A_496 = arith.addi %add3A_495, %scan3A_468 : i32
      %get3A_497 = arith.index_cast %add3A_496 : i32 to index
      %get3A_498 = arith.constant 16 : index
      %get3A_499 = tpu.vector_load %arg12[%get3A_497, %get3A_498] {strides = array<i32>} : memref<256x64xf32, #tpu.memory_space<vmem>>, vector<16xf32>,
      %add3A_500 = arith.addf %get3A_494, %get3A_499 : vector<16xf32>
      %add3A_501 = arith.constant 128 : i32
      %add3A_502 = arith.addi %add3A_501, %scan3A_468 : i32
      %get3A_503 = arith.index_cast %add3A_502 : i32 to index
      %get3A_504 = arith.constant 16 : index
      %get3A_505 = tpu.vector_load %arg13[%get3A_503, %get3A_504] {strides = array<i32>} : memref<256x64xf32, #tpu.memory_space<vmem>>, vector<16xf32>,
      %sub3A_506 = arith.subf %add3A_500, %get3A_505 : vector<16xf32>
      %mul3A_507 = arith.mulf %sub3A_506, %sub3A_506 : vector<16xf32>
      %add3A_508 = arith.addf %add3A_489, %mul3A_507 : vector<16xf32>
      %add3A_509 = arith.constant 128 : i32
      %add3A_510 = arith.addi %add3A_509, %scan3A_468 : i32
      %get3A_511 = arith.index_cast %add3A_510 : i32 to index
      %get3A_512 = arith.constant 32 : index
      %get3A_513 = tpu.vector_load %arg11[%get3A_511, %get3A_512] {strides = array<i32>} : memref<256x64xf32, #tpu.memory_space<vmem>>, vector<16xf32>,
      %add3A_514 = arith.constant 128 : i32
      %add3A_515 = arith.addi %add3A_514, %scan3A_468 : i32
      %get3A_516 = arith.index_cast %add3A_515 : i32 to index
      %get3A_517 = arith.constant 32 : index
      %get3A_518 = tpu.vector_load %arg12[%get3A_516, %get3A_517] {strides = array<i32>} : memref<256x64xf32, #tpu.memory_space<vmem>>, vector<16xf32>,
      %add3A_519 = arith.addf %get3A_513, %get3A_518 : vector<16xf32>
      %add3A_520 = arith.constant 128 : i32
      %add3A_521 = arith.addi %add3A_520, %scan3A_468 : i32
      %get3A_522 = arith.index_cast %add3A_521 : i32 to index
      %get3A_523 = arith.constant 32 : index
      %get3A_524 = tpu.vector_load %arg13[%get3A_522, %get3A_523] {strides = array<i32>} : memref<256x64xf32, #tpu.memory_space<vmem>>, vector<16xf32>,
      %sub3A_525 = arith.subf %add3A_519, %get3A_524 : vector<16xf32>
      %mul3A_526 = arith.mulf %sub3A_525, %sub3A_525 : vector<16xf32>
      %add3A_527 = arith.addf %add3A_508, %mul3A_526 : vector<16xf32>
      %add3A_528 = arith.constant 128 : i32
      %add3A_529 = arith.addi %add3A_528, %scan3A_468 : i32
      %get3A_530 = arith.index_cast %add3A_529 : i32 to index
      %get3A_531 = arith.constant 48 : index
      %get3A_532 = tpu.vector_load %arg11[%get3A_530, %get3A_531] {strides = array<i32>} : memref<256x64xf32, #tpu.memory_space<vmem>>, vector<16xf32>,
      %add3A_533 = arith.constant 128 : i32
      %add3A_534 = arith.addi %add3A_533, %scan3A_468 : i32
      %get3A_535 = arith.index_cast %add3A_534 : i32 to index
      %get3A_536 = arith.constant 48 : index
      %get3A_537 = tpu.vector_load %arg12[%get3A_535, %get3A_536] {strides = array<i32>} : memref<256x64xf32, #tpu.memory_space<vmem>>, vector<16xf32>,
      %add3A_538 = arith.addf %get3A_532, %get3A_537 : vector<16xf32>
      %add3A_539 = arith.constant 128 : i32
      %add3A_540 = arith.addi %add3A_539, %scan3A_468 : i32
      %get3A_541 = arith.index_cast %add3A_540 : i32 to index
      %get3A_542 = arith.constant 48 : index
      %get3A_543 = tpu.vector_load %arg13[%get3A_541, %get3A_542] {strides = array<i32>} : memref<256x64xf32, #tpu.memory_space<vmem>>, vector<16xf32>,
      %sub3A_544 = arith.subf %add3A_538, %get3A_543 : vector<16xf32>
      %mul3A_545 = arith.mulf %sub3A_544, %sub3A_544 : vector<16xf32>
      %add3A_546 = arith.addf %add3A_527, %mul3A_545 : vector<16xf32>
      %broadcast_in_dim3A_547 = arith.constant true
      %broadcast_in_dim3A_548 = vector.broadcast %broadcast_in_dim3A_547 : i1 to vector<16xi1>
      %masked_cumsum3A_549 = tpu.scan <sum>, %add3A_546 masked %broadcast_in_dim3A_548 : vector<16xf32>, vector<16xi1> -> vector<16xf32>
      %add3A_550 = arith.constant 384 : i32
      %add3A_551 = arith.addi %add3A_550, %scan3A_468 : i32
      %broadcast_in_dim3A_552 = vector.broadcast %add3A_551 : i32 to vector<16xi32>
      tpu.vector_store_idx %arg14[%broadcast_in_dim3A_552], %masked_cumsum3A_549 masked %eq3A_4 : memref<512xf32, #tpu.memory_space<vmem>>[vector<16xi32>], vector<16xf32>, vector<16xi1>
      %scan3A_553 = arith.constant 0 : i32
      scf.yield %scan3A_553 : i32
    }
    %scan3A_202 = arith.constant 128 : i32
    %scan3A_203 = arith.constant 0 : i32
    %scan3A_204 = arith.constant 0 : i32
    %scan3A_205 = arith.constant 32 : i32
    %scan3A_206 = arith.addi %scan3A_204, %scan3A_205 : i32
    %scan3A_207 = arith.constant 4 : i32
    %scan3A_208 = scf.for %scan3A_210 = %scan3A_204 to %scan3A_206 step %scan3A_207 iter_args(%scan3A_211 = %scan3A_203) -> (i32)  : i32 {
      %mul3A_212 = arith.constant 16 : i32
      %mul3A_213 = arith.muli %scan3A_210, %mul3A_212 : i32
      %get3A = arith.index_cast %mul3A_213 : i32 to index
      %get3A_214 = tpu.vector_load %arg14[%get3A] {strides = array<i32>} : memref<512xf32, #tpu.memory_space<vmem>>, vector<16xf32>,
      %add3A_215 = arith.constant 9.99999996E-13 : f32
      %add3A_216 = vector.broadcast %add3A_215 : f32 to vector<16xf32>
      %add3A_217 = arith.addf %get3A_214, %add3A_216 : vector<16xf32>
      %bitcast3A = vector.bitcast %add3A_217 : vector<16xf32> to vector<16xi32>
      %shift_right_arithmetic3A = arith.constant 1 : i32
      %shift_right_arithmetic3A_218 = vector.broadcast %shift_right_arithmetic3A : i32 to vector<16xi32>
      %shift_right_arithmetic3A_219 = arith.shrsi %bitcast3A, %shift_right_arithmetic3A_218 : vector<16xi32>
      %sub3A = arith.constant 1597463007 : i32
      %sub3A_220 = vector.broadcast %sub3A : i32 to vector<16xi32>
      %sub3A_221 = arith.subi %sub3A_220, %shift_right_arithmetic3A_219 : vector<16xi32>
      %bitcast3A_222 = vector.bitcast %sub3A_221 : vector<16xi32> to vector<16xf32>
      %mul3A_223 = arith.constant 5.000000e-01 : f32
      %mul3A_224 = vector.broadcast %mul3A_223 : f32 to vector<16xf32>
      %mul3A_225 = arith.mulf %add3A_217, %mul3A_224 : vector<16xf32>
      %mul3A_226 = arith.mulf %mul3A_225, %bitcast3A_222 : vector<16xf32>
      %mul3A_227 = arith.mulf %mul3A_226, %bitcast3A_222 : vector<16xf32>
      %sub3A_228 = arith.constant 1.500000e+00 : f32
      %sub3A_229 = vector.broadcast %sub3A_228 : f32 to vector<16xf32>
      %sub3A_230 = arith.subf %sub3A_229, %mul3A_227 : vector<16xf32>
      %mul3A_231 = arith.mulf %bitcast3A_222, %sub3A_230 : vector<16xf32>
      %mul3A_232 = arith.mulf %mul3A_225, %mul3A_231 : vector<16xf32>
      %mul3A_233 = arith.mulf %mul3A_232, %mul3A_231 : vector<16xf32>
      %sub3A_234 = arith.constant 1.500000e+00 : f32
      %sub3A_235 = vector.broadcast %sub3A_234 : f32 to vector<16xf32>
      %sub3A_236 = arith.subf %sub3A_235, %mul3A_233 : vector<16xf32>
      %mul3A_237 = arith.mulf %mul3A_231, %sub3A_236 : vector<16xf32>
      %mul3A_238 = arith.mulf %mul3A_225, %mul3A_237 : vector<16xf32>
      %mul3A_239 = arith.mulf %mul3A_238, %mul3A_237 : vector<16xf32>
      %sub3A_240 = arith.constant 1.500000e+00 : f32
      %sub3A_241 = vector.broadcast %sub3A_240 : f32 to vector<16xf32>
      %sub3A_242 = arith.subf %sub3A_241, %mul3A_239 : vector<16xf32>
      %mul3A_243 = arith.mulf %mul3A_237, %sub3A_242 : vector<16xf32>
      %mul3A_244 = arith.mulf %add3A_217, %mul3A_243 : vector<16xf32>
      %neg3A = arith.constant 0.000000e+00 : f32
      %neg3A_245 = vector.broadcast %neg3A : f32 to vector<16xf32>
      %neg3A_246 = arith.subf %neg3A_245, %mul3A_244 : vector<16xf32>
      %swap3A = arith.index_cast %mul3A_213 : i32 to index
      %swap3A_247 = tpu.vector_load %arg14[%swap3A] {strides = array<i32>} : memref<512xf32, #tpu.memory_space<vmem>>, vector<16xf32>,
      tpu.vector_store %arg14[%swap3A], %neg3A_246 {strides = array<i32>} : memref<512xf32, #tpu.memory_space<vmem>>, vector<16xf32>,
      %scan3A_248 = arith.constant 0 : i32
      %scan3A_249 = arith.constant 1 : i32
      %scan3A_250 = arith.addi %scan3A_210, %scan3A_249 : i32
      %mul3A_251 = arith.constant 16 : i32
      %mul3A_252 = arith.muli %scan3A_250, %mul3A_251 : i32
      %get3A_253 = arith.index_cast %mul3A_252 : i32 to index
      %get3A_254 = tpu.vector_load %arg14[%get3A_253] {strides = array<i32>} : memref<512xf32, #tpu.memory_space<vmem>>, vector<16xf32>,
      %add3A_255 = arith.constant 9.99999996E-13 : f32
      %add3A_256 = vector.broadcast %add3A_255 : f32 to vector<16xf32>
      %add3A_257 = arith.addf %get3A_254, %add3A_256 : vector<16xf32>
      %bitcast3A_258 = vector.bitcast %add3A_257 : vector<16xf32> to vector<16xi32>
      %shift_right_arithmetic3A_259 = arith.constant 1 : i32
      %shift_right_arithmetic3A_260 = vector.broadcast %shift_right_arithmetic3A_259 : i32 to vector<16xi32>
      %shift_right_arithmetic3A_261 = arith.shrsi %bitcast3A_258, %shift_right_arithmetic3A_260 : vector<16xi32>
      %sub3A_262 = arith.constant 1597463007 : i32
      %sub3A_263 = vector.broadcast %sub3A_262 : i32 to vector<16xi32>
      %sub3A_264 = arith.subi %sub3A_263, %shift_right_arithmetic3A_261 : vector<16xi32>
      %bitcast3A_265 = vector.bitcast %sub3A_264 : vector<16xi32> to vector<16xf32>
      %mul3A_266 = arith.constant 5.000000e-01 : f32
      %mul3A_267 = vector.broadcast %mul3A_266 : f32 to vector<16xf32>
      %mul3A_268 = arith.mulf %add3A_257, %mul3A_267 : vector<16xf32>
      %mul3A_269 = arith.mulf %mul3A_268, %bitcast3A_265 : vector<16xf32>
      %mul3A_270 = arith.mulf %mul3A_269, %bitcast3A_265 : vector<16xf32>
      %sub3A_271 = arith.constant 1.500000e+00 : f32
      %sub3A_272 = vector.broadcast %sub3A_271 : f32 to vector<16xf32>
      %sub3A_273 = arith.subf %sub3A_272, %mul3A_270 : vector<16xf32>
      %mul3A_274 = arith.mulf %bitcast3A_265, %sub3A_273 : vector<16xf32>
      %mul3A_275 = arith.mulf %mul3A_268, %mul3A_274 : vector<16xf32>
      %mul3A_276 = arith.mulf %mul3A_275, %mul3A_274 : vector<16xf32>
      %sub3A_277 = arith.constant 1.500000e+00 : f32
      %sub3A_278 = vector.broadcast %sub3A_277 : f32 to vector<16xf32>
      %sub3A_279 = arith.subf %sub3A_278, %mul3A_276 : vector<16xf32>
      %mul3A_280 = arith.mulf %mul3A_274, %sub3A_279 : vector<16xf32>
      %mul3A_281 = arith.mulf %mul3A_268, %mul3A_280 : vector<16xf32>
      %mul3A_282 = arith.mulf %mul3A_281, %mul3A_280 : vector<16xf32>
      %sub3A_283 = arith.constant 1.500000e+00 : f32
      %sub3A_284 = vector.broadcast %sub3A_283 : f32 to vector<16xf32>
      %sub3A_285 = arith.subf %sub3A_284, %mul3A_282 : vector<16xf32>
      %mul3A_286 = arith.mulf %mul3A_280, %sub3A_285 : vector<16xf32>
      %mul3A_287 = arith.mulf %add3A_257, %mul3A_286 : vector<16xf32>
      %neg3A_288 = arith.constant 0.000000e+00 : f32
      %neg3A_289 = vector.broadcast %neg3A_288 : f32 to vector<16xf32>
      %neg3A_290 = arith.subf %neg3A_289, %mul3A_287 : vector<16xf32>
      %swap3A_291 = arith.index_cast %mul3A_252 : i32 to index
      %swap3A_292 = tpu.vector_load %arg14[%swap3A_291] {strides = array<i32>} : memref<512xf32, #tpu.memory_space<vmem>>, vector<16xf32>,
      tpu.vector_store %arg14[%swap3A_291], %neg3A_290 {strides = array<i32>} : memref<512xf32, #tpu.memory_space<vmem>>, vector<16xf32>,
      %scan3A_293 = arith.constant 0 : i32
      %scan3A_294 = arith.constant 2 : i32
      %scan3A_295 = arith.addi %scan3A_210, %scan3A_294 : i32
      %mul3A_296 = arith.constant 16 : i32
      %mul3A_297 = arith.muli %scan3A_295, %mul3A_296 : i32
      %get3A_298 = arith.index_cast %mul3A_297 : i32 to index
      %get3A_299 = tpu.vector_load %arg14[%get3A_298] {strides = array<i32>} : memref<512xf32, #tpu.memory_space<vmem>>, vector<16xf32>,
      %add3A_300 = arith.constant 9.99999996E-13 : f32
      %add3A_301 = vector.broadcast %add3A_300 : f32 to vector<16xf32>
      %add3A_302 = arith.addf %get3A_299, %add3A_301 : vector<16xf32>
      %bitcast3A_303 = vector.bitcast %add3A_302 : vector<16xf32> to vector<16xi32>
      %shift_right_arithmetic3A_304 = arith.constant 1 : i32
      %shift_right_arithmetic3A_305 = vector.broadcast %shift_right_arithmetic3A_304 : i32 to vector<16xi32>
      %shift_right_arithmetic3A_306 = arith.shrsi %bitcast3A_303, %shift_right_arithmetic3A_305 : vector<16xi32>
      %sub3A_307 = arith.constant 1597463007 : i32
      %sub3A_308 = vector.broadcast %sub3A_307 : i32 to vector<16xi32>
      %sub3A_309 = arith.subi %sub3A_308, %shift_right_arithmetic3A_306 : vector<16xi32>
      %bitcast3A_310 = vector.bitcast %sub3A_309 : vector<16xi32> to vector<16xf32>
      %mul3A_311 = arith.constant 5.000000e-01 : f32
      %mul3A_312 = vector.broadcast %mul3A_311 : f32 to vector<16xf32>
      %mul3A_313 = arith.mulf %add3A_302, %mul3A_312 : vector<16xf32>
      %mul3A_314 = arith.mulf %mul3A_313, %bitcast3A_310 : vector<16xf32>
      %mul3A_315 = arith.mulf %mul3A_314, %bitcast3A_310 : vector<16xf32>
      %sub3A_316 = arith.constant 1.500000e+00 : f32
      %sub3A_317 = vector.broadcast %sub3A_316 : f32 to vector<16xf32>
      %sub3A_318 = arith.subf %sub3A_317, %mul3A_315 : vector<16xf32>
      %mul3A_319 = arith.mulf %bitcast3A_310, %sub3A_318 : vector<16xf32>
      %mul3A_320 = arith.mulf %mul3A_313, %mul3A_319 : vector<16xf32>
      %mul3A_321 = arith.mulf %mul3A_320, %mul3A_319 : vector<16xf32>
      %sub3A_322 = arith.constant 1.500000e+00 : f32
      %sub3A_323 = vector.broadcast %sub3A_322 : f32 to vector<16xf32>
      %sub3A_324 = arith.subf %sub3A_323, %mul3A_321 : vector<16xf32>
      %mul3A_325 = arith.mulf %mul3A_319, %sub3A_324 : vector<16xf32>
      %mul3A_326 = arith.mulf %mul3A_313, %mul3A_325 : vector<16xf32>
      %mul3A_327 = arith.mulf %mul3A_326, %mul3A_325 : vector<16xf32>
      %sub3A_328 = arith.constant 1.500000e+00 : f32
      %sub3A_329 = vector.broadcast %sub3A_328 : f32 to vector<16xf32>
      %sub3A_330 = arith.subf %sub3A_329, %mul3A_327 : vector<16xf32>
      %mul3A_331 = arith.mulf %mul3A_325, %sub3A_330 : vector<16xf32>
      %mul3A_332 = arith.mulf %add3A_302, %mul3A_331 : vector<16xf32>
      %neg3A_333 = arith.constant 0.000000e+00 : f32
      %neg3A_334 = vector.broadcast %neg3A_333 : f32 to vector<16xf32>
      %neg3A_335 = arith.subf %neg3A_334, %mul3A_332 : vector<16xf32>
      %swap3A_336 = arith.index_cast %mul3A_297 : i32 to index
      %swap3A_337 = tpu.vector_load %arg14[%swap3A_336] {strides = array<i32>} : memref<512xf32, #tpu.memory_space<vmem>>, vector<16xf32>,
      tpu.vector_store %arg14[%swap3A_336], %neg3A_335 {strides = array<i32>} : memref<512xf32, #tpu.memory_space<vmem>>, vector<16xf32>,
      %scan3A_338 = arith.constant 0 : i32
      %scan3A_339 = arith.constant 3 : i32
      %scan3A_340 = arith.addi %scan3A_210, %scan3A_339 : i32
      %mul3A_341 = arith.constant 16 : i32
      %mul3A_342 = arith.muli %scan3A_340, %mul3A_341 : i32
      %get3A_343 = arith.index_cast %mul3A_342 : i32 to index
      %get3A_344 = tpu.vector_load %arg14[%get3A_343] {strides = array<i32>} : memref<512xf32, #tpu.memory_space<vmem>>, vector<16xf32>,
      %add3A_345 = arith.constant 9.99999996E-13 : f32
      %add3A_346 = vector.broadcast %add3A_345 : f32 to vector<16xf32>
      %add3A_347 = arith.addf %get3A_344, %add3A_346 : vector<16xf32>
      %bitcast3A_348 = vector.bitcast %add3A_347 : vector<16xf32> to vector<16xi32>
      %shift_right_arithmetic3A_349 = arith.constant 1 : i32
      %shift_right_arithmetic3A_350 = vector.broadcast %shift_right_arithmetic3A_349 : i32 to vector<16xi32>
      %shift_right_arithmetic3A_351 = arith.shrsi %bitcast3A_348, %shift_right_arithmetic3A_350 : vector<16xi32>
      %sub3A_352 = arith.constant 1597463007 : i32
      %sub3A_353 = vector.broadcast %sub3A_352 : i32 to vector<16xi32>
      %sub3A_354 = arith.subi %sub3A_353, %shift_right_arithmetic3A_351 : vector<16xi32>
      %bitcast3A_355 = vector.bitcast %sub3A_354 : vector<16xi32> to vector<16xf32>
      %mul3A_356 = arith.constant 5.000000e-01 : f32
      %mul3A_357 = vector.broadcast %mul3A_356 : f32 to vector<16xf32>
      %mul3A_358 = arith.mulf %add3A_347, %mul3A_357 : vector<16xf32>
      %mul3A_359 = arith.mulf %mul3A_358, %bitcast3A_355 : vector<16xf32>
      %mul3A_360 = arith.mulf %mul3A_359, %bitcast3A_355 : vector<16xf32>
      %sub3A_361 = arith.constant 1.500000e+00 : f32
      %sub3A_362 = vector.broadcast %sub3A_361 : f32 to vector<16xf32>
      %sub3A_363 = arith.subf %sub3A_362, %mul3A_360 : vector<16xf32>
      %mul3A_364 = arith.mulf %bitcast3A_355, %sub3A_363 : vector<16xf32>
      %mul3A_365 = arith.mulf %mul3A_358, %mul3A_364 : vector<16xf32>
      %mul3A_366 = arith.mulf %mul3A_365, %mul3A_364 : vector<16xf32>
      %sub3A_367 = arith.constant 1.500000e+00 : f32
      %sub3A_368 = vector.broadcast %sub3A_367 : f32 to vector<16xf32>
      %sub3A_369 = arith.subf %sub3A_368, %mul3A_366 : vector<16xf32>
      %mul3A_370 = arith.mulf %mul3A_364, %sub3A_369 : vector<16xf32>
      %mul3A_371 = arith.mulf %mul3A_358, %mul3A_370 : vector<16xf32>
      %mul3A_372 = arith.mulf %mul3A_371, %mul3A_370 : vector<16xf32>
      %sub3A_373 = arith.constant 1.500000e+00 : f32
      %sub3A_374 = vector.broadcast %sub3A_373 : f32 to vector<16xf32>
      %sub3A_375 = arith.subf %sub3A_374, %mul3A_372 : vector<16xf32>
      %mul3A_376 = arith.mulf %mul3A_370, %sub3A_375 : vector<16xf32>
      %mul3A_377 = arith.mulf %add3A_347, %mul3A_376 : vector<16xf32>
      %neg3A_378 = arith.constant 0.000000e+00 : f32
      %neg3A_379 = vector.broadcast %neg3A_378 : f32 to vector<16xf32>
      %neg3A_380 = arith.subf %neg3A_379, %mul3A_377 : vector<16xf32>
      %swap3A_381 = arith.index_cast %mul3A_342 : i32 to index
      %swap3A_382 = tpu.vector_load %arg14[%swap3A_381] {strides = array<i32>} : memref<512xf32, #tpu.memory_space<vmem>>, vector<16xf32>,
      tpu.vector_store %arg14[%swap3A_381], %neg3A_380 {strides = array<i32>} : memref<512xf32, #tpu.memory_space<vmem>>, vector<16xf32>,
      %scan3A_383 = arith.constant 0 : i32
      scf.yield %scan3A_383 : i32
    }
    %scan3A_209 = arith.constant 32 : i32
    "tpu.region"() ({
      %run_scoped3A = tpu.sem_alloc : memref<!tpu.dma_semaphore, #tpu.memory_space<semaphore_mem>>
      %dma_start3A = tpu.memref_slice %arg7[%mul3A_2] : memref<16384xf32, #tpu.memory_space<hbm>> -> memref<512xf32, #tpu.memory_space<hbm>>
      %dma_start3A_210 = tpu.memref_slice %arg7[%mul3A_2] : memref<16384xf32, #tpu.memory_space<hbm>> -> memref<512xf32, #tpu.memory_space<hbm>>
      tpu.enqueue_dma source(%arg14 : memref<512xf32, #tpu.memory_space<vmem>>) target(%dma_start3A_210 : memref<512xf32, #tpu.memory_space<hbm>>) target_semaphore(%run_scoped3A : memref<!tpu.dma_semaphore, #tpu.memory_space<semaphore_mem>>)
      %dma_wait3A_211 = tpu.memref_slice %arg7[%mul3A_2] : memref<16384xf32, #tpu.memory_space<hbm>> -> memref<512xf32, #tpu.memory_space<hbm>>
      %dma_wait3A_212 = tpu.memref_slice %arg7[%mul3A_2] : memref<16384xf32, #tpu.memory_space<hbm>> -> memref<512xf32, #tpu.memory_space<hbm>>
      tpu.wait_dma2 semaphore(%run_scoped3A : memref<!tpu.dma_semaphore, #tpu.memory_space<semaphore_mem>>) src(%arg14 : memref<512xf32, #tpu.memory_space<vmem>>) dst(%dma_wait3A_212 : memref<512xf32, #tpu.memory_space<hbm>>)
      tpu.yield
    }) : () -> ()
    return
  }
}

module attributes {stable_mosaic.version = 14 : i64} {
  func.func @_tp_body(%arg0: i32, %arg1: memref<64x128xf32, #tpu.memory_space<vmem>>, %arg2: memref<64x64xf32, #tpu.memory_space<vmem>>, %arg3: memref<128x64xf32, #tpu.memory_space<vmem>>) attributes {dimension_semantics = [#tpu.dimension_semantics<arbitrary>], iteration_bounds = array<i64: 8>, scalar_prefetch = 0 : i64, scratch_operands = 0 : i64, tpu.core_type = #tpu.core_type<tc>, window_params = [{transform_indices = @transform_0, window_bounds = array<i64: 64, 128>}, {pipeline_mode = #tpu.pipeline_mode<synchronous>, transform_indices = @transform_1, window_bounds = array<i64: 64, 64>}, {transform_indices = @transform_2, window_bounds = array<i64: 128, 64>}]} {
    %get3A = arith.constant 0 : index
    %get3A_0 = arith.constant 0 : index
    %get3A_1 = vector.load %arg1[%get3A, %get3A_0] : memref<64x128xf32, #tpu.memory_space<vmem>>, vector<64x128xf32>
    %get3A_2 = arith.constant 0 : index
    %get3A_3 = arith.constant 0 : index
    %get3A_4 = vector.load %arg2[%get3A_2, %get3A_3] : memref<64x64xf32, #tpu.memory_space<vmem>>, vector<64x64xf32>
    %dot_general3A = arith.constant dense<0.000000e+00> : vector<128x64xf32>
    %dot_general3A_5 = tpu.matmul %get3A_1, %get3A_4, %dot_general3A {dimension_numbers = #tpu.dot_dimension_numbers<[0], [0], [1], [1], [0, 1, 1, 1], [], []>, transpose_lhs_hint = false} : vector<64x128xf32>, vector<64x64xf32>, vector<128x64xf32> -> vector<128x64xf32>
    %swap3A = arith.constant 0 : index
    %swap3A_6 = arith.constant 0 : index
    %swap3A_7 = vector.load %arg3[%swap3A, %swap3A_6] : memref<128x64xf32, #tpu.memory_space<vmem>>, vector<128x64xf32>
    tpu.vector_store %arg3[%swap3A, %swap3A_6], %dot_general3A_5 {strides = array<i32>} : memref<128x64xf32, #tpu.memory_space<vmem>>, vector<128x64xf32>,
    return
  }
  func.func @transform_0(%arg0: i32) -> (i32, i32) {
    %c0_i32 = arith.constant 0 : i32
    %c0_i32_0 = arith.constant 0 : i32
    return %c0_i32, %arg0 : i32, i32
  }
  func.func @transform_1(%arg0: i32) -> (i32, i32) {
    %c0_i32 = arith.constant 0 : i32
    %c0_i32_0 = arith.constant 0 : i32
    %c0_i32_1 = arith.constant 0 : i32
    return %c0_i32, %c0_i32_0 : i32, i32
  }
  func.func @transform_2(%arg0: i32) -> (i32, i32) {
    %c0_i32 = arith.constant 0 : i32
    %c0_i32_0 = arith.constant 0 : i32
    return %arg0, %c0_i32 : i32, i32
  }
}

module attributes {stable_mosaic.version = 14 : i64} {
  func.func @_tp_body(%arg0: i32, %arg1: memref<64x3968xf32, #tpu.memory_space<vmem>>, %arg2: memref<64x64xf32, #tpu.memory_space<vmem>>, %arg3: memref<3968x64xf32, #tpu.memory_space<vmem>>) attributes {dimension_semantics = [#tpu.dimension_semantics<arbitrary>], iteration_bounds = array<i64: 253>, scalar_prefetch = 0 : i64, scratch_operands = 0 : i64, tpu.core_type = #tpu.core_type<tc>, window_params = [{transform_indices = @transform_0, window_bounds = array<i64: 64, 3968>}, {pipeline_mode = #tpu.pipeline_mode<synchronous>, transform_indices = @transform_1, window_bounds = array<i64: 64, 64>}, {transform_indices = @transform_2, window_bounds = array<i64: 3968, 64>}]} {
    %get3A = arith.constant 0 : index
    %get3A_0 = arith.constant 0 : index
    %get3A_1 = vector.load %arg1[%get3A, %get3A_0] : memref<64x3968xf32, #tpu.memory_space<vmem>>, vector<64x3968xf32>
    %get3A_2 = arith.constant 0 : index
    %get3A_3 = arith.constant 0 : index
    %get3A_4 = vector.load %arg2[%get3A_2, %get3A_3] : memref<64x64xf32, #tpu.memory_space<vmem>>, vector<64x64xf32>
    %dot_general3A = arith.constant dense<0.000000e+00> : vector<3968x64xf32>
    %dot_general3A_5 = tpu.matmul %get3A_1, %get3A_4, %dot_general3A {dimension_numbers = #tpu.dot_dimension_numbers<[0], [0], [1], [1], [0, 1, 1, 1], [], []>, transpose_lhs_hint = false} : vector<64x3968xf32>, vector<64x64xf32>, vector<3968x64xf32> -> vector<3968x64xf32>
    %swap3A = arith.constant 0 : index
    %swap3A_6 = arith.constant 0 : index
    %swap3A_7 = vector.load %arg3[%swap3A, %swap3A_6] : memref<3968x64xf32, #tpu.memory_space<vmem>>, vector<3968x64xf32>
    tpu.vector_store %arg3[%swap3A, %swap3A_6], %dot_general3A_5 {strides = array<i32>} : memref<3968x64xf32, #tpu.memory_space<vmem>>, vector<3968x64xf32>,
    return
  }
  func.func @transform_0(%arg0: i32) -> (i32, i32) {
    %c0_i32 = arith.constant 0 : i32
    %c0_i32_0 = arith.constant 0 : i32
    return %c0_i32, %arg0 : i32, i32
  }
  func.func @transform_1(%arg0: i32) -> (i32, i32) {
    %c0_i32 = arith.constant 0 : i32
    %c0_i32_0 = arith.constant 0 : i32
    %c0_i32_1 = arith.constant 0 : i32
    return %c0_i32, %c0_i32_0 : i32, i32
  }
  func.func @transform_2(%arg0: i32) -> (i32, i32) {
    %c0_i32 = arith.constant 0 : i32
    %c0_i32_0 = arith.constant 0 : i32
    return %arg0, %c0_i32 : i32, i32
  }
}

</mosaic_0001>

<sc_bundles>
// kernel: _kge_score.5.cloned.1.call-start
scs
__scs_entry_jumppad:
0x0: {  	(pc) =	sbr.rel $0x88, $3  }
0x1: {  	(tag) =	ssettag $0x0;
	lr =	simm.s32 $0x1  }
0x2: {  	[smem:$0x3F9C] =	sst lr;
	_ =	strace $0xD0000000  }
0x3: {  	_ = 	snop  }
0x4: {  	_ = 	snop  }
0x5: {  	_ = 	snop  }
0x6: {  	_ = 	snop  }
0x7: {  	_ = 	snop  }
__scs_overlays_trampoline_lowered:
0x8: {  	[smem:$0x3FAB] =	sst s0  }
0x9: {  	[smem:$0x3FAC] =	sst s1  }
0xa: {  	[smem:$0x3FAD] =	sst s2  }
0xb: {  	[smem:$0x3FAE] =	sst s3  }
0xc: {  	[smem:$0x3FAF] =	sst s4  }
0xd: {  	[smem:$0x3FB0] =	sst s5  }
0xe: {  	[smem:$0x3FB1] =	sst s6  }
0xf: {  	[smem:$0x3FB2] =	sst s7  }
0x10: {  	[smem:$0x3FB3] =	sst s8  }
0x11: {  	[smem:$0x3FB4] =	sst s9;
	s0 =	simm.s32 @!p0 $0x0  }
0x12: {  	s1 =	sld [smem:$0x3F9A];
	s0 =	simm.s32 @p0 $0x1  }
0x13: {  	[smem:$0x3FB5] =	sst s0;
	s0 =	simm.s32 @!p1 $0x0  }
0x14: {  	s2 =	sld [smem:$0x3F99];
	s0 =	simm.s32 @p1 $0x1  }
0x15: {  	[smem:$0x3FB6] =	sst s0;
	s0 =	simm.s32 @!p2 $0x0  }
0x16: {  	s3 =	sld [smem:$0x3FDB];
	s0 =	simm.s32 @p2 $0x1  }
0x17: {  	s4 =	simm.s32 $0x1BF5;
	[smem:$0x3FB8] =	sst s0  }
0x18: {  	s0 =	sld [smem:$0x3F9B];
	_ =	swait.ge [sflag:s4], $0x0  }
0x19: {  	s7 =	sld [smem:$0x3F9C]  }
0x1a: {  	s8 =	sadd.s32 $0xFFFFE003, lr  }
0x1b: {  	s9 =	sadd.s32 $0xFFFFFEF7, lr;
	s5 =	simm.s32 $0xFFFFFFFF;
	p2 =	slt.u32 s8, $0xFFFFF086  }
0x1c: {  	p1 =	slt.u32 s9, $0xF7A;
	s5 =	simm.s32 @!p2 $0x0  }
0x1d: {  	s5 =	simm.s32 @p1 $0x1;
	p0 =	seq.s32 s7, s2  }
0x1e: {  	s7 =	smul.u32 @!p0 $0xF7A, s2;
	p2 =	seq.s32 @!p0 s5, $0x0  }
0x1f: {  	s9 =	smul.u32 $0xF7A, s1;
	s8 =	simm.s32 @!p0 $0x1BF5;
	p2 =	por !p2, p0  }
0x20: {  	[sflag:s8] =	ssyncset.s32 @!p0 $0xFFFFF086;
	s6 =	sadd.s32 @!p0 s3, s7;
	s7 =	simm.s32 @!p0 $0x108  }
0x21: {  	s3 =	sadd.s32 s3, s9;
	s6 =	sadd.s32 @!p0 $0x88, s6;
	s7 =	simm.s32 @p2 $0x1082  }
0x22: {  	[simem:s7], [sflag:s8] =	dma.local @!p0 [hbm:s6], $0xF7A  }
0x23: {  	s9 =	sor.u32 $0xD0000000, s2;
	s6 =	simm.s32 $0x108;
	_ =	swait.ge @!p0 [sflag:s8], $0x0  }
0x24: {  	s3 =	sadd.s32 $0x88, s3;
	s6 =	simm.s32 @!p1 $0x1082;
	[sflag:s4] =	ssyncset.s32 $0xFFFFF086  }
0x25: {  	[simem:s6], [sflag:s4] =	dma.local [hbm:s3], $0xF7A  }
0x26: {  	[smem:$0x3F9C] =	sst s1;
	(tag) =	ssettag s2;
	_ =	strace s9  }
0x27: {  	s1 =	sld [smem:$0x3FAC]  }
0x28: {  	s2 =	sld [smem:$0x3FAD]  }
0x29: {  	s4 =	sld [smem:$0x3FAF]  }
0x2a: {  	p0 =	seq.s32 s5, $0x0;
	s5 =	sld [smem:$0x3FB0]  }
0x2b: {  	s6 =	sld [smem:$0x3FB1]  }
0x2c: {  	s7 =	sld [smem:$0x3FB2]  }
0x2d: {  	s3 =	simm.s32 $0x108;
	s8 =	sld [smem:$0x3FB3]  }
0x2e: {  	s3 =	simm.s32 @!p0 $0x1082;
	s9 =	sld [smem:$0x3FB4]  }
0x2f: {  	lr =	sadd.s32 s0, s3;
	s0 =	sld [smem:$0x3FAB]  }
0x30: {  	s3 =	sld [smem:$0x3FAE]  }
0x31: {  	[smem:$0x3FB7] =	sst s10  }
0x32: {  	s10 =	sld [smem:$0x3FB5];
	_ =	sdelay $0x3  }
0x33: {  	p0 =	seq.s32 s10, $0x1;
	s10 =	sld [smem:$0x3FB7];
	_ =	sdelay $0x3  }
0x34: {  	[smem:$0x3FB7] =	sst s10  }
0x35: {  	s10 =	sld [smem:$0x3FB6];
	_ =	sdelay $0x3  }
0x36: {  	p1 =	seq.s32 s10, $0x1;
	s10 =	sld [smem:$0x3FB7];
	_ =	sdelay $0x3  }
0x37: {  	[smem:$0x3FB7] =	sst s10  }
0x38: {  	s10 =	sld [smem:$0x3FB8]  }
0x39: {  	_ = 	snop;
	(pc) =	sbr.ind lr, $3  }
0x3a: {  	_ = 	snop  }
0x3b: {  	_ = 	snop  }
0x3c: {  	p2 =	seq.s32 s10, $0x1;
	s10 =	sld [smem:$0x3FB7]  }
0x3d: {  	_ =	shalt  }
0x3e: {  	_ =	shalt  }
0x3f: {  	_ =	shalt  }
0x40: {  	_ =	shalt  }
0x41: {  	_ =	shalt  }
0x42: {  	_ =	shalt  }
0x43: {  	_ =	shalt  }
0x44: {  	_ =	shalt  }
0x45: {  	_ =	shalt  }
0x46: {  	_ =	shalt  }
0x47: {  	_ =	shalt  }
0x48: {  	_ =	shalt  }
0x49: {  	_ =	shalt  }
0x4a: {  	_ =	shalt  }
0x4b: {  	_ =	shalt  }
0x4c: {  	_ =	shalt  }
0x4d: {  	_ =	shalt  }
0x4e: {  	_ =	shalt  }
0x4f: {  	_ =	shalt  }
0x50: {  	_ =	shalt  }
0x51: {  	_ =	shalt  }
0x52: {  	_ =	shalt  }
0x53: {  	_ =	shalt  }
0x54: {  	_ =	shalt  }
0x55: {  	_ =	shalt  }
0x56: {  	_ =	shalt  }
0x57: {  	_ =	shalt  }
0x58: {  	_ =	shalt  }
0x59: {  	_ =	shalt  }
0x5a: {  	_ =	shalt  }
0x5b: {  	_ =	shalt  }
0x5c: {  	_ =	shalt  }
0x5d: {  	_ =	shalt  }
0x5e: {  	_ =	shalt  }
0x5f: {  	_ =	shalt  }
0x60: {  	_ =	shalt  }
0x61: {  	_ =	shalt  }
0x62: {  	_ =	shalt  }
0x63: {  	_ =	shalt  }
0x64: {  	_ =	shalt  }
0x65: {  	_ =	shalt  }
0x66: {  	_ =	shalt  }
0x67: {  	_ =	shalt  }
0x68: {  	_ =	shalt  }
0x69: {  	_ =	shalt  }
0x6a: {  	_ =	shalt  }
0x6b: {  	_ =	shalt  }
0x6c: {  	_ =	shalt  }
0x6d: {  	_ =	shalt  }
0x6e: {  	_ =	shalt  }
0x6f: {  	_ =	shalt  }
0x70: {  	_ =	shalt  }
0x71: {  	_ =	shalt  }
0x72: {  	_ =	shalt  }
0x73: {  	_ =	shalt  }
0x74: {  	_ =	shalt  }
0x75: {  	_ =	shalt  }
0x76: {  	_ =	shalt  }
0x77: {  	_ =	shalt  }
0x78: {  	_ =	shalt  }
0x79: {  	_ =	shalt  }
0x7a: {  	_ =	shalt  }
0x7b: {  	_ =	shalt  }
0x7c: {  	_ =	shalt  }
0x7d: {  	_ =	shalt  }
0x7e: {  	_ =	shalt  }
0x7f: {  	_ =	shalt  }
0x80: {  	_ =	shalt  }
0x81: {  	_ =	shalt  }
0x82: {  	_ =	shalt  }
0x83: {  	_ =	shalt  }
0x84: {  	_ =	shalt  }
0x85: {  	_ =	shalt  }
0x86: {  	_ =	shalt  }
0x87: {  	_ =	shalt  }
.Lfunc_end0:
.L_simem_size_0:
called_computation_lowered:
.L_overlay_start_0:
0x88: {  	s2 =	sld [smem:$0x3FD9]  }
0x89: {  	s3 =	sld [smem:$0x3FFE];
	_ =	sdelay $0x1  }
0x8a: {  	s1 =	srdreg.scid  }
0x8b: {  	s0 =	sand.u32 $0x1, s1  }
0x8c: {  	s17 =	sshll.u32 s0, $0xA;
	s2 =	sadd.s32 s3, s2  }
0x8d: {  	s2 =	sadd.s32 s2, s17  }
0x8e: {  	[smem:$0x3FC3] =	sst s2  }
0x8f: {  	_ = 	snop  }
0x90: {  	s2 =	sld [smem:$0x3FC9]  }
0x91: {  	s18 =	sld [smem:$0x3FC8]  }
0x92: {  	s4 =	sld [smem:$0x3FC7]  }
0x93: {  	s5 =	sld [smem:$0x3FD0];
	(tm) =	ssettm $0x1  }
0x94: {  	s6 =	sld [smem:$0x3FFB];
	_ =	sdelay $0x3  }
0x95: {  	_ =	strace s6  }
0x96: {  	s6 =	sld [smem:$0x3FFC];
	_ =	sdelay $0x3  }
0x97: {  	_ =	strace s6  }
0x98: {  	s6 =	sld [smem:$0x3FFD];
	_ =	sdelay $0x3  }
0x99: {  	_ =	strace s6  }
0x9a: {  	_ =	strace $0x8FFFFFFF  }
0x9b: {  	s19 =	sld [smem:$0x3FDB];
	_ =	sdelay $0x1  }
0x9c: {  	s7 =	simm.s32 $_scs_section_size  }
0x9d: {  	s8 =	simm.s32 $_size__tile_overlayer_lowered;
	s9 =	simm.s32 $_tile_overlayer_lowered  }
0x9e: {  	s22 =	simm.s32 $0x1BFF;
	s21 =	sshll.u32 s9, $0x1;
	s6 =	sadd.s32 s7, s19  }
0x9f: {  	s10 =	simm.s32 $0x0;
	s20 =	sshll.u32 s8, $0x1;
	s8 =	sadd.s32 s21, s6  }
0xa0: {  	[timem:s10], [sflag:s22] =	dma.local [hbm:s8], s20  }
0xa1: {  	_ =	swait.ge [sflag:s22], s20  }
0xa2: {  	s7 =	ssub.s32 $0x0, s20;
	[sflag:s22] =	ssyncset.done $0x0  }
0xa3: {  	[sflag:s22] =	ssyncadd.s32 s7;
	_ =	sdelay $0x1  }
0xa4: {  	s23 =	simm.s32 $0x1B8B  }
0xa5: {  	_ =	swait.ge [sflag:s23], $0x1  }
0xa6: {  	[sflag:s23] =	ssyncset.done $0x0  }
0xa7: {  	s25 =	simm.s32 $0x1B8E;
	s24 =	sld [smem:$0x3FFE];
	[sflag:s23] =	ssyncadd.s32 $0xFFFFFFFF  }
0xa8: {  	s26 =	simm.s32 $execute0_lowered;
	[smem:$0x3FD2] =	sst s25  }
0xa9: {  	s8 =	sshll.u32 s26, $0x1;
	_ =	strace $0x80000046;
	[dreg:$0x1] =	wrdreg $0xFFFFFFFF  }
0xaa: {  	s28 =	simm.s32 $_size_execute0_lowered;
	s6 =	sadd.s32 s6, s8;
	[dreg:$0x0] =	wrdreg $0x0  }
0xab: {  	s8 =	sshll.u32 s28, $0x1;
	[dreg:$0x2] =	wrdreg s6  }
0xac: {  	[dreg:$0x3] =	wrdreg s8  }
0xad: {  	[dreg:$0x4] =	wrdreg $0xC0  }
0xae: {  	_ =	task [dreg:s10], $0x5FFFF  }
0xaf: {  	[dreg:$0x1] =	wrdreg $0xFFFFFFFF  }
0xb0: {  	[dreg:$0x0] =	wrdreg $0x60  }
0xb1: {  	[dreg:$0x2] =	wrdreg s2  }
0xb2: {  	[dreg:$0x3] =	wrdreg s18  }
0xb3: {  	[dreg:$0x4] =	wrdreg s4  }
0xb4: {  	[dreg:$0x5] =	wrdreg s24  }
0xb5: {  	[dreg:$0x6] =	wrdreg s5  }
0xb6: {  	[dreg:$0x7] =	wrdreg $0x9  }
0xb7: {  	_ =	task.clear_ibuf [dreg:s10], $0x8FFFF;
	_ =	strace $0x90000046  }
0xb8: {  	s29 =	simm.s32 $0x9;
	_ =	strace $0x80000048  }
0xb9: {  	_ =	swait.ge [sflag:s29], $0x1  }
0xba: {  	[sflag:s29] =	ssyncadd.s32 $0xFFFFFFFF  }
0xbb: {  	_ =	strace $0x90000048  }
0xbc: {  	_ =	sfence  }
0xbd: {  	s30 =	sld [smem:$0x0];
	_ =	sdelay $0x2  }
0xbe: {  	s31 =	sshll.u32 s1, $0xD;
	s1 =	sshrl.u32 s1, $0x2  }
0xbf: {  	s3 =	sand.u32 $0x4000, s31;
	s1 =	sadd.s32 s1, s30  }
0xc0: {  	s0 =	sor.u32 s3, s0;
	s1 =	sshll.u32 s1, $0x11  }
0xc1: {  	s0 =	sor.u32 s1, s0  }
0xc2: {  	s0 =	sadd.s32 $0x8F2B, s0  }
0xc3: {  	[sflag:s0] =	ssyncadd.remote.s32 $0x1  }
0xc4: {  	_ =	sfence.sel $0xFFFF  }
0xc5: {  	[dreg:$0x0] =	wrdreg $0xFFFFFFFF;
	(pc) =	sbr.abs _section_cstart, $3  }
0xc6: {  	[dreg:$0x1] =	wrdreg $0xFFFFFFFF  }
0xc7: {  	_ =	task.clear_ibuf [dreg:s10], $0x2FFFF;
	_ =	strace $0x9FFFFFFF  }
0xc8: {  	(tm) =	ssettm $0x7FFFFFFF  }
0xc9: {  	_ =	shalt  }
tec
execute0_lowered:
.L_overlay_start_1:
0x0: {  	(tag) =	ssettag $0x1  }
0x1: {  	s5 =	rddreg [dreg:$0x0]  }
0x2: {  	s6 =	rddreg [dreg:$0x1]  }
0x3: {  	s7 =	rddreg [dreg:$0x2]  }
0x4: {  	s4 =	rddreg [dreg:$0x3]  }
0x5: {  	s8 =	rddreg [dreg:$0x4];
	s1 =	simm.s32 $0x0;
	s2 =	srdreg.scid  }
0x6: {  	s13 =	simm.s32 $0x1;
	s14 =	simm.s32 $0x18780;
	s15 =	simm.s32 $0x2  }
0x7: {  	s16 =	simm.s32 $0x0;
	[smem:$0x7FF] =	sst s1;
	s9 =	sand.u32 $0x1, s2  }
0x8: {  	s3 =	sadd.s32 $0x4800, s4;
	s2 =	stileid.u32;
	s4 =	sadd.s32 $0x800, s4  }
0x9: {  	s10 =	ssub.s32 $0x2, s9;
	s12 =	sshll.u32 s2, $0x7;
	s9 =	sshll.u32 s9, $0x6  }
0xa: {  	_ =	strace $0x80000047;
	s11 =	sshrl.u32 s10, $0x1;
	s9 =	sor.u32 s9, s12  }
0xb: {  	s12 =	simm.s32 $0x500;
	s10 =	ssub.s32 s10, s11;
	s5 =	sadd.s32 s5, s9  }
0xc: {  	s6 =	sadd.s32 s6, s9;
	s7 =	sadd.s32 s7, s9;
	s8 =	sadd.s32 s8, s9  }
0xd: {  	vm0 =	vcmask $0x3F3C;
	s11 =	simm.s32 $0x280;
	s9 =	smax.u32 s10, $0x1;
	s10 =	simm.s32 $0x3  }
.LBB2_1:
0xe: {  	[tilespmem:s1], [sflag:$0x3] =	stream.linear.gather [hbm4b:s5+s1], $0x200, $0x38;
	[tilespmem:$0x18980] =	vst v63  }
0xf: {  	_ =	swait.ge [sflag:s10], $0x200  }
0x10: {  	[sflag:s10] =	ssyncset.done $0x0  }
0x11: {  	[sflag:s10] =	ssyncadd.s32 $0xFFFFFE00  }
0x12: {  	[tilespmem:s11], [sflag:$0x3] =	stream.linear.gather [hbm4b:s6+s1], $0x200, $0x38;
	[tilespmem:$0x18980] =	vst v63  }
0x13: {  	_ =	swait.ge [sflag:s10], $0x200  }
0x14: {  	[sflag:s10] =	ssyncset.done $0x0  }
0x15: {  	[sflag:s10] =	ssyncadd.s32 $0xFFFFFE00  }
0x16: {  	[tilespmem:s12], [sflag:$0x3] =	stream.linear.gather [hbm4b:s7+s1], $0x200, $0x38;
	[tilespmem:$0x18980] =	vst v63  }
0x17: {  	_ =	swait.ge [sflag:s10], $0x200  }
0x18: {  	[sflag:s10] =	ssyncset.done $0x0  }
0x19: {  	[sflag:s10] =	ssyncadd.s32 $0xFFFFFE00  }
0x1a: {  	s17 =	simm.s32 $0x282;
	v0 =	vld [tilespmem:s15+$0xFFFFFFFE]  }
0x1b: {  	s18 =	simm.s32 $0x502;
	v1 =	vld [tilespmem:s17+$0xFFFFFFFE]  }
0x1c: {  	v2 =	vld [tilespmem:s18+$0xFFFFFFFE];
	_ =	sdelay $0x2  }
0x1d: {  	(v2sf) =	vpush v0, $0x0  }
0x1e: {  	(v2sf) =	vpush v1, $0x0  }
0x1f: {  	(v2sf) =	vpush v2, $0x0;
	_ =	sdelay $0xc  }
0x20: {  	s19 =	spop (v2sf)  }
0x21: {  	s20 =	simm.s32 $0x780;
	s19 =	sshll.u32 s19, $0x4;
	s21 =	spop (v2sf)  }
0x22: {  	s19 =	sand.u32 $0x1FFFFFF0, s19;
	s21 =	sshll.u32 s21, $0x4;
	s22 =	spop (v2sf)  }
0x23: {  	s19 =	sadd.s32 s3, s19;
	s21 =	sand.u32 $0x1FFFFFF0, s21;
	s22 =	sshll.u32 s22, $0x4  }
0x24: {  	[tilespmem:s20], [sflag:$0x1] =	stream.linear.gather [hbm4b:s19+s1], $0x80, $0x38;
	[tilespmem:$0x18980] =	vst v63  }
0x25: {  	s20 =	simm.s32 $0x8780;
	s21 =	sadd.s32 s4, s21;
	s22 =	sand.u32 $0x1FFFFFF0, s22  }
0x26: {  	[tilespmem:s20], [sflag:$0x1] =	stream.linear.gather [hbm4b:s21+s1], $0x80, $0x38;
	[tilespmem:$0x18980] =	vst v63  }
0x27: {  	s23 =	simm.s32 $0x10780;
	s24 =	sadd.s32 s3, s22  }
0x28: {  	[tilespmem:s23], [sflag:$0x1] =	stream.linear.gather [hbm4b:s24+s1], $0x80, $0x38;
	[tilespmem:$0x18980] =	vst v63  }
0x29: {  	v55 =	vld [tilespmem:s15+$0xFFFFFFFF]  }
0x2a: {  	v56 =	vld [tilespmem:s17+$0xFFFFFFFF]  }
0x2b: {  	v57 =	vld [tilespmem:s18+$0xFFFFFFFF];
	_ =	sdelay $0x2  }
0x2c: {  	(v2sf) =	vpush v55, $0x0  }
0x2d: {  	(v2sf) =	vpush v56, $0x0  }
0x2e: {  	(v2sf) =	vpush v57, $0x0;
	_ =	sdelay $0xc  }
0x2f: {  	s25 =	spop (v2sf)  }
0x30: {  	s26 =	simm.s32 $0x800;
	s19 =	sshll.u32 s25, $0x4;
	s28 =	spop (v2sf)  }
0x31: {  	s19 =	sand.u32 $0x1FFFFFF0, s19;
	s21 =	sshll.u32 s28, $0x4;
	s29 =	spop (v2sf)  }
0x32: {  	s19 =	sadd.s32 s3, s19;
	s21 =	sand.u32 $0x1FFFFFF0, s21;
	s22 =	sshll.u32 s29, $0x4  }
0x33: {  	[tilespmem:s26], [sflag:$0x1] =	stream.linear.gather [hbm4b:s19+s1], $0x80, $0x38;
	[tilespmem:$0x18980] =	vst v63  }
0x34: {  	s30 =	simm.s32 $0x8800;
	s31 =	sadd.s32 s4, s21;
	s0 =	sand.u32 $0x1FFFFFF0, s22  }
0x35: {  	[tilespmem:s30], [sflag:$0x1] =	stream.linear.gather [hbm4b:s31+s1], $0x80, $0x38;
	[tilespmem:$0x18980] =	vst v63  }
0x36: {  	s20 =	simm.s32 $0x10800;
	s21 =	sadd.s32 s3, s0  }
0x37: {  	[tilespmem:s20], [sflag:$0x1] =	stream.linear.gather [hbm4b:s21+s1], $0x80, $0x38;
	[tilespmem:$0x18980] =	vst v63  }
0x38: {  	v58 =	vld [tilespmem:s15+$0x0]  }
0x39: {  	v59 =	vld [tilespmem:s17+$0x0]  }
0x3a: {  	v60 =	vld [tilespmem:s18+$0x0];
	_ =	sdelay $0x2  }
0x3b: {  	(v2sf) =	vpush v58, $0x0  }
0x3c: {  	(v2sf) =	vpush v59, $0x0  }
0x3d: {  	(v2sf) =	vpush v60, $0x0;
	_ =	sdelay $0xc  }
0x3e: {  	s22 =	spop (v2sf)  }
0x3f: {  	s23 =	simm.s32 $0x880;
	s19 =	sshll.u32 s22, $0x4;
	s24 =	spop (v2sf)  }
0x40: {  	s19 =	sand.u32 $0x1FFFFFF0, s19;
	s21 =	sshll.u32 s24, $0x4;
	s25 =	spop (v2sf)  }
0x41: {  	s19 =	sadd.s32 s3, s19;
	s21 =	sand.u32 $0x1FFFFFF0, s21;
	s22 =	sshll.u32 s25, $0x4  }
0x42: {  	[tilespmem:s23], [sflag:$0x1] =	stream.linear.gather [hbm4b:s19+s1], $0x80, $0x38;
	[tilespmem:$0x18980] =	vst v63  }
0x43: {  	s26 =	simm.s32 $0x8880;
	s28 =	sadd.s32 s4, s21;
	s29 =	sand.u32 $0x1FFFFFF0, s22  }
0x44: {  	[tilespmem:s26], [sflag:$0x1] =	stream.linear.gather [hbm4b:s28+s1], $0x80, $0x38;
	[tilespmem:$0x18980] =	vst v63  }
0x45: {  	s30 =	simm.s32 $0x10880;
	s31 =	sadd.s32 s3, s29  }
0x46: {  	[tilespmem:s30], [sflag:$0x1] =	stream.linear.gather [hbm4b:s31+s1], $0x80, $0x38;
	[tilespmem:$0x18980] =	vst v63  }
0x47: {  	v61 =	vld [tilespmem:s15+$0x1]  }
0x48: {  	v62 =	vld [tilespmem:s17+$0x1]  }
0x49: {  	v63 =	vld [tilespmem:s18+$0x1];
	_ =	sdelay $0x2  }
0x4a: {  	(v2sf) =	vpush v61, $0x0  }
0x4b: {  	(v2sf) =	vpush v62, $0x0  }
0x4c: {  	(v2sf) =	vpush v63, $0x0;
	_ =	sdelay $0x4  }
0x4d: {  	s20 =	simm.s32 $0x0;
	s19 =	simm.s32 $0x506;
	s21 =	simm.s32 $0x0  }
0x4e: {  	s22 =	simm.s32 $0x2;
	s17 =	simm.s32 $0x0;
	s18 =	simm.s32 $0x286  }
.LBB2_2:
0x4f: {  	s17 =	sadd.s32 $0x4, s17;
	s21 =	sadd.s32 $0x800, s21;
	s22 =	sadd.s32 $0x4, s22  }
0x50: {  	p0 =	slt.u32 s17, $0x7C;
	_ =	sdelay $0x4  }
0x51: {  	s23 =	spop (v2sf)  }
0x52: {  	s24 =	sadd.s32 $0x900, s20;
	s23 =	sshll.u32 s23, $0x4;
	s25 =	spop (v2sf)  }
0x53: {  	s23 =	sand.u32 $0x1FFFFFF0, s23;
	s25 =	sshll.u32 s25, $0x4;
	s26 =	spop (v2sf)  }
0x54: {  	s23 =	sadd.s32 s3, s23;
	s25 =	sand.u32 $0x1FFFFFF0, s25;
	s26 =	sshll.u32 s26, $0x4  }
0x55: {  	[tilespmem:s24], [sflag:$0x1] =	stream.linear.gather [hbm4b:s23+s1], $0x80, $0x38;
	[tilespmem:$0x18980] =	vst v63  }
0x56: {  	s23 =	sadd.s32 $0x8900, s20;
	s24 =	sadd.s32 s4, s25;
	s25 =	sand.u32 $0x1FFFFFF0, s26  }
0x57: {  	[tilespmem:s23], [sflag:$0x1] =	stream.linear.gather [hbm4b:s24+s1], $0x80, $0x38;
	[tilespmem:$0x18980] =	vst v63  }
0x58: {  	s20 =	sadd.s32 $0x10900, s20;
	s23 =	sadd.s32 s3, s25  }
0x59: {  	[tilespmem:s20], [sflag:$0x1] =	stream.linear.gather [hbm4b:s23+s1], $0x80, $0x38;
	[tilespmem:$0x18980] =	vst v63  }
0x5a: {  	v0 =	vld [tilespmem:s22+$0xFFFFFFFE]  }
0x5b: {  	v1 =	vld [tilespmem:s18+$0xFFFFFFFE]  }
0x5c: {  	v2 =	vld [tilespmem:s19+$0xFFFFFFFE];
	_ =	sdelay $0x2  }
0x5d: {  	(v2sf) =	vpush v0, $0x0  }
0x5e: {  	(v2sf) =	vpush v1, $0x0  }
0x5f: {  	(v2sf) =	vpush v2, $0x0;
	_ =	sdelay $0x2  }
0x60: {  	s20 =	sshra.s32 s21, $0x2;
	_ =	sdelay $0x2  }
0x61: {  	s23 =	sadd.s32 $0x780, s20;
	_ =	sdelay $0x6  }
0x62: {  	s24 =	spop (v2sf)  }
0x63: {  	s25 =	sadd.s32 $0x10780, s20;
	s24 =	sshll.u32 s24, $0x4;
	s26 =	spop (v2sf)  }
0x64: {  	s24 =	sand.u32 $0x1FFFFFF0, s24;
	s26 =	sshll.u32 s26, $0x4;
	s28 =	spop (v2sf)  }
0x65: {  	s24 =	sadd.s32 s3, s24;
	s26 =	sand.u32 $0x1FFFFFF0, s26;
	s28 =	sshll.u32 s28, $0x4  }
0x66: {  	[tilespmem:s23], [sflag:$0x1] =	stream.linear.gather [hbm4b:s24+s1], $0x80, $0x38;
	[tilespmem:$0x18980] =	vst v63  }
0x67: {  	s23 =	sadd.s32 $0x8780, s20;
	s24 =	sadd.s32 s4, s26;
	s26 =	sand.u32 $0x1FFFFFF0, s28  }
0x68: {  	[tilespmem:s23], [sflag:$0x1] =	stream.linear.gather [hbm4b:s24+s1], $0x80, $0x38;
	[tilespmem:$0x18980] =	vst v63  }
0x69: {  	s23 =	sadd.s32 s3, s26  }
0x6a: {  	[tilespmem:s25], [sflag:$0x1] =	stream.linear.gather [hbm4b:s23+s1], $0x80, $0x38;
	[tilespmem:$0x18980] =	vst v63  }
0x6b: {  	v0 =	vld [tilespmem:s22+$0xFFFFFFFF]  }
0x6c: {  	v1 =	vld [tilespmem:s18+$0xFFFFFFFF]  }
0x6d: {  	v2 =	vld [tilespmem:s19+$0xFFFFFFFF];
	_ =	sdelay $0x2  }
0x6e: {  	(v2sf) =	vpush v0, $0x0  }
0x6f: {  	(v2sf) =	vpush v1, $0x0  }
0x70: {  	(v2sf) =	vpush v2, $0x0;
	_ =	sdelay $0xc  }
0x71: {  	s23 =	sadd.s32 $0x10800, s20;
	s24 =	spop (v2sf)  }
0x72: {  	s25 =	sadd.s32 $0x800, s20;
	s24 =	sshll.u32 s24, $0x4;
	s26 =	spop (v2sf)  }
0x73: {  	s24 =	sand.u32 $0x1FFFFFF0, s24;
	s26 =	sshll.u32 s26, $0x4;
	s28 =	spop (v2sf)  }
0x74: {  	s24 =	sadd.s32 s3, s24;
	s26 =	sand.u32 $0x1FFFFFF0, s26;
	s28 =	sshll.u32 s28, $0x4  }
0x75: {  	[tilespmem:s25], [sflag:$0x1] =	stream.linear.gather [hbm4b:s24+s1], $0x80, $0x38;
	[tilespmem:$0x18980] =	vst v63  }
0x76: {  	s24 =	sadd.s32 $0x8800, s20;
	s25 =	sadd.s32 s4, s26;
	s26 =	sand.u32 $0x1FFFFFF0, s28  }
0x77: {  	[tilespmem:s24], [sflag:$0x1] =	stream.linear.gather [hbm4b:s25+s1], $0x80, $0x38;
	[tilespmem:$0x18980] =	vst v63  }
0x78: {  	s24 =	sadd.s32 s3, s26  }
0x79: {  	[tilespmem:s23], [sflag:$0x1] =	stream.linear.gather [hbm4b:s24+s1], $0x80, $0x38;
	[tilespmem:$0x18980] =	vst v63  }
0x7a: {  	v0 =	vld [tilespmem:s22+$0x0]  }
0x7b: {  	v1 =	vld [tilespmem:s18+$0x0]  }
0x7c: {  	v2 =	vld [tilespmem:s19+$0x0];
	_ =	sdelay $0x2  }
0x7d: {  	(v2sf) =	vpush v0, $0x0  }
0x7e: {  	(v2sf) =	vpush v1, $0x0  }
0x7f: {  	(v2sf) =	vpush v2, $0x0;
	_ =	sdelay $0xc  }
0x80: {  	s23 =	sadd.s32 $0x10880, s20;
	s24 =	spop (v2sf)  }
0x81: {  	s25 =	sadd.s32 $0x880, s20;
	s24 =	sshll.u32 s24, $0x4;
	s26 =	spop (v2sf)  }
0x82: {  	s24 =	sand.u32 $0x1FFFFFF0, s24;
	s26 =	sshll.u32 s26, $0x4;
	s28 =	spop (v2sf)  }
0x83: {  	s24 =	sadd.s32 s3, s24;
	s26 =	sand.u32 $0x1FFFFFF0, s26;
	s28 =	sshll.u32 s28, $0x4  }
0x84: {  	[tilespmem:s25], [sflag:$0x1] =	stream.linear.gather [hbm4b:s24+s1], $0x80, $0x38;
	[tilespmem:$0x18980] =	vst v63  }
0x85: {  	s24 =	sadd.s32 $0x8880, s20;
	s25 =	sadd.s32 s4, s26;
	s26 =	sand.u32 $0x1FFFFFF0, s28  }
0x86: {  	[tilespmem:s24], [sflag:$0x1] =	stream.linear.gather [hbm4b:s25+s1], $0x80, $0x38;
	[tilespmem:$0x18980] =	vst v63  }
0x87: {  	s24 =	sadd.s32 s3, s26  }
0x88: {  	[tilespmem:s23], [sflag:$0x1] =	stream.linear.gather [hbm4b:s24+s1], $0x80, $0x38;
	[tilespmem:$0x18980] =	vst v63  }
0x89: {  	v0 =	vld [tilespmem:s22+$0x1]  }
0x8a: {  	v1 =	vld [tilespmem:s18+$0x1]  }
0x8b: {  	v2 =	vld [tilespmem:s19+$0x1];
	_ =	sdelay $0x2  }
0x8c: {  	(v2sf) =	vpush v0, $0x0  }
0x8d: {  	(v2sf) =	vpush v1, $0x0  }
0x8e: {  	(v2sf) =	vpush v2, $0x0;
	_ =	sdelay $0x1  }
.Ltmp0:
0x8f: {  	(pc) =	sbr.rel @p0 .LBB2_2-.Ltmp0, $2  }
0x90: {  	_ =	sdelay $0x2  }
0x91: {  	s18 =	sadd.s32 $0x4, s18;
	s19 =	sadd.s32 $0x4, s19  }
0x92: {  	_ =	sdelay $0x5  }
0x93: {  	s17 =	spop (v2sf)  }
0x94: {  	s18 =	sadd.s32 $0x900, s20;
	s17 =	sshll.u32 s17, $0x4;
	s19 =	spop (v2sf)  }
0x95: {  	s17 =	sand.u32 $0x1FFFFFF0, s17;
	s19 =	sshll.u32 s19, $0x4;
	s21 =	spop (v2sf)  }
0x96: {  	s17 =	sadd.s32 s3, s17;
	s19 =	sand.u32 $0x1FFFFFF0, s19;
	s21 =	sshll.u32 s21, $0x4  }
0x97: {  	[tilespmem:s18], [sflag:$0x1] =	stream.linear.gather [hbm4b:s17+s1], $0x80, $0x38;
	[tilespmem:$0x18980] =	vst v63  }
0x98: {  	s26 =	sadd.s32 $0x8900, s20;
	s28 =	sadd.s32 s4, s19;
	s29 =	sand.u32 $0x1FFFFFF0, s21  }
0x99: {  	[tilespmem:s26], [sflag:$0x1] =	stream.linear.gather [hbm4b:s28+s1], $0x80, $0x38;
	[tilespmem:$0x18980] =	vst v63  }
0x9a: {  	s30 =	sadd.s32 $0x10900, s20;
	s31 =	sadd.s32 s3, s29  }
0x9b: {  	[tilespmem:s30], [sflag:$0x1] =	stream.linear.gather [hbm4b:s31+s1], $0x80, $0x38;
	[tilespmem:$0x18980] =	vst v63  }
0x9c: {  	_ =	swait.ge [sflag:s13], $0x4000  }
0x9d: {  	[sflag:s13] =	ssyncset.done $0x0  }
0x9e: {  	[sflag:s13] =	ssyncadd.s32 $0xFFFFC000  }
0x9f: {  	_ =	swait.ge [sflag:s13], $0x4000  }
0xa0: {  	[sflag:s13] =	ssyncset.done $0x0  }
0xa1: {  	[sflag:s13] =	ssyncadd.s32 $0xFFFFC000  }
0xa2: {  	_ =	swait.ge [sflag:s13], $0x4000  }
0xa3: {  	[sflag:s13] =	ssyncset.done $0x0  }
0xa4: {  	s21 =	simm.s32 $0x83;
	[sflag:s13] =	ssyncadd.s32 $0xFFFFC000  }
0xa5: {  	s18 =	simm.s32 $0x303;
	v0 =	vld [tilespmem:s21+$0xFFFFFFFD]  }
0xa6: {  	s19 =	simm.s32 $0x583;
	v1 =	vld [tilespmem:s18+$0xFFFFFFFD]  }
0xa7: {  	v2 =	vld [tilespmem:s19+$0xFFFFFFFD];
	_ =	sdelay $0x2  }
0xa8: {  	(v2sf) =	vpush v0, $0x0  }
0xa9: {  	(v2sf) =	vpush v1, $0x0  }
0xaa: {  	(v2sf) =	vpush v2, $0x0;
	_ =	sdelay $0xc  }
0xab: {  	s22 =	simm.s32 $0x4780;
	s0 =	spop (v2sf)  }
0xac: {  	s17 =	simm.s32 $0x0;
	s20 =	sshll.u32 s0, $0x4;
	s23 =	spop (v2sf)  }
0xad: {  	s20 =	sand.u32 $0x1FFFFFF0, s20;
	s23 =	sshll.u32 s23, $0x4;
	s24 =	spop (v2sf)  }
0xae: {  	s20 =	sadd.s32 s3, s20;
	s23 =	sand.u32 $0x1FFFFFF0, s23;
	s24 =	sshll.u32 s24, $0x4  }
0xaf: {  	[tilespmem:s22], [sflag:$0x2] =	stream.linear.gather [hbm4b:s20+s17], $0x80, $0x38;
	[tilespmem:$0x18980] =	vst v63  }
0xb0: {  	s22 =	simm.s32 $0xC780;
	s23 =	sadd.s32 s4, s23;
	s25 =	sand.u32 $0x1FFFFFF0, s24  }
0xb1: {  	[tilespmem:s22], [sflag:$0x2] =	stream.linear.gather [hbm4b:s23+s17], $0x80, $0x38;
	[tilespmem:$0x18980] =	vst v63  }
0xb2: {  	s26 =	simm.s32 $0x14780;
	s28 =	sadd.s32 s3, s25  }
0xb3: {  	[tilespmem:s26], [sflag:$0x2] =	stream.linear.gather [hbm4b:s28+s17], $0x80, $0x38;
	[tilespmem:$0x18980] =	vst v63  }
0xb4: {  	v55 =	vld [tilespmem:s21+$0xFFFFFFFE]  }
0xb5: {  	v56 =	vld [tilespmem:s18+$0xFFFFFFFE]  }
0xb6: {  	v57 =	vld [tilespmem:s19+$0xFFFFFFFE];
	_ =	sdelay $0x2  }
0xb7: {  	(v2sf) =	vpush v55, $0x0  }
0xb8: {  	(v2sf) =	vpush v56, $0x0  }
0xb9: {  	(v2sf) =	vpush v57, $0x0;
	_ =	sdelay $0xc  }
0xba: {  	s29 =	spop (v2sf)  }
0xbb: {  	s30 =	simm.s32 $0x4800;
	s20 =	sshll.u32 s29, $0x4;
	s31 =	spop (v2sf)  }
0xbc: {  	s20 =	sand.u32 $0x1FFFFFF0, s20;
	s23 =	sshll.u32 s31, $0x4;
	s0 =	spop (v2sf)  }
0xbd: {  	s20 =	sadd.s32 s3, s20;
	s23 =	sand.u32 $0x1FFFFFF0, s23;
	s24 =	sshll.u32 s0, $0x4  }
0xbe: {  	[tilespmem:s30], [sflag:$0x2] =	stream.linear.gather [hbm4b:s20+s17], $0x80, $0x38;
	[tilespmem:$0x18980] =	vst v63  }
0xbf: {  	s25 =	simm.s32 $0xC800;
	s26 =	sadd.s32 s4, s23;
	s28 =	sand.u32 $0x1FFFFFF0, s24  }
0xc0: {  	[tilespmem:s25], [sflag:$0x2] =	stream.linear.gather [hbm4b:s26+s17], $0x80, $0x38;
	[tilespmem:$0x18980] =	vst v63  }
0xc1: {  	s29 =	simm.s32 $0x14800;
	s30 =	sadd.s32 s3, s28  }
0xc2: {  	[tilespmem:s29], [sflag:$0x2] =	stream.linear.gather [hbm4b:s30+s17], $0x80, $0x38;
	[tilespmem:$0x18980] =	vst v63  }
0xc3: {  	v58 =	vld [tilespmem:s21+$0xFFFFFFFF]  }
0xc4: {  	v59 =	vld [tilespmem:s18+$0xFFFFFFFF]  }
0xc5: {  	v60 =	vld [tilespmem:s19+$0xFFFFFFFF];
	_ =	sdelay $0x2  }
0xc6: {  	(v2sf) =	vpush v58, $0x0  }
0xc7: {  	(v2sf) =	vpush v59, $0x0  }
0xc8: {  	(v2sf) =	vpush v60, $0x0;
	_ =	sdelay $0xc  }
0xc9: {  	s31 =	spop (v2sf)  }
0xca: {  	s0 =	simm.s32 $0x4880;
	s20 =	sshll.u32 s31, $0x4;
	s24 =	spop (v2sf)  }
0xcb: {  	s20 =	sand.u32 $0x1FFFFFF0, s20;
	s23 =	sshll.u32 s24, $0x4;
	s25 =	spop (v2sf)  }
0xcc: {  	s20 =	sadd.s32 s3, s20;
	s23 =	sand.u32 $0x1FFFFFF0, s23;
	s24 =	sshll.u32 s25, $0x4  }
0xcd: {  	[tilespmem:s0], [sflag:$0x2] =	stream.linear.gather [hbm4b:s20+s17], $0x80, $0x38;
	[tilespmem:$0x18980] =	vst v63  }
0xce: {  	s26 =	simm.s32 $0xC880;
	s28 =	sadd.s32 s4, s23;
	s29 =	sand.u32 $0x1FFFFFF0, s24  }
0xcf: {  	[tilespmem:s26], [sflag:$0x2] =	stream.linear.gather [hbm4b:s28+s17], $0x80, $0x38;
	[tilespmem:$0x18980] =	vst v63  }
0xd0: {  	s30 =	simm.s32 $0x14880;
	s31 =	sadd.s32 s3, s29  }
0xd1: {  	[tilespmem:s30], [sflag:$0x2] =	stream.linear.gather [hbm4b:s31+s17], $0x80, $0x38;
	[tilespmem:$0x18980] =	vst v63  }
0xd2: {  	v61 =	vld [tilespmem:s21+$0x0]  }
0xd3: {  	v62 =	vld [tilespmem:s18+$0x0]  }
0xd4: {  	v63 =	vld [tilespmem:s19+$0x0];
	_ =	sdelay $0x2  }
0xd5: {  	(v2sf) =	vpush v61, $0x0  }
0xd6: {  	(v2sf) =	vpush v62, $0x0  }
0xd7: {  	(v2sf) =	vpush v63, $0x0;
	_ =	sdelay $0x3  }
0xd8: {  	s22 =	simm.s32 $0x0;
	s25 =	simm.s32 $0x587  }
0xd9: {  	s23 =	simm.s32 $0x0;
	s24 =	simm.s32 $0x307;
	s20 =	simm.s32 $0x8880  }
0xda: {  	s26 =	simm.s32 $0x0;
	s18 =	simm.s32 $0x10880;
	s19 =	simm.s32 $0x880  }
.LBB2_4:
0xdb: {  	s22 =	sadd.s32 $0x4, s22;
	s26 =	sadd.s32 $0x800, s26;
	s21 =	sadd.s32 $0x4, s21  }
0xdc: {  	p0 =	slt.u32 s22, $0x7C;
	_ =	sdelay $0x4  }
0xdd: {  	s28 =	spop (v2sf)  }
0xde: {  	s29 =	sadd.s32 $0x4900, s23;
	s28 =	sshll.u32 s28, $0x4;
	s30 =	spop (v2sf)  }
0xdf: {  	s28 =	sand.u32 $0x1FFFFFF0, s28;
	s30 =	sshll.u32 s30, $0x4;
	s31 =	spop (v2sf)  }
0xe0: {  	s28 =	sadd.s32 s3, s28;
	s30 =	sand.u32 $0x1FFFFFF0, s30;
	s31 =	sshll.u32 s31, $0x4  }
0xe1: {  	[tilespmem:s29], [sflag:$0x2] =	stream.linear.gather [hbm4b:s28+s17], $0x80, $0x38;
	[tilespmem:$0x18980] =	vst v63  }
0xe2: {  	s28 =	sadd.s32 $0xC900, s23;
	s29 =	sadd.s32 s4, s30;
	s30 =	sand.u32 $0x1FFFFFF0, s31  }
0xe3: {  	[tilespmem:s28], [sflag:$0x2] =	stream.linear.gather [hbm4b:s29+s17], $0x80, $0x38;
	[tilespmem:$0x18980] =	vst v63  }
0xe4: {  	s23 =	sadd.s32 $0x14900, s23;
	s28 =	sadd.s32 s3, s30  }
0xe5: {  	[tilespmem:s23], [sflag:$0x2] =	stream.linear.gather [hbm4b:s28+s17], $0x80, $0x38;
	[tilespmem:$0x18980] =	vst v63  }
0xe6: {  	v0 =	vld [tilespmem:s21+$0xFFFFFFFD]  }
0xe7: {  	v1 =	vld [tilespmem:s24+$0xFFFFFFFD]  }
0xe8: {  	v2 =	vld [tilespmem:s25+$0xFFFFFFFD];
	_ =	sdelay $0x2  }
0xe9: {  	(v2sf) =	vpush v0, $0x0  }
0xea: {  	(v2sf) =	vpush v1, $0x0  }
0xeb: {  	(v2sf) =	vpush v2, $0x0;
	_ =	sdelay $0x2  }
0xec: {  	s23 =	sshra.s32 s26, $0x2;
	_ =	sdelay $0x2  }
0xed: {  	s28 =	sadd.s32 $0x4780, s23;
	_ =	sdelay $0x6  }
0xee: {  	s29 =	spop (v2sf)  }
0xef: {  	s30 =	sadd.s32 $0x14780, s23;
	s29 =	sshll.u32 s29, $0x4;
	s31 =	spop (v2sf)  }
0xf0: {  	s29 =	sand.u32 $0x1FFFFFF0, s29;
	s31 =	sshll.u32 s31, $0x4;
	s0 =	spop (v2sf)  }
0xf1: {  	s29 =	sadd.s32 s3, s29;
	s31 =	sand.u32 $0x1FFFFFF0, s31;
	s0 =	sshll.u32 s0, $0x4  }
0xf2: {  	[tilespmem:s28], [sflag:$0x2] =	stream.linear.gather [hbm4b:s29+s17], $0x80, $0x38;
	[tilespmem:$0x18980] =	vst v63  }
0xf3: {  	s28 =	sadd.s32 $0xC780, s23;
	s29 =	sadd.s32 s4, s31;
	s0 =	sand.u32 $0x1FFFFFF0, s0  }
0xf4: {  	[tilespmem:s28], [sflag:$0x2] =	stream.linear.gather [hbm4b:s29+s17], $0x80, $0x38;
	[tilespmem:$0x18980] =	vst v63  }
0xf5: {  	s0 =	sadd.s32 s3, s0  }
0xf6: {  	[tilespmem:s30], [sflag:$0x2] =	stream.linear.gather [hbm4b:s0+s17], $0x80, $0x38;
	[tilespmem:$0x18980] =	vst v63  }
0xf7: {  	v0 =	vld [tilespmem:s21+$0xFFFFFFFE]  }
0xf8: {  	v1 =	vld [tilespmem:s24+$0xFFFFFFFE]  }
0xf9: {  	v2 =	vld [tilespmem:s25+$0xFFFFFFFE];
	_ =	sdelay $0x2  }
0xfa: {  	(v2sf) =	vpush v0, $0x0  }
0xfb: {  	(v2sf) =	vpush v1, $0x0  }
0xfc: {  	(v2sf) =	vpush v2, $0x0;
	_ =	sdelay $0xc  }
0xfd: {  	s0 =	sadd.s32 $0x14800, s23;
	s28 =	spop (v2sf)  }
0xfe: {  	s29 =	sadd.s32 $0x4800, s23;
	s28 =	sshll.u32 s28, $0x4;
	s30 =	spop (v2sf)  }
0xff: {  	s28 =	sand.u32 $0x1FFFFFF0, s28;
	s30 =	sshll.u32 s30, $0x4;
	s31 =	spop (v2sf)  }
0x100: {  	s28 =	sadd.s32 s3, s28;
	s30 =	sand.u32 $0x1FFFFFF0, s30;
	s31 =	sshll.u32 s31, $0x4  }
0x101: {  	[tilespmem:s29], [sflag:$0x2] =	stream.linear.gather [hbm4b:s28+s17], $0x80, $0x38;
	[tilespmem:$0x18980] =	vst v63  }
0x102: {  	s28 =	sadd.s32 $0xC800, s23;
	s29 =	sadd.s32 s4, s30;
	s30 =	sand.u32 $0x1FFFFFF0, s31  }
0x103: {  	[tilespmem:s28], [sflag:$0x2] =	stream.linear.gather [hbm4b:s29+s17], $0x80, $0x38;
	[tilespmem:$0x18980] =	vst v63  }
0x104: {  	s28 =	sadd.s32 s3, s30  }
0x105: {  	[tilespmem:s0], [sflag:$0x2] =	stream.linear.gather [hbm4b:s28+s17], $0x80, $0x38;
	[tilespmem:$0x18980] =	vst v63  }
0x106: {  	v0 =	vld [tilespmem:s21+$0xFFFFFFFF]  }
0x107: {  	v1 =	vld [tilespmem:s24+$0xFFFFFFFF]  }
0x108: {  	v2 =	vld [tilespmem:s25+$0xFFFFFFFF];
	_ =	sdelay $0x2  }
0x109: {  	(v2sf) =	vpush v0, $0x0  }
0x10a: {  	(v2sf) =	vpush v1, $0x0  }
0x10b: {  	(v2sf) =	vpush v2, $0x0;
	_ =	sdelay $0xc  }
0x10c: {  	s0 =	sadd.s32 $0x14880, s23;
	s28 =	spop (v2sf)  }
0x10d: {  	s29 =	sadd.s32 $0x4880, s23;
	s28 =	sshll.u32 s28, $0x4;
	s30 =	spop (v2sf)  }
0x10e: {  	s28 =	sand.u32 $0x1FFFFFF0, s28;
	s30 =	sshll.u32 s30, $0x4;
	s31 =	spop (v2sf)  }
0x10f: {  	s28 =	sadd.s32 s3, s28;
	s30 =	sand.u32 $0x1FFFFFF0, s30;
	s31 =	sshll.u32 s31, $0x4  }
0x110: {  	[tilespmem:s29], [sflag:$0x2] =	stream.linear.gather [hbm4b:s28+s17], $0x80, $0x38;
	[tilespmem:$0x18980] =	vst v63  }
0x111: {  	s28 =	sadd.s32 $0xC880, s23;
	s29 =	sadd.s32 s4, s30;
	s30 =	sand.u32 $0x1FFFFFF0, s31  }
0x112: {  	[tilespmem:s28], [sflag:$0x2] =	stream.linear.gather [hbm4b:s29+s17], $0x80, $0x38;
	[tilespmem:$0x18980] =	vst v63  }
0x113: {  	s28 =	sadd.s32 s3, s30  }
0x114: {  	[tilespmem:s0], [sflag:$0x2] =	stream.linear.gather [hbm4b:s28+s17], $0x80, $0x38;
	[tilespmem:$0x18980] =	vst v63  }
0x115: {  	v0 =	vld [tilespmem:s21+$0x0]  }
0x116: {  	v1 =	vld [tilespmem:s24+$0x0]  }
0x117: {  	v2 =	vld [tilespmem:s25+$0x0];
	_ =	sdelay $0x2  }
0x118: {  	(v2sf) =	vpush v0, $0x0  }
0x119: {  	(v2sf) =	vpush v1, $0x0  }
0x11a: {  	(v2sf) =	vpush v2, $0x0;
	_ =	sdelay $0x1  }
.Ltmp1:
0x11b: {  	(pc) =	sbr.rel @p0 .LBB2_4-.Ltmp1, $2  }
0x11c: {  	_ =	sdelay $0x2  }
0x11d: {  	s24 =	sadd.s32 $0x4, s24;
	s25 =	sadd.s32 $0x4, s25  }
0x11e: {  	_ =	sdelay $0x5  }
0x11f: {  	s0 =	spop (v2sf)  }
0x120: {  	s21 =	sadd.s32 $0x4900, s23;
	s0 =	sshll.u32 s0, $0x4;
	s22 =	spop (v2sf)  }
0x121: {  	s0 =	sand.u32 $0x1FFFFFF0, s0;
	s22 =	sshll.u32 s22, $0x4;
	s24 =	spop (v2sf)  }
0x122: {  	s0 =	sadd.s32 s3, s0;
	s22 =	sand.u32 $0x1FFFFFF0, s22;
	s24 =	sshll.u32 s24, $0x4  }
0x123: {  	[tilespmem:s21], [sflag:$0x2] =	stream.linear.gather [hbm4b:s0+s17], $0x80, $0x38;
	[tilespmem:$0x18980] =	vst v63  }
0x124: {  	s21 =	sadd.s32 $0xC900, s23;
	s25 =	sadd.s32 s4, s22;
	s26 =	sand.u32 $0x1FFFFFF0, s24  }
0x125: {  	[tilespmem:s21], [sflag:$0x2] =	stream.linear.gather [hbm4b:s25+s17], $0x80, $0x38;
	[tilespmem:$0x18980] =	vst v63  }
0x126: {  	s28 =	sadd.s32 $0x14900, s23;
	s29 =	sadd.s32 s3, s26  }
0x127: {  	[tilespmem:s28], [sflag:$0x2] =	stream.linear.gather [hbm4b:s29+s17], $0x80, $0x38;
	[tilespmem:$0x18980] =	vst v63  }
0x128: {  	v0 =	vld [tilespmem:s18+$0xFFFFFF20]  }
0x129: {  	v1 =	vld [tilespmem:s20+$0xFFFFFF20]  }
0x12a: {  	v2 =	vld [tilespmem:s19+$0xFFFFFF20]  }
0x12b: {  	v3 =	vld [tilespmem:s19+$0xFFFFFF00]  }
0x12c: {  	v4 =	vld [tilespmem:s20+$0xFFFFFF10]  }
0x12d: {  	v5 =	vld [tilespmem:s19+$0xFFFFFF10]  }
0x12e: {  	v6 =	vld [tilespmem:s20+$0xFFFFFF00]  }
0x12f: {  	v7 =	vld [tilespmem:s18+$0xFFFFFF10]  }
0x130: {  	v8 =	vld [tilespmem:s18+$0xFFFFFF00]  }
0x131: {  	v9 =	vld [tilespmem:s20+$0xFFFFFF30]  }
0x132: {  	v10 =	vld [tilespmem:s19+$0xFFFFFF30]  }
0x133: {  	v4 =	vadd.f32 v4, v5;
	v3 =	vadd.f32 v6, v3  }
0x134: {  	v1 =	vadd.f32 v1, v2;
	v2 =	vld [tilespmem:s18+$0xFFFFFF30]  }
0x135: {  	v3 =	vsub.f32 v3, v8;
	v4 =	vsub.f32 v4, v7  }
0x136: {  	v0 =	vsub.f32 v1, v0  }
0x137: {  	v1 =	vmul.f32 v3, v3;
	v3 =	vmul.f32 v4, v4;
	v4 =	vadd.f32 v9, v10;
	_ =	sdelay $0x1  }
0x138: {  	v0 =	vmul.f32 v0, v0;
	v1 =	vadd.f32 v3, v1;
	v2 =	vsub.f32 v4, v2;
	_ =	sdelay $0x1  }
0x139: {  	v0 =	vadd.f32 v0, v1;
	v1 =	vmul.f32 v2, v2;
	_ =	sdelay $0x1  }
0x13a: {  	v0 =	vadd.f32 v1, v0;
	_ =	sdelay $0x1  }
0x13b: {  	(xrf2) =	vadd.scan.msk.f32 $0xffff, v0;
	_ =	sdelay $0x2  }
0x13c: {  	v0 =	vmov s17  }
0x13d: {  	v0 =	vand.u32 $0xFFFFFFFC, v0  }
0x13e: {  	v0 =	vbroadcast v0, $0x0;
	_ =	sdelay $0x4  }
0x13f: {  	v1, _, _ =	vpop (xrf2)  }
0x140: {  	[tilespmem:v0+s14+$0x0] =	vst.idx.msk vm0, v1  }
0x141: {  	v0 =	vld [tilespmem:s18+$0xFFFFFFA0]  }
0x142: {  	v1 =	vld [tilespmem:s20+$0xFFFFFFA0]  }
0x143: {  	v2 =	vld [tilespmem:s19+$0xFFFFFFA0]  }
0x144: {  	v3 =	vld [tilespmem:s20+$0xFFFFFF90]  }
0x145: {  	v4 =	vld [tilespmem:s19+$0xFFFFFF80]  }
0x146: {  	v5 =	vld [tilespmem:s19+$0xFFFFFF90]  }
0x147: {  	v6 =	vld [tilespmem:s20+$0xFFFFFF80]  }
0x148: {  	v7 =	vld [tilespmem:s18+$0xFFFFFF90]  }
0x149: {  	v55 =	vld [tilespmem:s18+$0xFFFFFF80]  }
0x14a: {  	v56 =	vld [tilespmem:s20+$0xFFFFFFB0]  }
0x14b: {  	v57 =	vld [tilespmem:s19+$0xFFFFFFB0]  }
0x14c: {  	v3 =	vadd.f32 v3, v5;
	v4 =	vadd.f32 v6, v4  }
0x14d: {  	v1 =	vadd.f32 v1, v2;
	v2 =	vld [tilespmem:s18+$0xFFFFFFB0]  }
0x14e: {  	v3 =	vsub.f32 v3, v7;
	v4 =	vsub.f32 v4, v55  }
0x14f: {  	v0 =	vsub.f32 v1, v0  }
0x150: {  	v1 =	vmul.f32 v4, v4;
	v3 =	vmul.f32 v3, v3;
	v4 =	vadd.f32 v56, v57;
	_ =	sdelay $0x1  }
0x151: {  	v0 =	vmul.f32 v0, v0;
	v1 =	vadd.f32 v3, v1;
	v2 =	vsub.f32 v4, v2;
	_ =	sdelay $0x1  }
0x152: {  	v0 =	vadd.f32 v0, v1;
	v1 =	vmul.f32 v2, v2;
	_ =	sdelay $0x1  }
0x153: {  	v0 =	vadd.f32 v1, v0;
	_ =	sdelay $0x1  }
0x154: {  	(xrf2) =	vadd.scan.msk.f32 $0xffff, v0;
	_ =	sdelay $0x1  }
0x155: {  	s30 =	simm.s32 $0x1  }
0x156: {  	v0 =	vmov s30  }
0x157: {  	v0 =	vand.u32 $0xFFFFFFFD, v0  }
0x158: {  	v0 =	vbroadcast v0, $0x0;
	_ =	sdelay $0x4  }
0x159: {  	v1, _, _ =	vpop (xrf2)  }
0x15a: {  	[tilespmem:v0+s14+$0x0] =	vst.idx.msk vm0, v1  }
0x15b: {  	v0 =	vld [tilespmem:s19+$0x20]  }
0x15c: {  	v1 =	vld [tilespmem:s18+$0x0]  }
0x15d: {  	v2 =	vld [tilespmem:s20+$0x20]  }
0x15e: {  	v3 =	vld [tilespmem:s20+$0x10]  }
0x15f: {  	v4 =	vld [tilespmem:s19+$0x0]  }
0x160: {  	v5 =	vld [tilespmem:s20+$0x0]  }
0x161: {  	v6 =	vld [tilespmem:s19+$0x10]  }
0x162: {  	v7 =	vld [tilespmem:s18+$0x20]  }
0x163: {  	v58 =	vld [tilespmem:s18+$0x10]  }
0x164: {  	v59 =	vld [tilespmem:s20+$0x30]  }
0x165: {  	v60 =	vld [tilespmem:s19+$0x30]  }
0x166: {  	v4 =	vadd.f32 v5, v4;
	v3 =	vadd.f32 v3, v6  }
0x167: {  	v0 =	vadd.f32 v2, v0;
	v2 =	vld [tilespmem:s18+$0x30]  }
0x168: {  	v1 =	vsub.f32 v4, v1;
	v3 =	vsub.f32 v3, v58  }
0x169: {  	v0 =	vsub.f32 v0, v7  }
0x16a: {  	v4 =	vadd.f32 v59, v60;
	v1 =	vmul.f32 v1, v1;
	v3 =	vmul.f32 v3, v3;
	_ =	sdelay $0x1  }
0x16b: {  	v0 =	vmul.f32 v0, v0;
	v2 =	vsub.f32 v4, v2;
	v1 =	vadd.f32 v3, v1;
	_ =	sdelay $0x1  }
0x16c: {  	v0 =	vadd.f32 v0, v1;
	v1 =	vmul.f32 v2, v2;
	_ =	sdelay $0x1  }
0x16d: {  	v0 =	vadd.f32 v1, v0;
	_ =	sdelay $0x1  }
0x16e: {  	(xrf2) =	vadd.scan.msk.f32 $0xffff, v0;
	_ =	sdelay $0x1  }
0x16f: {  	s31 =	simm.s32 $0x2  }
0x170: {  	v0 =	vmov s31  }
0x171: {  	v0 =	vand.u32 $0xFFFFFFFE, v0  }
0x172: {  	v0 =	vbroadcast v0, $0x0;
	_ =	sdelay $0x4  }
0x173: {  	v1, _, _ =	vpop (xrf2)  }
0x174: {  	[tilespmem:v0+s14+$0x0] =	vst.idx.msk vm0, v1  }
0x175: {  	v0 =	vld [tilespmem:s20+$0xA0]  }
0x176: {  	v1 =	vld [tilespmem:s19+$0xA0]  }
0x177: {  	v2 =	vld [tilespmem:s20+$0x80]  }
0x178: {  	v3 =	vld [tilespmem:s20+$0xB0]  }
0x179: {  	v4 =	vld [tilespmem:s18+$0x80]  }
0x17a: {  	v5 =	vld [tilespmem:s19+$0x80]  }
0x17b: {  	v6 =	vld [tilespmem:s20+$0x90]  }
0x17c: {  	v7 =	vld [tilespmem:s19+$0x90]  }
0x17d: {  	v61 =	vld [tilespmem:s18+$0xA0]  }
0x17e: {  	v62 =	vld [tilespmem:s19+$0xB0]  }
0x17f: {  	v63 =	vld [tilespmem:s18+$0x90]  }
0x180: {  	v2 =	vadd.f32 v2, v5;
	v0 =	vadd.f32 v0, v1;
	v1 =	vld [tilespmem:s18+$0xB0];
	_ =	sdelay $0x1  }
0x181: {  	v5 =	vadd.f32 v6, v7;
	v4 =	vsub.f32 v2, v4  }
0x182: {  	v3 =	vadd.f32 v3, v62;
	v2 =	vsub.f32 v0, v61  }
0x183: {  	s21 =	simm.s32 $0x4;
	v0 =	vmul.f32 v4, v4;
	v4 =	vsub.f32 v5, v63  }
.LBB2_6:
0x184: {  	v2 =	vmul.f32 v2, v2;
	v1 =	vsub.f32 v3, v1;
	s20 =	sadd.s32 $0x200, s20;
	s18 =	sadd.s32 $0x200, s18;
	s19 =	sadd.s32 $0x200, s19  }
0x185: {  	p0 =	slt.u32 s21, $0x7C;
	s0 =	smov.u32 s21;
	s21 =	sadd.s32 $0x4, s21;
	v3 =	vmul.f32 v4, v4  }
0x186: {  	v1 =	vmul.f32 v1, v1  }
0x187: {  	v0 =	vadd.f32 v3, v0;
	_ =	sdelay $0x1  }
0x188: {  	v0 =	vadd.f32 v2, v0;
	_ =	sdelay $0x1  }
0x189: {  	v0 =	vadd.f32 v1, v0;
	_ =	sdelay $0x1  }
0x18a: {  	(xrf2) =	vadd.scan.msk.f32 $0xffff, v0;
	_ =	sdelay $0x2  }
0x18b: {  	s22 =	sadd.s32 $0x3, s17;
	s17 =	smov.u32 s0  }
0x18c: {  	v0 =	vmov s22;
	_ =	sdelay $0x5  }
0x18d: {  	v1, _, _ =	vpop (xrf2)  }
0x18e: {  	[tilespmem:v0+s14+$0x0] =	vst.idx.msk vm0, v1  }
0x18f: {  	v0 =	vld [tilespmem:s18+$0xFFFFFF20]  }
0x190: {  	v1 =	vld [tilespmem:s20+$0xFFFFFF20]  }
0x191: {  	v2 =	vld [tilespmem:s19+$0xFFFFFF20]  }
0x192: {  	v3 =	vld [tilespmem:s19+$0xFFFFFF00]  }
0x193: {  	v4 =	vld [tilespmem:s20+$0xFFFFFF10]  }
0x194: {  	v5 =	vld [tilespmem:s19+$0xFFFFFF10]  }
0x195: {  	v6 =	vld [tilespmem:s20+$0xFFFFFF00]  }
0x196: {  	v7 =	vld [tilespmem:s18+$0xFFFFFF10];
	v1 =	vadd.f32 v1, v2  }
0x197: {  	v2 =	vld [tilespmem:s18+$0xFFFFFF00]  }
0x198: {  	v0 =	vsub.f32 v1, v0;
	v1 =	vld [tilespmem:s20+$0xFFFFFF30]  }
0x199: {  	v4 =	vadd.f32 v4, v5;
	v5 =	vld [tilespmem:s19+$0xFFFFFF30]  }
0x19a: {  	v3 =	vadd.f32 v6, v3  }
0x19b: {  	v6 =	vld [tilespmem:s18+$0xFFFFFF30]  }
0x19c: {  	v2 =	vsub.f32 v3, v2;
	v3 =	vsub.f32 v4, v7;
	_ =	sdelay $0x1  }
0x19d: {  	v2 =	vmul.f32 v2, v2;
	v3 =	vmul.f32 v3, v3;
	v1 =	vadd.f32 v1, v5;
	_ =	sdelay $0x1  }
0x19e: {  	v0 =	vmul.f32 v0, v0;
	v2 =	vadd.f32 v3, v2;
	v1 =	vsub.f32 v1, v6;
	_ =	sdelay $0x1  }
0x19f: {  	v0 =	vadd.f32 v0, v2;
	v1 =	vmul.f32 v1, v1;
	_ =	sdelay $0x1  }
0x1a0: {  	v0 =	vadd.f32 v1, v0;
	_ =	sdelay $0x1  }
0x1a1: {  	(xrf2) =	vadd.scan.msk.f32 $0xffff, v0;
	_ =	sdelay $0x2  }
0x1a2: {  	v0 =	vmov s17  }
0x1a3: {  	v0 =	vand.u32 $0xFFFFFFFC, v0  }
0x1a4: {  	v0 =	vbroadcast v0, $0x0;
	_ =	sdelay $0x4  }
0x1a5: {  	v1, _, _ =	vpop (xrf2)  }
0x1a6: {  	[tilespmem:v0+s14+$0x0] =	vst.idx.msk vm0, v1  }
0x1a7: {  	v0 =	vld [tilespmem:s18+$0xFFFFFFA0]  }
0x1a8: {  	v1 =	vld [tilespmem:s20+$0xFFFFFFA0]  }
0x1a9: {  	v2 =	vld [tilespmem:s19+$0xFFFFFFA0]  }
0x1aa: {  	v3 =	vld [tilespmem:s20+$0xFFFFFF90]  }
0x1ab: {  	v4 =	vld [tilespmem:s19+$0xFFFFFF80]  }
0x1ac: {  	v5 =	vld [tilespmem:s19+$0xFFFFFF90]  }
0x1ad: {  	v6 =	vld [tilespmem:s20+$0xFFFFFF80]  }
0x1ae: {  	v7 =	vld [tilespmem:s18+$0xFFFFFF90];
	v1 =	vadd.f32 v1, v2  }
0x1af: {  	v2 =	vld [tilespmem:s18+$0xFFFFFF80]  }
0x1b0: {  	v0 =	vsub.f32 v1, v0;
	v1 =	vld [tilespmem:s20+$0xFFFFFFB0]  }
0x1b1: {  	v3 =	vadd.f32 v3, v5;
	v5 =	vld [tilespmem:s19+$0xFFFFFFB0]  }
0x1b2: {  	v4 =	vadd.f32 v6, v4  }
0x1b3: {  	v3 =	vsub.f32 v3, v7;
	v6 =	vld [tilespmem:s18+$0xFFFFFFB0]  }
0x1b4: {  	v2 =	vsub.f32 v4, v2;
	_ =	sdelay $0x1  }
0x1b5: {  	v3 =	vmul.f32 v3, v3;
	v2 =	vmul.f32 v2, v2;
	v1 =	vadd.f32 v1, v5;
	_ =	sdelay $0x1  }
0x1b6: {  	v0 =	vmul.f32 v0, v0;
	v2 =	vadd.f32 v3, v2;
	v1 =	vsub.f32 v1, v6;
	_ =	sdelay $0x1  }
0x1b7: {  	v0 =	vadd.f32 v0, v2;
	v1 =	vmul.f32 v1, v1;
	_ =	sdelay $0x1  }
0x1b8: {  	v0 =	vadd.f32 v1, v0;
	_ =	sdelay $0x1  }
0x1b9: {  	(xrf2) =	vadd.scan.msk.f32 $0xffff, v0;
	_ =	sdelay $0x1  }
0x1ba: {  	s0 =	sadd.s32 $0x1, s17  }
0x1bb: {  	v0 =	vmov s0  }
0x1bc: {  	v0 =	vand.u32 $0xFFFFFFFD, v0  }
0x1bd: {  	v0 =	vbroadcast v0, $0x0;
	_ =	sdelay $0x4  }
0x1be: {  	v1, _, _ =	vpop (xrf2)  }
0x1bf: {  	[tilespmem:v0+s14+$0x0] =	vst.idx.msk vm0, v1  }
0x1c0: {  	v0 =	vld [tilespmem:s19+$0x20]  }
0x1c1: {  	v1 =	vld [tilespmem:s18+$0x0]  }
0x1c2: {  	v2 =	vld [tilespmem:s20+$0x20]  }
0x1c3: {  	v3 =	vld [tilespmem:s20+$0x10]  }
0x1c4: {  	v4 =	vld [tilespmem:s19+$0x0]  }
0x1c5: {  	v5 =	vld [tilespmem:s20+$0x0]  }
0x1c6: {  	v6 =	vld [tilespmem:s19+$0x10]  }
0x1c7: {  	v7 =	vld [tilespmem:s18+$0x20]  }
0x1c8: {  	v8 =	vld [tilespmem:s18+$0x10]  }
0x1c9: {  	v9 =	vld [tilespmem:s20+$0x30]  }
0x1ca: {  	v0 =	vadd.f32 v2, v0;
	v4 =	vadd.f32 v5, v4;
	v2 =	vld [tilespmem:s19+$0x30]  }
0x1cb: {  	v3 =	vadd.f32 v3, v6  }
0x1cc: {  	v1 =	vsub.f32 v4, v1;
	v0 =	vsub.f32 v0, v7;
	v4 =	vld [tilespmem:s18+$0x30]  }
0x1cd: {  	v3 =	vsub.f32 v3, v8  }
0x1ce: {  	v1 =	vmul.f32 v1, v1  }
0x1cf: {  	v0 =	vmul.f32 v0, v0;
	v3 =	vmul.f32 v3, v3;
	v2 =	vadd.f32 v9, v2;
	_ =	sdelay $0x1  }
0x1d0: {  	v1 =	vadd.f32 v3, v1;
	v2 =	vsub.f32 v2, v4;
	_ =	sdelay $0x1  }
0x1d1: {  	v0 =	vadd.f32 v0, v1;
	v1 =	vmul.f32 v2, v2;
	_ =	sdelay $0x1  }
0x1d2: {  	v0 =	vadd.f32 v1, v0;
	_ =	sdelay $0x1  }
0x1d3: {  	(xrf2) =	vadd.scan.msk.f32 $0xffff, v0;
	_ =	sdelay $0x1  }
0x1d4: {  	s0 =	sadd.s32 $0x2, s17  }
0x1d5: {  	v0 =	vmov s0  }
0x1d6: {  	v0 =	vand.u32 $0xFFFFFFFE, v0  }
0x1d7: {  	v0 =	vbroadcast v0, $0x0;
	_ =	sdelay $0x4  }
0x1d8: {  	v1, _, _ =	vpop (xrf2)  }
0x1d9: {  	[tilespmem:v0+s14+$0x0] =	vst.idx.msk vm0, v1  }
0x1da: {  	v0 =	vld [tilespmem:s20+$0xA0]  }
0x1db: {  	v2 =	vld [tilespmem:s19+$0xA0]  }
0x1dc: {  	v1 =	vld [tilespmem:s20+$0x80]  }
0x1dd: {  	v3 =	vld [tilespmem:s20+$0xB0]  }
0x1de: {  	v4 =	vld [tilespmem:s18+$0x80]  }
0x1df: {  	v5 =	vld [tilespmem:s19+$0x80]  }
0x1e0: {  	v6 =	vld [tilespmem:s20+$0x90]  }
0x1e1: {  	v7 =	vld [tilespmem:s19+$0x90]  }
0x1e2: {  	v8 =	vld [tilespmem:s18+$0xA0]  }
0x1e3: {  	v9 =	vld [tilespmem:s19+$0xB0]  }
0x1e4: {  	v5 =	vadd.f32 v1, v5;
	v10 =	vld [tilespmem:s18+$0x90]  }
.Ltmp2:
0x1e5: {  	v1 =	vld [tilespmem:s18+$0xB0];
	(pc) =	sbr.rel @p0 .LBB2_6-.Ltmp2, $4  }
0x1e6: {  	v0 =	vadd.f32 v0, v2;
	v6 =	vadd.f32 v6, v7  }
0x1e7: {  	v4 =	vsub.f32 v5, v4  }
0x1e8: {  	v2 =	vsub.f32 v0, v8;
	v3 =	vadd.f32 v3, v9  }
0x1e9: {  	v0 =	vmul.f32 v4, v4;
	v4 =	vsub.f32 v6, v10  }
0x1ea: {  	_ = 	snop  }
0x1eb: {  	v4 =	vmul.f32 v4, v4;
	_ =	sdelay $0x1  }
0x1ec: {  	v2 =	vmul.f32 v2, v2;
	v1 =	vsub.f32 v3, v1;
	v0 =	vadd.f32 v4, v0;
	_ =	sdelay $0x1  }
0x1ed: {  	v1 =	vmul.f32 v1, v1;
	v0 =	vadd.f32 v2, v0;
	_ =	sdelay $0x1  }
0x1ee: {  	v0 =	vadd.f32 v1, v0;
	_ =	sdelay $0x1  }
0x1ef: {  	(xrf2) =	vadd.scan.msk.f32 $0xffff, v0;
	_ =	sdelay $0x4  }
0x1f0: {  	s0 =	sadd.s32 $0x3, s17  }
0x1f1: {  	v50 =	vmov s0;
	_ =	sdelay $0x3  }
0x1f2: {  	v51, _, _ =	vpop (xrf2)  }
0x1f3: {  	[tilespmem:v50+s14+$0x0] =	vst.idx.msk vm0, v51  }
0x1f4: {  	_ =	swait.ge [sflag:s15], $0x4000  }
0x1f5: {  	[sflag:s15] =	ssyncset.done $0x0  }
0x1f6: {  	[sflag:s15] =	ssyncadd.s32 $0xFFFFC000  }
0x1f7: {  	_ =	swait.ge [sflag:s15], $0x4000  }
0x1f8: {  	[sflag:s15] =	ssyncset.done $0x0  }
0x1f9: {  	[sflag:s15] =	ssyncadd.s32 $0xFFFFC000  }
0x1fa: {  	_ =	swait.ge [sflag:s15], $0x4000  }
0x1fb: {  	[sflag:s15] =	ssyncset.done $0x0  }
0x1fc: {  	s19 =	simm.s32 $0x103;
	[sflag:s15] =	ssyncadd.s32 $0xFFFFC000  }
0x1fd: {  	s18 =	simm.s32 $0x383;
	v52 =	vld [tilespmem:s19+$0xFFFFFFFD]  }
0x1fe: {  	s20 =	simm.s32 $0x603;
	v53 =	vld [tilespmem:s18+$0xFFFFFFFD]  }
0x1ff: {  	v54 =	vld [tilespmem:s20+$0xFFFFFFFD];
	_ =	sdelay $0x2  }
0x200: {  	(v2sf) =	vpush v52, $0x0  }
0x201: {  	(v2sf) =	vpush v53, $0x0  }
0x202: {  	(v2sf) =	vpush v54, $0x0;
	_ =	sdelay $0xc  }
0x203: {  	s17 =	simm.s32 $0x0;
	s31 =	spop (v2sf)  }
0x204: {  	s21 =	simm.s32 $0x780;
	s0 =	sshll.u32 s31, $0x4;
	s22 =	spop (v2sf)  }
0x205: {  	s0 =	sand.u32 $0x1FFFFFF0, s0;
	s22 =	sshll.u32 s22, $0x4;
	s23 =	spop (v2sf)  }
0x206: {  	s0 =	sadd.s32 s3, s0;
	s22 =	sand.u32 $0x1FFFFFF0, s22;
	s23 =	sshll.u32 s23, $0x4  }
0x207: {  	[tilespmem:s21], [sflag:$0x1] =	stream.linear.gather [hbm4b:s0+s17], $0x80, $0x38;
	[tilespmem:$0x18980] =	vst v63  }
0x208: {  	s21 =	simm.s32 $0x8780;
	s22 =	sadd.s32 s4, s22;
	s24 =	sand.u32 $0x1FFFFFF0, s23  }
0x209: {  	[tilespmem:s21], [sflag:$0x1] =	stream.linear.gather [hbm4b:s22+s17], $0x80, $0x38;
	[tilespmem:$0x18980] =	vst v63  }
0x20a: {  	s25 =	simm.s32 $0x10780;
	s26 =	sadd.s32 s3, s24  }
0x20b: {  	[tilespmem:s25], [sflag:$0x1] =	stream.linear.gather [hbm4b:s26+s17], $0x80, $0x38;
	[tilespmem:$0x18980] =	vst v63  }
0x20c: {  	v55 =	vld [tilespmem:s19+$0xFFFFFFFE]  }
0x20d: {  	v56 =	vld [tilespmem:s18+$0xFFFFFFFE]  }
0x20e: {  	v57 =	vld [tilespmem:s20+$0xFFFFFFFE];
	_ =	sdelay $0x2  }
0x20f: {  	(v2sf) =	vpush v55, $0x0  }
0x210: {  	(v2sf) =	vpush v56, $0x0  }
0x211: {  	(v2sf) =	vpush v57, $0x0;
	_ =	sdelay $0xc  }
0x212: {  	s28 =	spop (v2sf)  }
0x213: {  	s29 =	simm.s32 $0x800;
	s0 =	sshll.u32 s28, $0x4;
	s30 =	spop (v2sf)  }
0x214: {  	s0 =	sand.u32 $0x1FFFFFF0, s0;
	s22 =	sshll.u32 s30, $0x4;
	s31 =	spop (v2sf)  }
0x215: {  	s0 =	sadd.s32 s3, s0;
	s22 =	sand.u32 $0x1FFFFFF0, s22;
	s23 =	sshll.u32 s31, $0x4  }
0x216: {  	[tilespmem:s29], [sflag:$0x1] =	stream.linear.gather [hbm4b:s0+s17], $0x80, $0x38;
	[tilespmem:$0x18980] =	vst v63  }
0x217: {  	s24 =	simm.s32 $0x8800;
	s25 =	sadd.s32 s4, s22;
	s26 =	sand.u32 $0x1FFFFFF0, s23  }
0x218: {  	[tilespmem:s24], [sflag:$0x1] =	stream.linear.gather [hbm4b:s25+s17], $0x80, $0x38;
	[tilespmem:$0x18980] =	vst v63  }
0x219: {  	s28 =	simm.s32 $0x10800;
	s29 =	sadd.s32 s3, s26  }
0x21a: {  	[tilespmem:s28], [sflag:$0x1] =	stream.linear.gather [hbm4b:s29+s17], $0x80, $0x38;
	[tilespmem:$0x18980] =	vst v63  }
0x21b: {  	v58 =	vld [tilespmem:s19+$0xFFFFFFFF]  }
0x21c: {  	v59 =	vld [tilespmem:s18+$0xFFFFFFFF]  }
0x21d: {  	v60 =	vld [tilespmem:s20+$0xFFFFFFFF];
	_ =	sdelay $0x2  }
0x21e: {  	(v2sf) =	vpush v58, $0x0  }
0x21f: {  	(v2sf) =	vpush v59, $0x0  }
0x220: {  	(v2sf) =	vpush v60, $0x0;
	_ =	sdelay $0xc  }
0x221: {  	s30 =	spop (v2sf)  }
0x222: {  	s31 =	simm.s32 $0x880;
	s0 =	sshll.u32 s30, $0x4;
	s24 =	spop (v2sf)  }
0x223: {  	s0 =	sand.u32 $0x1FFFFFF0, s0;
	s22 =	sshll.u32 s24, $0x4;
	s25 =	spop (v2sf)  }
0x224: {  	s0 =	sadd.s32 s3, s0;
	s22 =	sand.u32 $0x1FFFFFF0, s22;
	s23 =	sshll.u32 s25, $0x4  }
0x225: {  	[tilespmem:s31], [sflag:$0x1] =	stream.linear.gather [hbm4b:s0+s17], $0x80, $0x38;
	[tilespmem:$0x18980] =	vst v63  }
0x226: {  	s26 =	simm.s32 $0x8880;
	s28 =	sadd.s32 s4, s22;
	s29 =	sand.u32 $0x1FFFFFF0, s23  }
0x227: {  	[tilespmem:s26], [sflag:$0x1] =	stream.linear.gather [hbm4b:s28+s17], $0x80, $0x38;
	[tilespmem:$0x18980] =	vst v63  }
0x228: {  	s30 =	simm.s32 $0x10880;
	s31 =	sadd.s32 s3, s29  }
0x229: {  	[tilespmem:s30], [sflag:$0x1] =	stream.linear.gather [hbm4b:s31+s17], $0x80, $0x38;
	[tilespmem:$0x18980] =	vst v63  }
0x22a: {  	v61 =	vld [tilespmem:s19+$0x0]  }
0x22b: {  	v62 =	vld [tilespmem:s18+$0x0]  }
0x22c: {  	v63 =	vld [tilespmem:s20+$0x0];
	_ =	sdelay $0x2  }
0x22d: {  	(v2sf) =	vpush v61, $0x0  }
0x22e: {  	(v2sf) =	vpush v62, $0x0  }
0x22f: {  	(v2sf) =	vpush v63, $0x0;
	_ =	sdelay $0x4  }
0x230: {  	s21 =	simm.s32 $0x387;
	s24 =	simm.s32 $0x0;
	s23 =	simm.s32 $0x0  }
0x231: {  	s22 =	simm.s32 $0x607;
	s18 =	simm.s32 $0xFFFFFFFC;
	s20 =	simm.s32 $0x0  }
.LBB2_8:
0x232: {  	s20 =	sadd.s32 $0x4, s20;
	s24 =	sadd.s32 $0x800, s24;
	s19 =	sadd.s32 $0x4, s19  }
0x233: {  	p0 =	slt.u32 s20, $0x7C;
	_ =	sdelay $0x4  }
0x234: {  	s0 =	spop (v2sf)  }
0x235: {  	s25 =	sadd.s32 $0x900, s23;
	s0 =	sshll.u32 s0, $0x4;
	s26 =	spop (v2sf)  }
0x236: {  	s0 =	sand.u32 $0x1FFFFFF0, s0;
	s26 =	sshll.u32 s26, $0x4;
	s28 =	spop (v2sf)  }
0x237: {  	s0 =	sadd.s32 s3, s0;
	s26 =	sand.u32 $0x1FFFFFF0, s26;
	s28 =	sshll.u32 s28, $0x4  }
0x238: {  	[tilespmem:s25], [sflag:$0x1] =	stream.linear.gather [hbm4b:s0+s17], $0x80, $0x38;
	[tilespmem:$0x18980] =	vst v63  }
0x239: {  	s0 =	sadd.s32 $0x8900, s23;
	s25 =	sadd.s32 s4, s26;
	s26 =	sand.u32 $0x1FFFFFF0, s28  }
0x23a: {  	[tilespmem:s0], [sflag:$0x1] =	stream.linear.gather [hbm4b:s25+s17], $0x80, $0x38;
	[tilespmem:$0x18980] =	vst v63  }
0x23b: {  	s0 =	sadd.s32 $0x10900, s23;
	s23 =	sadd.s32 s3, s26  }
0x23c: {  	[tilespmem:s0], [sflag:$0x1] =	stream.linear.gather [hbm4b:s23+s17], $0x80, $0x38;
	[tilespmem:$0x18980] =	vst v63  }
0x23d: {  	v0 =	vld [tilespmem:s19+$0xFFFFFFFD]  }
0x23e: {  	v1 =	vld [tilespmem:s21+$0xFFFFFFFD]  }
0x23f: {  	v2 =	vld [tilespmem:s22+$0xFFFFFFFD];
	_ =	sdelay $0x2  }
0x240: {  	(v2sf) =	vpush v0, $0x0  }
0x241: {  	(v2sf) =	vpush v1, $0x0  }
0x242: {  	(v2sf) =	vpush v2, $0x0;
	_ =	sdelay $0x2  }
0x243: {  	s23 =	sshra.s32 s24, $0x2;
	_ =	sdelay $0x2  }
0x244: {  	s0 =	sadd.s32 $0x780, s23;
	_ =	sdelay $0x6  }
0x245: {  	s25 =	spop (v2sf)  }
0x246: {  	s26 =	sadd.s32 $0x10780, s23;
	s25 =	sshll.u32 s25, $0x4;
	s28 =	spop (v2sf)  }
0x247: {  	s25 =	sand.u32 $0x1FFFFFF0, s25;
	s28 =	sshll.u32 s28, $0x4;
	s29 =	spop (v2sf)  }
0x248: {  	s25 =	sadd.s32 s3, s25;
	s28 =	sand.u32 $0x1FFFFFF0, s28;
	s29 =	sshll.u32 s29, $0x4  }
0x249: {  	[tilespmem:s0], [sflag:$0x1] =	stream.linear.gather [hbm4b:s25+s17], $0x80, $0x38;
	[tilespmem:$0x18980] =	vst v63  }
0x24a: {  	s0 =	sadd.s32 $0x8780, s23;
	s25 =	sadd.s32 s4, s28;
	s28 =	sand.u32 $0x1FFFFFF0, s29  }
0x24b: {  	[tilespmem:s0], [sflag:$0x1] =	stream.linear.gather [hbm4b:s25+s17], $0x80, $0x38;
	[tilespmem:$0x18980] =	vst v63  }
0x24c: {  	s0 =	sadd.s32 s3, s28  }
0x24d: {  	[tilespmem:s26], [sflag:$0x1] =	stream.linear.gather [hbm4b:s0+s17], $0x80, $0x38;
	[tilespmem:$0x18980] =	vst v63  }
0x24e: {  	v0 =	vld [tilespmem:s19+$0xFFFFFFFE]  }
0x24f: {  	v1 =	vld [tilespmem:s21+$0xFFFFFFFE]  }
0x250: {  	v2 =	vld [tilespmem:s22+$0xFFFFFFFE];
	_ =	sdelay $0x2  }
0x251: {  	(v2sf) =	vpush v0, $0x0  }
0x252: {  	(v2sf) =	vpush v1, $0x0  }
0x253: {  	(v2sf) =	vpush v2, $0x0;
	_ =	sdelay $0xc  }
0x254: {  	s0 =	sadd.s32 $0x10800, s23;
	s25 =	spop (v2sf)  }
0x255: {  	s26 =	sadd.s32 $0x800, s23;
	s25 =	sshll.u32 s25, $0x4;
	s28 =	spop (v2sf)  }
0x256: {  	s25 =	sand.u32 $0x1FFFFFF0, s25;
	s28 =	sshll.u32 s28, $0x4;
	s29 =	spop (v2sf)  }
0x257: {  	s25 =	sadd.s32 s3, s25;
	s28 =	sand.u32 $0x1FFFFFF0, s28;
	s29 =	sshll.u32 s29, $0x4  }
0x258: {  	[tilespmem:s26], [sflag:$0x1] =	stream.linear.gather [hbm4b:s25+s17], $0x80, $0x38;
	[tilespmem:$0x18980] =	vst v63  }
0x259: {  	s25 =	sadd.s32 $0x8800, s23;
	s26 =	sadd.s32 s4, s28;
	s28 =	sand.u32 $0x1FFFFFF0, s29  }
0x25a: {  	[tilespmem:s25], [sflag:$0x1] =	stream.linear.gather [hbm4b:s26+s17], $0x80, $0x38;
	[tilespmem:$0x18980] =	vst v63  }
0x25b: {  	s25 =	sadd.s32 s3, s28  }
0x25c: {  	[tilespmem:s0], [sflag:$0x1] =	stream.linear.gather [hbm4b:s25+s17], $0x80, $0x38;
	[tilespmem:$0x18980] =	vst v63  }
0x25d: {  	v0 =	vld [tilespmem:s19+$0xFFFFFFFF]  }
0x25e: {  	v1 =	vld [tilespmem:s21+$0xFFFFFFFF]  }
0x25f: {  	v2 =	vld [tilespmem:s22+$0xFFFFFFFF];
	_ =	sdelay $0x2  }
0x260: {  	(v2sf) =	vpush v0, $0x0  }
0x261: {  	(v2sf) =	vpush v1, $0x0  }
0x262: {  	(v2sf) =	vpush v2, $0x0;
	_ =	sdelay $0xc  }
0x263: {  	s0 =	sadd.s32 $0x10880, s23;
	s25 =	spop (v2sf)  }
0x264: {  	s26 =	sadd.s32 $0x880, s23;
	s25 =	sshll.u32 s25, $0x4;
	s28 =	spop (v2sf)  }
0x265: {  	s25 =	sand.u32 $0x1FFFFFF0, s25;
	s28 =	sshll.u32 s28, $0x4;
	s29 =	spop (v2sf)  }
0x266: {  	s25 =	sadd.s32 s3, s25;
	s28 =	sand.u32 $0x1FFFFFF0, s28;
	s29 =	sshll.u32 s29, $0x4  }
0x267: {  	[tilespmem:s26], [sflag:$0x1] =	stream.linear.gather [hbm4b:s25+s17], $0x80, $0x38;
	[tilespmem:$0x18980] =	vst v63  }
0x268: {  	s25 =	sadd.s32 $0x8880, s23;
	s26 =	sadd.s32 s4, s28;
	s28 =	sand.u32 $0x1FFFFFF0, s29  }
0x269: {  	[tilespmem:s25], [sflag:$0x1] =	stream.linear.gather [hbm4b:s26+s17], $0x80, $0x38;
	[tilespmem:$0x18980] =	vst v63  }
0x26a: {  	s25 =	sadd.s32 s3, s28  }
0x26b: {  	[tilespmem:s0], [sflag:$0x1] =	stream.linear.gather [hbm4b:s25+s17], $0x80, $0x38;
	[tilespmem:$0x18980] =	vst v63  }
0x26c: {  	v0 =	vld [tilespmem:s19+$0x0]  }
0x26d: {  	v1 =	vld [tilespmem:s21+$0x0]  }
0x26e: {  	v2 =	vld [tilespmem:s22+$0x0];
	_ =	sdelay $0x2  }
0x26f: {  	(v2sf) =	vpush v0, $0x0  }
0x270: {  	(v2sf) =	vpush v1, $0x0  }
0x271: {  	(v2sf) =	vpush v2, $0x0;
	_ =	sdelay $0x1  }
.Ltmp3:
0x272: {  	(pc) =	sbr.rel @p0 .LBB2_8-.Ltmp3, $2  }
0x273: {  	_ =	sdelay $0x2  }
0x274: {  	s21 =	sadd.s32 $0x4, s21;
	s22 =	sadd.s32 $0x4, s22  }
0x275: {  	_ =	sdelay $0x5  }
0x276: {  	s0 =	spop (v2sf)  }
0x277: {  	s19 =	sadd.s32 $0x900, s23;
	s0 =	sshll.u32 s0, $0x4;
	s20 =	spop (v2sf)  }
0x278: {  	s0 =	sand.u32 $0x1FFFFFF0, s0;
	s20 =	sshll.u32 s20, $0x4;
	s21 =	spop (v2sf)  }
0x279: {  	s0 =	sadd.s32 s3, s0;
	s20 =	sand.u32 $0x1FFFFFF0, s20;
	s21 =	sshll.u32 s21, $0x4  }
0x27a: {  	[tilespmem:s19], [sflag:$0x1] =	stream.linear.gather [hbm4b:s0+s17], $0x80, $0x38;
	[tilespmem:$0x18980] =	vst v63  }
0x27b: {  	s22 =	sadd.s32 $0x8900, s23;
	s24 =	sadd.s32 s4, s20;
	s25 =	sand.u32 $0x1FFFFFF0, s21  }
0x27c: {  	[tilespmem:s22], [sflag:$0x1] =	stream.linear.gather [hbm4b:s24+s17], $0x80, $0x38;
	[tilespmem:$0x18980] =	vst v63  }
0x27d: {  	s26 =	sadd.s32 $0x10900, s23;
	s19 =	simm.s32 $0x0;
	s28 =	sadd.s32 s3, s25  }
0x27e: {  	[tilespmem:s26], [sflag:$0x1] =	stream.linear.gather [hbm4b:s28+s17], $0x80, $0x38;
	[tilespmem:$0x18980] =	vst v63  }
0x27f: {  	v0 =	vld [tilespmem:s19+$0x147A0]  }
0x280: {  	v1 =	vld [tilespmem:s19+$0x47A0]  }
0x281: {  	v2 =	vld [tilespmem:s19+$0xC7A0]  }
0x282: {  	v3 =	vld [tilespmem:s19+$0xC790]  }
0x283: {  	v4 =	vld [tilespmem:s19+$0x4780]  }
0x284: {  	v5 =	vld [tilespmem:s19+$0x4790]  }
0x285: {  	v6 =	vld [tilespmem:s19+$0xC780]  }
0x286: {  	v7 =	vld [tilespmem:s19+$0x14790]  }
0x287: {  	v8 =	vld [tilespmem:s19+$0x14780]  }
0x288: {  	v9 =	vld [tilespmem:s19+$0xC7B0]  }
0x289: {  	v10 =	vld [tilespmem:s19+$0x47B0]  }
0x28a: {  	v3 =	vadd.f32 v3, v5;
	v4 =	vadd.f32 v6, v4  }
0x28b: {  	v1 =	vadd.f32 v2, v1;
	v2 =	vld [tilespmem:s19+$0x147B0]  }
0x28c: {  	v3 =	vsub.f32 v3, v7;
	v4 =	vsub.f32 v4, v8  }
0x28d: {  	v0 =	vsub.f32 v1, v0  }
0x28e: {  	v1 =	vadd.f32 v9, v10;
	v4 =	vmul.f32 v4, v4;
	v3 =	vmul.f32 v3, v3;
	_ =	sdelay $0x1  }
0x28f: {  	v0 =	vmul.f32 v0, v0;
	v1 =	vsub.f32 v1, v2;
	v2 =	vadd.f32 v3, v4;
	_ =	sdelay $0x1  }
0x290: {  	v1 =	vmul.f32 v1, v1;
	v0 =	vadd.f32 v0, v2;
	_ =	sdelay $0x1  }
0x291: {  	v0 =	vadd.f32 v1, v0;
	_ =	sdelay $0x1  }
0x292: {  	(xrf2) =	vadd.scan.msk.f32 $0xffff, v0;
	_ =	sdelay $0x1  }
0x293: {  	s29 =	simm.s32 $0x80  }
0x294: {  	v0 =	vmov s29  }
0x295: {  	v0 =	vand.u32 $0xFFFFFFFC, v0  }
0x296: {  	v0 =	vbroadcast v0, $0x0;
	_ =	sdelay $0x4  }
0x297: {  	v1, _, _ =	vpop (xrf2)  }
0x298: {  	[tilespmem:v0+s14+$0x0] =	vst.idx.msk vm0, v1  }
0x299: {  	v0 =	vld [tilespmem:s19+$0x4800]  }
0x29a: {  	v1 =	vld [tilespmem:s19+$0xC800]  }
0x29b: {  	v2 =	vld [tilespmem:s19+$0x14800]  }
0x29c: {  	v3 =	vld [tilespmem:s19+$0xC830]  }
0x29d: {  	v4 =	vld [tilespmem:s19+$0xC820]  }
0x29e: {  	v5 =	vld [tilespmem:s19+$0xC810]  }
0x29f: {  	v6 =	vld [tilespmem:s19+$0x4810]  }
0x2a0: {  	v7 =	vld [tilespmem:s19+$0x4820]  }
0x2a1: {  	v8 =	vld [tilespmem:s19+$0x14810]  }
0x2a2: {  	v61 =	vld [tilespmem:s19+$0x4830]  }
0x2a3: {  	v0 =	vadd.f32 v1, v0;
	v1 =	vld [tilespmem:s19+$0x14820]  }
0x2a4: {  	v5 =	vadd.f32 v5, v6  }
0x2a5: {  	v0 =	vsub.f32 v0, v2;
	v2 =	vld [tilespmem:s19+$0x14830]  }
0x2a6: {  	v4 =	vadd.f32 v4, v7;
	v5 =	vsub.f32 v5, v8  }
0x2a7: {  	v3 =	vadd.f32 v3, v61  }
0x2a8: {  	v0 =	vmul.f32 v0, v0;
	v5 =	vmul.f32 v5, v5;
	v1 =	vsub.f32 v4, v1;
	_ =	sdelay $0x1  }
0x2a9: {  	v0 =	vadd.f32 v5, v0;
	v2 =	vsub.f32 v3, v2;
	v1 =	vmul.f32 v1, v1;
	_ =	sdelay $0x1  }
0x2aa: {  	v0 =	vadd.f32 v1, v0;
	v1 =	vmul.f32 v2, v2;
	_ =	sdelay $0x1  }
0x2ab: {  	v0 =	vadd.f32 v1, v0;
	_ =	sdelay $0x1  }
0x2ac: {  	(xrf2) =	vadd.scan.msk.f32 $0xffff, v0;
	_ =	sdelay $0x1  }
0x2ad: {  	s30 =	simm.s32 $0x81  }
0x2ae: {  	v0 =	vmov s30  }
0x2af: {  	v0 =	vand.u32 $0xFFFFFFFD, v0  }
0x2b0: {  	v0 =	vbroadcast v0, $0x0;
	_ =	sdelay $0x4  }
0x2b1: {  	v1, _, _ =	vpop (xrf2)  }
0x2b2: {  	[tilespmem:v0+s14+$0x0] =	vst.idx.msk vm0, v1  }
0x2b3: {  	v0 =	vld [tilespmem:s19+$0x4880]  }
0x2b4: {  	v1 =	vld [tilespmem:s19+$0x48A0]  }
0x2b5: {  	v2 =	vld [tilespmem:s19+$0xC880]  }
0x2b6: {  	v3 =	vld [tilespmem:s19+$0x14880]  }
0x2b7: {  	v4 =	vld [tilespmem:s19+$0xC8A0]  }
0x2b8: {  	v5 =	vld [tilespmem:s19+$0x4890]  }
0x2b9: {  	v6 =	vld [tilespmem:s19+$0xC890]  }
0x2ba: {  	v7 =	vld [tilespmem:s19+$0x148A0]  }
0x2bb: {  	v8 =	vld [tilespmem:s19+$0x14890]  }
0x2bc: {  	v62 =	vld [tilespmem:s19+$0x48B0]  }
0x2bd: {  	v63 =	vld [tilespmem:s19+$0xC8B0]  }
0x2be: {  	v0 =	vadd.f32 v2, v0;
	v2 =	vadd.f32 v6, v5  }
0x2bf: {  	v1 =	vadd.f32 v4, v1;
	v4 =	vld [tilespmem:s19+$0x148B0]  }
0x2c0: {  	v0 =	vsub.f32 v0, v3;
	v2 =	vsub.f32 v2, v8  }
0x2c1: {  	v1 =	vsub.f32 v1, v7  }
0x2c2: {  	v3 =	vadd.f32 v63, v62;
	v0 =	vmul.f32 v0, v0;
	v2 =	vmul.f32 v2, v2;
	_ =	sdelay $0x1  }
0x2c3: {  	v1 =	vmul.f32 v1, v1;
	v0 =	vadd.f32 v2, v0;
	v2 =	vsub.f32 v3, v4;
	_ =	sdelay $0x1  }
0x2c4: {  	v0 =	vadd.f32 v1, v0;
	v1 =	vmul.f32 v2, v2;
	_ =	sdelay $0x1  }
0x2c5: {  	v0 =	vadd.f32 v1, v0;
	_ =	sdelay $0x1  }
0x2c6: {  	(xrf2) =	vadd.scan.msk.f32 $0xffff, v0;
	_ =	sdelay $0x1  }
0x2c7: {  	s31 =	simm.s32 $0x82  }
0x2c8: {  	v0 =	vmov s31  }
0x2c9: {  	v0 =	vand.u32 $0xFFFFFFFE, v0  }
0x2ca: {  	v0 =	vbroadcast v0, $0x0;
	_ =	sdelay $0x4  }
0x2cb: {  	v1, _, _ =	vpop (xrf2)  }
0x2cc: {  	[tilespmem:v0+s14+$0x0] =	vst.idx.msk vm0, v1  }
0x2cd: {  	v1 =	vld [tilespmem:s19+$0xC920]  }
0x2ce: {  	v0 =	vld [tilespmem:s19+$0x14910]  }
0x2cf: {  	v2 =	vld [tilespmem:s19+$0x14900]  }
0x2d0: {  	v4 =	vld [tilespmem:s19+$0xC900]  }
0x2d1: {  	v5 =	vld [tilespmem:s19+$0xC910]  }
0x2d2: {  	v6 =	vld [tilespmem:s19+$0x4920]  }
0x2d3: {  	v3 =	vld [tilespmem:s19+$0xC930]  }
0x2d4: {  	s20 =	simm.s32 $0x0;
	v7 =	vld [tilespmem:s19+$0x4900]  }
.LBB2_10:
0x2d5: {  	v8 =	vld [tilespmem:s19+$0x4910];
	s17 =	sadd.s32 $0x800, s17;
	s0 =	smov.u32 s20;
	s20 =	sadd.s32 $0x4, s20  }
0x2d6: {  	p0 =	slt.u32 s20, $0x7C;
	v9 =	vld [tilespmem:s19+$0x4930]  }
0x2d7: {  	v10 =	vld [tilespmem:s19+$0x14920]  }
0x2d8: {  	v11 =	vld [tilespmem:s19+$0x14930]  }
0x2d9: {  	v4 =	vadd.f32 v4, v7  }
0x2da: {  	v1 =	vadd.f32 v1, v6;
	v5 =	vadd.f32 v5, v8  }
0x2db: {  	v2 =	vsub.f32 v4, v2;
	v3 =	vadd.f32 v3, v9  }
0x2dc: {  	v0 =	vsub.f32 v5, v0;
	v1 =	vsub.f32 v1, v10  }
0x2dd: {  	v2 =	vmul.f32 v2, v2;
	v3 =	vsub.f32 v3, v11  }
0x2de: {  	v0 =	vmul.f32 v0, v0;
	v1 =	vmul.f32 v1, v1  }
0x2df: {  	v3 =	vmul.f32 v3, v3  }
0x2e0: {  	v0 =	vadd.f32 v0, v2;
	_ =	sdelay $0x1  }
0x2e1: {  	v0 =	vadd.f32 v1, v0;
	_ =	sdelay $0x1  }
0x2e2: {  	v0 =	vadd.f32 v3, v0;
	_ =	sdelay $0x1  }
0x2e3: {  	(xrf2) =	vadd.scan.msk.f32 $0xffff, v0;
	_ =	sdelay $0x4  }
0x2e4: {  	s19 =	sadd.s32 $0x87, s18;
	s18 =	smov.u32 s0  }
0x2e5: {  	v0 =	vmov s19;
	_ =	sdelay $0x3  }
0x2e6: {  	v1, _, _ =	vpop (xrf2)  }
0x2e7: {  	s19 =	sshra.s32 s17, $0x2;
	[tilespmem:v0+s14+$0x0] =	vst.idx.msk vm0, v1  }
0x2e8: {  	v0 =	vld [tilespmem:s19+$0x147A0]  }
0x2e9: {  	v1 =	vld [tilespmem:s19+$0xC7B0]  }
0x2ea: {  	v2 =	vld [tilespmem:s19+$0x47A0]  }
0x2eb: {  	v3 =	vld [tilespmem:s19+$0xC7A0]  }
0x2ec: {  	v4 =	vld [tilespmem:s19+$0x14790]  }
0x2ed: {  	v5 =	vld [tilespmem:s19+$0xC790]  }
0x2ee: {  	v6 =	vld [tilespmem:s19+$0x4780]  }
0x2ef: {  	v7 =	vld [tilespmem:s19+$0x4790]  }
0x2f0: {  	v8 =	vld [tilespmem:s19+$0xC780]  }
0x2f1: {  	v9 =	vld [tilespmem:s19+$0x47B0]  }
0x2f2: {  	v10 =	vld [tilespmem:s19+$0x14780]  }
0x2f3: {  	v2 =	vadd.f32 v3, v2;
	v3 =	vld [tilespmem:s19+$0x147B0]  }
0x2f4: {  	v5 =	vadd.f32 v5, v7  }
0x2f5: {  	v0 =	vsub.f32 v2, v0;
	v6 =	vadd.f32 v8, v6  }
0x2f6: {  	v2 =	vsub.f32 v5, v4;
	v1 =	vadd.f32 v1, v9  }
0x2f7: {  	v0 =	vmul.f32 v0, v0;
	v4 =	vsub.f32 v6, v10  }
0x2f8: {  	v1 =	vsub.f32 v1, v3  }
0x2f9: {  	v2 =	vmul.f32 v2, v2;
	v3 =	vmul.f32 v4, v4  }
0x2fa: {  	v1 =	vmul.f32 v1, v1  }
0x2fb: {  	v2 =	vadd.f32 v2, v3;
	_ =	sdelay $0x1  }
0x2fc: {  	v0 =	vadd.f32 v0, v2;
	_ =	sdelay $0x1  }
0x2fd: {  	v0 =	vadd.f32 v1, v0;
	_ =	sdelay $0x1  }
0x2fe: {  	(xrf2) =	vadd.scan.msk.f32 $0xffff, v0;
	_ =	sdelay $0x1  }
0x2ff: {  	s0 =	sadd.s32 $0x84, s18  }
0x300: {  	v0 =	vmov s0  }
0x301: {  	v0 =	vand.u32 $0xFFFFFFFC, v0  }
0x302: {  	v0 =	vbroadcast v0, $0x0;
	_ =	sdelay $0x4  }
0x303: {  	v1, _, _ =	vpop (xrf2)  }
0x304: {  	[tilespmem:v0+s14+$0x0] =	vst.idx.msk vm0, v1  }
0x305: {  	v0 =	vld [tilespmem:s19+$0x4800]  }
0x306: {  	v1 =	vld [tilespmem:s19+$0xC800]  }
0x307: {  	v2 =	vld [tilespmem:s19+$0x14800]  }
0x308: {  	v3 =	vld [tilespmem:s19+$0xC830]  }
0x309: {  	v4 =	vld [tilespmem:s19+$0xC820]  }
0x30a: {  	v5 =	vld [tilespmem:s19+$0xC810]  }
0x30b: {  	v0 =	vadd.f32 v1, v0;
	v1 =	vld [tilespmem:s19+$0x4810]  }
0x30c: {  	v6 =	vld [tilespmem:s19+$0x4820]  }
0x30d: {  	v0 =	vsub.f32 v0, v2;
	v2 =	vld [tilespmem:s19+$0x14810]  }
0x30e: {  	v7 =	vld [tilespmem:s19+$0x4830]  }
0x30f: {  	v0 =	vmul.f32 v0, v0;
	v8 =	vld [tilespmem:s19+$0x14820]  }
0x310: {  	v1 =	vadd.f32 v5, v1;
	v5 =	vld [tilespmem:s19+$0x14830]  }
0x311: {  	v4 =	vadd.f32 v4, v6  }
0x312: {  	v1 =	vsub.f32 v1, v2  }
0x313: {  	v2 =	vadd.f32 v3, v7  }
0x314: {  	v1 =	vmul.f32 v1, v1;
	v3 =	vsub.f32 v4, v8  }
0x315: {  	v2 =	vsub.f32 v2, v5  }
0x316: {  	v0 =	vadd.f32 v1, v0;
	v1 =	vmul.f32 v3, v3;
	_ =	sdelay $0x1  }
0x317: {  	v0 =	vadd.f32 v1, v0;
	v1 =	vmul.f32 v2, v2;
	_ =	sdelay $0x1  }
0x318: {  	v0 =	vadd.f32 v1, v0;
	_ =	sdelay $0x1  }
0x319: {  	(xrf2) =	vadd.scan.msk.f32 $0xffff, v0;
	_ =	sdelay $0x1  }
0x31a: {  	s0 =	sadd.s32 $0x85, s18  }
0x31b: {  	v0 =	vmov s0  }
0x31c: {  	v0 =	vand.u32 $0xFFFFFFFD, v0  }
0x31d: {  	v0 =	vbroadcast v0, $0x0;
	_ =	sdelay $0x4  }
0x31e: {  	v1, _, _ =	vpop (xrf2)  }
0x31f: {  	[tilespmem:v0+s14+$0x0] =	vst.idx.msk vm0, v1  }
0x320: {  	v0 =	vld [tilespmem:s19+$0x4880]  }
0x321: {  	v1 =	vld [tilespmem:s19+$0x48A0]  }
0x322: {  	v2 =	vld [tilespmem:s19+$0xC880]  }
0x323: {  	v3 =	vld [tilespmem:s19+$0x14880]  }
0x324: {  	v4 =	vld [tilespmem:s19+$0xC8A0]  }
0x325: {  	v5 =	vld [tilespmem:s19+$0x4890]  }
0x326: {  	v6 =	vld [tilespmem:s19+$0xC890]  }
0x327: {  	v0 =	vadd.f32 v2, v0;
	v2 =	vld [tilespmem:s19+$0x148A0]  }
0x328: {  	v7 =	vld [tilespmem:s19+$0x14890]  }
0x329: {  	v0 =	vsub.f32 v0, v3;
	v3 =	vld [tilespmem:s19+$0x48B0]  }
0x32a: {  	v1 =	vadd.f32 v4, v1;
	v4 =	vld [tilespmem:s19+$0xC8B0]  }
0x32b: {  	v5 =	vadd.f32 v6, v5  }
0x32c: {  	v1 =	vsub.f32 v1, v2;
	v2 =	vld [tilespmem:s19+$0x148B0]  }
0x32d: {  	v5 =	vsub.f32 v5, v7  }
0x32e: {  	v0 =	vmul.f32 v0, v0  }
0x32f: {  	v1 =	vmul.f32 v1, v1;
	v5 =	vmul.f32 v5, v5;
	v3 =	vadd.f32 v4, v3;
	_ =	sdelay $0x1  }
0x330: {  	v0 =	vadd.f32 v5, v0;
	v2 =	vsub.f32 v3, v2;
	_ =	sdelay $0x1  }
0x331: {  	v0 =	vadd.f32 v1, v0;
	v1 =	vmul.f32 v2, v2;
	_ =	sdelay $0x1  }
0x332: {  	v0 =	vadd.f32 v1, v0;
	_ =	sdelay $0x1  }
0x333: {  	(xrf2) =	vadd.scan.msk.f32 $0xffff, v0;
	_ =	sdelay $0x1  }
0x334: {  	s0 =	sadd.s32 $0x86, s18  }
0x335: {  	v0 =	vmov s0  }
0x336: {  	v0 =	vand.u32 $0xFFFFFFFE, v0  }
0x337: {  	v0 =	vbroadcast v0, $0x0;
	_ =	sdelay $0x4  }
0x338: {  	v1, _, _ =	vpop (xrf2)  }
0x339: {  	[tilespmem:v0+s14+$0x0] =	vst.idx.msk vm0, v1  }
0x33a: {  	v1 =	vld [tilespmem:s19+$0xC920]  }
0x33b: {  	v0 =	vld [tilespmem:s19+$0x14910]  }
0x33c: {  	v2 =	vld [tilespmem:s19+$0x14900]  }
.Ltmp4:
0x33d: {  	v4 =	vld [tilespmem:s19+$0xC900];
	(pc) =	sbr.rel @p0 .LBB2_10-.Ltmp4, $4  }
0x33e: {  	v5 =	vld [tilespmem:s19+$0xC910]  }
0x33f: {  	v6 =	vld [tilespmem:s19+$0x4920]  }
0x340: {  	v3 =	vld [tilespmem:s19+$0xC930]  }
0x341: {  	v7 =	vld [tilespmem:s19+$0x4900]  }
0x342: {  	v8 =	vld [tilespmem:s19+$0x4910];
	_ =	sdelay $0x2  }
0x343: {  	v9 =	vld [tilespmem:s19+$0x4930]  }
0x344: {  	v10 =	vld [tilespmem:s19+$0x14920]  }
0x345: {  	v4 =	vadd.f32 v4, v7;
	v5 =	vadd.f32 v5, v8  }
0x346: {  	v48 =	vld [tilespmem:s19+$0x14930];
	v1 =	vadd.f32 v1, v6  }
0x347: {  	v2 =	vsub.f32 v4, v2;
	v0 =	vsub.f32 v5, v0  }
0x348: {  	v3 =	vadd.f32 v3, v9  }
0x349: {  	v1 =	vsub.f32 v1, v10;
	v2 =	vmul.f32 v2, v2;
	v0 =	vmul.f32 v0, v0;
	_ =	sdelay $0x1  }
0x34a: {  	v3 =	vsub.f32 v3, v48;
	v1 =	vmul.f32 v1, v1;
	v0 =	vadd.f32 v0, v2;
	_ =	sdelay $0x1  }
0x34b: {  	v49 =	vmul.f32 v3, v3;
	v0 =	vadd.f32 v1, v0;
	_ =	sdelay $0x1  }
0x34c: {  	v0 =	vadd.f32 v49, v0;
	_ =	sdelay $0x1  }
0x34d: {  	(xrf2) =	vadd.scan.msk.f32 $0xffff, v0;
	_ =	sdelay $0x4  }
0x34e: {  	s0 =	sadd.s32 $0x87, s18  }
0x34f: {  	v50 =	vmov s0;
	_ =	sdelay $0x3  }
0x350: {  	v51, _, _ =	vpop (xrf2)  }
0x351: {  	[tilespmem:v50+s14+$0x0] =	vst.idx.msk vm0, v51  }
0x352: {  	_ =	swait.ge [sflag:s13], $0x4000  }
0x353: {  	[sflag:s13] =	ssyncset.done $0x0  }
0x354: {  	[sflag:s13] =	ssyncadd.s32 $0xFFFFC000  }
0x355: {  	_ =	swait.ge [sflag:s13], $0x4000  }
0x356: {  	[sflag:s13] =	ssyncset.done $0x0  }
0x357: {  	[sflag:s13] =	ssyncadd.s32 $0xFFFFC000  }
0x358: {  	_ =	swait.ge [sflag:s13], $0x4000  }
0x359: {  	[sflag:s13] =	ssyncset.done $0x0  }
0x35a: {  	s20 =	simm.s32 $0x183;
	[sflag:s13] =	ssyncadd.s32 $0xFFFFC000  }
0x35b: {  	s17 =	simm.s32 $0x403;
	v52 =	vld [tilespmem:s20+$0xFFFFFFFD]  }
0x35c: {  	s18 =	simm.s32 $0x683;
	v53 =	vld [tilespmem:s17+$0xFFFFFFFD]  }
0x35d: {  	v54 =	vld [tilespmem:s18+$0xFFFFFFFD];
	_ =	sdelay $0x2  }
0x35e: {  	(v2sf) =	vpush v52, $0x0  }
0x35f: {  	(v2sf) =	vpush v53, $0x0  }
0x360: {  	(v2sf) =	vpush v54, $0x0;
	_ =	sdelay $0xc  }
0x361: {  	s26 =	spop (v2sf)  }
0x362: {  	s28 =	simm.s32 $0x4780;
	s0 =	sshll.u32 s26, $0x4;
	s21 =	spop (v2sf)  }
0x363: {  	s0 =	sand.u32 $0x1FFFFFF0, s0;
	s21 =	sshll.u32 s21, $0x4;
	s22 =	spop (v2sf)  }
0x364: {  	s0 =	sadd.s32 s3, s0;
	s21 =	sand.u32 $0x1FFFFFF0, s21;
	s22 =	sshll.u32 s22, $0x4  }
0x365: {  	[tilespmem:s28], [sflag:$0x2] =	stream.linear.gather [hbm4b:s0+s1], $0x80, $0x38;
	[tilespmem:$0x18980] =	vst v63  }
0x366: {  	s29 =	simm.s32 $0xC780;
	s30 =	sadd.s32 s4, s21;
	s31 =	sand.u32 $0x1FFFFFF0, s22  }
0x367: {  	[tilespmem:s29], [sflag:$0x2] =	stream.linear.gather [hbm4b:s30+s1], $0x80, $0x38;
	[tilespmem:$0x18980] =	vst v63  }
0x368: {  	s22 =	simm.s32 $0x14780;
	s23 =	sadd.s32 s3, s31  }
0x369: {  	[tilespmem:s22], [sflag:$0x2] =	stream.linear.gather [hbm4b:s23+s1], $0x80, $0x38;
	[tilespmem:$0x18980] =	vst v63  }
0x36a: {  	v55 =	vld [tilespmem:s20+$0xFFFFFFFE]  }
0x36b: {  	v56 =	vld [tilespmem:s17+$0xFFFFFFFE]  }
0x36c: {  	v57 =	vld [tilespmem:s18+$0xFFFFFFFE];
	_ =	sdelay $0x2  }
0x36d: {  	(v2sf) =	vpush v55, $0x0  }
0x36e: {  	(v2sf) =	vpush v56, $0x0  }
0x36f: {  	(v2sf) =	vpush v57, $0x0;
	_ =	sdelay $0xc  }
0x370: {  	s24 =	spop (v2sf)  }
0x371: {  	s25 =	simm.s32 $0x4800;
	s0 =	sshll.u32 s24, $0x4;
	s26 =	spop (v2sf)  }
0x372: {  	s0 =	sand.u32 $0x1FFFFFF0, s0;
	s21 =	sshll.u32 s26, $0x4;
	s28 =	spop (v2sf)  }
0x373: {  	s0 =	sadd.s32 s3, s0;
	s21 =	sand.u32 $0x1FFFFFF0, s21;
	s22 =	sshll.u32 s28, $0x4  }
0x374: {  	[tilespmem:s25], [sflag:$0x2] =	stream.linear.gather [hbm4b:s0+s1], $0x80, $0x38;
	[tilespmem:$0x18980] =	vst v63  }
0x375: {  	s29 =	simm.s32 $0xC800;
	s30 =	sadd.s32 s4, s21;
	s31 =	sand.u32 $0x1FFFFFF0, s22  }
0x376: {  	[tilespmem:s29], [sflag:$0x2] =	stream.linear.gather [hbm4b:s30+s1], $0x80, $0x38;
	[tilespmem:$0x18980] =	vst v63  }
0x377: {  	s19 =	simm.s32 $0x14800;
	s21 =	sadd.s32 s3, s31  }
0x378: {  	[tilespmem:s19], [sflag:$0x2] =	stream.linear.gather [hbm4b:s21+s1], $0x80, $0x38;
	[tilespmem:$0x18980] =	vst v63  }
0x379: {  	v58 =	vld [tilespmem:s20+$0xFFFFFFFF]  }
0x37a: {  	v59 =	vld [tilespmem:s17+$0xFFFFFFFF]  }
0x37b: {  	v60 =	vld [tilespmem:s18+$0xFFFFFFFF];
	_ =	sdelay $0x2  }
0x37c: {  	(v2sf) =	vpush v58, $0x0  }
0x37d: {  	(v2sf) =	vpush v59, $0x0  }
0x37e: {  	(v2sf) =	vpush v60, $0x0;
	_ =	sdelay $0xc  }
0x37f: {  	s22 =	spop (v2sf)  }
0x380: {  	s23 =	simm.s32 $0x4880;
	s0 =	sshll.u32 s22, $0x4;
	s24 =	spop (v2sf)  }
0x381: {  	s0 =	sand.u32 $0x1FFFFFF0, s0;
	s21 =	sshll.u32 s24, $0x4;
	s25 =	spop (v2sf)  }
0x382: {  	s0 =	sadd.s32 s3, s0;
	s21 =	sand.u32 $0x1FFFFFF0, s21;
	s22 =	sshll.u32 s25, $0x4  }
0x383: {  	[tilespmem:s23], [sflag:$0x2] =	stream.linear.gather [hbm4b:s0+s1], $0x80, $0x38;
	[tilespmem:$0x18980] =	vst v63  }
0x384: {  	s26 =	simm.s32 $0xC880;
	s28 =	sadd.s32 s4, s21;
	s29 =	sand.u32 $0x1FFFFFF0, s22  }
0x385: {  	[tilespmem:s26], [sflag:$0x2] =	stream.linear.gather [hbm4b:s28+s1], $0x80, $0x38;
	[tilespmem:$0x18980] =	vst v63  }
0x386: {  	s30 =	simm.s32 $0x14880;
	s31 =	sadd.s32 s3, s29  }
0x387: {  	[tilespmem:s30], [sflag:$0x2] =	stream.linear.gather [hbm4b:s31+s1], $0x80, $0x38;
	[tilespmem:$0x18980] =	vst v63  }
0x388: {  	v61 =	vld [tilespmem:s20+$0x0]  }
0x389: {  	v62 =	vld [tilespmem:s17+$0x0]  }
0x38a: {  	v63 =	vld [tilespmem:s18+$0x0];
	_ =	sdelay $0x2  }
0x38b: {  	(v2sf) =	vpush v61, $0x0  }
0x38c: {  	(v2sf) =	vpush v62, $0x0  }
0x38d: {  	(v2sf) =	vpush v63, $0x0;
	_ =	sdelay $0x4  }
0x38e: {  	s24 =	simm.s32 $0x687;
	s25 =	simm.s32 $0x0;
	s21 =	simm.s32 $0x0  }
0x38f: {  	s22 =	simm.s32 $0x0;
	s23 =	simm.s32 $0x407;
	s17 =	simm.s32 $0xFFFFFFFC  }
.LBB2_12:
0x390: {  	s22 =	sadd.s32 $0x4, s22;
	s21 =	sadd.s32 $0x800, s21;
	s20 =	sadd.s32 $0x4, s20  }
0x391: {  	p0 =	slt.u32 s22, $0x7C;
	_ =	sdelay $0x4  }
0x392: {  	s0 =	spop (v2sf)  }
0x393: {  	s18 =	sadd.s32 $0x4900, s25;
	s0 =	sshll.u32 s0, $0x4;
	s19 =	spop (v2sf)  }
0x394: {  	s0 =	sand.u32 $0x1FFFFFF0, s0;
	s19 =	sshll.u32 s19, $0x4;
	s26 =	spop (v2sf)  }
0x395: {  	s0 =	sadd.s32 s3, s0;
	s19 =	sand.u32 $0x1FFFFFF0, s19;
	s26 =	sshll.u32 s26, $0x4  }
0x396: {  	[tilespmem:s18], [sflag:$0x2] =	stream.linear.gather [hbm4b:s0+s1], $0x80, $0x38;
	[tilespmem:$0x18980] =	vst v63  }
0x397: {  	s0 =	sadd.s32 $0xC900, s25;
	s18 =	sadd.s32 s4, s19;
	s19 =	sand.u32 $0x1FFFFFF0, s26  }
0x398: {  	[tilespmem:s0], [sflag:$0x2] =	stream.linear.gather [hbm4b:s18+s1], $0x80, $0x38;
	[tilespmem:$0x18980] =	vst v63  }
0x399: {  	s0 =	sadd.s32 $0x14900, s25;
	s18 =	sadd.s32 s3, s19  }
0x39a: {  	[tilespmem:s0], [sflag:$0x2] =	stream.linear.gather [hbm4b:s18+s1], $0x80, $0x38;
	[tilespmem:$0x18980] =	vst v63  }
0x39b: {  	v0 =	vld [tilespmem:s20+$0xFFFFFFFD]  }
0x39c: {  	v1 =	vld [tilespmem:s23+$0xFFFFFFFD]  }
0x39d: {  	v2 =	vld [tilespmem:s24+$0xFFFFFFFD];
	_ =	sdelay $0x2  }
0x39e: {  	(v2sf) =	vpush v0, $0x0  }
0x39f: {  	(v2sf) =	vpush v1, $0x0  }
0x3a0: {  	(v2sf) =	vpush v2, $0x0;
	_ =	sdelay $0x2  }
0x3a1: {  	s25 =	sshra.s32 s21, $0x2;
	_ =	sdelay $0x2  }
0x3a2: {  	s0 =	sadd.s32 $0x4780, s25;
	_ =	sdelay $0x6  }
0x3a3: {  	s18 =	spop (v2sf)  }
0x3a4: {  	s19 =	sadd.s32 $0x14780, s25;
	s18 =	sshll.u32 s18, $0x4;
	s26 =	spop (v2sf)  }
0x3a5: {  	s18 =	sand.u32 $0x1FFFFFF0, s18;
	s26 =	sshll.u32 s26, $0x4;
	s28 =	spop (v2sf)  }
0x3a6: {  	s18 =	sadd.s32 s3, s18;
	s26 =	sand.u32 $0x1FFFFFF0, s26;
	s28 =	sshll.u32 s28, $0x4  }
0x3a7: {  	[tilespmem:s0], [sflag:$0x2] =	stream.linear.gather [hbm4b:s18+s1], $0x80, $0x38;
	[tilespmem:$0x18980] =	vst v63  }
0x3a8: {  	s0 =	sadd.s32 $0xC780, s25;
	s18 =	sadd.s32 s4, s26;
	s26 =	sand.u32 $0x1FFFFFF0, s28  }
0x3a9: {  	[tilespmem:s0], [sflag:$0x2] =	stream.linear.gather [hbm4b:s18+s1], $0x80, $0x38;
	[tilespmem:$0x18980] =	vst v63  }
0x3aa: {  	s0 =	sadd.s32 s3, s26  }
0x3ab: {  	[tilespmem:s19], [sflag:$0x2] =	stream.linear.gather [hbm4b:s0+s1], $0x80, $0x38;
	[tilespmem:$0x18980] =	vst v63  }
0x3ac: {  	v0 =	vld [tilespmem:s20+$0xFFFFFFFE]  }
0x3ad: {  	v1 =	vld [tilespmem:s23+$0xFFFFFFFE]  }
0x3ae: {  	v2 =	vld [tilespmem:s24+$0xFFFFFFFE];
	_ =	sdelay $0x2  }
0x3af: {  	(v2sf) =	vpush v0, $0x0  }
0x3b0: {  	(v2sf) =	vpush v1, $0x0  }
0x3b1: {  	(v2sf) =	vpush v2, $0x0;
	_ =	sdelay $0xc  }
0x3b2: {  	s0 =	sadd.s32 $0x14800, s25;
	s18 =	spop (v2sf)  }
0x3b3: {  	s19 =	sadd.s32 $0x4800, s25;
	s18 =	sshll.u32 s18, $0x4;
	s26 =	spop (v2sf)  }
0x3b4: {  	s18 =	sand.u32 $0x1FFFFFF0, s18;
	s26 =	sshll.u32 s26, $0x4;
	s28 =	spop (v2sf)  }
0x3b5: {  	s18 =	sadd.s32 s3, s18;
	s26 =	sand.u32 $0x1FFFFFF0, s26;
	s28 =	sshll.u32 s28, $0x4  }
0x3b6: {  	[tilespmem:s19], [sflag:$0x2] =	stream.linear.gather [hbm4b:s18+s1], $0x80, $0x38;
	[tilespmem:$0x18980] =	vst v63  }
0x3b7: {  	s18 =	sadd.s32 $0xC800, s25;
	s19 =	sadd.s32 s4, s26;
	s26 =	sand.u32 $0x1FFFFFF0, s28  }
0x3b8: {  	[tilespmem:s18], [sflag:$0x2] =	stream.linear.gather [hbm4b:s19+s1], $0x80, $0x38;
	[tilespmem:$0x18980] =	vst v63  }
0x3b9: {  	s18 =	sadd.s32 s3, s26  }
0x3ba: {  	[tilespmem:s0], [sflag:$0x2] =	stream.linear.gather [hbm4b:s18+s1], $0x80, $0x38;
	[tilespmem:$0x18980] =	vst v63  }
0x3bb: {  	v0 =	vld [tilespmem:s20+$0xFFFFFFFF]  }
0x3bc: {  	v1 =	vld [tilespmem:s23+$0xFFFFFFFF]  }
0x3bd: {  	v2 =	vld [tilespmem:s24+$0xFFFFFFFF];
	_ =	sdelay $0x2  }
0x3be: {  	(v2sf) =	vpush v0, $0x0  }
0x3bf: {  	(v2sf) =	vpush v1, $0x0  }
0x3c0: {  	(v2sf) =	vpush v2, $0x0;
	_ =	sdelay $0xc  }
0x3c1: {  	s0 =	sadd.s32 $0x14880, s25;
	s18 =	spop (v2sf)  }
0x3c2: {  	s19 =	sadd.s32 $0x4880, s25;
	s18 =	sshll.u32 s18, $0x4;
	s26 =	spop (v2sf)  }
0x3c3: {  	s18 =	sand.u32 $0x1FFFFFF0, s18;
	s26 =	sshll.u32 s26, $0x4;
	s28 =	spop (v2sf)  }
0x3c4: {  	s18 =	sadd.s32 s3, s18;
	s26 =	sand.u32 $0x1FFFFFF0, s26;
	s28 =	sshll.u32 s28, $0x4  }
0x3c5: {  	[tilespmem:s19], [sflag:$0x2] =	stream.linear.gather [hbm4b:s18+s1], $0x80, $0x38;
	[tilespmem:$0x18980] =	vst v63  }
0x3c6: {  	s18 =	sadd.s32 $0xC880, s25;
	s19 =	sadd.s32 s4, s26;
	s26 =	sand.u32 $0x1FFFFFF0, s28  }
0x3c7: {  	[tilespmem:s18], [sflag:$0x2] =	stream.linear.gather [hbm4b:s19+s1], $0x80, $0x38;
	[tilespmem:$0x18980] =	vst v63  }
0x3c8: {  	s18 =	sadd.s32 s3, s26  }
0x3c9: {  	[tilespmem:s0], [sflag:$0x2] =	stream.linear.gather [hbm4b:s18+s1], $0x80, $0x38;
	[tilespmem:$0x18980] =	vst v63  }
0x3ca: {  	v0 =	vld [tilespmem:s20+$0x0]  }
0x3cb: {  	v1 =	vld [tilespmem:s23+$0x0]  }
0x3cc: {  	v2 =	vld [tilespmem:s24+$0x0];
	_ =	sdelay $0x2  }
0x3cd: {  	(v2sf) =	vpush v0, $0x0  }
0x3ce: {  	(v2sf) =	vpush v1, $0x0  }
0x3cf: {  	(v2sf) =	vpush v2, $0x0;
	_ =	sdelay $0x1  }
.Ltmp5:
0x3d0: {  	(pc) =	sbr.rel @p0 .LBB2_12-.Ltmp5, $3  }
0x3d1: {  	_ =	sdelay $0x1  }
0x3d2: {  	s26 =	simm.s32 $0x10880;
	s18 =	simm.s32 $0x8880  }
0x3d3: {  	s19 =	simm.s32 $0x880;
	s23 =	sadd.s32 $0x4, s23;
	s24 =	sadd.s32 $0x4, s24  }
0x3d4: {  	_ =	sdelay $0x5  }
0x3d5: {  	s0 =	spop (v2sf)  }
0x3d6: {  	s20 =	sadd.s32 $0x4900, s25;
	s0 =	sshll.u32 s0, $0x4;
	s21 =	spop (v2sf)  }
0x3d7: {  	s0 =	sand.u32 $0x1FFFFFF0, s0;
	s21 =	sshll.u32 s21, $0x4;
	s22 =	spop (v2sf)  }
0x3d8: {  	s0 =	sadd.s32 s3, s0;
	s21 =	sand.u32 $0x1FFFFFF0, s21;
	s22 =	sshll.u32 s22, $0x4  }
0x3d9: {  	[tilespmem:s20], [sflag:$0x2] =	stream.linear.gather [hbm4b:s0+s1], $0x80, $0x38;
	[tilespmem:$0x18980] =	vst v63  }
0x3da: {  	s20 =	sadd.s32 $0xC900, s25;
	s23 =	sadd.s32 s4, s21;
	s24 =	sand.u32 $0x1FFFFFF0, s22  }
0x3db: {  	[tilespmem:s20], [sflag:$0x2] =	stream.linear.gather [hbm4b:s23+s1], $0x80, $0x38;
	[tilespmem:$0x18980] =	vst v63  }
0x3dc: {  	s25 =	sadd.s32 $0x14900, s25;
	s28 =	sadd.s32 s3, s24  }
0x3dd: {  	[tilespmem:s25], [sflag:$0x2] =	stream.linear.gather [hbm4b:s28+s1], $0x80, $0x38;
	[tilespmem:$0x18980] =	vst v63  }
0x3de: {  	v0 =	vld [tilespmem:s26+$0xFFFFFF20]  }
0x3df: {  	v1 =	vld [tilespmem:s18+$0xFFFFFF20]  }
0x3e0: {  	v2 =	vld [tilespmem:s19+$0xFFFFFF20]  }
0x3e1: {  	v3 =	vld [tilespmem:s19+$0xFFFFFF00]  }
0x3e2: {  	v4 =	vld [tilespmem:s18+$0xFFFFFF10]  }
0x3e3: {  	v5 =	vld [tilespmem:s19+$0xFFFFFF10]  }
0x3e4: {  	v6 =	vld [tilespmem:s18+$0xFFFFFF00]  }
0x3e5: {  	v7 =	vld [tilespmem:s26+$0xFFFFFF10]  }
0x3e6: {  	v8 =	vld [tilespmem:s26+$0xFFFFFF00]  }
0x3e7: {  	v9 =	vld [tilespmem:s18+$0xFFFFFF30]  }
0x3e8: {  	v10 =	vld [tilespmem:s19+$0xFFFFFF30]  }
0x3e9: {  	v4 =	vadd.f32 v4, v5;
	v3 =	vadd.f32 v6, v3  }
0x3ea: {  	v1 =	vadd.f32 v1, v2;
	v2 =	vld [tilespmem:s26+$0xFFFFFF30]  }
0x3eb: {  	v3 =	vsub.f32 v3, v8;
	v4 =	vsub.f32 v4, v7  }
0x3ec: {  	v0 =	vsub.f32 v1, v0  }
0x3ed: {  	v1 =	vmul.f32 v3, v3;
	v3 =	vmul.f32 v4, v4;
	v4 =	vadd.f32 v9, v10;
	_ =	sdelay $0x1  }
0x3ee: {  	v0 =	vmul.f32 v0, v0;
	v1 =	vadd.f32 v3, v1;
	v2 =	vsub.f32 v4, v2;
	_ =	sdelay $0x1  }
0x3ef: {  	v0 =	vadd.f32 v0, v1;
	v1 =	vmul.f32 v2, v2;
	_ =	sdelay $0x1  }
0x3f0: {  	v0 =	vadd.f32 v1, v0;
	_ =	sdelay $0x1  }
0x3f1: {  	(xrf2) =	vadd.scan.msk.f32 $0xffff, v0;
	_ =	sdelay $0x1  }
0x3f2: {  	s29 =	simm.s32 $0x100  }
0x3f3: {  	v0 =	vmov s29  }
0x3f4: {  	v0 =	vand.u32 $0xFFFFFFFC, v0  }
0x3f5: {  	v0 =	vbroadcast v0, $0x0;
	_ =	sdelay $0x4  }
0x3f6: {  	v1, _, _ =	vpop (xrf2)  }
0x3f7: {  	[tilespmem:v0+s14+$0x0] =	vst.idx.msk vm0, v1  }
0x3f8: {  	v0 =	vld [tilespmem:s26+$0xFFFFFFA0]  }
0x3f9: {  	v1 =	vld [tilespmem:s18+$0xFFFFFFA0]  }
0x3fa: {  	v2 =	vld [tilespmem:s19+$0xFFFFFFA0]  }
0x3fb: {  	v3 =	vld [tilespmem:s18+$0xFFFFFF90]  }
0x3fc: {  	v4 =	vld [tilespmem:s19+$0xFFFFFF80]  }
0x3fd: {  	v5 =	vld [tilespmem:s19+$0xFFFFFF90]  }
0x3fe: {  	v6 =	vld [tilespmem:s18+$0xFFFFFF80]  }
0x3ff: {  	v7 =	vld [tilespmem:s26+$0xFFFFFF90]  }
0x400: {  	v55 =	vld [tilespmem:s26+$0xFFFFFF80]  }
0x401: {  	v56 =	vld [tilespmem:s18+$0xFFFFFFB0]  }
0x402: {  	v57 =	vld [tilespmem:s19+$0xFFFFFFB0]  }
0x403: {  	v3 =	vadd.f32 v3, v5;
	v4 =	vadd.f32 v6, v4  }
0x404: {  	v1 =	vadd.f32 v1, v2;
	v2 =	vld [tilespmem:s26+$0xFFFFFFB0]  }
0x405: {  	v3 =	vsub.f32 v3, v7;
	v4 =	vsub.f32 v4, v55  }
0x406: {  	v0 =	vsub.f32 v1, v0  }
0x407: {  	v1 =	vmul.f32 v4, v4;
	v3 =	vmul.f32 v3, v3;
	v4 =	vadd.f32 v56, v57;
	_ =	sdelay $0x1  }
0x408: {  	v0 =	vmul.f32 v0, v0;
	v1 =	vadd.f32 v3, v1;
	v2 =	vsub.f32 v4, v2;
	_ =	sdelay $0x1  }
0x409: {  	v0 =	vadd.f32 v0, v1;
	v1 =	vmul.f32 v2, v2;
	_ =	sdelay $0x1  }
0x40a: {  	v0 =	vadd.f32 v1, v0;
	_ =	sdelay $0x1  }
0x40b: {  	(xrf2) =	vadd.scan.msk.f32 $0xffff, v0;
	_ =	sdelay $0x1  }
0x40c: {  	s30 =	simm.s32 $0x101  }
0x40d: {  	v0 =	vmov s30  }
0x40e: {  	v0 =	vand.u32 $0xFFFFFFFD, v0  }
0x40f: {  	v0 =	vbroadcast v0, $0x0;
	_ =	sdelay $0x4  }
0x410: {  	v1, _, _ =	vpop (xrf2)  }
0x411: {  	[tilespmem:v0+s14+$0x0] =	vst.idx.msk vm0, v1  }
0x412: {  	v0 =	vld [tilespmem:s26+$0x20]  }
0x413: {  	v1 =	vld [tilespmem:s18+$0x20]  }
0x414: {  	v2 =	vld [tilespmem:s19+$0x20]  }
0x415: {  	v3 =	vld [tilespmem:s18+$0x10]  }
0x416: {  	v4 =	vld [tilespmem:s19+$0x0]  }
0x417: {  	v5 =	vld [tilespmem:s18+$0x0]  }
0x418: {  	v6 =	vld [tilespmem:s19+$0x10]  }
0x419: {  	v7 =	vld [tilespmem:s26+$0x0]  }
0x41a: {  	v58 =	vld [tilespmem:s26+$0x10]  }
0x41b: {  	v59 =	vld [tilespmem:s18+$0x30]  }
0x41c: {  	v60 =	vld [tilespmem:s19+$0x30]  }
0x41d: {  	v4 =	vadd.f32 v5, v4;
	v3 =	vadd.f32 v3, v6  }
0x41e: {  	v1 =	vadd.f32 v1, v2;
	v2 =	vld [tilespmem:s26+$0x30]  }
0x41f: {  	v4 =	vsub.f32 v4, v7;
	v3 =	vsub.f32 v3, v58  }
0x420: {  	v0 =	vsub.f32 v1, v0  }
0x421: {  	v1 =	vmul.f32 v4, v4;
	v3 =	vmul.f32 v3, v3;
	v4 =	vadd.f32 v59, v60;
	_ =	sdelay $0x1  }
0x422: {  	v0 =	vmul.f32 v0, v0;
	v1 =	vadd.f32 v3, v1;
	v2 =	vsub.f32 v4, v2;
	_ =	sdelay $0x1  }
0x423: {  	v0 =	vadd.f32 v0, v1;
	v1 =	vmul.f32 v2, v2;
	_ =	sdelay $0x1  }
0x424: {  	v0 =	vadd.f32 v1, v0;
	_ =	sdelay $0x1  }
0x425: {  	(xrf2) =	vadd.scan.msk.f32 $0xffff, v0;
	_ =	sdelay $0x1  }
0x426: {  	s31 =	simm.s32 $0x102  }
0x427: {  	v0 =	vmov s31  }
0x428: {  	v0 =	vand.u32 $0xFFFFFFFE, v0  }
0x429: {  	v0 =	vbroadcast v0, $0x0;
	_ =	sdelay $0x4  }
0x42a: {  	v1, _, _ =	vpop (xrf2)  }
0x42b: {  	[tilespmem:v0+s14+$0x0] =	vst.idx.msk vm0, v1  }
0x42c: {  	v0 =	vld [tilespmem:s18+$0xA0]  }
0x42d: {  	v1 =	vld [tilespmem:s19+$0xA0]  }
0x42e: {  	v2 =	vld [tilespmem:s26+$0x80]  }
0x42f: {  	v3 =	vld [tilespmem:s18+$0x80]  }
0x430: {  	v4 =	vld [tilespmem:s19+$0x80]  }
0x431: {  	v5 =	vld [tilespmem:s18+$0xB0]  }
0x432: {  	v6 =	vld [tilespmem:s18+$0x90]  }
0x433: {  	v7 =	vld [tilespmem:s19+$0x90]  }
0x434: {  	v61 =	vld [tilespmem:s26+$0xA0]  }
0x435: {  	v62 =	vld [tilespmem:s19+$0xB0]  }
0x436: {  	v63 =	vld [tilespmem:s26+$0x90]  }
0x437: {  	v3 =	vadd.f32 v3, v4  }
0x438: {  	v0 =	vadd.f32 v0, v1;
	v1 =	vld [tilespmem:s26+$0xB0]  }
0x439: {  	v6 =	vadd.f32 v6, v7;
	v4 =	vsub.f32 v3, v2  }
0x43a: {  	v2 =	vsub.f32 v0, v61  }
0x43b: {  	s21 =	simm.s32 $0x10A80;
	s20 =	simm.s32 $0x0;
	v3 =	vadd.f32 v5, v62;
	v0 =	vmul.f32 v4, v4;
	v4 =	vsub.f32 v6, v63  }
.LBB2_14:
0x43c: {  	s19 =	sadd.s32 $0x200, s19  }
0x43d: {  	v2 =	vmul.f32 v2, v2;
	v1 =	vsub.f32 v3, v1;
	s18 =	sadd.s32 $0x200, s18;
	s0 =	smov.u32 s20;
	s20 =	sadd.s32 $0x4, s20  }
0x43e: {  	p0 =	slt.u32 s20, $0x7C;
	v3 =	vmul.f32 v4, v4  }
0x43f: {  	v1 =	vmul.f32 v1, v1  }
0x440: {  	v0 =	vadd.f32 v3, v0;
	_ =	sdelay $0x1  }
0x441: {  	v0 =	vadd.f32 v2, v0;
	_ =	sdelay $0x1  }
0x442: {  	v0 =	vadd.f32 v1, v0;
	_ =	sdelay $0x1  }
0x443: {  	(xrf2) =	vadd.scan.msk.f32 $0xffff, v0;
	_ =	sdelay $0x2  }
0x444: {  	s22 =	sadd.s32 $0x107, s17;
	s17 =	smov.u32 s0  }
0x445: {  	v0 =	vmov s22;
	_ =	sdelay $0x5  }
0x446: {  	v1, _, _ =	vpop (xrf2)  }
0x447: {  	[tilespmem:v0+s14+$0x0] =	vst.idx.msk vm0, v1;
	_ =	sdelay $0x1  }
0x448: {  	v0 =	vld [tilespmem:s21+$0xFFFFFF20]  }
0x449: {  	v1 =	vld [tilespmem:s18+$0xFFFFFF20]  }
0x44a: {  	v2 =	vld [tilespmem:s19+$0xFFFFFF20]  }
0x44b: {  	v3 =	vld [tilespmem:s19+$0xFFFFFF00]  }
0x44c: {  	v4 =	vld [tilespmem:s18+$0xFFFFFF10]  }
0x44d: {  	v5 =	vld [tilespmem:s19+$0xFFFFFF10]  }
0x44e: {  	v6 =	vld [tilespmem:s18+$0xFFFFFF00]  }
0x44f: {  	v7 =	vld [tilespmem:s21+$0xFFFFFF10];
	v1 =	vadd.f32 v1, v2  }
0x450: {  	v2 =	vld [tilespmem:s21+$0xFFFFFF00]  }
0x451: {  	v0 =	vsub.f32 v1, v0;
	v1 =	vld [tilespmem:s18+$0xFFFFFF30]  }
0x452: {  	v4 =	vadd.f32 v4, v5;
	v5 =	vld [tilespmem:s19+$0xFFFFFF30]  }
0x453: {  	v3 =	vadd.f32 v6, v3  }
0x454: {  	v6 =	vld [tilespmem:s21+$0xFFFFFF30]  }
0x455: {  	v2 =	vsub.f32 v3, v2;
	v3 =	vsub.f32 v4, v7;
	_ =	sdelay $0x1  }
0x456: {  	v2 =	vmul.f32 v2, v2;
	v3 =	vmul.f32 v3, v3;
	v1 =	vadd.f32 v1, v5;
	_ =	sdelay $0x1  }
0x457: {  	v0 =	vmul.f32 v0, v0;
	v2 =	vadd.f32 v3, v2;
	v1 =	vsub.f32 v1, v6;
	_ =	sdelay $0x1  }
0x458: {  	v0 =	vadd.f32 v0, v2;
	v1 =	vmul.f32 v1, v1;
	_ =	sdelay $0x1  }
0x459: {  	v0 =	vadd.f32 v1, v0;
	_ =	sdelay $0x1  }
0x45a: {  	(xrf2) =	vadd.scan.msk.f32 $0xffff, v0;
	_ =	sdelay $0x1  }
0x45b: {  	s0 =	sadd.s32 $0x104, s17  }
0x45c: {  	v0 =	vmov s0  }
0x45d: {  	v0 =	vand.u32 $0xFFFFFFFC, v0  }
0x45e: {  	v0 =	vbroadcast v0, $0x0;
	_ =	sdelay $0x4  }
0x45f: {  	v1, _, _ =	vpop (xrf2)  }
0x460: {  	[tilespmem:v0+s14+$0x0] =	vst.idx.msk vm0, v1  }
0x461: {  	v0 =	vld [tilespmem:s21+$0xFFFFFFA0]  }
0x462: {  	v1 =	vld [tilespmem:s18+$0xFFFFFFA0]  }
0x463: {  	v2 =	vld [tilespmem:s19+$0xFFFFFFA0]  }
0x464: {  	v3 =	vld [tilespmem:s18+$0xFFFFFF90]  }
0x465: {  	v4 =	vld [tilespmem:s19+$0xFFFFFF80]  }
0x466: {  	v5 =	vld [tilespmem:s19+$0xFFFFFF90]  }
0x467: {  	v6 =	vld [tilespmem:s18+$0xFFFFFF80]  }
0x468: {  	v7 =	vld [tilespmem:s21+$0xFFFFFF90];
	v1 =	vadd.f32 v1, v2  }
0x469: {  	v2 =	vld [tilespmem:s21+$0xFFFFFF80]  }
0x46a: {  	v0 =	vsub.f32 v1, v0;
	v1 =	vld [tilespmem:s18+$0xFFFFFFB0]  }
0x46b: {  	v3 =	vadd.f32 v3, v5;
	v5 =	vld [tilespmem:s19+$0xFFFFFFB0]  }
0x46c: {  	v4 =	vadd.f32 v6, v4  }
0x46d: {  	v3 =	vsub.f32 v3, v7;
	v6 =	vld [tilespmem:s21+$0xFFFFFFB0]  }
0x46e: {  	v2 =	vsub.f32 v4, v2;
	_ =	sdelay $0x1  }
0x46f: {  	v3 =	vmul.f32 v3, v3;
	v2 =	vmul.f32 v2, v2;
	v1 =	vadd.f32 v1, v5;
	_ =	sdelay $0x1  }
0x470: {  	v0 =	vmul.f32 v0, v0;
	v2 =	vadd.f32 v3, v2;
	v1 =	vsub.f32 v1, v6;
	_ =	sdelay $0x1  }
0x471: {  	v0 =	vadd.f32 v0, v2;
	v1 =	vmul.f32 v1, v1;
	_ =	sdelay $0x1  }
0x472: {  	v0 =	vadd.f32 v1, v0;
	_ =	sdelay $0x1  }
0x473: {  	(xrf2) =	vadd.scan.msk.f32 $0xffff, v0;
	_ =	sdelay $0x1  }
0x474: {  	s0 =	sadd.s32 $0x105, s17  }
0x475: {  	v0 =	vmov s0  }
0x476: {  	v0 =	vand.u32 $0xFFFFFFFD, v0  }
0x477: {  	v0 =	vbroadcast v0, $0x0;
	_ =	sdelay $0x4  }
0x478: {  	v1, _, _ =	vpop (xrf2)  }
0x479: {  	[tilespmem:v0+s14+$0x0] =	vst.idx.msk vm0, v1  }
0x47a: {  	v0 =	vld [tilespmem:s21+$0x20]  }
0x47b: {  	v1 =	vld [tilespmem:s18+$0x20]  }
0x47c: {  	v2 =	vld [tilespmem:s19+$0x20]  }
0x47d: {  	v3 =	vld [tilespmem:s18+$0x10]  }
0x47e: {  	v4 =	vld [tilespmem:s19+$0x0]  }
0x47f: {  	v5 =	vld [tilespmem:s18+$0x0]  }
0x480: {  	v6 =	vld [tilespmem:s19+$0x10]  }
0x481: {  	v7 =	vld [tilespmem:s21+$0x0];
	v1 =	vadd.f32 v1, v2  }
0x482: {  	v2 =	vld [tilespmem:s21+$0x10]  }
0x483: {  	v0 =	vsub.f32 v1, v0;
	v1 =	vld [tilespmem:s18+$0x30]  }
0x484: {  	v4 =	vadd.f32 v5, v4;
	v5 =	vld [tilespmem:s19+$0x30]  }
0x485: {  	v3 =	vadd.f32 v3, v6  }
0x486: {  	v4 =	vsub.f32 v4, v7;
	v6 =	vld [tilespmem:s21+$0x30]  }
0x487: {  	v2 =	vsub.f32 v3, v2;
	_ =	sdelay $0x1  }
0x488: {  	v3 =	vmul.f32 v4, v4;
	v2 =	vmul.f32 v2, v2;
	v1 =	vadd.f32 v1, v5;
	_ =	sdelay $0x1  }
0x489: {  	v0 =	vmul.f32 v0, v0;
	v2 =	vadd.f32 v2, v3;
	v1 =	vsub.f32 v1, v6;
	_ =	sdelay $0x1  }
0x48a: {  	v0 =	vadd.f32 v0, v2;
	v1 =	vmul.f32 v1, v1;
	_ =	sdelay $0x1  }
0x48b: {  	v0 =	vadd.f32 v1, v0;
	_ =	sdelay $0x1  }
0x48c: {  	(xrf2) =	vadd.scan.msk.f32 $0xffff, v0;
	_ =	sdelay $0x1  }
0x48d: {  	s0 =	sadd.s32 $0x106, s17  }
0x48e: {  	v0 =	vmov s0  }
0x48f: {  	v0 =	vand.u32 $0xFFFFFFFE, v0  }
0x490: {  	v0 =	vbroadcast v0, $0x0;
	_ =	sdelay $0x4  }
0x491: {  	v1, _, _ =	vpop (xrf2)  }
0x492: {  	[tilespmem:v0+s14+$0x0] =	vst.idx.msk vm0, v1  }
0x493: {  	v0 =	vld [tilespmem:s18+$0xA0]  }
0x494: {  	v2 =	vld [tilespmem:s19+$0xA0]  }
0x495: {  	v1 =	vld [tilespmem:s21+$0x80]  }
0x496: {  	v3 =	vld [tilespmem:s18+$0x80]  }
0x497: {  	v4 =	vld [tilespmem:s19+$0x80]  }
0x498: {  	v5 =	vld [tilespmem:s18+$0xB0]  }
0x499: {  	v6 =	vld [tilespmem:s18+$0x90]  }
0x49a: {  	v7 =	vld [tilespmem:s19+$0x90]  }
0x49b: {  	v8 =	vld [tilespmem:s21+$0xA0]  }
0x49c: {  	v3 =	vadd.f32 v3, v4;
	v4 =	vld [tilespmem:s19+$0xB0]  }
0x49d: {  	v9 =	vld [tilespmem:s21+$0x90]  }
.Ltmp6:
0x49e: {  	v10 =	vsub.f32 v3, v1;
	v1 =	vld [tilespmem:s21+$0xB0];
	(pc) =	sbr.rel @p0 .LBB2_14-.Ltmp6, $3  }
0x49f: {  	v0 =	vadd.f32 v0, v2;
	v6 =	vadd.f32 v6, v7;
	_ =	sdelay $0x1  }
0x4a0: {  	v2 =	vsub.f32 v0, v8;
	v3 =	vadd.f32 v5, v4  }
0x4a1: {  	s21 =	sadd.s32 $0x200, s21;
	v0 =	vmul.f32 v10, v10;
	v4 =	vsub.f32 v6, v9  }
0x4a2: {  	_ = 	snop  }
0x4a3: {  	v4 =	vmul.f32 v4, v4;
	_ =	sdelay $0x1  }
0x4a4: {  	v2 =	vmul.f32 v2, v2;
	v1 =	vsub.f32 v3, v1;
	v0 =	vadd.f32 v4, v0;
	_ =	sdelay $0x1  }
0x4a5: {  	v1 =	vmul.f32 v1, v1;
	v0 =	vadd.f32 v2, v0;
	_ =	sdelay $0x1  }
0x4a6: {  	v0 =	vadd.f32 v1, v0;
	_ =	sdelay $0x1  }
0x4a7: {  	(xrf2) =	vadd.scan.msk.f32 $0xffff, v0;
	_ =	sdelay $0x4  }
0x4a8: {  	s0 =	sadd.s32 $0x107, s17  }
0x4a9: {  	v62 =	vmov s0;
	_ =	sdelay $0x3  }
0x4aa: {  	v63, _, _ =	vpop (xrf2)  }
0x4ab: {  	[tilespmem:v62+s14+$0x0] =	vst.idx.msk vm0, v63  }
0x4ac: {  	_ =	swait.ge [sflag:s15], $0x4000  }
0x4ad: {  	[sflag:s15] =	ssyncset.done $0x0  }
0x4ae: {  	[sflag:s15] =	ssyncadd.s32 $0xFFFFC000  }
0x4af: {  	_ =	swait.ge [sflag:s15], $0x4000  }
0x4b0: {  	[sflag:s15] =	ssyncset.done $0x0  }
0x4b1: {  	[sflag:s15] =	ssyncadd.s32 $0xFFFFC000  }
0x4b2: {  	_ =	swait.ge [sflag:s15], $0x4000  }
0x4b3: {  	[sflag:s15] =	ssyncset.done $0x0  }
0x4b4: {  	s18 =	simm.s32 $0xFFFFFFFC;
	s19 =	simm.s32 $0x0;
	[sflag:s15] =	ssyncadd.s32 $0xFFFFC000  }
.LBB2_16:
0x4b5: {  	s17 =	sshra.s32 s19, $0x2  }
0x4b6: {  	v0 =	vld [tilespmem:s17+$0x4780]  }
0x4b7: {  	v1 =	vld [tilespmem:s17+$0xC780]  }
0x4b8: {  	v2 =	vld [tilespmem:s17+$0x14780]  }
0x4b9: {  	v3 =	vld [tilespmem:s17+$0x4790]  }
0x4ba: {  	v4 =	vld [tilespmem:s17+$0xC790]  }
0x4bb: {  	v5 =	vld [tilespmem:s17+$0x14790]  }
0x4bc: {  	v6 =	vld [tilespmem:s17+$0x47A0]  }
0x4bd: {  	v7 =	vld [tilespmem:s17+$0xC7A0]  }
0x4be: {  	v9 =	vld [tilespmem:s17+$0x47B0]  }
0x4bf: {  	v14 =	vld [tilespmem:s17+$0xC7B0]  }
0x4c0: {  	v8 =	vld [tilespmem:s17+$0x147A0]  }
0x4c1: {  	v0 =	vadd.f32 v1, v0;
	v3 =	vadd.f32 v4, v3  }
0x4c2: {  	v15 =	vld [tilespmem:s17+$0x147B0];
	v16 =	vadd.f32 v7, v6  }
0x4c3: {  	v0 =	vsub.f32 v0, v2;
	v3 =	vsub.f32 v3, v5  }
0x4c4: {  	v1 =	vadd.f32 v14, v9  }
0x4c5: {  	v4 =	vsub.f32 v16, v8;
	v0 =	vmul.f32 v0, v0;
	v3 =	vmul.f32 v3, v3;
	_ =	sdelay $0x1  }
0x4c6: {  	v1 =	vsub.f32 v1, v15;
	v17 =	vmul.f32 v4, v4;
	v0 =	vadd.f32 v3, v0;
	_ =	sdelay $0x1  }
0x4c7: {  	v1 =	vmul.f32 v1, v1;
	v0 =	vadd.f32 v17, v0;
	_ =	sdelay $0x1  }
0x4c8: {  	v0 =	vadd.f32 v1, v0;
	_ =	sdelay $0x1  }
0x4c9: {  	(xrf2) =	vadd.scan.msk.f32 $0xffff, v0;
	_ =	sdelay $0x1  }
0x4ca: {  	s0 =	sadd.s32 $0x184, s18  }
0x4cb: {  	v18 =	vmov s0  }
0x4cc: {  	v0 =	vand.u32 $0xFFFFFFFC, v18  }
0x4cd: {  	v0 =	vbroadcast v0, $0x0;
	_ =	sdelay $0x4  }
0x4ce: {  	v19, _, _ =	vpop (xrf2)  }
0x4cf: {  	[tilespmem:v0+s14+$0x0] =	vst.idx.msk vm0, v19  }
0x4d0: {  	v0 =	vld [tilespmem:s17+$0x4800]  }
0x4d1: {  	v1 =	vld [tilespmem:s17+$0xC800]  }
0x4d2: {  	v20 =	vld [tilespmem:s17+$0x14800]  }
0x4d3: {  	v21 =	vld [tilespmem:s17+$0x4810]  }
0x4d4: {  	v22 =	vld [tilespmem:s17+$0xC810]  }
0x4d5: {  	v23 =	vld [tilespmem:s17+$0x14810]  }
0x4d6: {  	v24 =	vld [tilespmem:s17+$0x4820]  }
0x4d7: {  	v25 =	vld [tilespmem:s17+$0xC820]  }
0x4d8: {  	v27 =	vld [tilespmem:s17+$0x4830]  }
0x4d9: {  	v28 =	vld [tilespmem:s17+$0xC830]  }
0x4da: {  	v26 =	vld [tilespmem:s17+$0x14820]  }
0x4db: {  	v0 =	vadd.f32 v1, v0;
	v3 =	vadd.f32 v22, v21  }
0x4dc: {  	v29 =	vld [tilespmem:s17+$0x14830];
	v30 =	vadd.f32 v25, v24  }
0x4dd: {  	v0 =	vsub.f32 v0, v20;
	v3 =	vsub.f32 v3, v23  }
0x4de: {  	v1 =	vadd.f32 v28, v27  }
0x4df: {  	v4 =	vsub.f32 v30, v26;
	v0 =	vmul.f32 v0, v0;
	v3 =	vmul.f32 v3, v3;
	_ =	sdelay $0x1  }
0x4e0: {  	v1 =	vsub.f32 v1, v29;
	v31 =	vmul.f32 v4, v4;
	v0 =	vadd.f32 v3, v0;
	_ =	sdelay $0x1  }
0x4e1: {  	v1 =	vmul.f32 v1, v1;
	v0 =	vadd.f32 v31, v0;
	_ =	sdelay $0x1  }
0x4e2: {  	v0 =	vadd.f32 v1, v0;
	_ =	sdelay $0x1  }
0x4e3: {  	(xrf2) =	vadd.scan.msk.f32 $0xffff, v0;
	_ =	sdelay $0x1  }
0x4e4: {  	s29 =	sadd.s32 $0x185, s18  }
0x4e5: {  	v32 =	vmov s29  }
0x4e6: {  	v0 =	vand.u32 $0xFFFFFFFD, v32  }
0x4e7: {  	v0 =	vbroadcast v0, $0x0;
	_ =	sdelay $0x4  }
0x4e8: {  	v33, _, _ =	vpop (xrf2)  }
0x4e9: {  	[tilespmem:v0+s14+$0x0] =	vst.idx.msk vm0, v33  }
0x4ea: {  	v0 =	vld [tilespmem:s17+$0x4880]  }
0x4eb: {  	v1 =	vld [tilespmem:s17+$0xC880]  }
0x4ec: {  	v34 =	vld [tilespmem:s17+$0x14880]  }
0x4ed: {  	v35 =	vld [tilespmem:s17+$0x4890]  }
0x4ee: {  	v36 =	vld [tilespmem:s17+$0xC890]  }
0x4ef: {  	v37 =	vld [tilespmem:s17+$0x14890]  }
0x4f0: {  	v38 =	vld [tilespmem:s17+$0x48A0]  }
0x4f1: {  	v39 =	vld [tilespmem:s17+$0xC8A0]  }
0x4f2: {  	v41 =	vld [tilespmem:s17+$0x48B0]  }
0x4f3: {  	v42 =	vld [tilespmem:s17+$0xC8B0]  }
0x4f4: {  	v40 =	vld [tilespmem:s17+$0x148A0]  }
0x4f5: {  	v0 =	vadd.f32 v1, v0;
	v3 =	vadd.f32 v36, v35  }
0x4f6: {  	v43 =	vld [tilespmem:s17+$0x148B0];
	v44 =	vadd.f32 v39, v38  }
0x4f7: {  	v0 =	vsub.f32 v0, v34;
	v3 =	vsub.f32 v3, v37  }
0x4f8: {  	v1 =	vadd.f32 v42, v41  }
0x4f9: {  	v4 =	vsub.f32 v44, v40;
	v0 =	vmul.f32 v0, v0;
	v3 =	vmul.f32 v3, v3;
	_ =	sdelay $0x1  }
0x4fa: {  	v1 =	vsub.f32 v1, v43;
	v45 =	vmul.f32 v4, v4;
	v0 =	vadd.f32 v3, v0;
	_ =	sdelay $0x1  }
0x4fb: {  	v1 =	vmul.f32 v1, v1;
	v0 =	vadd.f32 v45, v0;
	_ =	sdelay $0x1  }
0x4fc: {  	v0 =	vadd.f32 v1, v0;
	_ =	sdelay $0x1  }
0x4fd: {  	(xrf2) =	vadd.scan.msk.f32 $0xffff, v0;
	_ =	sdelay $0x1  }
0x4fe: {  	s30 =	sadd.s32 $0x186, s18  }
0x4ff: {  	v46 =	vmov s30  }
0x500: {  	v0 =	vand.u32 $0xFFFFFFFE, v46  }
0x501: {  	v0 =	vbroadcast v0, $0x0;
	_ =	sdelay $0x4  }
0x502: {  	v47, _, _ =	vpop (xrf2)  }
0x503: {  	[tilespmem:v0+s14+$0x0] =	vst.idx.msk vm0, v47  }
0x504: {  	v0 =	vld [tilespmem:s17+$0x4900]  }
0x505: {  	v1 =	vld [tilespmem:s17+$0xC900]  }
0x506: {  	v48 =	vld [tilespmem:s17+$0x14900]  }
0x507: {  	v49 =	vld [tilespmem:s17+$0x4910]  }
0x508: {  	v50 =	vld [tilespmem:s17+$0xC910]  }
0x509: {  	v51 =	vld [tilespmem:s17+$0x14910]  }
0x50a: {  	v52 =	vld [tilespmem:s17+$0x4920]  }
0x50b: {  	v53 =	vld [tilespmem:s17+$0xC920]  }
0x50c: {  	v55 =	vld [tilespmem:s17+$0x4930]  }
0x50d: {  	v10 =	vld [tilespmem:s17+$0xC930]  }
0x50e: {  	v54 =	vld [tilespmem:s17+$0x14920]  }
0x50f: {  	v0 =	vadd.f32 v1, v0;
	v56 =	vadd.f32 v50, v49  }
0x510: {  	v58 =	vld [tilespmem:s17+$0x14930];
	v57 =	vadd.f32 v53, v52  }
0x511: {  	v0 =	vsub.f32 v0, v48;
	v1 =	vsub.f32 v56, v51  }
0x512: {  	v60 =	vadd.f32 v10, v55  }
0x513: {  	v59 =	vsub.f32 v57, v54;
	v0 =	vmul.f32 v0, v0;
	v1 =	vmul.f32 v1, v1;
	_ =	sdelay $0x1  }
0x514: {  	v61 =	vsub.f32 v60, v58;
	v2 =	vmul.f32 v59, v59;
	v0 =	vadd.f32 v1, v0;
	_ =	sdelay $0x1  }
0x515: {  	v1 =	vmul.f32 v61, v61;
	v0 =	vadd.f32 v2, v0;
	_ =	sdelay $0x1  }
0x516: {  	v0 =	vadd.f32 v1, v0;
	_ =	sdelay $0x1  }
0x517: {  	(xrf2) =	vadd.scan.msk.f32 $0xffff, v0;
	_ =	sdelay $0x4  }
0x518: {  	s31 =	sadd.s32 $0x187, s18;
	s18 =	sadd.s32 $0x4, s18  }
0x519: {  	v62 =	vmov s31;
	p0 =	slt.u32 s18, $0x7C  }
.Ltmp7:
0x51a: {  	_ = 	snop;
	(pc) =	sbr.rel @p0 .LBB2_16-.Ltmp7, $3  }
0x51b: {  	_ =	sdelay $0x1  }
0x51c: {  	v63, _, _ =	vpop (xrf2)  }
0x51d: {  	s19 =	sadd.s32 $0x800, s19;
	s17 =	simm.s32 $0x187A0;
	[tilespmem:v62+s14+$0x0] =	vst.idx.msk vm0, v63  }
0x51e: {  	v0 =	vld [tilespmem:s17+$0x0]  }
0x51f: {  	v1 =	vld [tilespmem:s17+$0xFFFFFFF0]  }
0x520: {  	v2 =	vld [tilespmem:s17+$0xFFFFFFE0];
	_ =	sdelay $0x2  }
0x521: {  	v3 =	vadd.f32 $9.999999960e-13, v0;
	v0 =	vld [tilespmem:s17+$0x10]  }
0x522: {  	v1 =	vadd.f32 $9.999999960e-13, v1  }
0x523: {  	v2 =	vadd.f32 $9.999999960e-13, v2;
	v4 =	vshra.s32 v3, $0x1;
	v5 =	vmul.f32 $5.000000000e-01, v3  }
0x524: {  	v6 =	vshra.s32 v1, $0x1;
	v4 =	vsub.s32 $0x5F3759DF, v4  }
0x525: {  	v7 =	vmul.f32 $5.000000000e-01, v1;
	v9 =	vshra.s32 v2, $0x1;
	v8 =	vmul.f32 v4, v5  }
0x526: {  	v10 =	vmul.f32 $5.000000000e-01, v2;
	v6 =	vsub.s32 $0x5F3759DF, v6;
	v0 =	vadd.f32 $9.999999960e-13, v0  }
0x527: {  	v9 =	vsub.s32 $0x5F3759DF, v9;
	v11 =	vmul.f32 v6, v7;
	v8 =	vmul.f32 v4, v8  }
0x528: {  	v12 =	vmul.f32 v9, v10;
	v13 =	vshra.s32 v0, $0x1;
	v14 =	vmul.f32 $5.000000000e-01, v0  }
0x529: {  	v11 =	vmul.f32 v6, v11;
	v8 =	vsub.f32 $1.500000000e+00, v8;
	v13 =	vsub.s32 $0x5F3759DF, v13  }
0x52a: {  	v12 =	vmul.f32 v9, v12;
	v15 =	vmul.f32 v13, v14  }
0x52b: {  	v11 =	vsub.f32 $1.500000000e+00, v11;
	v4 =	vmul.f32 v4, v8  }
0x52c: {  	v51 =	vsub.f32 $1.500000000e+00, v12;
	v52 =	vmul.f32 v13, v15  }
0x52d: {  	v6 =	vmul.f32 v6, v11;
	v53 =	vmul.f32 v4, v5  }
0x52e: {  	v8 =	vmul.f32 v9, v51;
	v54 =	vsub.f32 $1.500000000e+00, v52  }
0x52f: {  	v55 =	vmul.f32 v6, v7;
	v11 =	vmul.f32 v53, v4  }
0x530: {  	v56 =	vmul.f32 v8, v10;
	v9 =	vmul.f32 v13, v54  }
0x531: {  	v12 =	vmul.f32 v55, v6;
	v11 =	vsub.f32 $1.500000000e+00, v11  }
0x532: {  	v57 =	vmul.f32 v56, v8;
	v58 =	vmul.f32 v9, v14  }
0x533: {  	v12 =	vsub.f32 $1.500000000e+00, v12;
	v4 =	vmul.f32 v11, v4  }
0x534: {  	v59 =	vsub.f32 $1.500000000e+00, v57;
	v60 =	vmul.f32 v58, v9  }
0x535: {  	v6 =	vmul.f32 v12, v6;
	v5 =	vmul.f32 v4, v5  }
0x536: {  	v8 =	vmul.f32 v59, v8;
	v61 =	vsub.f32 $1.500000000e+00, v60  }
0x537: {  	v7 =	vmul.f32 v6, v7;
	v5 =	vmul.f32 v5, v4  }
0x538: {  	v10 =	vmul.f32 v8, v10;
	v9 =	vmul.f32 v61, v9  }
0x539: {  	v7 =	vmul.f32 v7, v6;
	v5 =	vsub.f32 $1.500000000e+00, v5  }
0x53a: {  	v10 =	vmul.f32 v10, v8;
	v11 =	vmul.f32 v9, v14  }
0x53b: {  	v7 =	vsub.f32 $1.500000000e+00, v7;
	v4 =	vmul.f32 v5, v4  }
0x53c: {  	v5 =	vsub.f32 $1.500000000e+00, v10;
	v62 =	vmul.f32 v11, v9  }
0x53d: {  	v6 =	vmul.f32 v7, v6;
	v3 =	vmul.f32 v4, v3  }
0x53e: {  	v4 =	vmul.f32 v5, v8;
	v5 =	vsub.f32 $1.500000000e+00, v62  }
0x53f: {  	v1 =	vmul.f32 v6, v1;
	v63 =	vsub.f32 $0.0e+00, v3  }
0x540: {  	v2 =	vmul.f32 v4, v2;
	v3 =	vmul.f32 v5, v9  }
0x541: {  	s18 =	simm.s32 $0x0;
	s19 =	simm.s32 $0x187E0;
	v1 =	vsub.f32 $0.0e+00, v1;
	[tilespmem:s17+$0x0] =	vst v63  }
.LBB2_18:
0x542: {  	v4 =	vld [tilespmem:s19+$0x0];
	s18 =	sadd.s32 $0x4, s18;
	v2 =	vsub.f32 $0.0e+00, v2;
	v0 =	vmul.f32 v3, v0  }
0x543: {  	v3 =	vld [tilespmem:s19+$0xFFFFFFF0];
	p0 =	slt.u32 s18, $0x1C;
	[tilespmem:s17+$0xFFFFFFF0] =	vst v1  }
0x544: {  	[tilespmem:s17+$0xFFFFFFE0] =	vst v2;
	v0 =	vsub.f32 $0.0e+00, v0  }
0x545: {  	v1 =	vld [tilespmem:s19+$0xFFFFFFE0]  }
0x546: {  	[tilespmem:s17+$0x10] =	vst v0;
	s17 =	smov.u32 s19  }
0x547: {  	v2 =	vadd.f32 $9.999999960e-13, v4;
	v0 =	vld [tilespmem:s19+$0x10]  }
0x548: {  	v3 =	vadd.f32 $9.999999960e-13, v3  }
0x549: {  	v4 =	vshra.s32 v2, $0x1;
	v5 =	vmul.f32 $5.000000000e-01, v2  }
0x54a: {  	v1 =	vadd.f32 $9.999999960e-13, v1;
	v6 =	vshra.s32 v3, $0x1;
	v4 =	vsub.s32 $0x5F3759DF, v4  }
0x54b: {  	v7 =	vmul.f32 $5.000000000e-01, v3;
	v6 =	vsub.s32 $0x5F3759DF, v6;
	v8 =	vmul.f32 v4, v5  }
0x54c: {  	v9 =	vshra.s32 v1, $0x1;
	v10 =	vmul.f32 $5.000000000e-01, v1;
	v0 =	vadd.f32 $9.999999960e-13, v0  }
0x54d: {  	v11 =	vmul.f32 v6, v7;
	v9 =	vsub.s32 $0x5F3759DF, v9;
	v8 =	vmul.f32 v4, v8  }
0x54e: {  	v12 =	vmul.f32 v9, v10;
	v13 =	vshra.s32 v0, $0x1;
	v14 =	vmul.f32 $5.000000000e-01, v0  }
0x54f: {  	v11 =	vmul.f32 v6, v11;
	v8 =	vsub.f32 $1.500000000e+00, v8;
	v13 =	vsub.s32 $0x5F3759DF, v13  }
0x550: {  	v12 =	vmul.f32 v9, v12;
	v15 =	vmul.f32 v13, v14  }
0x551: {  	v11 =	vsub.f32 $1.500000000e+00, v11;
	v4 =	vmul.f32 v4, v8  }
0x552: {  	v8 =	vsub.f32 $1.500000000e+00, v12;
	v12 =	vmul.f32 v13, v15  }
0x553: {  	v6 =	vmul.f32 v6, v11;
	v11 =	vmul.f32 v4, v5  }
0x554: {  	v8 =	vmul.f32 v9, v8;
	v9 =	vsub.f32 $1.500000000e+00, v12  }
0x555: {  	v12 =	vmul.f32 v6, v7;
	v11 =	vmul.f32 v11, v4  }
0x556: {  	v15 =	vmul.f32 v8, v10;
	v9 =	vmul.f32 v13, v9  }
0x557: {  	v12 =	vmul.f32 v12, v6;
	v11 =	vsub.f32 $1.500000000e+00, v11  }
0x558: {  	v13 =	vmul.f32 v15, v8;
	v15 =	vmul.f32 v9, v14  }
0x559: {  	v12 =	vsub.f32 $1.500000000e+00, v12;
	v4 =	vmul.f32 v11, v4  }
0x55a: {  	v11 =	vsub.f32 $1.500000000e+00, v13;
	v13 =	vmul.f32 v15, v9  }
0x55b: {  	v6 =	vmul.f32 v12, v6;
	v5 =	vmul.f32 v4, v5  }
0x55c: {  	v8 =	vmul.f32 v11, v8;
	v11 =	vsub.f32 $1.500000000e+00, v13  }
0x55d: {  	v7 =	vmul.f32 v6, v7;
	v5 =	vmul.f32 v5, v4  }
0x55e: {  	v10 =	vmul.f32 v8, v10;
	v9 =	vmul.f32 v11, v9  }
0x55f: {  	v7 =	vmul.f32 v7, v6;
	v5 =	vsub.f32 $1.500000000e+00, v5  }
0x560: {  	v10 =	vmul.f32 v10, v8;
	v11 =	vmul.f32 v9, v14  }
0x561: {  	v7 =	vsub.f32 $1.500000000e+00, v7;
	v4 =	vmul.f32 v5, v4  }
0x562: {  	v5 =	vsub.f32 $1.500000000e+00, v10;
	v10 =	vmul.f32 v11, v9  }
.Ltmp8:
0x563: {  	v6 =	vmul.f32 v7, v6;
	v2 =	vmul.f32 v4, v2;
	(pc) =	sbr.rel @p0 .LBB2_18-.Ltmp8, $4  }
0x564: {  	v4 =	vmul.f32 v5, v8;
	v5 =	vsub.f32 $1.500000000e+00, v10  }
0x565: {  	v6 =	vmul.f32 v6, v3;
	v7 =	vsub.f32 $0.0e+00, v2  }
0x566: {  	v2 =	vmul.f32 v4, v1;
	v3 =	vmul.f32 v5, v9  }
0x567: {  	s19 =	sadd.s32 $0x40, s19;
	v1 =	vsub.f32 $0.0e+00, v6;
	[tilespmem:s17+$0x0] =	vst v7  }
0x568: {  	v0 =	vmul.f32 v3, v0  }
0x569: {  	v2 =	vsub.f32 $0.0e+00, v2  }
0x56a: {  	s16 =	sadd.s32 $0x1, s16;
	[tilespmem:s17+$0xFFFFFFF0] =	vst v1;
	v0 =	vsub.f32 $0.0e+00, v0  }
0x56b: {  	p0 =	sne.s32 s16, s9;
	[tilespmem:s17+$0xFFFFFFE0] =	vst v2  }
.Ltmp9:
0x56c: {  	[tilespmem:s17+$0x10] =	vst v0;
	(pc) =	sbr.rel @p0 .LBB2_1-.Ltmp9, $4  }
0x56d: {  	[hbm4b:s8+s1] =	stream.linear.scatter [tilespmem:s14], [sflag:$0x3], $0x200, $0x38;
	[tilespmem:$0x18980] =	vst v63  }
0x56e: {  	_ =	swait.ge [sflag:s10], $0x200  }
0x56f: {  	[sflag:s10] =	ssyncset.done $0x0  }
0x570: {  	[sflag:s10] =	ssyncadd.s32 $0xFFFFFE00  }
0x571: {  	_ =	sfence.sel $0x180000  }
0x572: {  	[bflag:$0x0] =	sbarrier.arrive $0xFFFF  }
0x573: {  	_ =	strace $0x90000047  }
0x574: {  	[bflag:$0x2] =	sbarrier.arrive $0xFFFF  }
0x575: {  	p0 =	sne.s32 s2, $0x0;
	s0 =	rddreg [dreg:$0x5]  }
0x576: {  	s0 =	sadd.s32 @!p0 $0x100000, s0  }
0x577: {  	[sflag:s0] =	ssyncadd.tile.s32 @!p0 $0x1;
	_ =	shalt  }
.Lfunc_end2:
_tile_overlayer_lowered:
.L_overlay_start_2:
0x578: {  	(tag) =	ssettag $0x2  }
0x579: {  	s0 =	rddreg [dreg:$0x0];
	s2 =	stileid.u32  }
0x57a: {  	s1 =	rddreg [dreg:$0x1];
	p0 =	sne.s32 s2, $0x0  }
0x57b: {  	s3 =	rddreg [dreg:$0x2];
	[bflag:$0x3] =	sbarrier.arrive $0xFFFF;
	s2 =	simm.s32 @!p0 $0x1C03  }
0x57c: {  	[timem:s3], [sflag:s2] =	dma.local @!p0 [hbm:s0], s1  }
0x57d: {  	s0 =	simm.s32 @!p0 $0x3  }
0x57e: {  	_ =	swait.ge @!p0 [sflag:s0], s1  }
0x57f: {  	s1 =	ssub.s32 @!p0 $0x0, s1;
	[sflag:s0] =	ssyncset.done @!p0 $0x0  }
0x580: {  	[sflag:s0] =	ssyncadd.s32 @!p0 s1  }
0x581: {  	[bflag:$0x3] =	sbarrier.arrive $0xFFFF  }
0x582: {  	_ =	shalt  }

</sc_bundles>
